<compile_context>
chip_gen: v7x
topology: tpu7x:2x2x1
jax: 0.10.2.dev20260603
libtpu: 0.0.44.dev20260713+nightly
codegen_flags: <defaults>
</compile_context>

<pallas_src>
import functools

import jax
import jax.numpy as jnp
from jax import lax
from jax.experimental import pallas as pl
from jax.experimental.pallas import tpu as pltpu
import jax.experimental.pallas.tpu_sc as plsc

N, E, D, NG, NLAYERS, T = 50000, 800000, 64, 512, 4, 12
H = 32
NC, NS = 2, 16
NP = 51200
EP = 802816
NPB = NP // 128
EPB = EP // 128
NG_TILE = 25
EG = 256
EG_TILE = 196
NSTRIPE = NP // NS
BT = 1024
NBLK = NP // BT
DUMP = N

@functools.lru_cache(maxsize=None)
def _sc_mesh():
    return plsc.VectorSubcoreMesh(core_axis_name="c", subcore_axis_name="s",
                                  num_cores=NC, num_subcores=NS)


def _encode_body(tab_ref, aidx_ref, nrow_ref, out_ref, idxb, idxn, tmp, acc,
                 sem):
    c = lax.axis_index("c")
    s = lax.axis_index("s")

    @pl.loop(0, NG_TILE)
    def _grp(k):
        g = s * NG_TILE + k
        pltpu.sync_copy(nrow_ref.at[g], idxn)
        for f in range(9):
            pltpu.sync_copy(aidx_ref.at[(c * 9 + f) * NPB + g], idxb)
            pltpu.async_copy(tab_ref.at[idxb], tmp, sem).wait()
            pltpu.sync_copy(tmp, acc.at[idxn], add=(f > 0))

    pltpu.sync_copy(acc.at[pl.ds(s * NSTRIPE, NSTRIPE)],
                    out_ref.at[pl.ds(c * NP + s * NSTRIPE, NSTRIPE)])


@functools.lru_cache(maxsize=None)
def _encode():
    return pl.kernel(
        _encode_body,
        out_type=jax.ShapeDtypeStruct((NC * NP, H), jnp.float32),
        mesh=_sc_mesh(),
        scratch_types=[
            pltpu.VMEM((128,), jnp.int32),
            pltpu.VMEM((128,), jnp.int32),
            pltpu.VMEM((128, H), jnp.float32),
            pltpu.MemorySpace.VMEM_SHARED((NP, H), jnp.float32),
            pltpu.SemaphoreType.DMA,
        ],
        compiler_params=pltpu.CompilerParams(use_tc_tiling_on_sc=False),
    )


def _layer_body(x_ref, ct_ref, src_ref, dst_ref, cid_ref, out_ref,
                ib_s, ib_d0, ib_d1, ib_c, gx, ctb, acc, sem1, sem2):
    c = lax.axis_index("c")
    s = lax.axis_index("s")
    zero = jnp.zeros((16,), jnp.float32)

    @pl.loop(0, EG)
    def _zb(r):
        gx[r, pl.ds(0, 16)] = zero
        gx[r, pl.ds(16, 16)] = zero

    for q in range(12):
        pltpu.sync_copy(gx, acc.at[pl.ds(s * NSTRIPE + q * EG, EG)])
    pltpu.sync_copy(gx.at[pl.ds(0, 128)],
                    acc.at[pl.ds(s * NSTRIPE + 12 * EG, 128)])
    plsc.subcore_barrier()

    @pl.loop(0, EG_TILE)
    def _grp(g):
        r2 = (s * EG_TILE + g) * 2
        pltpu.sync_copy(src_ref.at[pl.ds(c * EPB + r2, 2)], ib_s)
        pltpu.sync_copy(cid_ref.at[pl.ds(c * EPB + r2, 2)], ib_c)
        pltpu.sync_copy(dst_ref.at[r2], ib_d0)
        pltpu.sync_copy(dst_ref.at[r2 + 1], ib_d1)
        descs = []
        for j in range(2):
            descs.append(pltpu.async_copy(
                x_ref.at[ib_s.at[j]], gx.at[pl.ds(j * 128, 128)], sem1))
            descs.append(pltpu.async_copy(
                ct_ref.at[ib_c.at[j]], ctb.at[pl.ds(j * 128, 128)], sem2))
        for dsc in descs:
            dsc.wait()

        @pl.loop(0, EG, unroll=4)
        def _msg(r):
            s0, s1 = pl.ds(0, 16), pl.ds(16, 16)
            gx[r, s0] = jnp.maximum(gx[r, s0] + ctb[r, s0], 0.0)
            gx[r, s1] = jnp.maximum(gx[r, s1] + ctb[r, s1], 0.0)

        pltpu.sync_copy(gx.at[pl.ds(0, 128)], acc.at[ib_d0], add=True)
        pltpu.sync_copy(gx.at[pl.ds(128, 128)], acc.at[ib_d1], add=True)

    plsc.subcore_barrier()
    pltpu.sync_copy(acc.at[pl.ds(s * NSTRIPE, NSTRIPE)],
                    out_ref.at[pl.ds(c * NP + s * NSTRIPE, NSTRIPE)])


@functools.lru_cache(maxsize=None)
def _layer_sc():
    return pl.kernel(
        _layer_body,
        out_type=jax.ShapeDtypeStruct((NC * NP, H), jnp.float32),
        mesh=_sc_mesh(),
        scratch_types=[
            pltpu.VMEM((2, 128), jnp.int32),
            pltpu.VMEM((128,), jnp.int32),
            pltpu.VMEM((128,), jnp.int32),
            pltpu.VMEM((2, 128), jnp.int32),
            pltpu.VMEM((EG, H), jnp.float32),
            pltpu.VMEM((EG, H), jnp.float32),
            pltpu.MemorySpace.VMEM_SHARED((NP, H), jnp.float32),
            pltpu.SemaphoreType.DMA,
            pltpu.SemaphoreType.DMA,
        ],
        compiler_params=pltpu.CompilerParams(use_tc_tiling_on_sc=False),
    )


def _combo_body(be_ref, out_ref):
    b0 = jnp.broadcast_to(be_ref[0][:, None, :], (8, 64, D)).reshape(NG, D)
    b1 = jnp.broadcast_to(be_ref[1][None, :, None, :],
                          (8, 8, 8, D)).reshape(NG, D)
    b2 = jnp.broadcast_to(be_ref[2][None, None, :, :],
                          (8, 8, 8, D)).reshape(NG, D)
    ct = (b0 + b1) + b2
    out_ref[0] = ct[:, :H]
    out_ref[1] = ct[:, H:]


_combo = pl.pallas_call(
    _combo_body,
    out_shape=jax.ShapeDtypeStruct((2, NG, H), jnp.float32),
)


def _mlp_body(eps_ref, x_ref, ag_ref, w1_ref, b1_ref, w2_ref, b2_ref,
              h2_ref, s_ref):
    i = pl.program_id(0)
    e = eps_ref[0]
    dot = functools.partial(lax.dot_general,
                            dimension_numbers=(((1,), (0,)), ((), ())),
                            preferred_element_type=jnp.float32)
    h0 = jnp.concatenate([x_ref[0] * e + ag_ref[0],
                          x_ref[1] * e + ag_ref[1]], axis=1)
    h1 = jnp.maximum(dot(h0, w1_ref[...]) + b1_ref[0:1, :], 0.0)
    h2 = jnp.maximum(dot(h1, w2_ref[...]) + b2_ref[0:1, :], 0.0)
    h2_ref[...] = h2
    rows = i * BT + lax.broadcasted_iota(jnp.int32, (BT, 1), 0)
    h2m = jnp.where(rows < N, h2, 0.0)
    ps = jnp.sum(h2m, axis=0, keepdims=True)

    @pl.when(i == 0)
    def _():
        s_ref[...] = jnp.zeros_like(s_ref)

    s_ref[...] += jnp.broadcast_to(ps, (8, D))


_mlp = pl.pallas_call(
    _mlp_body,
    grid=(NBLK,),
    in_specs=[
        pl.BlockSpec(memory_space=pltpu.SMEM),
        pl.BlockSpec((2, BT, H), lambda i: (0, i, 0)),
        pl.BlockSpec((2, BT, H), lambda i: (0, i, 0)),
        pl.BlockSpec((D, D), lambda i: (0, 0)),
        pl.BlockSpec((8, D), lambda i: (0, 0)),
        pl.BlockSpec((D, D), lambda i: (0, 0)),
        pl.BlockSpec((8, D), lambda i: (0, 0)),
    ],
    out_specs=[
        pl.BlockSpec((BT, D), lambda i: (i, 0)),
        pl.BlockSpec((8, D), lambda i: (0, 0)),
    ],
    out_shape=[
        jax.ShapeDtypeStruct((NP, D), jnp.float32),
        jax.ShapeDtypeStruct((8, D), jnp.float32),
    ],
    compiler_params=pltpu.CompilerParams(
        dimension_semantics=("arbitrary",)),
)


def _bnres_body(h2_ref, x_ref, s_ref, g_ref, b_ref, out_ref, acc):
    i = pl.program_id(0)
    j = i % NBLK
    mean = s_ref[0:1, :] / jnp.float32(N)

    @pl.when(i == 0)
    def _():
        acc[...] = jnp.zeros_like(acc)

    @pl.when(i < NBLK)
    def _():
        rows = j * BT + lax.broadcasted_iota(jnp.int32, (BT, 1), 0)
        dev = h2_ref[...] - mean
        dm = jnp.where(rows < N, dev * dev, 0.0)
        acc[...] += jnp.broadcast_to(jnp.sum(dm, axis=0, keepdims=True),
                                     (8, D))

    @pl.when(i >= NBLK)
    def _():
        var = acc[0:1, :] / jnp.float32(N)
        hn = jnp.maximum(
            g_ref[0:1, :] * (h2_ref[...] - mean) / jnp.sqrt(var + 1e-5)
            + b_ref[0:1, :], 0.0)
        out_ref[0] = hn[:, :H] + x_ref[0]
        out_ref[1] = hn[:, H:] + x_ref[1]


_bnres = pl.pallas_call(
    _bnres_body,
    grid=(2 * NBLK,),
    in_specs=[
        pl.BlockSpec((BT, D), lambda i: (i % NBLK, 0)),
        pl.BlockSpec((2, BT, H), lambda i: (0, i % NBLK, 0)),
        pl.BlockSpec((8, D), lambda i: (0, 0)),
        pl.BlockSpec((8, D), lambda i: (0, 0)),
        pl.BlockSpec((8, D), lambda i: (0, 0)),
    ],
    out_specs=pl.BlockSpec((2, BT, H), lambda i: (0, i % NBLK, 0)),
    out_shape=jax.ShapeDtypeStruct((2, NP, H), jnp.float32),
    scratch_shapes=[pltpu.VMEM((8, D), jnp.float32)],
    compiler_params=pltpu.CompilerParams(
        dimension_semantics=("arbitrary",)),
)


def _pool_body(x_ref, bat_ref, w1_ref, b1_ref, g_ref, be_ref, w2_ref, b2_ref,
               out_ref, pooled):
    i = pl.program_id(0)

    @pl.when(i == 0)
    def _():
        pooled[...] = jnp.zeros_like(pooled)

    bi = bat_ref[0, 0, :]
    gi = lax.broadcasted_iota(jnp.int32, (NG, BT), 0)
    oh = (gi == bi[None, :]).astype(jnp.float32)
    dot_hi = functools.partial(lax.dot_general,
                               dimension_numbers=(((1,), (0,)), ((), ())),
                               precision=lax.Precision.HIGHEST,
                               preferred_element_type=jnp.float32)
    dot = functools.partial(lax.dot_general,
                            dimension_numbers=(((1,), (0,)), ((), ())),
                            preferred_element_type=jnp.float32)
    pooled[:, 0:H] += dot_hi(oh, x_ref[0])
    pooled[:, H:D] += dot_hi(oh, x_ref[1])

    @pl.when(i == NBLK - 1)
    def _():
        p = pooled[...]
        h = dot(p, w1_ref[...]) + b1_ref[0:1, :]
        mean = jnp.sum(h, axis=0, keepdims=True) / jnp.float32(NG)
        dev = h - mean
        var = jnp.sum(dev * dev, axis=0, keepdims=True) / jnp.float32(NG)
        hn = jnp.maximum(
            g_ref[0:1, :] * dev / jnp.sqrt(var + 1e-5)
            + be_ref[0:1, :], 0.0)
        out_ref[...] = dot(hn, w2_ref[...]) + b2_ref[0:1, :]


_pool = pl.pallas_call(
    _pool_body,
    grid=(NBLK,),
    in_specs=[
        pl.BlockSpec((2, BT, H), lambda i: (0, i, 0)),
        pl.BlockSpec((1, 1, BT), lambda i: (i, 0, 0)),
        pl.BlockSpec((D, D), lambda i: (0, 0)),
        pl.BlockSpec((8, D), lambda i: (0, 0)),
        pl.BlockSpec((8, D), lambda i: (0, 0)),
        pl.BlockSpec((8, D), lambda i: (0, 0)),
        pl.BlockSpec((D, 128), lambda i: (0, 0)),
        pl.BlockSpec((8, 128), lambda i: (0, 0)),
    ],
    out_specs=pl.BlockSpec((NG, 128), lambda i: (0, 0)),
    out_shape=jax.ShapeDtypeStruct((NG, 128), jnp.float32),
    scratch_shapes=[pltpu.VMEM((NG, D), jnp.float32)],
    compiler_params=pltpu.CompilerParams(
        dimension_semantics=("arbitrary",)),
)


def _bcast8(v):
    return jnp.broadcast_to(v.reshape(1, -1).astype(jnp.float32), (8, v.shape[-1]))


def kernel(atom_feats, edge_index, bond_feats, batch, atom_emb, bond_emb, eps,
           conv_W1, conv_b1, conv_W2, conv_b2, bn_gamma, bn_beta,
           ro_W1, ro_b1, ro_bn_gamma, ro_bn_beta, ro_W2, ro_b2):
    i32 = jnp.int32
    f32 = jnp.float32

    af = atom_feats.astype(i32)
    aidx = (af + jnp.arange(9, dtype=i32)[None, :] * 64).T
    aidx = jnp.pad(aidx, ((0, 0), (0, NP - N))).reshape(1, 9 * NPB, 128)
    aidx = jnp.concatenate([aidx, aidx + 576], 0).reshape(-1, 128)

    nrows = jnp.arange(NP, dtype=i32).reshape(NPB, 128)

    bf = bond_feats.astype(i32)
    cid = bf[:, 0] * 64 + bf[:, 1] * 8 + bf[:, 2]
    cid = jnp.pad(cid, (0, EP - E)).reshape(1, EPB, 128)
    cid = jnp.concatenate([cid, cid + NG], 0).reshape(-1, 128)

    src = jnp.pad(edge_index[0].astype(i32), (0, EP - E)).reshape(1, EPB, 128)
    src = jnp.concatenate([src, src + NP], 0).reshape(-1, 128)
    dst = jnp.pad(edge_index[1].astype(i32), (0, EP - E),
                  constant_values=DUMP).reshape(EPB, 128)

    at = atom_emb.astype(f32).reshape(9 * 64, D)
    at2 = jnp.concatenate([at[:, :H], at[:, H:]], axis=0)

    batp = jnp.pad(batch.astype(i32), (0, NP - N),
                   constant_values=NG).reshape(NBLK, 1, BT)

    ct = _combo(bond_emb.astype(f32)).reshape(NC * NG, H)

    x = _encode()(at2, aidx, nrows)

    layer_sc = _layer_sc()
    for l in range(NLAYERS):
        aggr = layer_sc(x, ct, src, dst, cid)
        h2, ssum = _mlp(
            (1.0 + eps[l]).astype(f32).reshape(1),
            x.reshape(2, NP, H), aggr.reshape(2, NP, H),
            conv_W1[l].astype(f32), _bcast8(conv_b1[l]),
            conv_W2[l].astype(f32), _bcast8(conv_b2[l]))
        x = _bnres(h2, x.reshape(2, NP, H), ssum,
                   _bcast8(bn_gamma[l]), _bcast8(bn_beta[l]))
        x = x.reshape(NC * NP, H)

    w2p = jnp.pad(ro_W2.astype(f32), ((0, 0), (0, 128 - T)))
    b2p = _bcast8(jnp.pad(ro_b2.astype(f32), (0, 128 - T)))
    out = _pool(x.reshape(2, NP, H), batp,
                ro_W1.astype(f32), _bcast8(ro_b1),
                _bcast8(ro_bn_gamma), _bcast8(ro_bn_beta), w2p, b2p)
    return out[:, :T]

# --- scband reference (transcript-rebuilt; emitter-appended) ---
"""Pipeline reference for scband-encoded-gine-5282809774139 (READ-ONLY COPY).

The authoritative reference and input builder live on the scoring server;
editing this copy changes nothing except your own understanding.
"""

import jax, jax.numpy as jnp
import numpy as np

N, E, D, NG, L, T = 50000, 800000, 64, 512, 4, 12


def _bn(x, gamma, beta, eps=1e-5):
    mean = x.mean(axis=0)
    var = x.var(axis=0)
    return gamma * (x - mean) / jnp.sqrt(var + eps) + beta


def setup_inputs(seed: int = 0) -> dict:
    key = jax.random.key(seed)
    ks = jax.random.split(key, 24)
    inp = {}
    # forward args (int tensors)
    inp["atom_feats"] = jax.random.randint(ks[0], (N, 9), 0, 64, dtype=jnp.int64 if jax.config.jax_enable_x64 else jnp.int32)
    inp["edge_index"] = jax.random.randint(ks[1], (2, E), 0, N)
    inp["bond_feats"] = jax.random.randint(ks[2], (E, 3), 0, 8)
    inp["batch"] = jnp.sort(jax.random.randint(ks[3], (N,), 0, NG))
    # learned parameters
    inp["atom_emb"] = jax.random.normal(ks[4], (9, 64, D), dtype=jnp.float32) * 0.1
    inp["bond_emb"] = jax.random.normal(ks[5], (3, 8, D), dtype=jnp.float32) * 0.1
    inp["eps"] = jnp.zeros((L,), dtype=jnp.float32)  # learn_eps=True, init 0
    s = 1.0 / np.sqrt(D)
    inp["conv_W1"] = jax.random.normal(ks[6], (L, D, D), dtype=jnp.float32) * s
    inp["conv_b1"] = jnp.zeros((L, D), dtype=jnp.float32)
    inp["conv_W2"] = jax.random.normal(ks[7], (L, D, D), dtype=jnp.float32) * s
    inp["conv_b2"] = jnp.zeros((L, D), dtype=jnp.float32)
    inp["bn_gamma"] = jnp.ones((L, D), dtype=jnp.float32)
    inp["bn_beta"] = jnp.zeros((L, D), dtype=jnp.float32)
    inp["ro_W1"] = jax.random.normal(ks[8], (D, D), dtype=jnp.float32) * s
    inp["ro_b1"] = jnp.zeros((D,), dtype=jnp.float32)
    inp["ro_bn_gamma"] = jnp.ones((D,), dtype=jnp.float32)
    inp["ro_bn_beta"] = jnp.zeros((D,), dtype=jnp.float32)
    inp["ro_W2"] = jax.random.normal(ks[9], (D, T), dtype=jnp.float32) * s
    inp["ro_b2"] = jnp.zeros((T,), dtype=jnp.float32)
    return inp


def reference(atom_feats, edge_index, bond_feats, batch, atom_emb, bond_emb, eps,
              conv_W1, conv_b1, conv_W2, conv_b2, bn_gamma, bn_beta,
              ro_W1, ro_b1, ro_bn_gamma, ro_bn_beta, ro_W2, ro_b2):
    # node encoder: sum of per-feature embedding lookups (MoleculeNet atomic encoder)
    x = jnp.zeros((atom_feats.shape[0], D), dtype=jnp.float32)
    for f in range(9):
        x = x + jnp.take(atom_emb[f], atom_feats[:, f], axis=0)
    # edge encoder: sum of per-feature bond embedding lookups
    edge_attr = jnp.zeros((bond_feats.shape[0], D), dtype=jnp.float32)
    for f in range(3):
        edge_attr = edge_attr + jnp.take(bond_emb[f], bond_feats[:, f], axis=0)
    src = edge_index[0]
    dst = edge_index[1]
    for l in range(L):
        x_in = x
        # GINEConv: message = relu(x_j + edge_attr), sum-aggregate at dst
        m = jax.nn.relu(jnp.take(x, src, axis=0) + edge_attr)
        aggr = jnp.zeros_like(x).at[dst].add(m)
        h = (1.0 + eps[l]) * x + aggr
        # internal MLP (plain_last=False, norm=None): lin->relu->lin->relu
        h = jax.nn.relu(h @ conv_W1[l] + conv_b1[l])
        h = jax.nn.relu(h @ conv_W2[l] + conv_b2[l])
        # outer BN + act (+ residual); dropout is identity in eval
        h = _bn(h, bn_gamma[l], bn_beta[l])
        h = jax.nn.relu(h)
        x = h + x_in
    # global add pool over graphs
    pooled = jax.ops.segment_sum(x, batch, num_segments=NG)
    # readout MLP: [D, D, T], batch_norm, plain_last=True
    h = pooled @ ro_W1 + ro_b1
    h = _bn(h, ro_bn_gamma, ro_bn_beta)
    h = jax.nn.relu(h)
    out = h @ ro_W2 + ro_b2
    return out

if __name__ == "__main__":
    import jax
    _d = setup_inputs()
    print(jax.jit(kernel)(*tuple(_d.values())))

</pallas_src>

<mosaic_0001>
#map = affine_map<(d0, d1) -> (0, 0)>
module attributes {stable_mosaic.version = 14 : i64} {
  func.func @_layer_body(%arg0: i32, %arg1: i32, %arg2: memref<102400x32xf32, #tpu.memory_space<hbm>>, %arg3: memref<1024x32xf32, #tpu.memory_space<hbm>>, %arg4: memref<12544x128xi32, #tpu.memory_space<hbm>>, %arg5: memref<6272x128xi32, #tpu.memory_space<hbm>>, %arg6: memref<12544x128xi32, #tpu.memory_space<hbm>>, %arg7: memref<102400x32xf32, #tpu.memory_space<hbm>>, %arg8: memref<2x128xi32, #tpu.memory_space<vmem>>, %arg9: memref<128xi32, #tpu.memory_space<vmem>>, %arg10: memref<128xi32, #tpu.memory_space<vmem>>, %arg11: memref<2x128xi32, #tpu.memory_space<vmem>>, %arg12: memref<256x32xf32, #tpu.memory_space<vmem>>, %arg13: memref<256x32xf32, #tpu.memory_space<vmem>>, %arg14: memref<51200x32xf32, #tpu.memory_space<vmem_shared>>, %arg15: memref<!tpu.dma_semaphore, #tpu.memory_space<semaphore_mem>>, %arg16: memref<!tpu.dma_semaphore, #tpu.memory_space<semaphore_mem>>) attributes {dimension_semantics = [#tpu.dimension_semantics<core_parallel>, #tpu.dimension_semantics<subcore_parallel>], iteration_bounds = array<i64: 2, 16>, scalar_prefetch = 0 : i64, scratch_operands = 9 : i64, tpu.core_type = #tpu.core_type<sc_vector_subcore>, window_params = [{transform_indices = #map}, {transform_indices = #map}, {transform_indices = #map}, {transform_indices = #map}, {transform_indices = #map}, {transform_indices = #map}]} {
    %broadcast_in_dim3A = arith.constant 0.000000e+00 : f32
    %broadcast_in_dim3A_0 = vector.broadcast %broadcast_in_dim3A : f32 to vector<16xf32>
    %scan3A = arith.constant 0 : i32
    %scan3A_1 = arith.constant 256 : i32
    %scan3A_2 = arith.addi %scan3A, %scan3A_1 : i32
    %scan3A_3 = arith.constant 1 : i32
    scf.for %scan3A_68 = %scan3A to %scan3A_2 step %scan3A_3  : i32 {
      %mul3A_69 = arith.constant 1 : i32
      %mul3A_70 = arith.muli %scan3A_68, %mul3A_69 : i32
      %add3A_71 = arith.constant 0 : i32
      %add3A_72 = arith.addi %add3A_71, %mul3A_70 : i32
      %swap3A = arith.index_cast %add3A_72 : i32 to index
      %swap3A_73 = arith.constant 0 : index
      %swap3A_74 = tpu.vector_load %arg12[%swap3A, %swap3A_73] {strides = array<i32>} : memref<256x32xf32, #tpu.memory_space<vmem>>, vector<1x16xf32>,
      %swap3A_75 = vector.shape_cast %swap3A_74 : vector<1x16xf32> to vector<16xf32>
      %swap3A_76 = vector.shape_cast %broadcast_in_dim3A_0 : vector<16xf32> to vector<1x16xf32>
      tpu.vector_store %arg12[%swap3A, %swap3A_73], %swap3A_76 {strides = array<i32>} : memref<256x32xf32, #tpu.memory_space<vmem>>, vector<1x16xf32>,
      %swap3A_77 = arith.index_cast %add3A_72 : i32 to index
      %swap3A_78 = arith.constant 16 : index
      %swap3A_79 = tpu.vector_load %arg12[%swap3A_77, %swap3A_78] {strides = array<i32>} : memref<256x32xf32, #tpu.memory_space<vmem>>, vector<1x16xf32>,
      %swap3A_80 = vector.shape_cast %swap3A_79 : vector<1x16xf32> to vector<16xf32>
      %swap3A_81 = vector.shape_cast %broadcast_in_dim3A_0 : vector<16xf32> to vector<1x16xf32>
      tpu.vector_store %arg12[%swap3A_77, %swap3A_78], %swap3A_81 {strides = array<i32>} : memref<256x32xf32, #tpu.memory_space<vmem>>, vector<1x16xf32>,
    }
    %scan3A_4 = arith.constant 256 : i32
    %mul3A = arith.constant 3200 : i32
    %mul3A_5 = arith.muli %arg1, %mul3A : i32
    %add3A = arith.constant 0 : i32
    %add3A_6 = arith.addi %mul3A_5, %add3A : i32
    "tpu.region"() ({
      %run_scoped3A = tpu.sem_alloc : memref<!tpu.dma_semaphore, #tpu.memory_space<semaphore_mem>>
      %dma_start3A = arith.constant 0 : i32
      %dma_start3A_68 = tpu.memref_slice %arg14[%add3A_6, %dma_start3A] : memref<51200x32xf32, #tpu.memory_space<vmem_shared>> -> memref<256x32xf32, #tpu.memory_space<vmem_shared>>
      %dma_start3A_69 = arith.constant 0 : i32
      %dma_start3A_70 = tpu.memref_slice %arg14[%add3A_6, %dma_start3A_69] : memref<51200x32xf32, #tpu.memory_space<vmem_shared>> -> memref<256x32xf32, #tpu.memory_space<vmem_shared>>
      tpu.enqueue_dma source(%arg12 : memref<256x32xf32, #tpu.memory_space<vmem>>) target(%dma_start3A_70 : memref<256x32xf32, #tpu.memory_space<vmem_shared>>) target_semaphore(%run_scoped3A : memref<!tpu.dma_semaphore, #tpu.memory_space<semaphore_mem>>)
      %dma_wait3A = arith.constant 0 : i32
      %dma_wait3A_71 = tpu.memref_slice %arg14[%add3A_6, %dma_wait3A] : memref<51200x32xf32, #tpu.memory_space<vmem_shared>> -> memref<256x32xf32, #tpu.memory_space<vmem_shared>>
      %dma_wait3A_72 = arith.constant 0 : i32
      %dma_wait3A_73 = tpu.memref_slice %arg14[%add3A_6, %dma_wait3A_72] : memref<51200x32xf32, #tpu.memory_space<vmem_shared>> -> memref<256x32xf32, #tpu.memory_space<vmem_shared>>
      tpu.wait_dma2 semaphore(%run_scoped3A : memref<!tpu.dma_semaphore, #tpu.memory_space<semaphore_mem>>) src(%arg12 : memref<256x32xf32, #tpu.memory_space<vmem>>) dst(%dma_wait3A_73 : memref<256x32xf32, #tpu.memory_space<vmem_shared>>)
      tpu.yield
    }) : () -> ()
    %mul3A_7 = arith.constant 3200 : i32
    %mul3A_8 = arith.muli %arg1, %mul3A_7 : i32
    %add3A_9 = arith.constant 256 : i32
    %add3A_10 = arith.addi %mul3A_8, %add3A_9 : i32
    "tpu.region"() ({
      %run_scoped3A = tpu.sem_alloc : memref<!tpu.dma_semaphore, #tpu.memory_space<semaphore_mem>>
      %dma_start3A = arith.constant 0 : i32
      %dma_start3A_68 = tpu.memref_slice %arg14[%add3A_10, %dma_start3A] : memref<51200x32xf32, #tpu.memory_space<vmem_shared>> -> memref<256x32xf32, #tpu.memory_space<vmem_shared>>
      %dma_start3A_69 = arith.constant 0 : i32
      %dma_start3A_70 = tpu.memref_slice %arg14[%add3A_10, %dma_start3A_69] : memref<51200x32xf32, #tpu.memory_space<vmem_shared>> -> memref<256x32xf32, #tpu.memory_space<vmem_shared>>
      tpu.enqueue_dma source(%arg12 : memref<256x32xf32, #tpu.memory_space<vmem>>) target(%dma_start3A_70 : memref<256x32xf32, #tpu.memory_space<vmem_shared>>) target_semaphore(%run_scoped3A : memref<!tpu.dma_semaphore, #tpu.memory_space<semaphore_mem>>)
      %dma_wait3A = arith.constant 0 : i32
      %dma_wait3A_71 = tpu.memref_slice %arg14[%add3A_10, %dma_wait3A] : memref<51200x32xf32, #tpu.memory_space<vmem_shared>> -> memref<256x32xf32, #tpu.memory_space<vmem_shared>>
      %dma_wait3A_72 = arith.constant 0 : i32
      %dma_wait3A_73 = tpu.memref_slice %arg14[%add3A_10, %dma_wait3A_72] : memref<51200x32xf32, #tpu.memory_space<vmem_shared>> -> memref<256x32xf32, #tpu.memory_space<vmem_shared>>
      tpu.wait_dma2 semaphore(%run_scoped3A : memref<!tpu.dma_semaphore, #tpu.memory_space<semaphore_mem>>) src(%arg12 : memref<256x32xf32, #tpu.memory_space<vmem>>) dst(%dma_wait3A_73 : memref<256x32xf32, #tpu.memory_space<vmem_shared>>)
      tpu.yield
    }) : () -> ()
    %mul3A_11 = arith.constant 3200 : i32
    %mul3A_12 = arith.muli %arg1, %mul3A_11 : i32
    %add3A_13 = arith.constant 512 : i32
    %add3A_14 = arith.addi %mul3A_12, %add3A_13 : i32
    "tpu.region"() ({
      %run_scoped3A = tpu.sem_alloc : memref<!tpu.dma_semaphore, #tpu.memory_space<semaphore_mem>>
      %dma_start3A = arith.constant 0 : i32
      %dma_start3A_68 = tpu.memref_slice %arg14[%add3A_14, %dma_start3A] : memref<51200x32xf32, #tpu.memory_space<vmem_shared>> -> memref<256x32xf32, #tpu.memory_space<vmem_shared>>
      %dma_start3A_69 = arith.constant 0 : i32
      %dma_start3A_70 = tpu.memref_slice %arg14[%add3A_14, %dma_start3A_69] : memref<51200x32xf32, #tpu.memory_space<vmem_shared>> -> memref<256x32xf32, #tpu.memory_space<vmem_shared>>
      tpu.enqueue_dma source(%arg12 : memref<256x32xf32, #tpu.memory_space<vmem>>) target(%dma_start3A_70 : memref<256x32xf32, #tpu.memory_space<vmem_shared>>) target_semaphore(%run_scoped3A : memref<!tpu.dma_semaphore, #tpu.memory_space<semaphore_mem>>)
      %dma_wait3A = arith.constant 0 : i32
      %dma_wait3A_71 = tpu.memref_slice %arg14[%add3A_14, %dma_wait3A] : memref<51200x32xf32, #tpu.memory_space<vmem_shared>> -> memref<256x32xf32, #tpu.memory_space<vmem_shared>>
      %dma_wait3A_72 = arith.constant 0 : i32
      %dma_wait3A_73 = tpu.memref_slice %arg14[%add3A_14, %dma_wait3A_72] : memref<51200x32xf32, #tpu.memory_space<vmem_shared>> -> memref<256x32xf32, #tpu.memory_space<vmem_shared>>
      tpu.wait_dma2 semaphore(%run_scoped3A : memref<!tpu.dma_semaphore, #tpu.memory_space<semaphore_mem>>) src(%arg12 : memref<256x32xf32, #tpu.memory_space<vmem>>) dst(%dma_wait3A_73 : memref<256x32xf32, #tpu.memory_space<vmem_shared>>)
      tpu.yield
    }) : () -> ()
    %mul3A_15 = arith.constant 3200 : i32
    %mul3A_16 = arith.muli %arg1, %mul3A_15 : i32
    %add3A_17 = arith.constant 768 : i32
    %add3A_18 = arith.addi %mul3A_16, %add3A_17 : i32
    "tpu.region"() ({
      %run_scoped3A = tpu.sem_alloc : memref<!tpu.dma_semaphore, #tpu.memory_space<semaphore_mem>>
      %dma_start3A = arith.constant 0 : i32
      %dma_start3A_68 = tpu.memref_slice %arg14[%add3A_18, %dma_start3A] : memref<51200x32xf32, #tpu.memory_space<vmem_shared>> -> memref<256x32xf32, #tpu.memory_space<vmem_shared>>
      %dma_start3A_69 = arith.constant 0 : i32
      %dma_start3A_70 = tpu.memref_slice %arg14[%add3A_18, %dma_start3A_69] : memref<51200x32xf32, #tpu.memory_space<vmem_shared>> -> memref<256x32xf32, #tpu.memory_space<vmem_shared>>
      tpu.enqueue_dma source(%arg12 : memref<256x32xf32, #tpu.memory_space<vmem>>) target(%dma_start3A_70 : memref<256x32xf32, #tpu.memory_space<vmem_shared>>) target_semaphore(%run_scoped3A : memref<!tpu.dma_semaphore, #tpu.memory_space<semaphore_mem>>)
      %dma_wait3A = arith.constant 0 : i32
      %dma_wait3A_71 = tpu.memref_slice %arg14[%add3A_18, %dma_wait3A] : memref<51200x32xf32, #tpu.memory_space<vmem_shared>> -> memref<256x32xf32, #tpu.memory_space<vmem_shared>>
      %dma_wait3A_72 = arith.constant 0 : i32
      %dma_wait3A_73 = tpu.memref_slice %arg14[%add3A_18, %dma_wait3A_72] : memref<51200x32xf32, #tpu.memory_space<vmem_shared>> -> memref<256x32xf32, #tpu.memory_space<vmem_shared>>
      tpu.wait_dma2 semaphore(%run_scoped3A : memref<!tpu.dma_semaphore, #tpu.memory_space<semaphore_mem>>) src(%arg12 : memref<256x32xf32, #tpu.memory_space<vmem>>) dst(%dma_wait3A_73 : memref<256x32xf32, #tpu.memory_space<vmem_shared>>)
      tpu.yield
    }) : () -> ()
    %mul3A_19 = arith.constant 3200 : i32
    %mul3A_20 = arith.muli %arg1, %mul3A_19 : i32
    %add3A_21 = arith.constant 1024 : i32
    %add3A_22 = arith.addi %mul3A_20, %add3A_21 : i32
    "tpu.region"() ({
      %run_scoped3A = tpu.sem_alloc : memref<!tpu.dma_semaphore, #tpu.memory_space<semaphore_mem>>
      %dma_start3A = arith.constant 0 : i32
      %dma_start3A_68 = tpu.memref_slice %arg14[%add3A_22, %dma_start3A] : memref<51200x32xf32, #tpu.memory_space<vmem_shared>> -> memref<256x32xf32, #tpu.memory_space<vmem_shared>>
      %dma_start3A_69 = arith.constant 0 : i32
      %dma_start3A_70 = tpu.memref_slice %arg14[%add3A_22, %dma_start3A_69] : memref<51200x32xf32, #tpu.memory_space<vmem_shared>> -> memref<256x32xf32, #tpu.memory_space<vmem_shared>>
      tpu.enqueue_dma source(%arg12 : memref<256x32xf32, #tpu.memory_space<vmem>>) target(%dma_start3A_70 : memref<256x32xf32, #tpu.memory_space<vmem_shared>>) target_semaphore(%run_scoped3A : memref<!tpu.dma_semaphore, #tpu.memory_space<semaphore_mem>>)
      %dma_wait3A = arith.constant 0 : i32
      %dma_wait3A_71 = tpu.memref_slice %arg14[%add3A_22, %dma_wait3A] : memref<51200x32xf32, #tpu.memory_space<vmem_shared>> -> memref<256x32xf32, #tpu.memory_space<vmem_shared>>
      %dma_wait3A_72 = arith.constant 0 : i32
      %dma_wait3A_73 = tpu.memref_slice %arg14[%add3A_22, %dma_wait3A_72] : memref<51200x32xf32, #tpu.memory_space<vmem_shared>> -> memref<256x32xf32, #tpu.memory_space<vmem_shared>>
      tpu.wait_dma2 semaphore(%run_scoped3A : memref<!tpu.dma_semaphore, #tpu.memory_space<semaphore_mem>>) src(%arg12 : memref<256x32xf32, #tpu.memory_space<vmem>>) dst(%dma_wait3A_73 : memref<256x32xf32, #tpu.memory_space<vmem_shared>>)
      tpu.yield
    }) : () -> ()
    %mul3A_23 = arith.constant 3200 : i32
    %mul3A_24 = arith.muli %arg1, %mul3A_23 : i32
    %add3A_25 = arith.constant 1280 : i32
    %add3A_26 = arith.addi %mul3A_24, %add3A_25 : i32
    "tpu.region"() ({
      %run_scoped3A = tpu.sem_alloc : memref<!tpu.dma_semaphore, #tpu.memory_space<semaphore_mem>>
      %dma_start3A = arith.constant 0 : i32
      %dma_start3A_68 = tpu.memref_slice %arg14[%add3A_26, %dma_start3A] : memref<51200x32xf32, #tpu.memory_space<vmem_shared>> -> memref<256x32xf32, #tpu.memory_space<vmem_shared>>
      %dma_start3A_69 = arith.constant 0 : i32
      %dma_start3A_70 = tpu.memref_slice %arg14[%add3A_26, %dma_start3A_69] : memref<51200x32xf32, #tpu.memory_space<vmem_shared>> -> memref<256x32xf32, #tpu.memory_space<vmem_shared>>
      tpu.enqueue_dma source(%arg12 : memref<256x32xf32, #tpu.memory_space<vmem>>) target(%dma_start3A_70 : memref<256x32xf32, #tpu.memory_space<vmem_shared>>) target_semaphore(%run_scoped3A : memref<!tpu.dma_semaphore, #tpu.memory_space<semaphore_mem>>)
      %dma_wait3A = arith.constant 0 : i32
      %dma_wait3A_71 = tpu.memref_slice %arg14[%add3A_26, %dma_wait3A] : memref<51200x32xf32, #tpu.memory_space<vmem_shared>> -> memref<256x32xf32, #tpu.memory_space<vmem_shared>>
      %dma_wait3A_72 = arith.constant 0 : i32
      %dma_wait3A_73 = tpu.memref_slice %arg14[%add3A_26, %dma_wait3A_72] : memref<51200x32xf32, #tpu.memory_space<vmem_shared>> -> memref<256x32xf32, #tpu.memory_space<vmem_shared>>
      tpu.wait_dma2 semaphore(%run_scoped3A : memref<!tpu.dma_semaphore, #tpu.memory_space<semaphore_mem>>) src(%arg12 : memref<256x32xf32, #tpu.memory_space<vmem>>) dst(%dma_wait3A_73 : memref<256x32xf32, #tpu.memory_space<vmem_shared>>)
      tpu.yield
    }) : () -> ()
    %mul3A_27 = arith.constant 3200 : i32
    %mul3A_28 = arith.muli %arg1, %mul3A_27 : i32
    %add3A_29 = arith.constant 1536 : i32
    %add3A_30 = arith.addi %mul3A_28, %add3A_29 : i32
    "tpu.region"() ({
      %run_scoped3A = tpu.sem_alloc : memref<!tpu.dma_semaphore, #tpu.memory_space<semaphore_mem>>
      %dma_start3A = arith.constant 0 : i32
      %dma_start3A_68 = tpu.memref_slice %arg14[%add3A_30, %dma_start3A] : memref<51200x32xf32, #tpu.memory_space<vmem_shared>> -> memref<256x32xf32, #tpu.memory_space<vmem_shared>>
      %dma_start3A_69 = arith.constant 0 : i32
      %dma_start3A_70 = tpu.memref_slice %arg14[%add3A_30, %dma_start3A_69] : memref<51200x32xf32, #tpu.memory_space<vmem_shared>> -> memref<256x32xf32, #tpu.memory_space<vmem_shared>>
      tpu.enqueue_dma source(%arg12 : memref<256x32xf32, #tpu.memory_space<vmem>>) target(%dma_start3A_70 : memref<256x32xf32, #tpu.memory_space<vmem_shared>>) target_semaphore(%run_scoped3A : memref<!tpu.dma_semaphore, #tpu.memory_space<semaphore_mem>>)
      %dma_wait3A = arith.constant 0 : i32
      %dma_wait3A_71 = tpu.memref_slice %arg14[%add3A_30, %dma_wait3A] : memref<51200x32xf32, #tpu.memory_space<vmem_shared>> -> memref<256x32xf32, #tpu.memory_space<vmem_shared>>
      %dma_wait3A_72 = arith.constant 0 : i32
      %dma_wait3A_73 = tpu.memref_slice %arg14[%add3A_30, %dma_wait3A_72] : memref<51200x32xf32, #tpu.memory_space<vmem_shared>> -> memref<256x32xf32, #tpu.memory_space<vmem_shared>>
      tpu.wait_dma2 semaphore(%run_scoped3A : memref<!tpu.dma_semaphore, #tpu.memory_space<semaphore_mem>>) src(%arg12 : memref<256x32xf32, #tpu.memory_space<vmem>>) dst(%dma_wait3A_73 : memref<256x32xf32, #tpu.memory_space<vmem_shared>>)
      tpu.yield
    }) : () -> ()
    %mul3A_31 = arith.constant 3200 : i32
    %mul3A_32 = arith.muli %arg1, %mul3A_31 : i32
    %add3A_33 = arith.constant 1792 : i32
    %add3A_34 = arith.addi %mul3A_32, %add3A_33 : i32
    "tpu.region"() ({
      %run_scoped3A = tpu.sem_alloc : memref<!tpu.dma_semaphore, #tpu.memory_space<semaphore_mem>>
      %dma_start3A = arith.constant 0 : i32
      %dma_start3A_68 = tpu.memref_slice %arg14[%add3A_34, %dma_start3A] : memref<51200x32xf32, #tpu.memory_space<vmem_shared>> -> memref<256x32xf32, #tpu.memory_space<vmem_shared>>
      %dma_start3A_69 = arith.constant 0 : i32
      %dma_start3A_70 = tpu.memref_slice %arg14[%add3A_34, %dma_start3A_69] : memref<51200x32xf32, #tpu.memory_space<vmem_shared>> -> memref<256x32xf32, #tpu.memory_space<vmem_shared>>
      tpu.enqueue_dma source(%arg12 : memref<256x32xf32, #tpu.memory_space<vmem>>) target(%dma_start3A_70 : memref<256x32xf32, #tpu.memory_space<vmem_shared>>) target_semaphore(%run_scoped3A : memref<!tpu.dma_semaphore, #tpu.memory_space<semaphore_mem>>)
      %dma_wait3A = arith.constant 0 : i32
      %dma_wait3A_71 = tpu.memref_slice %arg14[%add3A_34, %dma_wait3A] : memref<51200x32xf32, #tpu.memory_space<vmem_shared>> -> memref<256x32xf32, #tpu.memory_space<vmem_shared>>
      %dma_wait3A_72 = arith.constant 0 : i32
      %dma_wait3A_73 = tpu.memref_slice %arg14[%add3A_34, %dma_wait3A_72] : memref<51200x32xf32, #tpu.memory_space<vmem_shared>> -> memref<256x32xf32, #tpu.memory_space<vmem_shared>>
      tpu.wait_dma2 semaphore(%run_scoped3A : memref<!tpu.dma_semaphore, #tpu.memory_space<semaphore_mem>>) src(%arg12 : memref<256x32xf32, #tpu.memory_space<vmem>>) dst(%dma_wait3A_73 : memref<256x32xf32, #tpu.memory_space<vmem_shared>>)
      tpu.yield
    }) : () -> ()
    %mul3A_35 = arith.constant 3200 : i32
    %mul3A_36 = arith.muli %arg1, %mul3A_35 : i32
    %add3A_37 = arith.constant 2048 : i32
    %add3A_38 = arith.addi %mul3A_36, %add3A_37 : i32
    "tpu.region"() ({
      %run_scoped3A = tpu.sem_alloc : memref<!tpu.dma_semaphore, #tpu.memory_space<semaphore_mem>>
      %dma_start3A = arith.constant 0 : i32
      %dma_start3A_68 = tpu.memref_slice %arg14[%add3A_38, %dma_start3A] : memref<51200x32xf32, #tpu.memory_space<vmem_shared>> -> memref<256x32xf32, #tpu.memory_space<vmem_shared>>
      %dma_start3A_69 = arith.constant 0 : i32
      %dma_start3A_70 = tpu.memref_slice %arg14[%add3A_38, %dma_start3A_69] : memref<51200x32xf32, #tpu.memory_space<vmem_shared>> -> memref<256x32xf32, #tpu.memory_space<vmem_shared>>
      tpu.enqueue_dma source(%arg12 : memref<256x32xf32, #tpu.memory_space<vmem>>) target(%dma_start3A_70 : memref<256x32xf32, #tpu.memory_space<vmem_shared>>) target_semaphore(%run_scoped3A : memref<!tpu.dma_semaphore, #tpu.memory_space<semaphore_mem>>)
      %dma_wait3A = arith.constant 0 : i32
      %dma_wait3A_71 = tpu.memref_slice %arg14[%add3A_38, %dma_wait3A] : memref<51200x32xf32, #tpu.memory_space<vmem_shared>> -> memref<256x32xf32, #tpu.memory_space<vmem_shared>>
      %dma_wait3A_72 = arith.constant 0 : i32
      %dma_wait3A_73 = tpu.memref_slice %arg14[%add3A_38, %dma_wait3A_72] : memref<51200x32xf32, #tpu.memory_space<vmem_shared>> -> memref<256x32xf32, #tpu.memory_space<vmem_shared>>
      tpu.wait_dma2 semaphore(%run_scoped3A : memref<!tpu.dma_semaphore, #tpu.memory_space<semaphore_mem>>) src(%arg12 : memref<256x32xf32, #tpu.memory_space<vmem>>) dst(%dma_wait3A_73 : memref<256x32xf32, #tpu.memory_space<vmem_shared>>)
      tpu.yield
    }) : () -> ()
    %mul3A_39 = arith.constant 3200 : i32
    %mul3A_40 = arith.muli %arg1, %mul3A_39 : i32
    %add3A_41 = arith.constant 2304 : i32
    %add3A_42 = arith.addi %mul3A_40, %add3A_41 : i32
    "tpu.region"() ({
      %run_scoped3A = tpu.sem_alloc : memref<!tpu.dma_semaphore, #tpu.memory_space<semaphore_mem>>
      %dma_start3A = arith.constant 0 : i32
      %dma_start3A_68 = tpu.memref_slice %arg14[%add3A_42, %dma_start3A] : memref<51200x32xf32, #tpu.memory_space<vmem_shared>> -> memref<256x32xf32, #tpu.memory_space<vmem_shared>>
      %dma_start3A_69 = arith.constant 0 : i32
      %dma_start3A_70 = tpu.memref_slice %arg14[%add3A_42, %dma_start3A_69] : memref<51200x32xf32, #tpu.memory_space<vmem_shared>> -> memref<256x32xf32, #tpu.memory_space<vmem_shared>>
      tpu.enqueue_dma source(%arg12 : memref<256x32xf32, #tpu.memory_space<vmem>>) target(%dma_start3A_70 : memref<256x32xf32, #tpu.memory_space<vmem_shared>>) target_semaphore(%run_scoped3A : memref<!tpu.dma_semaphore, #tpu.memory_space<semaphore_mem>>)
      %dma_wait3A = arith.constant 0 : i32
      %dma_wait3A_71 = tpu.memref_slice %arg14[%add3A_42, %dma_wait3A] : memref<51200x32xf32, #tpu.memory_space<vmem_shared>> -> memref<256x32xf32, #tpu.memory_space<vmem_shared>>
      %dma_wait3A_72 = arith.constant 0 : i32
      %dma_wait3A_73 = tpu.memref_slice %arg14[%add3A_42, %dma_wait3A_72] : memref<51200x32xf32, #tpu.memory_space<vmem_shared>> -> memref<256x32xf32, #tpu.memory_space<vmem_shared>>
      tpu.wait_dma2 semaphore(%run_scoped3A : memref<!tpu.dma_semaphore, #tpu.memory_space<semaphore_mem>>) src(%arg12 : memref<256x32xf32, #tpu.memory_space<vmem>>) dst(%dma_wait3A_73 : memref<256x32xf32, #tpu.memory_space<vmem_shared>>)
      tpu.yield
    }) : () -> ()
    %mul3A_43 = arith.constant 3200 : i32
    %mul3A_44 = arith.muli %arg1, %mul3A_43 : i32
    %add3A_45 = arith.constant 2560 : i32
    %add3A_46 = arith.addi %mul3A_44, %add3A_45 : i32
    "tpu.region"() ({
      %run_scoped3A = tpu.sem_alloc : memref<!tpu.dma_semaphore, #tpu.memory_space<semaphore_mem>>
      %dma_start3A = arith.constant 0 : i32
      %dma_start3A_68 = tpu.memref_slice %arg14[%add3A_46, %dma_start3A] : memref<51200x32xf32, #tpu.memory_space<vmem_shared>> -> memref<256x32xf32, #tpu.memory_space<vmem_shared>>
      %dma_start3A_69 = arith.constant 0 : i32
      %dma_start3A_70 = tpu.memref_slice %arg14[%add3A_46, %dma_start3A_69] : memref<51200x32xf32, #tpu.memory_space<vmem_shared>> -> memref<256x32xf32, #tpu.memory_space<vmem_shared>>
      tpu.enqueue_dma source(%arg12 : memref<256x32xf32, #tpu.memory_space<vmem>>) target(%dma_start3A_70 : memref<256x32xf32, #tpu.memory_space<vmem_shared>>) target_semaphore(%run_scoped3A : memref<!tpu.dma_semaphore, #tpu.memory_space<semaphore_mem>>)
      %dma_wait3A = arith.constant 0 : i32
      %dma_wait3A_71 = tpu.memref_slice %arg14[%add3A_46, %dma_wait3A] : memref<51200x32xf32, #tpu.memory_space<vmem_shared>> -> memref<256x32xf32, #tpu.memory_space<vmem_shared>>
      %dma_wait3A_72 = arith.constant 0 : i32
      %dma_wait3A_73 = tpu.memref_slice %arg14[%add3A_46, %dma_wait3A_72] : memref<51200x32xf32, #tpu.memory_space<vmem_shared>> -> memref<256x32xf32, #tpu.memory_space<vmem_shared>>
      tpu.wait_dma2 semaphore(%run_scoped3A : memref<!tpu.dma_semaphore, #tpu.memory_space<semaphore_mem>>) src(%arg12 : memref<256x32xf32, #tpu.memory_space<vmem>>) dst(%dma_wait3A_73 : memref<256x32xf32, #tpu.memory_space<vmem_shared>>)
      tpu.yield
    }) : () -> ()
    %mul3A_47 = arith.constant 3200 : i32
    %mul3A_48 = arith.muli %arg1, %mul3A_47 : i32
    %add3A_49 = arith.constant 2816 : i32
    %add3A_50 = arith.addi %mul3A_48, %add3A_49 : i32
    "tpu.region"() ({
      %run_scoped3A = tpu.sem_alloc : memref<!tpu.dma_semaphore, #tpu.memory_space<semaphore_mem>>
      %dma_start3A = arith.constant 0 : i32
      %dma_start3A_68 = tpu.memref_slice %arg14[%add3A_50, %dma_start3A] : memref<51200x32xf32, #tpu.memory_space<vmem_shared>> -> memref<256x32xf32, #tpu.memory_space<vmem_shared>>
      %dma_start3A_69 = arith.constant 0 : i32
      %dma_start3A_70 = tpu.memref_slice %arg14[%add3A_50, %dma_start3A_69] : memref<51200x32xf32, #tpu.memory_space<vmem_shared>> -> memref<256x32xf32, #tpu.memory_space<vmem_shared>>
      tpu.enqueue_dma source(%arg12 : memref<256x32xf32, #tpu.memory_space<vmem>>) target(%dma_start3A_70 : memref<256x32xf32, #tpu.memory_space<vmem_shared>>) target_semaphore(%run_scoped3A : memref<!tpu.dma_semaphore, #tpu.memory_space<semaphore_mem>>)
      %dma_wait3A = arith.constant 0 : i32
      %dma_wait3A_71 = tpu.memref_slice %arg14[%add3A_50, %dma_wait3A] : memref<51200x32xf32, #tpu.memory_space<vmem_shared>> -> memref<256x32xf32, #tpu.memory_space<vmem_shared>>
      %dma_wait3A_72 = arith.constant 0 : i32
      %dma_wait3A_73 = tpu.memref_slice %arg14[%add3A_50, %dma_wait3A_72] : memref<51200x32xf32, #tpu.memory_space<vmem_shared>> -> memref<256x32xf32, #tpu.memory_space<vmem_shared>>
      tpu.wait_dma2 semaphore(%run_scoped3A : memref<!tpu.dma_semaphore, #tpu.memory_space<semaphore_mem>>) src(%arg12 : memref<256x32xf32, #tpu.memory_space<vmem>>) dst(%dma_wait3A_73 : memref<256x32xf32, #tpu.memory_space<vmem_shared>>)
      tpu.yield
    }) : () -> ()
    %mul3A_51 = arith.constant 3200 : i32
    %mul3A_52 = arith.muli %arg1, %mul3A_51 : i32
    %add3A_53 = arith.constant 3072 : i32
    %add3A_54 = arith.addi %mul3A_52, %add3A_53 : i32
    "tpu.region"() ({
      %run_scoped3A = tpu.sem_alloc : memref<!tpu.dma_semaphore, #tpu.memory_space<semaphore_mem>>
      %dma_start3A = arith.constant 0 : i32
      %dma_start3A_68 = arith.constant 0 : i32
      %dma_start3A_69 = tpu.memref_slice %arg12[%dma_start3A, %dma_start3A_68] : memref<256x32xf32, #tpu.memory_space<vmem>> -> memref<128x32xf32, #tpu.memory_space<vmem>>
      %dma_start3A_70 = arith.constant 0 : i32
      %dma_start3A_71 = tpu.memref_slice %arg14[%add3A_54, %dma_start3A_70] : memref<51200x32xf32, #tpu.memory_space<vmem_shared>> -> memref<128x32xf32, #tpu.memory_space<vmem_shared>>
      %dma_start3A_72 = arith.constant 0 : i32
      %dma_start3A_73 = tpu.memref_slice %arg14[%add3A_54, %dma_start3A_72] : memref<51200x32xf32, #tpu.memory_space<vmem_shared>> -> memref<128x32xf32, #tpu.memory_space<vmem_shared>>
      %dma_start3A_74 = arith.constant 0 : i32
      %dma_start3A_75 = arith.constant 0 : i32
      %dma_start3A_76 = tpu.memref_slice %arg12[%dma_start3A_74, %dma_start3A_75] : memref<256x32xf32, #tpu.memory_space<vmem>> -> memref<128x32xf32, #tpu.memory_space<vmem>>
      tpu.enqueue_dma source(%dma_start3A_76 : memref<128x32xf32, #tpu.memory_space<vmem>>) target(%dma_start3A_73 : memref<128x32xf32, #tpu.memory_space<vmem_shared>>) target_semaphore(%run_scoped3A : memref<!tpu.dma_semaphore, #tpu.memory_space<semaphore_mem>>)
      %dma_wait3A = arith.constant 0 : i32
      %dma_wait3A_77 = arith.constant 0 : i32
      %dma_wait3A_78 = tpu.memref_slice %arg12[%dma_wait3A, %dma_wait3A_77] : memref<256x32xf32, #tpu.memory_space<vmem>> -> memref<128x32xf32, #tpu.memory_space<vmem>>
      %dma_wait3A_79 = arith.constant 0 : i32
      %dma_wait3A_80 = tpu.memref_slice %arg14[%add3A_54, %dma_wait3A_79] : memref<51200x32xf32, #tpu.memory_space<vmem_shared>> -> memref<128x32xf32, #tpu.memory_space<vmem_shared>>
      %dma_wait3A_81 = arith.constant 0 : i32
      %dma_wait3A_82 = tpu.memref_slice %arg14[%add3A_54, %dma_wait3A_81] : memref<51200x32xf32, #tpu.memory_space<vmem_shared>> -> memref<128x32xf32, #tpu.memory_space<vmem_shared>>
      %dma_wait3A_83 = arith.constant 0 : i32
      %dma_wait3A_84 = arith.constant 0 : i32
      %dma_wait3A_85 = tpu.memref_slice %arg12[%dma_wait3A_83, %dma_wait3A_84] : memref<256x32xf32, #tpu.memory_space<vmem>> -> memref<128x32xf32, #tpu.memory_space<vmem>>
      tpu.wait_dma2 semaphore(%run_scoped3A : memref<!tpu.dma_semaphore, #tpu.memory_space<semaphore_mem>>) src(%dma_wait3A_85 : memref<128x32xf32, #tpu.memory_space<vmem>>) dst(%dma_wait3A_82 : memref<128x32xf32, #tpu.memory_space<vmem_shared>>)
      tpu.yield
    }) : () -> ()
    %barrier3A = arith.constant 0 : index
    tpu.barrier barrier_id(%barrier3A)
    %scan3A_55 = arith.constant 0 : i32
    %scan3A_56 = arith.constant 196 : i32
    %scan3A_57 = arith.addi %scan3A_55, %scan3A_56 : i32
    %scan3A_58 = arith.constant 1 : i32
    scf.for %scan3A_68 = %scan3A_55 to %scan3A_57 step %scan3A_58  : i32 {
      %mul3A_69 = arith.constant 1 : i32
      %mul3A_70 = arith.muli %scan3A_68, %mul3A_69 : i32
      %add3A_71 = arith.constant 0 : i32
      %add3A_72 = arith.addi %add3A_71, %mul3A_70 : i32
      %mul3A_73 = arith.constant 196 : i32
      %mul3A_74 = arith.muli %arg1, %mul3A_73 : i32
      %add3A_75 = arith.addi %mul3A_74, %add3A_72 : i32
      %mul3A_76 = arith.constant 2 : i32
      %mul3A_77 = arith.muli %add3A_75, %mul3A_76 : i32
      %mul3A_78 = arith.constant 6272 : i32
      %mul3A_79 = arith.muli %arg0, %mul3A_78 : i32
      %add3A_80 = arith.addi %mul3A_79, %mul3A_77 : i32
      "tpu.region"() ({
        %run_scoped3A = tpu.sem_alloc : memref<!tpu.dma_semaphore, #tpu.memory_space<semaphore_mem>>
        %dma_start3A_169 = arith.constant 0 : i32
        %dma_start3A_170 = tpu.memref_slice %arg4[%add3A_80, %dma_start3A_169] : memref<12544x128xi32, #tpu.memory_space<hbm>> -> memref<2x128xi32, #tpu.memory_space<hbm>>
        %dma_start3A_171 = arith.constant 0 : i32
        %dma_start3A_172 = tpu.memref_slice %arg4[%add3A_80, %dma_start3A_171] : memref<12544x128xi32, #tpu.memory_space<hbm>> -> memref<2x128xi32, #tpu.memory_space<hbm>>
        tpu.enqueue_dma source(%dma_start3A_172 : memref<2x128xi32, #tpu.memory_space<hbm>>) target(%arg8 : memref<2x128xi32, #tpu.memory_space<vmem>>) target_semaphore(%run_scoped3A : memref<!tpu.dma_semaphore, #tpu.memory_space<semaphore_mem>>)
        %dma_wait3A_173 = arith.constant 0 : i32
        %dma_wait3A_174 = tpu.memref_slice %arg4[%add3A_80, %dma_wait3A_173] : memref<12544x128xi32, #tpu.memory_space<hbm>> -> memref<2x128xi32, #tpu.memory_space<hbm>>
        %dma_wait3A_175 = arith.constant 0 : i32
        %dma_wait3A_176 = tpu.memref_slice %arg4[%add3A_80, %dma_wait3A_175] : memref<12544x128xi32, #tpu.memory_space<hbm>> -> memref<2x128xi32, #tpu.memory_space<hbm>>
        tpu.wait_dma2 semaphore(%run_scoped3A : memref<!tpu.dma_semaphore, #tpu.memory_space<semaphore_mem>>) src(%dma_wait3A_176 : memref<2x128xi32, #tpu.memory_space<hbm>>) dst(%arg8 : memref<2x128xi32, #tpu.memory_space<vmem>>)
        tpu.yield
      }) : () -> ()
      %mul3A_81 = arith.constant 6272 : i32
      %mul3A_82 = arith.muli %arg0, %mul3A_81 : i32
      %add3A_83 = arith.addi %mul3A_82, %mul3A_77 : i32
      "tpu.region"() ({
        %run_scoped3A = tpu.sem_alloc : memref<!tpu.dma_semaphore, #tpu.memory_space<semaphore_mem>>
        %dma_start3A_169 = arith.constant 0 : i32
        %dma_start3A_170 = tpu.memref_slice %arg6[%add3A_83, %dma_start3A_169] : memref<12544x128xi32, #tpu.memory_space<hbm>> -> memref<2x128xi32, #tpu.memory_space<hbm>>
        %dma_start3A_171 = arith.constant 0 : i32
        %dma_start3A_172 = tpu.memref_slice %arg6[%add3A_83, %dma_start3A_171] : memref<12544x128xi32, #tpu.memory_space<hbm>> -> memref<2x128xi32, #tpu.memory_space<hbm>>
        tpu.enqueue_dma source(%dma_start3A_172 : memref<2x128xi32, #tpu.memory_space<hbm>>) target(%arg11 : memref<2x128xi32, #tpu.memory_space<vmem>>) target_semaphore(%run_scoped3A : memref<!tpu.dma_semaphore, #tpu.memory_space<semaphore_mem>>)
        %dma_wait3A_173 = arith.constant 0 : i32
        %dma_wait3A_174 = tpu.memref_slice %arg6[%add3A_83, %dma_wait3A_173] : memref<12544x128xi32, #tpu.memory_space<hbm>> -> memref<2x128xi32, #tpu.memory_space<hbm>>
        %dma_wait3A_175 = arith.constant 0 : i32
        %dma_wait3A_176 = tpu.memref_slice %arg6[%add3A_83, %dma_wait3A_175] : memref<12544x128xi32, #tpu.memory_space<hbm>> -> memref<2x128xi32, #tpu.memory_space<hbm>>
        tpu.wait_dma2 semaphore(%run_scoped3A : memref<!tpu.dma_semaphore, #tpu.memory_space<semaphore_mem>>) src(%dma_wait3A_176 : memref<2x128xi32, #tpu.memory_space<hbm>>) dst(%arg11 : memref<2x128xi32, #tpu.memory_space<vmem>>)
        tpu.yield
      }) : () -> ()
      "tpu.region"() ({
        %run_scoped3A = tpu.sem_alloc : memref<!tpu.dma_semaphore, #tpu.memory_space<semaphore_mem>>
        %dma_start3A_169 = arith.constant 0 : i32
        %dma_start3A_170 = tpu.memref_slice %arg5[%mul3A_77, %dma_start3A_169] : memref<6272x128xi32, #tpu.memory_space<hbm>> -> memref<1x128xi32, #tpu.memory_space<hbm>>
        %dma_start3A_171 = tpu.memref_squeeze %dma_start3A_170 : memref<1x128xi32, #tpu.memory_space<hbm>> -> memref<128xi32, #tpu.memory_space<hbm>>
        %dma_start3A_172 = arith.constant 0 : i32
        %dma_start3A_173 = tpu.memref_slice %arg5[%mul3A_77, %dma_start3A_172] : memref<6272x128xi32, #tpu.memory_space<hbm>> -> memref<1x128xi32, #tpu.memory_space<hbm>>
        %dma_start3A_174 = tpu.memref_squeeze %dma_start3A_173 : memref<1x128xi32, #tpu.memory_space<hbm>> -> memref<128xi32, #tpu.memory_space<hbm>>
        tpu.enqueue_dma source(%dma_start3A_174 : memref<128xi32, #tpu.memory_space<hbm>>) target(%arg9 : memref<128xi32, #tpu.memory_space<vmem>>) target_semaphore(%run_scoped3A : memref<!tpu.dma_semaphore, #tpu.memory_space<semaphore_mem>>)
        %dma_wait3A_175 = arith.constant 0 : i32
        %dma_wait3A_176 = tpu.memref_slice %arg5[%mul3A_77, %dma_wait3A_175] : memref<6272x128xi32, #tpu.memory_space<hbm>> -> memref<1x128xi32, #tpu.memory_space<hbm>>
        %dma_wait3A_177 = tpu.memref_squeeze %dma_wait3A_176 : memref<1x128xi32, #tpu.memory_space<hbm>> -> memref<128xi32, #tpu.memory_space<hbm>>
        %dma_wait3A_178 = arith.constant 0 : i32
        %dma_wait3A_179 = tpu.memref_slice %arg5[%mul3A_77, %dma_wait3A_178] : memref<6272x128xi32, #tpu.memory_space<hbm>> -> memref<1x128xi32, #tpu.memory_space<hbm>>
        %dma_wait3A_180 = tpu.memref_squeeze %dma_wait3A_179 : memref<1x128xi32, #tpu.memory_space<hbm>> -> memref<128xi32, #tpu.memory_space<hbm>>
        tpu.wait_dma2 semaphore(%run_scoped3A : memref<!tpu.dma_semaphore, #tpu.memory_space<semaphore_mem>>) src(%dma_wait3A_180 : memref<128xi32, #tpu.memory_space<hbm>>) dst(%arg9 : memref<128xi32, #tpu.memory_space<vmem>>)
        tpu.yield
      }) : () -> ()
      %add3A_84 = arith.constant 1 : i32
      %add3A_85 = arith.addi %mul3A_77, %add3A_84 : i32
      "tpu.region"() ({
        %run_scoped3A = tpu.sem_alloc : memref<!tpu.dma_semaphore, #tpu.memory_space<semaphore_mem>>
        %dma_start3A_169 = arith.constant 0 : i32
        %dma_start3A_170 = tpu.memref_slice %arg5[%add3A_85, %dma_start3A_169] : memref<6272x128xi32, #tpu.memory_space<hbm>> -> memref<1x128xi32, #tpu.memory_space<hbm>>
        %dma_start3A_171 = tpu.memref_squeeze %dma_start3A_170 : memref<1x128xi32, #tpu.memory_space<hbm>> -> memref<128xi32, #tpu.memory_space<hbm>>
        %dma_start3A_172 = arith.constant 0 : i32
        %dma_start3A_173 = tpu.memref_slice %arg5[%add3A_85, %dma_start3A_172] : memref<6272x128xi32, #tpu.memory_space<hbm>> -> memref<1x128xi32, #tpu.memory_space<hbm>>
        %dma_start3A_174 = tpu.memref_squeeze %dma_start3A_173 : memref<1x128xi32, #tpu.memory_space<hbm>> -> memref<128xi32, #tpu.memory_space<hbm>>
        tpu.enqueue_dma source(%dma_start3A_174 : memref<128xi32, #tpu.memory_space<hbm>>) target(%arg10 : memref<128xi32, #tpu.memory_space<vmem>>) target_semaphore(%run_scoped3A : memref<!tpu.dma_semaphore, #tpu.memory_space<semaphore_mem>>)
        %dma_wait3A_175 = arith.constant 0 : i32
        %dma_wait3A_176 = tpu.memref_slice %arg5[%add3A_85, %dma_wait3A_175] : memref<6272x128xi32, #tpu.memory_space<hbm>> -> memref<1x128xi32, #tpu.memory_space<hbm>>
        %dma_wait3A_177 = tpu.memref_squeeze %dma_wait3A_176 : memref<1x128xi32, #tpu.memory_space<hbm>> -> memref<128xi32, #tpu.memory_space<hbm>>
        %dma_wait3A_178 = arith.constant 0 : i32
        %dma_wait3A_179 = tpu.memref_slice %arg5[%add3A_85, %dma_wait3A_178] : memref<6272x128xi32, #tpu.memory_space<hbm>> -> memref<1x128xi32, #tpu.memory_space<hbm>>
        %dma_wait3A_180 = tpu.memref_squeeze %dma_wait3A_179 : memref<1x128xi32, #tpu.memory_space<hbm>> -> memref<128xi32, #tpu.memory_space<hbm>>
        tpu.wait_dma2 semaphore(%run_scoped3A : memref<!tpu.dma_semaphore, #tpu.memory_space<semaphore_mem>>) src(%dma_wait3A_180 : memref<128xi32, #tpu.memory_space<hbm>>) dst(%arg10 : memref<128xi32, #tpu.memory_space<vmem>>)
        tpu.yield
      }) : () -> ()
      %dma_start3A = arith.constant 0 : i32
      %dma_start3A_86 = arith.constant 0 : i32
      %dma_start3A_87 = arith.constant 0 : i32
      %dma_start3A_88 = tpu.memref_slice %arg12[%dma_start3A_86, %dma_start3A_87] : memref<256x32xf32, #tpu.memory_space<vmem>> -> memref<128x32xf32, #tpu.memory_space<vmem>>
      %dma_start3A_89 = arith.constant 0 : i32
      %dma_start3A_90 = tpu.memref_slice %arg8[%dma_start3A, %dma_start3A_89] : memref<2x128xi32, #tpu.memory_space<vmem>> -> memref<1x128xi32, #tpu.memory_space<vmem>>
      %dma_start3A_91 = tpu.memref_squeeze %dma_start3A_90 : memref<1x128xi32, #tpu.memory_space<vmem>> -> memref<128xi32, #tpu.memory_space<vmem>>
      %dma_start3A_92 = arith.constant 0 : i32
      %dma_start3A_93 = arith.constant 0 : i32
      %dma_start3A_94 = tpu.memref_slice %arg2[%dma_start3A_92, %dma_start3A_93] : memref<102400x32xf32, #tpu.memory_space<hbm>> -> memref<102400x32xf32, #tpu.memory_space<hbm>>
      tpu.enqueue_indirect_dma source(%dma_start3A_94 : memref<102400x32xf32, #tpu.memory_space<hbm>>) target(%dma_start3A_88 : memref<128x32xf32, #tpu.memory_space<vmem>>) offsets(%dma_start3A_91 : memref<128xi32, #tpu.memory_space<vmem>>) semaphore(%arg15 : memref<!tpu.dma_semaphore, #tpu.memory_space<semaphore_mem>>)
      %dma_start3A_95 = arith.constant 0 : i32
      %dma_start3A_96 = arith.constant 0 : i32
      %dma_start3A_97 = arith.constant 0 : i32
      %dma_start3A_98 = tpu.memref_slice %arg13[%dma_start3A_96, %dma_start3A_97] : memref<256x32xf32, #tpu.memory_space<vmem>> -> memref<128x32xf32, #tpu.memory_space<vmem>>
      %dma_start3A_99 = arith.constant 0 : i32
      %dma_start3A_100 = tpu.memref_slice %arg11[%dma_start3A_95, %dma_start3A_99] : memref<2x128xi32, #tpu.memory_space<vmem>> -> memref<1x128xi32, #tpu.memory_space<vmem>>
      %dma_start3A_101 = tpu.memref_squeeze %dma_start3A_100 : memref<1x128xi32, #tpu.memory_space<vmem>> -> memref<128xi32, #tpu.memory_space<vmem>>
      %dma_start3A_102 = arith.constant 0 : i32
      %dma_start3A_103 = arith.constant 0 : i32
      %dma_start3A_104 = tpu.memref_slice %arg3[%dma_start3A_102, %dma_start3A_103] : memref<1024x32xf32, #tpu.memory_space<hbm>> -> memref<1024x32xf32, #tpu.memory_space<hbm>>
      tpu.enqueue_indirect_dma source(%dma_start3A_104 : memref<1024x32xf32, #tpu.memory_space<hbm>>) target(%dma_start3A_98 : memref<128x32xf32, #tpu.memory_space<vmem>>) offsets(%dma_start3A_101 : memref<128xi32, #tpu.memory_space<vmem>>) semaphore(%arg16 : memref<!tpu.dma_semaphore, #tpu.memory_space<semaphore_mem>>)
      %dma_start3A_105 = arith.constant 1 : i32
      %dma_start3A_106 = arith.constant 128 : i32
      %dma_start3A_107 = arith.constant 0 : i32
      %dma_start3A_108 = tpu.memref_slice %arg12[%dma_start3A_106, %dma_start3A_107] : memref<256x32xf32, #tpu.memory_space<vmem>> -> memref<128x32xf32, #tpu.memory_space<vmem>>
      %dma_start3A_109 = arith.constant 0 : i32
      %dma_start3A_110 = tpu.memref_slice %arg8[%dma_start3A_105, %dma_start3A_109] : memref<2x128xi32, #tpu.memory_space<vmem>> -> memref<1x128xi32, #tpu.memory_space<vmem>>
      %dma_start3A_111 = tpu.memref_squeeze %dma_start3A_110 : memref<1x128xi32, #tpu.memory_space<vmem>> -> memref<128xi32, #tpu.memory_space<vmem>>
      %dma_start3A_112 = arith.constant 0 : i32
      %dma_start3A_113 = arith.constant 0 : i32
      %dma_start3A_114 = tpu.memref_slice %arg2[%dma_start3A_112, %dma_start3A_113] : memref<102400x32xf32, #tpu.memory_space<hbm>> -> memref<102400x32xf32, #tpu.memory_space<hbm>>
      tpu.enqueue_indirect_dma source(%dma_start3A_114 : memref<102400x32xf32, #tpu.memory_space<hbm>>) target(%dma_start3A_108 : memref<128x32xf32, #tpu.memory_space<vmem>>) offsets(%dma_start3A_111 : memref<128xi32, #tpu.memory_space<vmem>>) semaphore(%arg15 : memref<!tpu.dma_semaphore, #tpu.memory_space<semaphore_mem>>)
      %dma_start3A_115 = arith.constant 1 : i32
      %dma_start3A_116 = arith.constant 128 : i32
      %dma_start3A_117 = arith.constant 0 : i32
      %dma_start3A_118 = tpu.memref_slice %arg13[%dma_start3A_116, %dma_start3A_117] : memref<256x32xf32, #tpu.memory_space<vmem>> -> memref<128x32xf32, #tpu.memory_space<vmem>>
      %dma_start3A_119 = arith.constant 0 : i32
      %dma_start3A_120 = tpu.memref_slice %arg11[%dma_start3A_115, %dma_start3A_119] : memref<2x128xi32, #tpu.memory_space<vmem>> -> memref<1x128xi32, #tpu.memory_space<vmem>>
      %dma_start3A_121 = tpu.memref_squeeze %dma_start3A_120 : memref<1x128xi32, #tpu.memory_space<vmem>> -> memref<128xi32, #tpu.memory_space<vmem>>
      %dma_start3A_122 = arith.constant 0 : i32
      %dma_start3A_123 = arith.constant 0 : i32
      %dma_start3A_124 = tpu.memref_slice %arg3[%dma_start3A_122, %dma_start3A_123] : memref<1024x32xf32, #tpu.memory_space<hbm>> -> memref<1024x32xf32, #tpu.memory_space<hbm>>
      tpu.enqueue_indirect_dma source(%dma_start3A_124 : memref<1024x32xf32, #tpu.memory_space<hbm>>) target(%dma_start3A_118 : memref<128x32xf32, #tpu.memory_space<vmem>>) offsets(%dma_start3A_121 : memref<128xi32, #tpu.memory_space<vmem>>) semaphore(%arg16 : memref<!tpu.dma_semaphore, #tpu.memory_space<semaphore_mem>>)
      %dma_wait3A = arith.constant 0 : i32
      %dma_wait3A_125 = arith.constant 0 : i32
      %dma_wait3A_126 = arith.constant 0 : i32
      %dma_wait3A_127 = tpu.memref_slice %arg12[%dma_wait3A_125, %dma_wait3A_126] : memref<256x32xf32, #tpu.memory_space<vmem>> -> memref<128x32xf32, #tpu.memory_space<vmem>>
      %dma_wait3A_128 = arith.constant 0 : i32
      %dma_wait3A_129 = tpu.memref_slice %arg8[%dma_wait3A, %dma_wait3A_128] : memref<2x128xi32, #tpu.memory_space<vmem>> -> memref<1x128xi32, #tpu.memory_space<vmem>>
      %dma_wait3A_130 = tpu.memref_squeeze %dma_wait3A_129 : memref<1x128xi32, #tpu.memory_space<vmem>> -> memref<128xi32, #tpu.memory_space<vmem>>
      %dma_wait3A_131 = arith.constant 0 : i32
      %dma_wait3A_132 = arith.constant 0 : i32
      %dma_wait3A_133 = tpu.memref_slice %arg2[%dma_wait3A_131, %dma_wait3A_132] : memref<102400x32xf32, #tpu.memory_space<hbm>> -> memref<102400x32xf32, #tpu.memory_space<hbm>>
      tpu.wait_indirect_dma semaphore(%arg15 : memref<!tpu.dma_semaphore, #tpu.memory_space<semaphore_mem>>) src(%dma_wait3A_133 : memref<102400x32xf32, #tpu.memory_space<hbm>>) dst(%dma_wait3A_127 : memref<128x32xf32, #tpu.memory_space<vmem>>)
      %dma_wait3A_134 = arith.constant 0 : i32
      %dma_wait3A_135 = arith.constant 0 : i32
      %dma_wait3A_136 = arith.constant 0 : i32
      %dma_wait3A_137 = tpu.memref_slice %arg13[%dma_wait3A_135, %dma_wait3A_136] : memref<256x32xf32, #tpu.memory_space<vmem>> -> memref<128x32xf32, #tpu.memory_space<vmem>>
      %dma_wait3A_138 = arith.constant 0 : i32
      %dma_wait3A_139 = tpu.memref_slice %arg11[%dma_wait3A_134, %dma_wait3A_138] : memref<2x128xi32, #tpu.memory_space<vmem>> -> memref<1x128xi32, #tpu.memory_space<vmem>>
      %dma_wait3A_140 = tpu.memref_squeeze %dma_wait3A_139 : memref<1x128xi32, #tpu.memory_space<vmem>> -> memref<128xi32, #tpu.memory_space<vmem>>
      %dma_wait3A_141 = arith.constant 0 : i32
      %dma_wait3A_142 = arith.constant 0 : i32
      %dma_wait3A_143 = tpu.memref_slice %arg3[%dma_wait3A_141, %dma_wait3A_142] : memref<1024x32xf32, #tpu.memory_space<hbm>> -> memref<1024x32xf32, #tpu.memory_space<hbm>>
      tpu.wait_indirect_dma semaphore(%arg16 : memref<!tpu.dma_semaphore, #tpu.memory_space<semaphore_mem>>) src(%dma_wait3A_143 : memref<1024x32xf32, #tpu.memory_space<hbm>>) dst(%dma_wait3A_137 : memref<128x32xf32, #tpu.memory_space<vmem>>)
      %dma_wait3A_144 = arith.constant 1 : i32
      %dma_wait3A_145 = arith.constant 128 : i32
      %dma_wait3A_146 = arith.constant 0 : i32
      %dma_wait3A_147 = tpu.memref_slice %arg12[%dma_wait3A_145, %dma_wait3A_146] : memref<256x32xf32, #tpu.memory_space<vmem>> -> memref<128x32xf32, #tpu.memory_space<vmem>>
      %dma_wait3A_148 = arith.constant 0 : i32
      %dma_wait3A_149 = tpu.memref_slice %arg8[%dma_wait3A_144, %dma_wait3A_148] : memref<2x128xi32, #tpu.memory_space<vmem>> -> memref<1x128xi32, #tpu.memory_space<vmem>>
      %dma_wait3A_150 = tpu.memref_squeeze %dma_wait3A_149 : memref<1x128xi32, #tpu.memory_space<vmem>> -> memref<128xi32, #tpu.memory_space<vmem>>
      %dma_wait3A_151 = arith.constant 0 : i32
      %dma_wait3A_152 = arith.constant 0 : i32
      %dma_wait3A_153 = tpu.memref_slice %arg2[%dma_wait3A_151, %dma_wait3A_152] : memref<102400x32xf32, #tpu.memory_space<hbm>> -> memref<102400x32xf32, #tpu.memory_space<hbm>>
      tpu.wait_indirect_dma semaphore(%arg15 : memref<!tpu.dma_semaphore, #tpu.memory_space<semaphore_mem>>) src(%dma_wait3A_153 : memref<102400x32xf32, #tpu.memory_space<hbm>>) dst(%dma_wait3A_147 : memref<128x32xf32, #tpu.memory_space<vmem>>)
      %dma_wait3A_154 = arith.constant 1 : i32
      %dma_wait3A_155 = arith.constant 128 : i32
      %dma_wait3A_156 = arith.constant 0 : i32
      %dma_wait3A_157 = tpu.memref_slice %arg13[%dma_wait3A_155, %dma_wait3A_156] : memref<256x32xf32, #tpu.memory_space<vmem>> -> memref<128x32xf32, #tpu.memory_space<vmem>>
      %dma_wait3A_158 = arith.constant 0 : i32
      %dma_wait3A_159 = tpu.memref_slice %arg11[%dma_wait3A_154, %dma_wait3A_158] : memref<2x128xi32, #tpu.memory_space<vmem>> -> memref<1x128xi32, #tpu.memory_space<vmem>>
      %dma_wait3A_160 = tpu.memref_squeeze %dma_wait3A_159 : memref<1x128xi32, #tpu.memory_space<vmem>> -> memref<128xi32, #tpu.memory_space<vmem>>
      %dma_wait3A_161 = arith.constant 0 : i32
      %dma_wait3A_162 = arith.constant 0 : i32
      %dma_wait3A_163 = tpu.memref_slice %arg3[%dma_wait3A_161, %dma_wait3A_162] : memref<1024x32xf32, #tpu.memory_space<hbm>> -> memref<1024x32xf32, #tpu.memory_space<hbm>>
      tpu.wait_indirect_dma semaphore(%arg16 : memref<!tpu.dma_semaphore, #tpu.memory_space<semaphore_mem>>) src(%dma_wait3A_163 : memref<1024x32xf32, #tpu.memory_space<hbm>>) dst(%dma_wait3A_157 : memref<128x32xf32, #tpu.memory_space<vmem>>)
      %scan3A_164 = arith.constant 0 : i32
      %scan3A_165 = arith.constant 256 : i32
      %scan3A_166 = arith.addi %scan3A_164, %scan3A_165 : i32
      %scan3A_167 = arith.constant 4 : i32
      scf.for %scan3A_169 = %scan3A_164 to %scan3A_166 step %scan3A_167  : i32 {
        %mul3A_170 = arith.constant 1 : i32
        %mul3A_171 = arith.muli %scan3A_169, %mul3A_170 : i32
        %add3A_172 = arith.constant 0 : i32
        %add3A_173 = arith.addi %add3A_172, %mul3A_171 : i32
        %get3A = arith.index_cast %add3A_173 : i32 to index
        %get3A_174 = arith.constant 0 : index
        %get3A_175 = tpu.vector_load %arg12[%get3A, %get3A_174] {strides = array<i32>} : memref<256x32xf32, #tpu.memory_space<vmem>>, vector<1x16xf32>,
        %get3A_176 = vector.shape_cast %get3A_175 : vector<1x16xf32> to vector<16xf32>
        %get3A_177 = arith.index_cast %add3A_173 : i32 to index
        %get3A_178 = arith.constant 0 : index
        %get3A_179 = tpu.vector_load %arg13[%get3A_177, %get3A_178] {strides = array<i32>} : memref<256x32xf32, #tpu.memory_space<vmem>>, vector<1x16xf32>,
        %get3A_180 = vector.shape_cast %get3A_179 : vector<1x16xf32> to vector<16xf32>
        %add3A_181 = arith.addf %get3A_176, %get3A_180 : vector<16xf32>
        %max3A = arith.constant 0.000000e+00 : f32
        %max3A_182 = vector.broadcast %max3A : f32 to vector<16xf32>
        %max3A_183 = arith.maximumf %add3A_181, %max3A_182 : vector<16xf32>
        %swap3A = arith.index_cast %add3A_173 : i32 to index
        %swap3A_184 = arith.constant 0 : index
        %swap3A_185 = tpu.vector_load %arg12[%swap3A, %swap3A_184] {strides = array<i32>} : memref<256x32xf32, #tpu.memory_space<vmem>>, vector<1x16xf32>,
        %swap3A_186 = vector.shape_cast %swap3A_185 : vector<1x16xf32> to vector<16xf32>
        %swap3A_187 = vector.shape_cast %max3A_183 : vector<16xf32> to vector<1x16xf32>
        tpu.vector_store %arg12[%swap3A, %swap3A_184], %swap3A_187 {strides = array<i32>} : memref<256x32xf32, #tpu.memory_space<vmem>>, vector<1x16xf32>,
        %get3A_188 = arith.index_cast %add3A_173 : i32 to index
        %get3A_189 = arith.constant 16 : index
        %get3A_190 = tpu.vector_load %arg12[%get3A_188, %get3A_189] {strides = array<i32>} : memref<256x32xf32, #tpu.memory_space<vmem>>, vector<1x16xf32>,
        %get3A_191 = vector.shape_cast %get3A_190 : vector<1x16xf32> to vector<16xf32>
        %get3A_192 = arith.index_cast %add3A_173 : i32 to index
        %get3A_193 = arith.constant 16 : index
        %get3A_194 = tpu.vector_load %arg13[%get3A_192, %get3A_193] {strides = array<i32>} : memref<256x32xf32, #tpu.memory_space<vmem>>, vector<1x16xf32>,
        %get3A_195 = vector.shape_cast %get3A_194 : vector<1x16xf32> to vector<16xf32>
        %add3A_196 = arith.addf %get3A_191, %get3A_195 : vector<16xf32>
        %max3A_197 = arith.constant 0.000000e+00 : f32
        %max3A_198 = vector.broadcast %max3A_197 : f32 to vector<16xf32>
        %max3A_199 = arith.maximumf %add3A_196, %max3A_198 : vector<16xf32>
        %swap3A_200 = arith.index_cast %add3A_173 : i32 to index
        %swap3A_201 = arith.constant 16 : index
        %swap3A_202 = tpu.vector_load %arg12[%swap3A_200, %swap3A_201] {strides = array<i32>} : memref<256x32xf32, #tpu.memory_space<vmem>>, vector<1x16xf32>,
        %swap3A_203 = vector.shape_cast %swap3A_202 : vector<1x16xf32> to vector<16xf32>
        %swap3A_204 = vector.shape_cast %max3A_199 : vector<16xf32> to vector<1x16xf32>
        tpu.vector_store %arg12[%swap3A_200, %swap3A_201], %swap3A_204 {strides = array<i32>} : memref<256x32xf32, #tpu.memory_space<vmem>>, vector<1x16xf32>,
        %scan3A_205 = arith.constant 1 : i32
        %scan3A_206 = arith.addi %scan3A_169, %scan3A_205 : i32
        %mul3A_207 = arith.constant 1 : i32
        %mul3A_208 = arith.muli %scan3A_206, %mul3A_207 : i32
        %add3A_209 = arith.constant 0 : i32
        %add3A_210 = arith.addi %add3A_209, %mul3A_208 : i32
        %get3A_211 = arith.index_cast %add3A_210 : i32 to index
        %get3A_212 = arith.constant 0 : index
        %get3A_213 = tpu.vector_load %arg12[%get3A_211, %get3A_212] {strides = array<i32>} : memref<256x32xf32, #tpu.memory_space<vmem>>, vector<1x16xf32>,
        %get3A_214 = vector.shape_cast %get3A_213 : vector<1x16xf32> to vector<16xf32>
        %get3A_215 = arith.index_cast %add3A_210 : i32 to index
        %get3A_216 = arith.constant 0 : index
        %get3A_217 = tpu.vector_load %arg13[%get3A_215, %get3A_216] {strides = array<i32>} : memref<256x32xf32, #tpu.memory_space<vmem>>, vector<1x16xf32>,
        %get3A_218 = vector.shape_cast %get3A_217 : vector<1x16xf32> to vector<16xf32>
        %add3A_219 = arith.addf %get3A_214, %get3A_218 : vector<16xf32>
        %max3A_220 = arith.constant 0.000000e+00 : f32
        %max3A_221 = vector.broadcast %max3A_220 : f32 to vector<16xf32>
        %max3A_222 = arith.maximumf %add3A_219, %max3A_221 : vector<16xf32>
        %swap3A_223 = arith.index_cast %add3A_210 : i32 to index
        %swap3A_224 = arith.constant 0 : index
        %swap3A_225 = tpu.vector_load %arg12[%swap3A_223, %swap3A_224] {strides = array<i32>} : memref<256x32xf32, #tpu.memory_space<vmem>>, vector<1x16xf32>,
        %swap3A_226 = vector.shape_cast %swap3A_225 : vector<1x16xf32> to vector<16xf32>
        %swap3A_227 = vector.shape_cast %max3A_222 : vector<16xf32> to vector<1x16xf32>
        tpu.vector_store %arg12[%swap3A_223, %swap3A_224], %swap3A_227 {strides = array<i32>} : memref<256x32xf32, #tpu.memory_space<vmem>>, vector<1x16xf32>,
        %get3A_228 = arith.index_cast %add3A_210 : i32 to index
        %get3A_229 = arith.constant 16 : index
        %get3A_230 = tpu.vector_load %arg12[%get3A_228, %get3A_229] {strides = array<i32>} : memref<256x32xf32, #tpu.memory_space<vmem>>, vector<1x16xf32>,
        %get3A_231 = vector.shape_cast %get3A_230 : vector<1x16xf32> to vector<16xf32>
        %get3A_232 = arith.index_cast %add3A_210 : i32 to index
        %get3A_233 = arith.constant 16 : index
        %get3A_234 = tpu.vector_load %arg13[%get3A_232, %get3A_233] {strides = array<i32>} : memref<256x32xf32, #tpu.memory_space<vmem>>, vector<1x16xf32>,
        %get3A_235 = vector.shape_cast %get3A_234 : vector<1x16xf32> to vector<16xf32>
        %add3A_236 = arith.addf %get3A_231, %get3A_235 : vector<16xf32>
        %max3A_237 = arith.constant 0.000000e+00 : f32
        %max3A_238 = vector.broadcast %max3A_237 : f32 to vector<16xf32>
        %max3A_239 = arith.maximumf %add3A_236, %max3A_238 : vector<16xf32>
        %swap3A_240 = arith.index_cast %add3A_210 : i32 to index
        %swap3A_241 = arith.constant 16 : index
        %swap3A_242 = tpu.vector_load %arg12[%swap3A_240, %swap3A_241] {strides = array<i32>} : memref<256x32xf32, #tpu.memory_space<vmem>>, vector<1x16xf32>,
        %swap3A_243 = vector.shape_cast %swap3A_242 : vector<1x16xf32> to vector<16xf32>
        %swap3A_244 = vector.shape_cast %max3A_239 : vector<16xf32> to vector<1x16xf32>
        tpu.vector_store %arg12[%swap3A_240, %swap3A_241], %swap3A_244 {strides = array<i32>} : memref<256x32xf32, #tpu.memory_space<vmem>>, vector<1x16xf32>,
        %scan3A_245 = arith.constant 2 : i32
        %scan3A_246 = arith.addi %scan3A_169, %scan3A_245 : i32
        %mul3A_247 = arith.constant 1 : i32
        %mul3A_248 = arith.muli %scan3A_246, %mul3A_247 : i32
        %add3A_249 = arith.constant 0 : i32
        %add3A_250 = arith.addi %add3A_249, %mul3A_248 : i32
        %get3A_251 = arith.index_cast %add3A_250 : i32 to index
        %get3A_252 = arith.constant 0 : index
        %get3A_253 = tpu.vector_load %arg12[%get3A_251, %get3A_252] {strides = array<i32>} : memref<256x32xf32, #tpu.memory_space<vmem>>, vector<1x16xf32>,
        %get3A_254 = vector.shape_cast %get3A_253 : vector<1x16xf32> to vector<16xf32>
        %get3A_255 = arith.index_cast %add3A_250 : i32 to index
        %get3A_256 = arith.constant 0 : index
        %get3A_257 = tpu.vector_load %arg13[%get3A_255, %get3A_256] {strides = array<i32>} : memref<256x32xf32, #tpu.memory_space<vmem>>, vector<1x16xf32>,
        %get3A_258 = vector.shape_cast %get3A_257 : vector<1x16xf32> to vector<16xf32>
        %add3A_259 = arith.addf %get3A_254, %get3A_258 : vector<16xf32>
        %max3A_260 = arith.constant 0.000000e+00 : f32
        %max3A_261 = vector.broadcast %max3A_260 : f32 to vector<16xf32>
        %max3A_262 = arith.maximumf %add3A_259, %max3A_261 : vector<16xf32>
        %swap3A_263 = arith.index_cast %add3A_250 : i32 to index
        %swap3A_264 = arith.constant 0 : index
        %swap3A_265 = tpu.vector_load %arg12[%swap3A_263, %swap3A_264] {strides = array<i32>} : memref<256x32xf32, #tpu.memory_space<vmem>>, vector<1x16xf32>,
        %swap3A_266 = vector.shape_cast %swap3A_265 : vector<1x16xf32> to vector<16xf32>
        %swap3A_267 = vector.shape_cast %max3A_262 : vector<16xf32> to vector<1x16xf32>
        tpu.vector_store %arg12[%swap3A_263, %swap3A_264], %swap3A_267 {strides = array<i32>} : memref<256x32xf32, #tpu.memory_space<vmem>>, vector<1x16xf32>,
        %get3A_268 = arith.index_cast %add3A_250 : i32 to index
        %get3A_269 = arith.constant 16 : index
        %get3A_270 = tpu.vector_load %arg12[%get3A_268, %get3A_269] {strides = array<i32>} : memref<256x32xf32, #tpu.memory_space<vmem>>, vector<1x16xf32>,
        %get3A_271 = vector.shape_cast %get3A_270 : vector<1x16xf32> to vector<16xf32>
        %get3A_272 = arith.index_cast %add3A_250 : i32 to index
        %get3A_273 = arith.constant 16 : index
        %get3A_274 = tpu.vector_load %arg13[%get3A_272, %get3A_273] {strides = array<i32>} : memref<256x32xf32, #tpu.memory_space<vmem>>, vector<1x16xf32>,
        %get3A_275 = vector.shape_cast %get3A_274 : vector<1x16xf32> to vector<16xf32>
        %add3A_276 = arith.addf %get3A_271, %get3A_275 : vector<16xf32>
        %max3A_277 = arith.constant 0.000000e+00 : f32
        %max3A_278 = vector.broadcast %max3A_277 : f32 to vector<16xf32>
        %max3A_279 = arith.maximumf %add3A_276, %max3A_278 : vector<16xf32>
        %swap3A_280 = arith.index_cast %add3A_250 : i32 to index
        %swap3A_281 = arith.constant 16 : index
        %swap3A_282 = tpu.vector_load %arg12[%swap3A_280, %swap3A_281] {strides = array<i32>} : memref<256x32xf32, #tpu.memory_space<vmem>>, vector<1x16xf32>,
        %swap3A_283 = vector.shape_cast %swap3A_282 : vector<1x16xf32> to vector<16xf32>
        %swap3A_284 = vector.shape_cast %max3A_279 : vector<16xf32> to vector<1x16xf32>
        tpu.vector_store %arg12[%swap3A_280, %swap3A_281], %swap3A_284 {strides = array<i32>} : memref<256x32xf32, #tpu.memory_space<vmem>>, vector<1x16xf32>,
        %scan3A_285 = arith.constant 3 : i32
        %scan3A_286 = arith.addi %scan3A_169, %scan3A_285 : i32
        %mul3A_287 = arith.constant 1 : i32
        %mul3A_288 = arith.muli %scan3A_286, %mul3A_287 : i32
        %add3A_289 = arith.constant 0 : i32
        %add3A_290 = arith.addi %add3A_289, %mul3A_288 : i32
        %get3A_291 = arith.index_cast %add3A_290 : i32 to index
        %get3A_292 = arith.constant 0 : index
        %get3A_293 = tpu.vector_load %arg12[%get3A_291, %get3A_292] {strides = array<i32>} : memref<256x32xf32, #tpu.memory_space<vmem>>, vector<1x16xf32>,
        %get3A_294 = vector.shape_cast %get3A_293 : vector<1x16xf32> to vector<16xf32>
        %get3A_295 = arith.index_cast %add3A_290 : i32 to index
        %get3A_296 = arith.constant 0 : index
        %get3A_297 = tpu.vector_load %arg13[%get3A_295, %get3A_296] {strides = array<i32>} : memref<256x32xf32, #tpu.memory_space<vmem>>, vector<1x16xf32>,
        %get3A_298 = vector.shape_cast %get3A_297 : vector<1x16xf32> to vector<16xf32>
        %add3A_299 = arith.addf %get3A_294, %get3A_298 : vector<16xf32>
        %max3A_300 = arith.constant 0.000000e+00 : f32
        %max3A_301 = vector.broadcast %max3A_300 : f32 to vector<16xf32>
        %max3A_302 = arith.maximumf %add3A_299, %max3A_301 : vector<16xf32>
        %swap3A_303 = arith.index_cast %add3A_290 : i32 to index
        %swap3A_304 = arith.constant 0 : index
        %swap3A_305 = tpu.vector_load %arg12[%swap3A_303, %swap3A_304] {strides = array<i32>} : memref<256x32xf32, #tpu.memory_space<vmem>>, vector<1x16xf32>,
        %swap3A_306 = vector.shape_cast %swap3A_305 : vector<1x16xf32> to vector<16xf32>
        %swap3A_307 = vector.shape_cast %max3A_302 : vector<16xf32> to vector<1x16xf32>
        tpu.vector_store %arg12[%swap3A_303, %swap3A_304], %swap3A_307 {strides = array<i32>} : memref<256x32xf32, #tpu.memory_space<vmem>>, vector<1x16xf32>,
        %get3A_308 = arith.index_cast %add3A_290 : i32 to index
        %get3A_309 = arith.constant 16 : index
        %get3A_310 = tpu.vector_load %arg12[%get3A_308, %get3A_309] {strides = array<i32>} : memref<256x32xf32, #tpu.memory_space<vmem>>, vector<1x16xf32>,
        %get3A_311 = vector.shape_cast %get3A_310 : vector<1x16xf32> to vector<16xf32>
        %get3A_312 = arith.index_cast %add3A_290 : i32 to index
        %get3A_313 = arith.constant 16 : index
        %get3A_314 = tpu.vector_load %arg13[%get3A_312, %get3A_313] {strides = array<i32>} : memref<256x32xf32, #tpu.memory_space<vmem>>, vector<1x16xf32>,
        %get3A_315 = vector.shape_cast %get3A_314 : vector<1x16xf32> to vector<16xf32>
        %add3A_316 = arith.addf %get3A_311, %get3A_315 : vector<16xf32>
        %max3A_317 = arith.constant 0.000000e+00 : f32
        %max3A_318 = vector.broadcast %max3A_317 : f32 to vector<16xf32>
        %max3A_319 = arith.maximumf %add3A_316, %max3A_318 : vector<16xf32>
        %swap3A_320 = arith.index_cast %add3A_290 : i32 to index
        %swap3A_321 = arith.constant 16 : index
        %swap3A_322 = tpu.vector_load %arg12[%swap3A_320, %swap3A_321] {strides = array<i32>} : memref<256x32xf32, #tpu.memory_space<vmem>>, vector<1x16xf32>,
        %swap3A_323 = vector.shape_cast %swap3A_322 : vector<1x16xf32> to vector<16xf32>
        %swap3A_324 = vector.shape_cast %max3A_319 : vector<16xf32> to vector<1x16xf32>
        tpu.vector_store %arg12[%swap3A_320, %swap3A_321], %swap3A_324 {strides = array<i32>} : memref<256x32xf32, #tpu.memory_space<vmem>>, vector<1x16xf32>,
      }
      %scan3A_168 = arith.constant 256 : i32
      "tpu.region"() ({
        %run_scoped3A = tpu.sem_alloc : memref<!tpu.dma_semaphore, #tpu.memory_space<semaphore_mem>>
        %dma_start3A_169 = arith.constant 0 : i32
        %dma_start3A_170 = arith.constant 0 : i32
        %dma_start3A_171 = tpu.memref_slice %arg12[%dma_start3A_169, %dma_start3A_170] : memref<256x32xf32, #tpu.memory_space<vmem>> -> memref<128x32xf32, #tpu.memory_space<vmem>>
        %dma_start3A_172 = arith.constant 0 : i32
        %dma_start3A_173 = arith.constant 0 : i32
        %dma_start3A_174 = tpu.memref_slice %arg14[%dma_start3A_172, %dma_start3A_173] : memref<51200x32xf32, #tpu.memory_space<vmem_shared>> -> memref<51200x32xf32, #tpu.memory_space<vmem_shared>>
        tpu.enqueue_indirect_dma source(%dma_start3A_171 : memref<128x32xf32, #tpu.memory_space<vmem>>) target(%dma_start3A_174 : memref<51200x32xf32, #tpu.memory_space<vmem_shared>>) offsets(%arg9 : memref<128xi32, #tpu.memory_space<vmem>>) semaphore(%run_scoped3A : memref<!tpu.dma_semaphore, #tpu.memory_space<semaphore_mem>>) {add = true}
        %dma_wait3A_175 = arith.constant 0 : i32
        %dma_wait3A_176 = arith.constant 0 : i32
        %dma_wait3A_177 = tpu.memref_slice %arg12[%dma_wait3A_175, %dma_wait3A_176] : memref<256x32xf32, #tpu.memory_space<vmem>> -> memref<128x32xf32, #tpu.memory_space<vmem>>
        %dma_wait3A_178 = arith.constant 0 : i32
        %dma_wait3A_179 = arith.constant 0 : i32
        %dma_wait3A_180 = tpu.memref_slice %arg14[%dma_wait3A_178, %dma_wait3A_179] : memref<51200x32xf32, #tpu.memory_space<vmem_shared>> -> memref<51200x32xf32, #tpu.memory_space<vmem_shared>>
        tpu.wait_indirect_dma semaphore(%run_scoped3A : memref<!tpu.dma_semaphore, #tpu.memory_space<semaphore_mem>>) src(%dma_wait3A_177 : memref<128x32xf32, #tpu.memory_space<vmem>>) dst(%dma_wait3A_180 : memref<51200x32xf32, #tpu.memory_space<vmem_shared>>)
        tpu.yield
      }) : () -> ()
      "tpu.region"() ({
        %run_scoped3A = tpu.sem_alloc : memref<!tpu.dma_semaphore, #tpu.memory_space<semaphore_mem>>
        %dma_start3A_169 = arith.constant 128 : i32
        %dma_start3A_170 = arith.constant 0 : i32
        %dma_start3A_171 = tpu.memref_slice %arg12[%dma_start3A_169, %dma_start3A_170] : memref<256x32xf32, #tpu.memory_space<vmem>> -> memref<128x32xf32, #tpu.memory_space<vmem>>
        %dma_start3A_172 = arith.constant 0 : i32
        %dma_start3A_173 = arith.constant 0 : i32
        %dma_start3A_174 = tpu.memref_slice %arg14[%dma_start3A_172, %dma_start3A_173] : memref<51200x32xf32, #tpu.memory_space<vmem_shared>> -> memref<51200x32xf32, #tpu.memory_space<vmem_shared>>
        tpu.enqueue_indirect_dma source(%dma_start3A_171 : memref<128x32xf32, #tpu.memory_space<vmem>>) target(%dma_start3A_174 : memref<51200x32xf32, #tpu.memory_space<vmem_shared>>) offsets(%arg10 : memref<128xi32, #tpu.memory_space<vmem>>) semaphore(%run_scoped3A : memref<!tpu.dma_semaphore, #tpu.memory_space<semaphore_mem>>) {add = true}
        %dma_wait3A_175 = arith.constant 128 : i32
        %dma_wait3A_176 = arith.constant 0 : i32
        %dma_wait3A_177 = tpu.memref_slice %arg12[%dma_wait3A_175, %dma_wait3A_176] : memref<256x32xf32, #tpu.memory_space<vmem>> -> memref<128x32xf32, #tpu.memory_space<vmem>>
        %dma_wait3A_178 = arith.constant 0 : i32
        %dma_wait3A_179 = arith.constant 0 : i32
        %dma_wait3A_180 = tpu.memref_slice %arg14[%dma_wait3A_178, %dma_wait3A_179] : memref<51200x32xf32, #tpu.memory_space<vmem_shared>> -> memref<51200x32xf32, #tpu.memory_space<vmem_shared>>
        tpu.wait_indirect_dma semaphore(%run_scoped3A : memref<!tpu.dma_semaphore, #tpu.memory_space<semaphore_mem>>) src(%dma_wait3A_177 : memref<128x32xf32, #tpu.memory_space<vmem>>) dst(%dma_wait3A_180 : memref<51200x32xf32, #tpu.memory_space<vmem_shared>>)
        tpu.yield
      }) : () -> ()
    }
    %scan3A_59 = arith.constant 196 : i32
    %barrier3A_60 = arith.constant 0 : index
    tpu.barrier barrier_id(%barrier3A_60)
    %mul3A_61 = arith.constant 3200 : i32
    %mul3A_62 = arith.muli %arg1, %mul3A_61 : i32
    %mul3A_63 = arith.constant 51200 : i32
    %mul3A_64 = arith.muli %arg0, %mul3A_63 : i32
    %mul3A_65 = arith.constant 3200 : i32
    %mul3A_66 = arith.muli %arg1, %mul3A_65 : i32
    %add3A_67 = arith.addi %mul3A_64, %mul3A_66 : i32
    "tpu.region"() ({
      %run_scoped3A = tpu.sem_alloc : memref<!tpu.dma_semaphore, #tpu.memory_space<semaphore_mem>>
      %dma_start3A = arith.constant 0 : i32
      %dma_start3A_68 = tpu.memref_slice %arg7[%add3A_67, %dma_start3A] : memref<102400x32xf32, #tpu.memory_space<hbm>> -> memref<3200x32xf32, #tpu.memory_space<hbm>>
      %dma_start3A_69 = arith.constant 0 : i32
      %dma_start3A_70 = tpu.memref_slice %arg14[%mul3A_62, %dma_start3A_69] : memref<51200x32xf32, #tpu.memory_space<vmem_shared>> -> memref<3200x32xf32, #tpu.memory_space<vmem_shared>>
      tpu.enqueue_dma source(%dma_start3A_70 : memref<3200x32xf32, #tpu.memory_space<vmem_shared>>) target(%dma_start3A_68 : memref<3200x32xf32, #tpu.memory_space<hbm>>) target_semaphore(%run_scoped3A : memref<!tpu.dma_semaphore, #tpu.memory_space<semaphore_mem>>)
      %dma_wait3A = arith.constant 0 : i32
      %dma_wait3A_71 = tpu.memref_slice %arg7[%add3A_67, %dma_wait3A] : memref<102400x32xf32, #tpu.memory_space<hbm>> -> memref<3200x32xf32, #tpu.memory_space<hbm>>
      %dma_wait3A_72 = arith.constant 0 : i32
      %dma_wait3A_73 = tpu.memref_slice %arg14[%mul3A_62, %dma_wait3A_72] : memref<51200x32xf32, #tpu.memory_space<vmem_shared>> -> memref<3200x32xf32, #tpu.memory_space<vmem_shared>>
      tpu.wait_dma2 semaphore(%run_scoped3A : memref<!tpu.dma_semaphore, #tpu.memory_space<semaphore_mem>>) src(%dma_wait3A_73 : memref<3200x32xf32, #tpu.memory_space<vmem_shared>>) dst(%dma_wait3A_71 : memref<3200x32xf32, #tpu.memory_space<hbm>>)
      tpu.yield
    }) : () -> ()
    return
  }
}

#map = affine_map<(d0, d1) -> (0, 0)>
module attributes {stable_mosaic.version = 14 : i64} {
  func.func @_encode_body(%arg0: i32, %arg1: i32, %arg2: memref<1152x32xf32, #tpu.memory_space<hbm>>, %arg3: memref<7200x128xi32, #tpu.memory_space<hbm>>, %arg4: memref<400x128xi32, #tpu.memory_space<hbm>>, %arg5: memref<102400x32xf32, #tpu.memory_space<hbm>>, %arg6: memref<128xi32, #tpu.memory_space<vmem>>, %arg7: memref<128xi32, #tpu.memory_space<vmem>>, %arg8: memref<128x32xf32, #tpu.memory_space<vmem>>, %arg9: memref<51200x32xf32, #tpu.memory_space<vmem_shared>>, %arg10: memref<!tpu.dma_semaphore, #tpu.memory_space<semaphore_mem>>) attributes {dimension_semantics = [#tpu.dimension_semantics<core_parallel>, #tpu.dimension_semantics<subcore_parallel>], iteration_bounds = array<i64: 2, 16>, scalar_prefetch = 0 : i64, scratch_operands = 5 : i64, tpu.core_type = #tpu.core_type<sc_vector_subcore>, window_params = [{transform_indices = #map}, {transform_indices = #map}, {transform_indices = #map}, {transform_indices = #map}]} {
    %scan3A = arith.constant 0 : i32
    %scan3A_0 = arith.constant 25 : i32
    %scan3A_1 = arith.addi %scan3A, %scan3A_0 : i32
    %scan3A_2 = arith.constant 1 : i32
    scf.for %scan3A_9 = %scan3A to %scan3A_1 step %scan3A_2  : i32 {
      %mul3A_10 = arith.constant 1 : i32
      %mul3A_11 = arith.muli %scan3A_9, %mul3A_10 : i32
      %add3A_12 = arith.constant 0 : i32
      %add3A_13 = arith.addi %add3A_12, %mul3A_11 : i32
      %mul3A_14 = arith.constant 25 : i32
      %mul3A_15 = arith.muli %arg1, %mul3A_14 : i32
      %add3A_16 = arith.addi %mul3A_15, %add3A_13 : i32
      "tpu.region"() ({
        %run_scoped3A = tpu.sem_alloc : memref<!tpu.dma_semaphore, #tpu.memory_space<semaphore_mem>>
        %dma_start3A_132 = arith.constant 0 : i32
        %dma_start3A_133 = tpu.memref_slice %arg4[%add3A_16, %dma_start3A_132] : memref<400x128xi32, #tpu.memory_space<hbm>> -> memref<1x128xi32, #tpu.memory_space<hbm>>
        %dma_start3A_134 = tpu.memref_squeeze %dma_start3A_133 : memref<1x128xi32, #tpu.memory_space<hbm>> -> memref<128xi32, #tpu.memory_space<hbm>>
        %dma_start3A_135 = arith.constant 0 : i32
        %dma_start3A_136 = tpu.memref_slice %arg4[%add3A_16, %dma_start3A_135] : memref<400x128xi32, #tpu.memory_space<hbm>> -> memref<1x128xi32, #tpu.memory_space<hbm>>
        %dma_start3A_137 = tpu.memref_squeeze %dma_start3A_136 : memref<1x128xi32, #tpu.memory_space<hbm>> -> memref<128xi32, #tpu.memory_space<hbm>>
        tpu.enqueue_dma source(%dma_start3A_137 : memref<128xi32, #tpu.memory_space<hbm>>) target(%arg7 : memref<128xi32, #tpu.memory_space<vmem>>) target_semaphore(%run_scoped3A : memref<!tpu.dma_semaphore, #tpu.memory_space<semaphore_mem>>)
        %dma_wait3A_138 = arith.constant 0 : i32
        %dma_wait3A_139 = tpu.memref_slice %arg4[%add3A_16, %dma_wait3A_138] : memref<400x128xi32, #tpu.memory_space<hbm>> -> memref<1x128xi32, #tpu.memory_space<hbm>>
        %dma_wait3A_140 = tpu.memref_squeeze %dma_wait3A_139 : memref<1x128xi32, #tpu.memory_space<hbm>> -> memref<128xi32, #tpu.memory_space<hbm>>
        %dma_wait3A_141 = arith.constant 0 : i32
        %dma_wait3A_142 = tpu.memref_slice %arg4[%add3A_16, %dma_wait3A_141] : memref<400x128xi32, #tpu.memory_space<hbm>> -> memref<1x128xi32, #tpu.memory_space<hbm>>
        %dma_wait3A_143 = tpu.memref_squeeze %dma_wait3A_142 : memref<1x128xi32, #tpu.memory_space<hbm>> -> memref<128xi32, #tpu.memory_space<hbm>>
        tpu.wait_dma2 semaphore(%run_scoped3A : memref<!tpu.dma_semaphore, #tpu.memory_space<semaphore_mem>>) src(%dma_wait3A_143 : memref<128xi32, #tpu.memory_space<hbm>>) dst(%arg7 : memref<128xi32, #tpu.memory_space<vmem>>)
        tpu.yield
      }) : () -> ()
      %mul3A_17 = arith.constant 9 : i32
      %mul3A_18 = arith.muli %arg0, %mul3A_17 : i32
      %add3A_19 = arith.constant 0 : i32
      %add3A_20 = arith.addi %mul3A_18, %add3A_19 : i32
      %mul3A_21 = arith.constant 400 : i32
      %mul3A_22 = arith.muli %add3A_20, %mul3A_21 : i32
      %add3A_23 = arith.addi %mul3A_22, %add3A_16 : i32
      "tpu.region"() ({
        %run_scoped3A = tpu.sem_alloc : memref<!tpu.dma_semaphore, #tpu.memory_space<semaphore_mem>>
        %dma_start3A_132 = arith.constant 0 : i32
        %dma_start3A_133 = tpu.memref_slice %arg3[%add3A_23, %dma_start3A_132] : memref<7200x128xi32, #tpu.memory_space<hbm>> -> memref<1x128xi32, #tpu.memory_space<hbm>>
        %dma_start3A_134 = tpu.memref_squeeze %dma_start3A_133 : memref<1x128xi32, #tpu.memory_space<hbm>> -> memref<128xi32, #tpu.memory_space<hbm>>
        %dma_start3A_135 = arith.constant 0 : i32
        %dma_start3A_136 = tpu.memref_slice %arg3[%add3A_23, %dma_start3A_135] : memref<7200x128xi32, #tpu.memory_space<hbm>> -> memref<1x128xi32, #tpu.memory_space<hbm>>
        %dma_start3A_137 = tpu.memref_squeeze %dma_start3A_136 : memref<1x128xi32, #tpu.memory_space<hbm>> -> memref<128xi32, #tpu.memory_space<hbm>>
        tpu.enqueue_dma source(%dma_start3A_137 : memref<128xi32, #tpu.memory_space<hbm>>) target(%arg6 : memref<128xi32, #tpu.memory_space<vmem>>) target_semaphore(%run_scoped3A : memref<!tpu.dma_semaphore, #tpu.memory_space<semaphore_mem>>)
        %dma_wait3A_138 = arith.constant 0 : i32
        %dma_wait3A_139 = tpu.memref_slice %arg3[%add3A_23, %dma_wait3A_138] : memref<7200x128xi32, #tpu.memory_space<hbm>> -> memref<1x128xi32, #tpu.memory_space<hbm>>
        %dma_wait3A_140 = tpu.memref_squeeze %dma_wait3A_139 : memref<1x128xi32, #tpu.memory_space<hbm>> -> memref<128xi32, #tpu.memory_space<hbm>>
        %dma_wait3A_141 = arith.constant 0 : i32
        %dma_wait3A_142 = tpu.memref_slice %arg3[%add3A_23, %dma_wait3A_141] : memref<7200x128xi32, #tpu.memory_space<hbm>> -> memref<1x128xi32, #tpu.memory_space<hbm>>
        %dma_wait3A_143 = tpu.memref_squeeze %dma_wait3A_142 : memref<1x128xi32, #tpu.memory_space<hbm>> -> memref<128xi32, #tpu.memory_space<hbm>>
        tpu.wait_dma2 semaphore(%run_scoped3A : memref<!tpu.dma_semaphore, #tpu.memory_space<semaphore_mem>>) src(%dma_wait3A_143 : memref<128xi32, #tpu.memory_space<hbm>>) dst(%arg6 : memref<128xi32, #tpu.memory_space<vmem>>)
        tpu.yield
      }) : () -> ()
      %dma_start3A = arith.constant 0 : i32
      %dma_start3A_24 = arith.constant 0 : i32
      %dma_start3A_25 = tpu.memref_slice %arg2[%dma_start3A, %dma_start3A_24] : memref<1152x32xf32, #tpu.memory_space<hbm>> -> memref<1152x32xf32, #tpu.memory_space<hbm>>
      tpu.enqueue_indirect_dma source(%dma_start3A_25 : memref<1152x32xf32, #tpu.memory_space<hbm>>) target(%arg8 : memref<128x32xf32, #tpu.memory_space<vmem>>) offsets(%arg6 : memref<128xi32, #tpu.memory_space<vmem>>) semaphore(%arg10 : memref<!tpu.dma_semaphore, #tpu.memory_space<semaphore_mem>>)
      %dma_wait3A = arith.constant 0 : i32
      %dma_wait3A_26 = arith.constant 0 : i32
      %dma_wait3A_27 = tpu.memref_slice %arg2[%dma_wait3A, %dma_wait3A_26] : memref<1152x32xf32, #tpu.memory_space<hbm>> -> memref<1152x32xf32, #tpu.memory_space<hbm>>
      tpu.wait_indirect_dma semaphore(%arg10 : memref<!tpu.dma_semaphore, #tpu.memory_space<semaphore_mem>>) src(%dma_wait3A_27 : memref<1152x32xf32, #tpu.memory_space<hbm>>) dst(%arg8 : memref<128x32xf32, #tpu.memory_space<vmem>>)
      "tpu.region"() ({
        %run_scoped3A = tpu.sem_alloc : memref<!tpu.dma_semaphore, #tpu.memory_space<semaphore_mem>>
        %dma_start3A_132 = arith.constant 0 : i32
        %dma_start3A_133 = arith.constant 0 : i32
        %dma_start3A_134 = tpu.memref_slice %arg9[%dma_start3A_132, %dma_start3A_133] : memref<51200x32xf32, #tpu.memory_space<vmem_shared>> -> memref<51200x32xf32, #tpu.memory_space<vmem_shared>>
        tpu.enqueue_indirect_dma source(%arg8 : memref<128x32xf32, #tpu.memory_space<vmem>>) target(%dma_start3A_134 : memref<51200x32xf32, #tpu.memory_space<vmem_shared>>) offsets(%arg7 : memref<128xi32, #tpu.memory_space<vmem>>) semaphore(%run_scoped3A : memref<!tpu.dma_semaphore, #tpu.memory_space<semaphore_mem>>)
        %dma_wait3A_135 = arith.constant 0 : i32
        %dma_wait3A_136 = arith.constant 0 : i32
        %dma_wait3A_137 = tpu.memref_slice %arg9[%dma_wait3A_135, %dma_wait3A_136] : memref<51200x32xf32, #tpu.memory_space<vmem_shared>> -> memref<51200x32xf32, #tpu.memory_space<vmem_shared>>
        tpu.wait_indirect_dma semaphore(%run_scoped3A : memref<!tpu.dma_semaphore, #tpu.memory_space<semaphore_mem>>) src(%arg8 : memref<128x32xf32, #tpu.memory_space<vmem>>) dst(%dma_wait3A_137 : memref<51200x32xf32, #tpu.memory_space<vmem_shared>>)
        tpu.yield
      }) : () -> ()
      %mul3A_28 = arith.constant 9 : i32
      %mul3A_29 = arith.muli %arg0, %mul3A_28 : i32
      %add3A_30 = arith.constant 1 : i32
      %add3A_31 = arith.addi %mul3A_29, %add3A_30 : i32
      %mul3A_32 = arith.constant 400 : i32
      %mul3A_33 = arith.muli %add3A_31, %mul3A_32 : i32
      %add3A_34 = arith.addi %mul3A_33, %add3A_16 : i32
      "tpu.region"() ({
        %run_scoped3A = tpu.sem_alloc : memref<!tpu.dma_semaphore, #tpu.memory_space<semaphore_mem>>
        %dma_start3A_132 = arith.constant 0 : i32
        %dma_start3A_133 = tpu.memref_slice %arg3[%add3A_34, %dma_start3A_132] : memref<7200x128xi32, #tpu.memory_space<hbm>> -> memref<1x128xi32, #tpu.memory_space<hbm>>
        %dma_start3A_134 = tpu.memref_squeeze %dma_start3A_133 : memref<1x128xi32, #tpu.memory_space<hbm>> -> memref<128xi32, #tpu.memory_space<hbm>>
        %dma_start3A_135 = arith.constant 0 : i32
        %dma_start3A_136 = tpu.memref_slice %arg3[%add3A_34, %dma_start3A_135] : memref<7200x128xi32, #tpu.memory_space<hbm>> -> memref<1x128xi32, #tpu.memory_space<hbm>>
        %dma_start3A_137 = tpu.memref_squeeze %dma_start3A_136 : memref<1x128xi32, #tpu.memory_space<hbm>> -> memref<128xi32, #tpu.memory_space<hbm>>
        tpu.enqueue_dma source(%dma_start3A_137 : memref<128xi32, #tpu.memory_space<hbm>>) target(%arg6 : memref<128xi32, #tpu.memory_space<vmem>>) target_semaphore(%run_scoped3A : memref<!tpu.dma_semaphore, #tpu.memory_space<semaphore_mem>>)
        %dma_wait3A_138 = arith.constant 0 : i32
        %dma_wait3A_139 = tpu.memref_slice %arg3[%add3A_34, %dma_wait3A_138] : memref<7200x128xi32, #tpu.memory_space<hbm>> -> memref<1x128xi32, #tpu.memory_space<hbm>>
        %dma_wait3A_140 = tpu.memref_squeeze %dma_wait3A_139 : memref<1x128xi32, #tpu.memory_space<hbm>> -> memref<128xi32, #tpu.memory_space<hbm>>
        %dma_wait3A_141 = arith.constant 0 : i32
        %dma_wait3A_142 = tpu.memref_slice %arg3[%add3A_34, %dma_wait3A_141] : memref<7200x128xi32, #tpu.memory_space<hbm>> -> memref<1x128xi32, #tpu.memory_space<hbm>>
        %dma_wait3A_143 = tpu.memref_squeeze %dma_wait3A_142 : memref<1x128xi32, #tpu.memory_space<hbm>> -> memref<128xi32, #tpu.memory_space<hbm>>
        tpu.wait_dma2 semaphore(%run_scoped3A : memref<!tpu.dma_semaphore, #tpu.memory_space<semaphore_mem>>) src(%dma_wait3A_143 : memref<128xi32, #tpu.memory_space<hbm>>) dst(%arg6 : memref<128xi32, #tpu.memory_space<vmem>>)
        tpu.yield
      }) : () -> ()
      %dma_start3A_35 = arith.constant 0 : i32
      %dma_start3A_36 = arith.constant 0 : i32
      %dma_start3A_37 = tpu.memref_slice %arg2[%dma_start3A_35, %dma_start3A_36] : memref<1152x32xf32, #tpu.memory_space<hbm>> -> memref<1152x32xf32, #tpu.memory_space<hbm>>
      tpu.enqueue_indirect_dma source(%dma_start3A_37 : memref<1152x32xf32, #tpu.memory_space<hbm>>) target(%arg8 : memref<128x32xf32, #tpu.memory_space<vmem>>) offsets(%arg6 : memref<128xi32, #tpu.memory_space<vmem>>) semaphore(%arg10 : memref<!tpu.dma_semaphore, #tpu.memory_space<semaphore_mem>>)
      %dma_wait3A_38 = arith.constant 0 : i32
      %dma_wait3A_39 = arith.constant 0 : i32
      %dma_wait3A_40 = tpu.memref_slice %arg2[%dma_wait3A_38, %dma_wait3A_39] : memref<1152x32xf32, #tpu.memory_space<hbm>> -> memref<1152x32xf32, #tpu.memory_space<hbm>>
      tpu.wait_indirect_dma semaphore(%arg10 : memref<!tpu.dma_semaphore, #tpu.memory_space<semaphore_mem>>) src(%dma_wait3A_40 : memref<1152x32xf32, #tpu.memory_space<hbm>>) dst(%arg8 : memref<128x32xf32, #tpu.memory_space<vmem>>)
      "tpu.region"() ({
        %run_scoped3A = tpu.sem_alloc : memref<!tpu.dma_semaphore, #tpu.memory_space<semaphore_mem>>
        %dma_start3A_132 = arith.constant 0 : i32
        %dma_start3A_133 = arith.constant 0 : i32
        %dma_start3A_134 = tpu.memref_slice %arg9[%dma_start3A_132, %dma_start3A_133] : memref<51200x32xf32, #tpu.memory_space<vmem_shared>> -> memref<51200x32xf32, #tpu.memory_space<vmem_shared>>
        tpu.enqueue_indirect_dma source(%arg8 : memref<128x32xf32, #tpu.memory_space<vmem>>) target(%dma_start3A_134 : memref<51200x32xf32, #tpu.memory_space<vmem_shared>>) offsets(%arg7 : memref<128xi32, #tpu.memory_space<vmem>>) semaphore(%run_scoped3A : memref<!tpu.dma_semaphore, #tpu.memory_space<semaphore_mem>>) {add = true}
        %dma_wait3A_135 = arith.constant 0 : i32
        %dma_wait3A_136 = arith.constant 0 : i32
        %dma_wait3A_137 = tpu.memref_slice %arg9[%dma_wait3A_135, %dma_wait3A_136] : memref<51200x32xf32, #tpu.memory_space<vmem_shared>> -> memref<51200x32xf32, #tpu.memory_space<vmem_shared>>
        tpu.wait_indirect_dma semaphore(%run_scoped3A : memref<!tpu.dma_semaphore, #tpu.memory_space<semaphore_mem>>) src(%arg8 : memref<128x32xf32, #tpu.memory_space<vmem>>) dst(%dma_wait3A_137 : memref<51200x32xf32, #tpu.memory_space<vmem_shared>>)
        tpu.yield
      }) : () -> ()
      %mul3A_41 = arith.constant 9 : i32
      %mul3A_42 = arith.muli %arg0, %mul3A_41 : i32
      %add3A_43 = arith.constant 2 : i32
      %add3A_44 = arith.addi %mul3A_42, %add3A_43 : i32
      %mul3A_45 = arith.constant 400 : i32
      %mul3A_46 = arith.muli %add3A_44, %mul3A_45 : i32
      %add3A_47 = arith.addi %mul3A_46, %add3A_16 : i32
      "tpu.region"() ({
        %run_scoped3A = tpu.sem_alloc : memref<!tpu.dma_semaphore, #tpu.memory_space<semaphore_mem>>
        %dma_start3A_132 = arith.constant 0 : i32
        %dma_start3A_133 = tpu.memref_slice %arg3[%add3A_47, %dma_start3A_132] : memref<7200x128xi32, #tpu.memory_space<hbm>> -> memref<1x128xi32, #tpu.memory_space<hbm>>
        %dma_start3A_134 = tpu.memref_squeeze %dma_start3A_133 : memref<1x128xi32, #tpu.memory_space<hbm>> -> memref<128xi32, #tpu.memory_space<hbm>>
        %dma_start3A_135 = arith.constant 0 : i32
        %dma_start3A_136 = tpu.memref_slice %arg3[%add3A_47, %dma_start3A_135] : memref<7200x128xi32, #tpu.memory_space<hbm>> -> memref<1x128xi32, #tpu.memory_space<hbm>>
        %dma_start3A_137 = tpu.memref_squeeze %dma_start3A_136 : memref<1x128xi32, #tpu.memory_space<hbm>> -> memref<128xi32, #tpu.memory_space<hbm>>
        tpu.enqueue_dma source(%dma_start3A_137 : memref<128xi32, #tpu.memory_space<hbm>>) target(%arg6 : memref<128xi32, #tpu.memory_space<vmem>>) target_semaphore(%run_scoped3A : memref<!tpu.dma_semaphore, #tpu.memory_space<semaphore_mem>>)
        %dma_wait3A_138 = arith.constant 0 : i32
        %dma_wait3A_139 = tpu.memref_slice %arg3[%add3A_47, %dma_wait3A_138] : memref<7200x128xi32, #tpu.memory_space<hbm>> -> memref<1x128xi32, #tpu.memory_space<hbm>>
        %dma_wait3A_140 = tpu.memref_squeeze %dma_wait3A_139 : memref<1x128xi32, #tpu.memory_space<hbm>> -> memref<128xi32, #tpu.memory_space<hbm>>
        %dma_wait3A_141 = arith.constant 0 : i32
        %dma_wait3A_142 = tpu.memref_slice %arg3[%add3A_47, %dma_wait3A_141] : memref<7200x128xi32, #tpu.memory_space<hbm>> -> memref<1x128xi32, #tpu.memory_space<hbm>>
        %dma_wait3A_143 = tpu.memref_squeeze %dma_wait3A_142 : memref<1x128xi32, #tpu.memory_space<hbm>> -> memref<128xi32, #tpu.memory_space<hbm>>
        tpu.wait_dma2 semaphore(%run_scoped3A : memref<!tpu.dma_semaphore, #tpu.memory_space<semaphore_mem>>) src(%dma_wait3A_143 : memref<128xi32, #tpu.memory_space<hbm>>) dst(%arg6 : memref<128xi32, #tpu.memory_space<vmem>>)
        tpu.yield
      }) : () -> ()
      %dma_start3A_48 = arith.constant 0 : i32
      %dma_start3A_49 = arith.constant 0 : i32
      %dma_start3A_50 = tpu.memref_slice %arg2[%dma_start3A_48, %dma_start3A_49] : memref<1152x32xf32, #tpu.memory_space<hbm>> -> memref<1152x32xf32, #tpu.memory_space<hbm>>
      tpu.enqueue_indirect_dma source(%dma_start3A_50 : memref<1152x32xf32, #tpu.memory_space<hbm>>) target(%arg8 : memref<128x32xf32, #tpu.memory_space<vmem>>) offsets(%arg6 : memref<128xi32, #tpu.memory_space<vmem>>) semaphore(%arg10 : memref<!tpu.dma_semaphore, #tpu.memory_space<semaphore_mem>>)
      %dma_wait3A_51 = arith.constant 0 : i32
      %dma_wait3A_52 = arith.constant 0 : i32
      %dma_wait3A_53 = tpu.memref_slice %arg2[%dma_wait3A_51, %dma_wait3A_52] : memref<1152x32xf32, #tpu.memory_space<hbm>> -> memref<1152x32xf32, #tpu.memory_space<hbm>>
      tpu.wait_indirect_dma semaphore(%arg10 : memref<!tpu.dma_semaphore, #tpu.memory_space<semaphore_mem>>) src(%dma_wait3A_53 : memref<1152x32xf32, #tpu.memory_space<hbm>>) dst(%arg8 : memref<128x32xf32, #tpu.memory_space<vmem>>)
      "tpu.region"() ({
        %run_scoped3A = tpu.sem_alloc : memref<!tpu.dma_semaphore, #tpu.memory_space<semaphore_mem>>
        %dma_start3A_132 = arith.constant 0 : i32
        %dma_start3A_133 = arith.constant 0 : i32
        %dma_start3A_134 = tpu.memref_slice %arg9[%dma_start3A_132, %dma_start3A_133] : memref<51200x32xf32, #tpu.memory_space<vmem_shared>> -> memref<51200x32xf32, #tpu.memory_space<vmem_shared>>
        tpu.enqueue_indirect_dma source(%arg8 : memref<128x32xf32, #tpu.memory_space<vmem>>) target(%dma_start3A_134 : memref<51200x32xf32, #tpu.memory_space<vmem_shared>>) offsets(%arg7 : memref<128xi32, #tpu.memory_space<vmem>>) semaphore(%run_scoped3A : memref<!tpu.dma_semaphore, #tpu.memory_space<semaphore_mem>>) {add = true}
        %dma_wait3A_135 = arith.constant 0 : i32
        %dma_wait3A_136 = arith.constant 0 : i32
        %dma_wait3A_137 = tpu.memref_slice %arg9[%dma_wait3A_135, %dma_wait3A_136] : memref<51200x32xf32, #tpu.memory_space<vmem_shared>> -> memref<51200x32xf32, #tpu.memory_space<vmem_shared>>
        tpu.wait_indirect_dma semaphore(%run_scoped3A : memref<!tpu.dma_semaphore, #tpu.memory_space<semaphore_mem>>) src(%arg8 : memref<128x32xf32, #tpu.memory_space<vmem>>) dst(%dma_wait3A_137 : memref<51200x32xf32, #tpu.memory_space<vmem_shared>>)
        tpu.yield
      }) : () -> ()
      %mul3A_54 = arith.constant 9 : i32
      %mul3A_55 = arith.muli %arg0, %mul3A_54 : i32
      %add3A_56 = arith.constant 3 : i32
      %add3A_57 = arith.addi %mul3A_55, %add3A_56 : i32
      %mul3A_58 = arith.constant 400 : i32
      %mul3A_59 = arith.muli %add3A_57, %mul3A_58 : i32
      %add3A_60 = arith.addi %mul3A_59, %add3A_16 : i32
      "tpu.region"() ({
        %run_scoped3A = tpu.sem_alloc : memref<!tpu.dma_semaphore, #tpu.memory_space<semaphore_mem>>
        %dma_start3A_132 = arith.constant 0 : i32
        %dma_start3A_133 = tpu.memref_slice %arg3[%add3A_60, %dma_start3A_132] : memref<7200x128xi32, #tpu.memory_space<hbm>> -> memref<1x128xi32, #tpu.memory_space<hbm>>
        %dma_start3A_134 = tpu.memref_squeeze %dma_start3A_133 : memref<1x128xi32, #tpu.memory_space<hbm>> -> memref<128xi32, #tpu.memory_space<hbm>>
        %dma_start3A_135 = arith.constant 0 : i32
        %dma_start3A_136 = tpu.memref_slice %arg3[%add3A_60, %dma_start3A_135] : memref<7200x128xi32, #tpu.memory_space<hbm>> -> memref<1x128xi32, #tpu.memory_space<hbm>>
        %dma_start3A_137 = tpu.memref_squeeze %dma_start3A_136 : memref<1x128xi32, #tpu.memory_space<hbm>> -> memref<128xi32, #tpu.memory_space<hbm>>
        tpu.enqueue_dma source(%dma_start3A_137 : memref<128xi32, #tpu.memory_space<hbm>>) target(%arg6 : memref<128xi32, #tpu.memory_space<vmem>>) target_semaphore(%run_scoped3A : memref<!tpu.dma_semaphore, #tpu.memory_space<semaphore_mem>>)
        %dma_wait3A_138 = arith.constant 0 : i32
        %dma_wait3A_139 = tpu.memref_slice %arg3[%add3A_60, %dma_wait3A_138] : memref<7200x128xi32, #tpu.memory_space<hbm>> -> memref<1x128xi32, #tpu.memory_space<hbm>>
        %dma_wait3A_140 = tpu.memref_squeeze %dma_wait3A_139 : memref<1x128xi32, #tpu.memory_space<hbm>> -> memref<128xi32, #tpu.memory_space<hbm>>
        %dma_wait3A_141 = arith.constant 0 : i32
        %dma_wait3A_142 = tpu.memref_slice %arg3[%add3A_60, %dma_wait3A_141] : memref<7200x128xi32, #tpu.memory_space<hbm>> -> memref<1x128xi32, #tpu.memory_space<hbm>>
        %dma_wait3A_143 = tpu.memref_squeeze %dma_wait3A_142 : memref<1x128xi32, #tpu.memory_space<hbm>> -> memref<128xi32, #tpu.memory_space<hbm>>
        tpu.wait_dma2 semaphore(%run_scoped3A : memref<!tpu.dma_semaphore, #tpu.memory_space<semaphore_mem>>) src(%dma_wait3A_143 : memref<128xi32, #tpu.memory_space<hbm>>) dst(%arg6 : memref<128xi32, #tpu.memory_space<vmem>>)
        tpu.yield
      }) : () -> ()
      %dma_start3A_61 = arith.constant 0 : i32
      %dma_start3A_62 = arith.constant 0 : i32
      %dma_start3A_63 = tpu.memref_slice %arg2[%dma_start3A_61, %dma_start3A_62] : memref<1152x32xf32, #tpu.memory_space<hbm>> -> memref<1152x32xf32, #tpu.memory_space<hbm>>
      tpu.enqueue_indirect_dma source(%dma_start3A_63 : memref<1152x32xf32, #tpu.memory_space<hbm>>) target(%arg8 : memref<128x32xf32, #tpu.memory_space<vmem>>) offsets(%arg6 : memref<128xi32, #tpu.memory_space<vmem>>) semaphore(%arg10 : memref<!tpu.dma_semaphore, #tpu.memory_space<semaphore_mem>>)
      %dma_wait3A_64 = arith.constant 0 : i32
      %dma_wait3A_65 = arith.constant 0 : i32
      %dma_wait3A_66 = tpu.memref_slice %arg2[%dma_wait3A_64, %dma_wait3A_65] : memref<1152x32xf32, #tpu.memory_space<hbm>> -> memref<1152x32xf32, #tpu.memory_space<hbm>>
      tpu.wait_indirect_dma semaphore(%arg10 : memref<!tpu.dma_semaphore, #tpu.memory_space<semaphore_mem>>) src(%dma_wait3A_66 : memref<1152x32xf32, #tpu.memory_space<hbm>>) dst(%arg8 : memref<128x32xf32, #tpu.memory_space<vmem>>)
      "tpu.region"() ({
        %run_scoped3A = tpu.sem_alloc : memref<!tpu.dma_semaphore, #tpu.memory_space<semaphore_mem>>
        %dma_start3A_132 = arith.constant 0 : i32
        %dma_start3A_133 = arith.constant 0 : i32
        %dma_start3A_134 = tpu.memref_slice %arg9[%dma_start3A_132, %dma_start3A_133] : memref<51200x32xf32, #tpu.memory_space<vmem_shared>> -> memref<51200x32xf32, #tpu.memory_space<vmem_shared>>
        tpu.enqueue_indirect_dma source(%arg8 : memref<128x32xf32, #tpu.memory_space<vmem>>) target(%dma_start3A_134 : memref<51200x32xf32, #tpu.memory_space<vmem_shared>>) offsets(%arg7 : memref<128xi32, #tpu.memory_space<vmem>>) semaphore(%run_scoped3A : memref<!tpu.dma_semaphore, #tpu.memory_space<semaphore_mem>>) {add = true}
        %dma_wait3A_135 = arith.constant 0 : i32
        %dma_wait3A_136 = arith.constant 0 : i32
        %dma_wait3A_137 = tpu.memref_slice %arg9[%dma_wait3A_135, %dma_wait3A_136] : memref<51200x32xf32, #tpu.memory_space<vmem_shared>> -> memref<51200x32xf32, #tpu.memory_space<vmem_shared>>
        tpu.wait_indirect_dma semaphore(%run_scoped3A : memref<!tpu.dma_semaphore, #tpu.memory_space<semaphore_mem>>) src(%arg8 : memref<128x32xf32, #tpu.memory_space<vmem>>) dst(%dma_wait3A_137 : memref<51200x32xf32, #tpu.memory_space<vmem_shared>>)
        tpu.yield
      }) : () -> ()
      %mul3A_67 = arith.constant 9 : i32
      %mul3A_68 = arith.muli %arg0, %mul3A_67 : i32
      %add3A_69 = arith.constant 4 : i32
      %add3A_70 = arith.addi %mul3A_68, %add3A_69 : i32
      %mul3A_71 = arith.constant 400 : i32
      %mul3A_72 = arith.muli %add3A_70, %mul3A_71 : i32
      %add3A_73 = arith.addi %mul3A_72, %add3A_16 : i32
      "tpu.region"() ({
        %run_scoped3A = tpu.sem_alloc : memref<!tpu.dma_semaphore, #tpu.memory_space<semaphore_mem>>
        %dma_start3A_132 = arith.constant 0 : i32
        %dma_start3A_133 = tpu.memref_slice %arg3[%add3A_73, %dma_start3A_132] : memref<7200x128xi32, #tpu.memory_space<hbm>> -> memref<1x128xi32, #tpu.memory_space<hbm>>
        %dma_start3A_134 = tpu.memref_squeeze %dma_start3A_133 : memref<1x128xi32, #tpu.memory_space<hbm>> -> memref<128xi32, #tpu.memory_space<hbm>>
        %dma_start3A_135 = arith.constant 0 : i32
        %dma_start3A_136 = tpu.memref_slice %arg3[%add3A_73, %dma_start3A_135] : memref<7200x128xi32, #tpu.memory_space<hbm>> -> memref<1x128xi32, #tpu.memory_space<hbm>>
        %dma_start3A_137 = tpu.memref_squeeze %dma_start3A_136 : memref<1x128xi32, #tpu.memory_space<hbm>> -> memref<128xi32, #tpu.memory_space<hbm>>
        tpu.enqueue_dma source(%dma_start3A_137 : memref<128xi32, #tpu.memory_space<hbm>>) target(%arg6 : memref<128xi32, #tpu.memory_space<vmem>>) target_semaphore(%run_scoped3A : memref<!tpu.dma_semaphore, #tpu.memory_space<semaphore_mem>>)
        %dma_wait3A_138 = arith.constant 0 : i32
        %dma_wait3A_139 = tpu.memref_slice %arg3[%add3A_73, %dma_wait3A_138] : memref<7200x128xi32, #tpu.memory_space<hbm>> -> memref<1x128xi32, #tpu.memory_space<hbm>>
        %dma_wait3A_140 = tpu.memref_squeeze %dma_wait3A_139 : memref<1x128xi32, #tpu.memory_space<hbm>> -> memref<128xi32, #tpu.memory_space<hbm>>
        %dma_wait3A_141 = arith.constant 0 : i32
        %dma_wait3A_142 = tpu.memref_slice %arg3[%add3A_73, %dma_wait3A_141] : memref<7200x128xi32, #tpu.memory_space<hbm>> -> memref<1x128xi32, #tpu.memory_space<hbm>>
        %dma_wait3A_143 = tpu.memref_squeeze %dma_wait3A_142 : memref<1x128xi32, #tpu.memory_space<hbm>> -> memref<128xi32, #tpu.memory_space<hbm>>
        tpu.wait_dma2 semaphore(%run_scoped3A : memref<!tpu.dma_semaphore, #tpu.memory_space<semaphore_mem>>) src(%dma_wait3A_143 : memref<128xi32, #tpu.memory_space<hbm>>) dst(%arg6 : memref<128xi32, #tpu.memory_space<vmem>>)
        tpu.yield
      }) : () -> ()
      %dma_start3A_74 = arith.constant 0 : i32
      %dma_start3A_75 = arith.constant 0 : i32
      %dma_start3A_76 = tpu.memref_slice %arg2[%dma_start3A_74, %dma_start3A_75] : memref<1152x32xf32, #tpu.memory_space<hbm>> -> memref<1152x32xf32, #tpu.memory_space<hbm>>
      tpu.enqueue_indirect_dma source(%dma_start3A_76 : memref<1152x32xf32, #tpu.memory_space<hbm>>) target(%arg8 : memref<128x32xf32, #tpu.memory_space<vmem>>) offsets(%arg6 : memref<128xi32, #tpu.memory_space<vmem>>) semaphore(%arg10 : memref<!tpu.dma_semaphore, #tpu.memory_space<semaphore_mem>>)
      %dma_wait3A_77 = arith.constant 0 : i32
      %dma_wait3A_78 = arith.constant 0 : i32
      %dma_wait3A_79 = tpu.memref_slice %arg2[%dma_wait3A_77, %dma_wait3A_78] : memref<1152x32xf32, #tpu.memory_space<hbm>> -> memref<1152x32xf32, #tpu.memory_space<hbm>>
      tpu.wait_indirect_dma semaphore(%arg10 : memref<!tpu.dma_semaphore, #tpu.memory_space<semaphore_mem>>) src(%dma_wait3A_79 : memref<1152x32xf32, #tpu.memory_space<hbm>>) dst(%arg8 : memref<128x32xf32, #tpu.memory_space<vmem>>)
      "tpu.region"() ({
        %run_scoped3A = tpu.sem_alloc : memref<!tpu.dma_semaphore, #tpu.memory_space<semaphore_mem>>
        %dma_start3A_132 = arith.constant 0 : i32
        %dma_start3A_133 = arith.constant 0 : i32
        %dma_start3A_134 = tpu.memref_slice %arg9[%dma_start3A_132, %dma_start3A_133] : memref<51200x32xf32, #tpu.memory_space<vmem_shared>> -> memref<51200x32xf32, #tpu.memory_space<vmem_shared>>
        tpu.enqueue_indirect_dma source(%arg8 : memref<128x32xf32, #tpu.memory_space<vmem>>) target(%dma_start3A_134 : memref<51200x32xf32, #tpu.memory_space<vmem_shared>>) offsets(%arg7 : memref<128xi32, #tpu.memory_space<vmem>>) semaphore(%run_scoped3A : memref<!tpu.dma_semaphore, #tpu.memory_space<semaphore_mem>>) {add = true}
        %dma_wait3A_135 = arith.constant 0 : i32
        %dma_wait3A_136 = arith.constant 0 : i32
        %dma_wait3A_137 = tpu.memref_slice %arg9[%dma_wait3A_135, %dma_wait3A_136] : memref<51200x32xf32, #tpu.memory_space<vmem_shared>> -> memref<51200x32xf32, #tpu.memory_space<vmem_shared>>
        tpu.wait_indirect_dma semaphore(%run_scoped3A : memref<!tpu.dma_semaphore, #tpu.memory_space<semaphore_mem>>) src(%arg8 : memref<128x32xf32, #tpu.memory_space<vmem>>) dst(%dma_wait3A_137 : memref<51200x32xf32, #tpu.memory_space<vmem_shared>>)
        tpu.yield
      }) : () -> ()
      %mul3A_80 = arith.constant 9 : i32
      %mul3A_81 = arith.muli %arg0, %mul3A_80 : i32
      %add3A_82 = arith.constant 5 : i32
      %add3A_83 = arith.addi %mul3A_81, %add3A_82 : i32
      %mul3A_84 = arith.constant 400 : i32
      %mul3A_85 = arith.muli %add3A_83, %mul3A_84 : i32
      %add3A_86 = arith.addi %mul3A_85, %add3A_16 : i32
      "tpu.region"() ({
        %run_scoped3A = tpu.sem_alloc : memref<!tpu.dma_semaphore, #tpu.memory_space<semaphore_mem>>
        %dma_start3A_132 = arith.constant 0 : i32
        %dma_start3A_133 = tpu.memref_slice %arg3[%add3A_86, %dma_start3A_132] : memref<7200x128xi32, #tpu.memory_space<hbm>> -> memref<1x128xi32, #tpu.memory_space<hbm>>
        %dma_start3A_134 = tpu.memref_squeeze %dma_start3A_133 : memref<1x128xi32, #tpu.memory_space<hbm>> -> memref<128xi32, #tpu.memory_space<hbm>>
        %dma_start3A_135 = arith.constant 0 : i32
        %dma_start3A_136 = tpu.memref_slice %arg3[%add3A_86, %dma_start3A_135] : memref<7200x128xi32, #tpu.memory_space<hbm>> -> memref<1x128xi32, #tpu.memory_space<hbm>>
        %dma_start3A_137 = tpu.memref_squeeze %dma_start3A_136 : memref<1x128xi32, #tpu.memory_space<hbm>> -> memref<128xi32, #tpu.memory_space<hbm>>
        tpu.enqueue_dma source(%dma_start3A_137 : memref<128xi32, #tpu.memory_space<hbm>>) target(%arg6 : memref<128xi32, #tpu.memory_space<vmem>>) target_semaphore(%run_scoped3A : memref<!tpu.dma_semaphore, #tpu.memory_space<semaphore_mem>>)
        %dma_wait3A_138 = arith.constant 0 : i32
        %dma_wait3A_139 = tpu.memref_slice %arg3[%add3A_86, %dma_wait3A_138] : memref<7200x128xi32, #tpu.memory_space<hbm>> -> memref<1x128xi32, #tpu.memory_space<hbm>>
        %dma_wait3A_140 = tpu.memref_squeeze %dma_wait3A_139 : memref<1x128xi32, #tpu.memory_space<hbm>> -> memref<128xi32, #tpu.memory_space<hbm>>
        %dma_wait3A_141 = arith.constant 0 : i32
        %dma_wait3A_142 = tpu.memref_slice %arg3[%add3A_86, %dma_wait3A_141] : memref<7200x128xi32, #tpu.memory_space<hbm>> -> memref<1x128xi32, #tpu.memory_space<hbm>>
        %dma_wait3A_143 = tpu.memref_squeeze %dma_wait3A_142 : memref<1x128xi32, #tpu.memory_space<hbm>> -> memref<128xi32, #tpu.memory_space<hbm>>
        tpu.wait_dma2 semaphore(%run_scoped3A : memref<!tpu.dma_semaphore, #tpu.memory_space<semaphore_mem>>) src(%dma_wait3A_143 : memref<128xi32, #tpu.memory_space<hbm>>) dst(%arg6 : memref<128xi32, #tpu.memory_space<vmem>>)
        tpu.yield
      }) : () -> ()
      %dma_start3A_87 = arith.constant 0 : i32
      %dma_start3A_88 = arith.constant 0 : i32
      %dma_start3A_89 = tpu.memref_slice %arg2[%dma_start3A_87, %dma_start3A_88] : memref<1152x32xf32, #tpu.memory_space<hbm>> -> memref<1152x32xf32, #tpu.memory_space<hbm>>
      tpu.enqueue_indirect_dma source(%dma_start3A_89 : memref<1152x32xf32, #tpu.memory_space<hbm>>) target(%arg8 : memref<128x32xf32, #tpu.memory_space<vmem>>) offsets(%arg6 : memref<128xi32, #tpu.memory_space<vmem>>) semaphore(%arg10 : memref<!tpu.dma_semaphore, #tpu.memory_space<semaphore_mem>>)
      %dma_wait3A_90 = arith.constant 0 : i32
      %dma_wait3A_91 = arith.constant 0 : i32
      %dma_wait3A_92 = tpu.memref_slice %arg2[%dma_wait3A_90, %dma_wait3A_91] : memref<1152x32xf32, #tpu.memory_space<hbm>> -> memref<1152x32xf32, #tpu.memory_space<hbm>>
      tpu.wait_indirect_dma semaphore(%arg10 : memref<!tpu.dma_semaphore, #tpu.memory_space<semaphore_mem>>) src(%dma_wait3A_92 : memref<1152x32xf32, #tpu.memory_space<hbm>>) dst(%arg8 : memref<128x32xf32, #tpu.memory_space<vmem>>)
      "tpu.region"() ({
        %run_scoped3A = tpu.sem_alloc : memref<!tpu.dma_semaphore, #tpu.memory_space<semaphore_mem>>
        %dma_start3A_132 = arith.constant 0 : i32
        %dma_start3A_133 = arith.constant 0 : i32
        %dma_start3A_134 = tpu.memref_slice %arg9[%dma_start3A_132, %dma_start3A_133] : memref<51200x32xf32, #tpu.memory_space<vmem_shared>> -> memref<51200x32xf32, #tpu.memory_space<vmem_shared>>
        tpu.enqueue_indirect_dma source(%arg8 : memref<128x32xf32, #tpu.memory_space<vmem>>) target(%dma_start3A_134 : memref<51200x32xf32, #tpu.memory_space<vmem_shared>>) offsets(%arg7 : memref<128xi32, #tpu.memory_space<vmem>>) semaphore(%run_scoped3A : memref<!tpu.dma_semaphore, #tpu.memory_space<semaphore_mem>>) {add = true}
        %dma_wait3A_135 = arith.constant 0 : i32
        %dma_wait3A_136 = arith.constant 0 : i32
        %dma_wait3A_137 = tpu.memref_slice %arg9[%dma_wait3A_135, %dma_wait3A_136] : memref<51200x32xf32, #tpu.memory_space<vmem_shared>> -> memref<51200x32xf32, #tpu.memory_space<vmem_shared>>
        tpu.wait_indirect_dma semaphore(%run_scoped3A : memref<!tpu.dma_semaphore, #tpu.memory_space<semaphore_mem>>) src(%arg8 : memref<128x32xf32, #tpu.memory_space<vmem>>) dst(%dma_wait3A_137 : memref<51200x32xf32, #tpu.memory_space<vmem_shared>>)
        tpu.yield
      }) : () -> ()
      %mul3A_93 = arith.constant 9 : i32
      %mul3A_94 = arith.muli %arg0, %mul3A_93 : i32
      %add3A_95 = arith.constant 6 : i32
      %add3A_96 = arith.addi %mul3A_94, %add3A_95 : i32
      %mul3A_97 = arith.constant 400 : i32
      %mul3A_98 = arith.muli %add3A_96, %mul3A_97 : i32
      %add3A_99 = arith.addi %mul3A_98, %add3A_16 : i32
      "tpu.region"() ({
        %run_scoped3A = tpu.sem_alloc : memref<!tpu.dma_semaphore, #tpu.memory_space<semaphore_mem>>
        %dma_start3A_132 = arith.constant 0 : i32
        %dma_start3A_133 = tpu.memref_slice %arg3[%add3A_99, %dma_start3A_132] : memref<7200x128xi32, #tpu.memory_space<hbm>> -> memref<1x128xi32, #tpu.memory_space<hbm>>
        %dma_start3A_134 = tpu.memref_squeeze %dma_start3A_133 : memref<1x128xi32, #tpu.memory_space<hbm>> -> memref<128xi32, #tpu.memory_space<hbm>>
        %dma_start3A_135 = arith.constant 0 : i32
        %dma_start3A_136 = tpu.memref_slice %arg3[%add3A_99, %dma_start3A_135] : memref<7200x128xi32, #tpu.memory_space<hbm>> -> memref<1x128xi32, #tpu.memory_space<hbm>>
        %dma_start3A_137 = tpu.memref_squeeze %dma_start3A_136 : memref<1x128xi32, #tpu.memory_space<hbm>> -> memref<128xi32, #tpu.memory_space<hbm>>
        tpu.enqueue_dma source(%dma_start3A_137 : memref<128xi32, #tpu.memory_space<hbm>>) target(%arg6 : memref<128xi32, #tpu.memory_space<vmem>>) target_semaphore(%run_scoped3A : memref<!tpu.dma_semaphore, #tpu.memory_space<semaphore_mem>>)
        %dma_wait3A_138 = arith.constant 0 : i32
        %dma_wait3A_139 = tpu.memref_slice %arg3[%add3A_99, %dma_wait3A_138] : memref<7200x128xi32, #tpu.memory_space<hbm>> -> memref<1x128xi32, #tpu.memory_space<hbm>>
        %dma_wait3A_140 = tpu.memref_squeeze %dma_wait3A_139 : memref<1x128xi32, #tpu.memory_space<hbm>> -> memref<128xi32, #tpu.memory_space<hbm>>
        %dma_wait3A_141 = arith.constant 0 : i32
        %dma_wait3A_142 = tpu.memref_slice %arg3[%add3A_99, %dma_wait3A_141] : memref<7200x128xi32, #tpu.memory_space<hbm>> -> memref<1x128xi32, #tpu.memory_space<hbm>>
        %dma_wait3A_143 = tpu.memref_squeeze %dma_wait3A_142 : memref<1x128xi32, #tpu.memory_space<hbm>> -> memref<128xi32, #tpu.memory_space<hbm>>
        tpu.wait_dma2 semaphore(%run_scoped3A : memref<!tpu.dma_semaphore, #tpu.memory_space<semaphore_mem>>) src(%dma_wait3A_143 : memref<128xi32, #tpu.memory_space<hbm>>) dst(%arg6 : memref<128xi32, #tpu.memory_space<vmem>>)
        tpu.yield
      }) : () -> ()
      %dma_start3A_100 = arith.constant 0 : i32
      %dma_start3A_101 = arith.constant 0 : i32
      %dma_start3A_102 = tpu.memref_slice %arg2[%dma_start3A_100, %dma_start3A_101] : memref<1152x32xf32, #tpu.memory_space<hbm>> -> memref<1152x32xf32, #tpu.memory_space<hbm>>
      tpu.enqueue_indirect_dma source(%dma_start3A_102 : memref<1152x32xf32, #tpu.memory_space<hbm>>) target(%arg8 : memref<128x32xf32, #tpu.memory_space<vmem>>) offsets(%arg6 : memref<128xi32, #tpu.memory_space<vmem>>) semaphore(%arg10 : memref<!tpu.dma_semaphore, #tpu.memory_space<semaphore_mem>>)
      %dma_wait3A_103 = arith.constant 0 : i32
      %dma_wait3A_104 = arith.constant 0 : i32
      %dma_wait3A_105 = tpu.memref_slice %arg2[%dma_wait3A_103, %dma_wait3A_104] : memref<1152x32xf32, #tpu.memory_space<hbm>> -> memref<1152x32xf32, #tpu.memory_space<hbm>>
      tpu.wait_indirect_dma semaphore(%arg10 : memref<!tpu.dma_semaphore, #tpu.memory_space<semaphore_mem>>) src(%dma_wait3A_105 : memref<1152x32xf32, #tpu.memory_space<hbm>>) dst(%arg8 : memref<128x32xf32, #tpu.memory_space<vmem>>)
      "tpu.region"() ({
        %run_scoped3A = tpu.sem_alloc : memref<!tpu.dma_semaphore, #tpu.memory_space<semaphore_mem>>
        %dma_start3A_132 = arith.constant 0 : i32
        %dma_start3A_133 = arith.constant 0 : i32
        %dma_start3A_134 = tpu.memref_slice %arg9[%dma_start3A_132, %dma_start3A_133] : memref<51200x32xf32, #tpu.memory_space<vmem_shared>> -> memref<51200x32xf32, #tpu.memory_space<vmem_shared>>
        tpu.enqueue_indirect_dma source(%arg8 : memref<128x32xf32, #tpu.memory_space<vmem>>) target(%dma_start3A_134 : memref<51200x32xf32, #tpu.memory_space<vmem_shared>>) offsets(%arg7 : memref<128xi32, #tpu.memory_space<vmem>>) semaphore(%run_scoped3A : memref<!tpu.dma_semaphore, #tpu.memory_space<semaphore_mem>>) {add = true}
        %dma_wait3A_135 = arith.constant 0 : i32
        %dma_wait3A_136 = arith.constant 0 : i32
        %dma_wait3A_137 = tpu.memref_slice %arg9[%dma_wait3A_135, %dma_wait3A_136] : memref<51200x32xf32, #tpu.memory_space<vmem_shared>> -> memref<51200x32xf32, #tpu.memory_space<vmem_shared>>
        tpu.wait_indirect_dma semaphore(%run_scoped3A : memref<!tpu.dma_semaphore, #tpu.memory_space<semaphore_mem>>) src(%arg8 : memref<128x32xf32, #tpu.memory_space<vmem>>) dst(%dma_wait3A_137 : memref<51200x32xf32, #tpu.memory_space<vmem_shared>>)
        tpu.yield
      }) : () -> ()
      %mul3A_106 = arith.constant 9 : i32
      %mul3A_107 = arith.muli %arg0, %mul3A_106 : i32
      %add3A_108 = arith.constant 7 : i32
      %add3A_109 = arith.addi %mul3A_107, %add3A_108 : i32
      %mul3A_110 = arith.constant 400 : i32
      %mul3A_111 = arith.muli %add3A_109, %mul3A_110 : i32
      %add3A_112 = arith.addi %mul3A_111, %add3A_16 : i32
      "tpu.region"() ({
        %run_scoped3A = tpu.sem_alloc : memref<!tpu.dma_semaphore, #tpu.memory_space<semaphore_mem>>
        %dma_start3A_132 = arith.constant 0 : i32
        %dma_start3A_133 = tpu.memref_slice %arg3[%add3A_112, %dma_start3A_132] : memref<7200x128xi32, #tpu.memory_space<hbm>> -> memref<1x128xi32, #tpu.memory_space<hbm>>
        %dma_start3A_134 = tpu.memref_squeeze %dma_start3A_133 : memref<1x128xi32, #tpu.memory_space<hbm>> -> memref<128xi32, #tpu.memory_space<hbm>>
        %dma_start3A_135 = arith.constant 0 : i32
        %dma_start3A_136 = tpu.memref_slice %arg3[%add3A_112, %dma_start3A_135] : memref<7200x128xi32, #tpu.memory_space<hbm>> -> memref<1x128xi32, #tpu.memory_space<hbm>>
        %dma_start3A_137 = tpu.memref_squeeze %dma_start3A_136 : memref<1x128xi32, #tpu.memory_space<hbm>> -> memref<128xi32, #tpu.memory_space<hbm>>
        tpu.enqueue_dma source(%dma_start3A_137 : memref<128xi32, #tpu.memory_space<hbm>>) target(%arg6 : memref<128xi32, #tpu.memory_space<vmem>>) target_semaphore(%run_scoped3A : memref<!tpu.dma_semaphore, #tpu.memory_space<semaphore_mem>>)
        %dma_wait3A_138 = arith.constant 0 : i32
        %dma_wait3A_139 = tpu.memref_slice %arg3[%add3A_112, %dma_wait3A_138] : memref<7200x128xi32, #tpu.memory_space<hbm>> -> memref<1x128xi32, #tpu.memory_space<hbm>>
        %dma_wait3A_140 = tpu.memref_squeeze %dma_wait3A_139 : memref<1x128xi32, #tpu.memory_space<hbm>> -> memref<128xi32, #tpu.memory_space<hbm>>
        %dma_wait3A_141 = arith.constant 0 : i32
        %dma_wait3A_142 = tpu.memref_slice %arg3[%add3A_112, %dma_wait3A_141] : memref<7200x128xi32, #tpu.memory_space<hbm>> -> memref<1x128xi32, #tpu.memory_space<hbm>>
        %dma_wait3A_143 = tpu.memref_squeeze %dma_wait3A_142 : memref<1x128xi32, #tpu.memory_space<hbm>> -> memref<128xi32, #tpu.memory_space<hbm>>
        tpu.wait_dma2 semaphore(%run_scoped3A : memref<!tpu.dma_semaphore, #tpu.memory_space<semaphore_mem>>) src(%dma_wait3A_143 : memref<128xi32, #tpu.memory_space<hbm>>) dst(%arg6 : memref<128xi32, #tpu.memory_space<vmem>>)
        tpu.yield
      }) : () -> ()
      %dma_start3A_113 = arith.constant 0 : i32
      %dma_start3A_114 = arith.constant 0 : i32
      %dma_start3A_115 = tpu.memref_slice %arg2[%dma_start3A_113, %dma_start3A_114] : memref<1152x32xf32, #tpu.memory_space<hbm>> -> memref<1152x32xf32, #tpu.memory_space<hbm>>
      tpu.enqueue_indirect_dma source(%dma_start3A_115 : memref<1152x32xf32, #tpu.memory_space<hbm>>) target(%arg8 : memref<128x32xf32, #tpu.memory_space<vmem>>) offsets(%arg6 : memref<128xi32, #tpu.memory_space<vmem>>) semaphore(%arg10 : memref<!tpu.dma_semaphore, #tpu.memory_space<semaphore_mem>>)
      %dma_wait3A_116 = arith.constant 0 : i32
      %dma_wait3A_117 = arith.constant 0 : i32
      %dma_wait3A_118 = tpu.memref_slice %arg2[%dma_wait3A_116, %dma_wait3A_117] : memref<1152x32xf32, #tpu.memory_space<hbm>> -> memref<1152x32xf32, #tpu.memory_space<hbm>>
      tpu.wait_indirect_dma semaphore(%arg10 : memref<!tpu.dma_semaphore, #tpu.memory_space<semaphore_mem>>) src(%dma_wait3A_118 : memref<1152x32xf32, #tpu.memory_space<hbm>>) dst(%arg8 : memref<128x32xf32, #tpu.memory_space<vmem>>)
      "tpu.region"() ({
        %run_scoped3A = tpu.sem_alloc : memref<!tpu.dma_semaphore, #tpu.memory_space<semaphore_mem>>
        %dma_start3A_132 = arith.constant 0 : i32
        %dma_start3A_133 = arith.constant 0 : i32
        %dma_start3A_134 = tpu.memref_slice %arg9[%dma_start3A_132, %dma_start3A_133] : memref<51200x32xf32, #tpu.memory_space<vmem_shared>> -> memref<51200x32xf32, #tpu.memory_space<vmem_shared>>
        tpu.enqueue_indirect_dma source(%arg8 : memref<128x32xf32, #tpu.memory_space<vmem>>) target(%dma_start3A_134 : memref<51200x32xf32, #tpu.memory_space<vmem_shared>>) offsets(%arg7 : memref<128xi32, #tpu.memory_space<vmem>>) semaphore(%run_scoped3A : memref<!tpu.dma_semaphore, #tpu.memory_space<semaphore_mem>>) {add = true}
        %dma_wait3A_135 = arith.constant 0 : i32
        %dma_wait3A_136 = arith.constant 0 : i32
        %dma_wait3A_137 = tpu.memref_slice %arg9[%dma_wait3A_135, %dma_wait3A_136] : memref<51200x32xf32, #tpu.memory_space<vmem_shared>> -> memref<51200x32xf32, #tpu.memory_space<vmem_shared>>
        tpu.wait_indirect_dma semaphore(%run_scoped3A : memref<!tpu.dma_semaphore, #tpu.memory_space<semaphore_mem>>) src(%arg8 : memref<128x32xf32, #tpu.memory_space<vmem>>) dst(%dma_wait3A_137 : memref<51200x32xf32, #tpu.memory_space<vmem_shared>>)
        tpu.yield
      }) : () -> ()
      %mul3A_119 = arith.constant 9 : i32
      %mul3A_120 = arith.muli %arg0, %mul3A_119 : i32
      %add3A_121 = arith.constant 8 : i32
      %add3A_122 = arith.addi %mul3A_120, %add3A_121 : i32
      %mul3A_123 = arith.constant 400 : i32
      %mul3A_124 = arith.muli %add3A_122, %mul3A_123 : i32
      %add3A_125 = arith.addi %mul3A_124, %add3A_16 : i32
      "tpu.region"() ({
        %run_scoped3A = tpu.sem_alloc : memref<!tpu.dma_semaphore, #tpu.memory_space<semaphore_mem>>
        %dma_start3A_132 = arith.constant 0 : i32
        %dma_start3A_133 = tpu.memref_slice %arg3[%add3A_125, %dma_start3A_132] : memref<7200x128xi32, #tpu.memory_space<hbm>> -> memref<1x128xi32, #tpu.memory_space<hbm>>
        %dma_start3A_134 = tpu.memref_squeeze %dma_start3A_133 : memref<1x128xi32, #tpu.memory_space<hbm>> -> memref<128xi32, #tpu.memory_space<hbm>>
        %dma_start3A_135 = arith.constant 0 : i32
        %dma_start3A_136 = tpu.memref_slice %arg3[%add3A_125, %dma_start3A_135] : memref<7200x128xi32, #tpu.memory_space<hbm>> -> memref<1x128xi32, #tpu.memory_space<hbm>>
        %dma_start3A_137 = tpu.memref_squeeze %dma_start3A_136 : memref<1x128xi32, #tpu.memory_space<hbm>> -> memref<128xi32, #tpu.memory_space<hbm>>
        tpu.enqueue_dma source(%dma_start3A_137 : memref<128xi32, #tpu.memory_space<hbm>>) target(%arg6 : memref<128xi32, #tpu.memory_space<vmem>>) target_semaphore(%run_scoped3A : memref<!tpu.dma_semaphore, #tpu.memory_space<semaphore_mem>>)
        %dma_wait3A_138 = arith.constant 0 : i32
        %dma_wait3A_139 = tpu.memref_slice %arg3[%add3A_125, %dma_wait3A_138] : memref<7200x128xi32, #tpu.memory_space<hbm>> -> memref<1x128xi32, #tpu.memory_space<hbm>>
        %dma_wait3A_140 = tpu.memref_squeeze %dma_wait3A_139 : memref<1x128xi32, #tpu.memory_space<hbm>> -> memref<128xi32, #tpu.memory_space<hbm>>
        %dma_wait3A_141 = arith.constant 0 : i32
        %dma_wait3A_142 = tpu.memref_slice %arg3[%add3A_125, %dma_wait3A_141] : memref<7200x128xi32, #tpu.memory_space<hbm>> -> memref<1x128xi32, #tpu.memory_space<hbm>>
        %dma_wait3A_143 = tpu.memref_squeeze %dma_wait3A_142 : memref<1x128xi32, #tpu.memory_space<hbm>> -> memref<128xi32, #tpu.memory_space<hbm>>
        tpu.wait_dma2 semaphore(%run_scoped3A : memref<!tpu.dma_semaphore, #tpu.memory_space<semaphore_mem>>) src(%dma_wait3A_143 : memref<128xi32, #tpu.memory_space<hbm>>) dst(%arg6 : memref<128xi32, #tpu.memory_space<vmem>>)
        tpu.yield
      }) : () -> ()
      %dma_start3A_126 = arith.constant 0 : i32
      %dma_start3A_127 = arith.constant 0 : i32
      %dma_start3A_128 = tpu.memref_slice %arg2[%dma_start3A_126, %dma_start3A_127] : memref<1152x32xf32, #tpu.memory_space<hbm>> -> memref<1152x32xf32, #tpu.memory_space<hbm>>
      tpu.enqueue_indirect_dma source(%dma_start3A_128 : memref<1152x32xf32, #tpu.memory_space<hbm>>) target(%arg8 : memref<128x32xf32, #tpu.memory_space<vmem>>) offsets(%arg6 : memref<128xi32, #tpu.memory_space<vmem>>) semaphore(%arg10 : memref<!tpu.dma_semaphore, #tpu.memory_space<semaphore_mem>>)
      %dma_wait3A_129 = arith.constant 0 : i32
      %dma_wait3A_130 = arith.constant 0 : i32
      %dma_wait3A_131 = tpu.memref_slice %arg2[%dma_wait3A_129, %dma_wait3A_130] : memref<1152x32xf32, #tpu.memory_space<hbm>> -> memref<1152x32xf32, #tpu.memory_space<hbm>>
      tpu.wait_indirect_dma semaphore(%arg10 : memref<!tpu.dma_semaphore, #tpu.memory_space<semaphore_mem>>) src(%dma_wait3A_131 : memref<1152x32xf32, #tpu.memory_space<hbm>>) dst(%arg8 : memref<128x32xf32, #tpu.memory_space<vmem>>)
      "tpu.region"() ({
        %run_scoped3A = tpu.sem_alloc : memref<!tpu.dma_semaphore, #tpu.memory_space<semaphore_mem>>
        %dma_start3A_132 = arith.constant 0 : i32
        %dma_start3A_133 = arith.constant 0 : i32
        %dma_start3A_134 = tpu.memref_slice %arg9[%dma_start3A_132, %dma_start3A_133] : memref<51200x32xf32, #tpu.memory_space<vmem_shared>> -> memref<51200x32xf32, #tpu.memory_space<vmem_shared>>
        tpu.enqueue_indirect_dma source(%arg8 : memref<128x32xf32, #tpu.memory_space<vmem>>) target(%dma_start3A_134 : memref<51200x32xf32, #tpu.memory_space<vmem_shared>>) offsets(%arg7 : memref<128xi32, #tpu.memory_space<vmem>>) semaphore(%run_scoped3A : memref<!tpu.dma_semaphore, #tpu.memory_space<semaphore_mem>>) {add = true}
        %dma_wait3A_135 = arith.constant 0 : i32
        %dma_wait3A_136 = arith.constant 0 : i32
        %dma_wait3A_137 = tpu.memref_slice %arg9[%dma_wait3A_135, %dma_wait3A_136] : memref<51200x32xf32, #tpu.memory_space<vmem_shared>> -> memref<51200x32xf32, #tpu.memory_space<vmem_shared>>
        tpu.wait_indirect_dma semaphore(%run_scoped3A : memref<!tpu.dma_semaphore, #tpu.memory_space<semaphore_mem>>) src(%arg8 : memref<128x32xf32, #tpu.memory_space<vmem>>) dst(%dma_wait3A_137 : memref<51200x32xf32, #tpu.memory_space<vmem_shared>>)
        tpu.yield
      }) : () -> ()
    }
    %scan3A_3 = arith.constant 25 : i32
    %mul3A = arith.constant 3200 : i32
    %mul3A_4 = arith.muli %arg1, %mul3A : i32
    %mul3A_5 = arith.constant 51200 : i32
    %mul3A_6 = arith.muli %arg0, %mul3A_5 : i32
    %mul3A_7 = arith.constant 3200 : i32
    %mul3A_8 = arith.muli %arg1, %mul3A_7 : i32
    %add3A = arith.addi %mul3A_6, %mul3A_8 : i32
    "tpu.region"() ({
      %run_scoped3A = tpu.sem_alloc : memref<!tpu.dma_semaphore, #tpu.memory_space<semaphore_mem>>
      %dma_start3A = arith.constant 0 : i32
      %dma_start3A_9 = tpu.memref_slice %arg5[%add3A, %dma_start3A] : memref<102400x32xf32, #tpu.memory_space<hbm>> -> memref<3200x32xf32, #tpu.memory_space<hbm>>
      %dma_start3A_10 = arith.constant 0 : i32
      %dma_start3A_11 = tpu.memref_slice %arg9[%mul3A_4, %dma_start3A_10] : memref<51200x32xf32, #tpu.memory_space<vmem_shared>> -> memref<3200x32xf32, #tpu.memory_space<vmem_shared>>
      tpu.enqueue_dma source(%dma_start3A_11 : memref<3200x32xf32, #tpu.memory_space<vmem_shared>>) target(%dma_start3A_9 : memref<3200x32xf32, #tpu.memory_space<hbm>>) target_semaphore(%run_scoped3A : memref<!tpu.dma_semaphore, #tpu.memory_space<semaphore_mem>>)
      %dma_wait3A = arith.constant 0 : i32
      %dma_wait3A_12 = tpu.memref_slice %arg5[%add3A, %dma_wait3A] : memref<102400x32xf32, #tpu.memory_space<hbm>> -> memref<3200x32xf32, #tpu.memory_space<hbm>>
      %dma_wait3A_13 = arith.constant 0 : i32
      %dma_wait3A_14 = tpu.memref_slice %arg9[%mul3A_4, %dma_wait3A_13] : memref<51200x32xf32, #tpu.memory_space<vmem_shared>> -> memref<3200x32xf32, #tpu.memory_space<vmem_shared>>
      tpu.wait_dma2 semaphore(%run_scoped3A : memref<!tpu.dma_semaphore, #tpu.memory_space<semaphore_mem>>) src(%dma_wait3A_14 : memref<3200x32xf32, #tpu.memory_space<vmem_shared>>) dst(%dma_wait3A_12 : memref<3200x32xf32, #tpu.memory_space<hbm>>)
      tpu.yield
    }) : () -> ()
    return
  }
}

#map = affine_map<(d0, d1) -> (0, 0)>
module attributes {stable_mosaic.version = 14 : i64} {
  func.func @_layer_body(%arg0: i32, %arg1: i32, %arg2: memref<102400x32xf32, #tpu.memory_space<hbm>>, %arg3: memref<1024x32xf32, #tpu.memory_space<hbm>>, %arg4: memref<12544x128xi32, #tpu.memory_space<hbm>>, %arg5: memref<6272x128xi32, #tpu.memory_space<hbm>>, %arg6: memref<12544x128xi32, #tpu.memory_space<hbm>>, %arg7: memref<102400x32xf32, #tpu.memory_space<hbm>>, %arg8: memref<2x128xi32, #tpu.memory_space<vmem>>, %arg9: memref<128xi32, #tpu.memory_space<vmem>>, %arg10: memref<128xi32, #tpu.memory_space<vmem>>, %arg11: memref<2x128xi32, #tpu.memory_space<vmem>>, %arg12: memref<256x32xf32, #tpu.memory_space<vmem>>, %arg13: memref<256x32xf32, #tpu.memory_space<vmem>>, %arg14: memref<51200x32xf32, #tpu.memory_space<vmem_shared>>, %arg15: memref<!tpu.dma_semaphore, #tpu.memory_space<semaphore_mem>>, %arg16: memref<!tpu.dma_semaphore, #tpu.memory_space<semaphore_mem>>) attributes {dimension_semantics = [#tpu.dimension_semantics<core_parallel>, #tpu.dimension_semantics<subcore_parallel>], iteration_bounds = array<i64: 2, 16>, scalar_prefetch = 0 : i64, scratch_operands = 9 : i64, tpu.core_type = #tpu.core_type<sc_vector_subcore>, window_params = [{transform_indices = #map}, {transform_indices = #map}, {transform_indices = #map}, {transform_indices = #map}, {transform_indices = #map}, {transform_indices = #map}]} {
    %broadcast_in_dim3A = arith.constant 0.000000e+00 : f32
    %broadcast_in_dim3A_0 = vector.broadcast %broadcast_in_dim3A : f32 to vector<16xf32>
    %scan3A = arith.constant 0 : i32
    %scan3A_1 = arith.constant 256 : i32
    %scan3A_2 = arith.addi %scan3A, %scan3A_1 : i32
    %scan3A_3 = arith.constant 1 : i32
    scf.for %scan3A_68 = %scan3A to %scan3A_2 step %scan3A_3  : i32 {
      %mul3A_69 = arith.constant 1 : i32
      %mul3A_70 = arith.muli %scan3A_68, %mul3A_69 : i32
      %add3A_71 = arith.constant 0 : i32
      %add3A_72 = arith.addi %add3A_71, %mul3A_70 : i32
      %swap3A = arith.index_cast %add3A_72 : i32 to index
      %swap3A_73 = arith.constant 0 : index
      %swap3A_74 = tpu.vector_load %arg12[%swap3A, %swap3A_73] {strides = array<i32>} : memref<256x32xf32, #tpu.memory_space<vmem>>, vector<1x16xf32>,
      %swap3A_75 = vector.shape_cast %swap3A_74 : vector<1x16xf32> to vector<16xf32>
      %swap3A_76 = vector.shape_cast %broadcast_in_dim3A_0 : vector<16xf32> to vector<1x16xf32>
      tpu.vector_store %arg12[%swap3A, %swap3A_73], %swap3A_76 {strides = array<i32>} : memref<256x32xf32, #tpu.memory_space<vmem>>, vector<1x16xf32>,
      %swap3A_77 = arith.index_cast %add3A_72 : i32 to index
      %swap3A_78 = arith.constant 16 : index
      %swap3A_79 = tpu.vector_load %arg12[%swap3A_77, %swap3A_78] {strides = array<i32>} : memref<256x32xf32, #tpu.memory_space<vmem>>, vector<1x16xf32>,
      %swap3A_80 = vector.shape_cast %swap3A_79 : vector<1x16xf32> to vector<16xf32>
      %swap3A_81 = vector.shape_cast %broadcast_in_dim3A_0 : vector<16xf32> to vector<1x16xf32>
      tpu.vector_store %arg12[%swap3A_77, %swap3A_78], %swap3A_81 {strides = array<i32>} : memref<256x32xf32, #tpu.memory_space<vmem>>, vector<1x16xf32>,
    }
    %scan3A_4 = arith.constant 256 : i32
    %mul3A = arith.constant 3200 : i32
    %mul3A_5 = arith.muli %arg1, %mul3A : i32
    %add3A = arith.constant 0 : i32
    %add3A_6 = arith.addi %mul3A_5, %add3A : i32
    "tpu.region"() ({
      %run_scoped3A = tpu.sem_alloc : memref<!tpu.dma_semaphore, #tpu.memory_space<semaphore_mem>>
      %dma_start3A = arith.constant 0 : i32
      %dma_start3A_68 = tpu.memref_slice %arg14[%add3A_6, %dma_start3A] : memref<51200x32xf32, #tpu.memory_space<vmem_shared>> -> memref<256x32xf32, #tpu.memory_space<vmem_shared>>
      %dma_start3A_69 = arith.constant 0 : i32
      %dma_start3A_70 = tpu.memref_slice %arg14[%add3A_6, %dma_start3A_69] : memref<51200x32xf32, #tpu.memory_space<vmem_shared>> -> memref<256x32xf32, #tpu.memory_space<vmem_shared>>
      tpu.enqueue_dma source(%arg12 : memref<256x32xf32, #tpu.memory_space<vmem>>) target(%dma_start3A_70 : memref<256x32xf32, #tpu.memory_space<vmem_shared>>) target_semaphore(%run_scoped3A : memref<!tpu.dma_semaphore, #tpu.memory_space<semaphore_mem>>)
      %dma_wait3A = arith.constant 0 : i32
      %dma_wait3A_71 = tpu.memref_slice %arg14[%add3A_6, %dma_wait3A] : memref<51200x32xf32, #tpu.memory_space<vmem_shared>> -> memref<256x32xf32, #tpu.memory_space<vmem_shared>>
      %dma_wait3A_72 = arith.constant 0 : i32
      %dma_wait3A_73 = tpu.memref_slice %arg14[%add3A_6, %dma_wait3A_72] : memref<51200x32xf32, #tpu.memory_space<vmem_shared>> -> memref<256x32xf32, #tpu.memory_space<vmem_shared>>
      tpu.wait_dma2 semaphore(%run_scoped3A : memref<!tpu.dma_semaphore, #tpu.memory_space<semaphore_mem>>) src(%arg12 : memref<256x32xf32, #tpu.memory_space<vmem>>) dst(%dma_wait3A_73 : memref<256x32xf32, #tpu.memory_space<vmem_shared>>)
      tpu.yield
    }) : () -> ()
    %mul3A_7 = arith.constant 3200 : i32
    %mul3A_8 = arith.muli %arg1, %mul3A_7 : i32
    %add3A_9 = arith.constant 256 : i32
    %add3A_10 = arith.addi %mul3A_8, %add3A_9 : i32
    "tpu.region"() ({
      %run_scoped3A = tpu.sem_alloc : memref<!tpu.dma_semaphore, #tpu.memory_space<semaphore_mem>>
      %dma_start3A = arith.constant 0 : i32
      %dma_start3A_68 = tpu.memref_slice %arg14[%add3A_10, %dma_start3A] : memref<51200x32xf32, #tpu.memory_space<vmem_shared>> -> memref<256x32xf32, #tpu.memory_space<vmem_shared>>
      %dma_start3A_69 = arith.constant 0 : i32
      %dma_start3A_70 = tpu.memref_slice %arg14[%add3A_10, %dma_start3A_69] : memref<51200x32xf32, #tpu.memory_space<vmem_shared>> -> memref<256x32xf32, #tpu.memory_space<vmem_shared>>
      tpu.enqueue_dma source(%arg12 : memref<256x32xf32, #tpu.memory_space<vmem>>) target(%dma_start3A_70 : memref<256x32xf32, #tpu.memory_space<vmem_shared>>) target_semaphore(%run_scoped3A : memref<!tpu.dma_semaphore, #tpu.memory_space<semaphore_mem>>)
      %dma_wait3A = arith.constant 0 : i32
      %dma_wait3A_71 = tpu.memref_slice %arg14[%add3A_10, %dma_wait3A] : memref<51200x32xf32, #tpu.memory_space<vmem_shared>> -> memref<256x32xf32, #tpu.memory_space<vmem_shared>>
      %dma_wait3A_72 = arith.constant 0 : i32
      %dma_wait3A_73 = tpu.memref_slice %arg14[%add3A_10, %dma_wait3A_72] : memref<51200x32xf32, #tpu.memory_space<vmem_shared>> -> memref<256x32xf32, #tpu.memory_space<vmem_shared>>
      tpu.wait_dma2 semaphore(%run_scoped3A : memref<!tpu.dma_semaphore, #tpu.memory_space<semaphore_mem>>) src(%arg12 : memref<256x32xf32, #tpu.memory_space<vmem>>) dst(%dma_wait3A_73 : memref<256x32xf32, #tpu.memory_space<vmem_shared>>)
      tpu.yield
    }) : () -> ()
    %mul3A_11 = arith.constant 3200 : i32
    %mul3A_12 = arith.muli %arg1, %mul3A_11 : i32
    %add3A_13 = arith.constant 512 : i32
    %add3A_14 = arith.addi %mul3A_12, %add3A_13 : i32
    "tpu.region"() ({
      %run_scoped3A = tpu.sem_alloc : memref<!tpu.dma_semaphore, #tpu.memory_space<semaphore_mem>>
      %dma_start3A = arith.constant 0 : i32
      %dma_start3A_68 = tpu.memref_slice %arg14[%add3A_14, %dma_start3A] : memref<51200x32xf32, #tpu.memory_space<vmem_shared>> -> memref<256x32xf32, #tpu.memory_space<vmem_shared>>
      %dma_start3A_69 = arith.constant 0 : i32
      %dma_start3A_70 = tpu.memref_slice %arg14[%add3A_14, %dma_start3A_69] : memref<51200x32xf32, #tpu.memory_space<vmem_shared>> -> memref<256x32xf32, #tpu.memory_space<vmem_shared>>
      tpu.enqueue_dma source(%arg12 : memref<256x32xf32, #tpu.memory_space<vmem>>) target(%dma_start3A_70 : memref<256x32xf32, #tpu.memory_space<vmem_shared>>) target_semaphore(%run_scoped3A : memref<!tpu.dma_semaphore, #tpu.memory_space<semaphore_mem>>)
      %dma_wait3A = arith.constant 0 : i32
      %dma_wait3A_71 = tpu.memref_slice %arg14[%add3A_14, %dma_wait3A] : memref<51200x32xf32, #tpu.memory_space<vmem_shared>> -> memref<256x32xf32, #tpu.memory_space<vmem_shared>>
      %dma_wait3A_72 = arith.constant 0 : i32
      %dma_wait3A_73 = tpu.memref_slice %arg14[%add3A_14, %dma_wait3A_72] : memref<51200x32xf32, #tpu.memory_space<vmem_shared>> -> memref<256x32xf32, #tpu.memory_space<vmem_shared>>
      tpu.wait_dma2 semaphore(%run_scoped3A : memref<!tpu.dma_semaphore, #tpu.memory_space<semaphore_mem>>) src(%arg12 : memref<256x32xf32, #tpu.memory_space<vmem>>) dst(%dma_wait3A_73 : memref<256x32xf32, #tpu.memory_space<vmem_shared>>)
      tpu.yield
    }) : () -> ()
    %mul3A_15 = arith.constant 3200 : i32
    %mul3A_16 = arith.muli %arg1, %mul3A_15 : i32
    %add3A_17 = arith.constant 768 : i32
    %add3A_18 = arith.addi %mul3A_16, %add3A_17 : i32
    "tpu.region"() ({
      %run_scoped3A = tpu.sem_alloc : memref<!tpu.dma_semaphore, #tpu.memory_space<semaphore_mem>>
      %dma_start3A = arith.constant 0 : i32
      %dma_start3A_68 = tpu.memref_slice %arg14[%add3A_18, %dma_start3A] : memref<51200x32xf32, #tpu.memory_space<vmem_shared>> -> memref<256x32xf32, #tpu.memory_space<vmem_shared>>
      %dma_start3A_69 = arith.constant 0 : i32
      %dma_start3A_70 = tpu.memref_slice %arg14[%add3A_18, %dma_start3A_69] : memref<51200x32xf32, #tpu.memory_space<vmem_shared>> -> memref<256x32xf32, #tpu.memory_space<vmem_shared>>
      tpu.enqueue_dma source(%arg12 : memref<256x32xf32, #tpu.memory_space<vmem>>) target(%dma_start3A_70 : memref<256x32xf32, #tpu.memory_space<vmem_shared>>) target_semaphore(%run_scoped3A : memref<!tpu.dma_semaphore, #tpu.memory_space<semaphore_mem>>)
      %dma_wait3A = arith.constant 0 : i32
      %dma_wait3A_71 = tpu.memref_slice %arg14[%add3A_18, %dma_wait3A] : memref<51200x32xf32, #tpu.memory_space<vmem_shared>> -> memref<256x32xf32, #tpu.memory_space<vmem_shared>>
      %dma_wait3A_72 = arith.constant 0 : i32
      %dma_wait3A_73 = tpu.memref_slice %arg14[%add3A_18, %dma_wait3A_72] : memref<51200x32xf32, #tpu.memory_space<vmem_shared>> -> memref<256x32xf32, #tpu.memory_space<vmem_shared>>
      tpu.wait_dma2 semaphore(%run_scoped3A : memref<!tpu.dma_semaphore, #tpu.memory_space<semaphore_mem>>) src(%arg12 : memref<256x32xf32, #tpu.memory_space<vmem>>) dst(%dma_wait3A_73 : memref<256x32xf32, #tpu.memory_space<vmem_shared>>)
      tpu.yield
    }) : () -> ()
    %mul3A_19 = arith.constant 3200 : i32
    %mul3A_20 = arith.muli %arg1, %mul3A_19 : i32
    %add3A_21 = arith.constant 1024 : i32
    %add3A_22 = arith.addi %mul3A_20, %add3A_21 : i32
    "tpu.region"() ({
      %run_scoped3A = tpu.sem_alloc : memref<!tpu.dma_semaphore, #tpu.memory_space<semaphore_mem>>
      %dma_start3A = arith.constant 0 : i32
      %dma_start3A_68 = tpu.memref_slice %arg14[%add3A_22, %dma_start3A] : memref<51200x32xf32, #tpu.memory_space<vmem_shared>> -> memref<256x32xf32, #tpu.memory_space<vmem_shared>>
      %dma_start3A_69 = arith.constant 0 : i32
      %dma_start3A_70 = tpu.memref_slice %arg14[%add3A_22, %dma_start3A_69] : memref<51200x32xf32, #tpu.memory_space<vmem_shared>> -> memref<256x32xf32, #tpu.memory_space<vmem_shared>>
      tpu.enqueue_dma source(%arg12 : memref<256x32xf32, #tpu.memory_space<vmem>>) target(%dma_start3A_70 : memref<256x32xf32, #tpu.memory_space<vmem_shared>>) target_semaphore(%run_scoped3A : memref<!tpu.dma_semaphore, #tpu.memory_space<semaphore_mem>>)
      %dma_wait3A = arith.constant 0 : i32
      %dma_wait3A_71 = tpu.memref_slice %arg14[%add3A_22, %dma_wait3A] : memref<51200x32xf32, #tpu.memory_space<vmem_shared>> -> memref<256x32xf32, #tpu.memory_space<vmem_shared>>
      %dma_wait3A_72 = arith.constant 0 : i32
      %dma_wait3A_73 = tpu.memref_slice %arg14[%add3A_22, %dma_wait3A_72] : memref<51200x32xf32, #tpu.memory_space<vmem_shared>> -> memref<256x32xf32, #tpu.memory_space<vmem_shared>>
      tpu.wait_dma2 semaphore(%run_scoped3A : memref<!tpu.dma_semaphore, #tpu.memory_space<semaphore_mem>>) src(%arg12 : memref<256x32xf32, #tpu.memory_space<vmem>>) dst(%dma_wait3A_73 : memref<256x32xf32, #tpu.memory_space<vmem_shared>>)
      tpu.yield
    }) : () -> ()
    %mul3A_23 = arith.constant 3200 : i32
    %mul3A_24 = arith.muli %arg1, %mul3A_23 : i32
    %add3A_25 = arith.constant 1280 : i32
    %add3A_26 = arith.addi %mul3A_24, %add3A_25 : i32
    "tpu.region"() ({
      %run_scoped3A = tpu.sem_alloc : memref<!tpu.dma_semaphore, #tpu.memory_space<semaphore_mem>>
      %dma_start3A = arith.constant 0 : i32
      %dma_start3A_68 = tpu.memref_slice %arg14[%add3A_26, %dma_start3A] : memref<51200x32xf32, #tpu.memory_space<vmem_shared>> -> memref<256x32xf32, #tpu.memory_space<vmem_shared>>
      %dma_start3A_69 = arith.constant 0 : i32
      %dma_start3A_70 = tpu.memref_slice %arg14[%add3A_26, %dma_start3A_69] : memref<51200x32xf32, #tpu.memory_space<vmem_shared>> -> memref<256x32xf32, #tpu.memory_space<vmem_shared>>
      tpu.enqueue_dma source(%arg12 : memref<256x32xf32, #tpu.memory_space<vmem>>) target(%dma_start3A_70 : memref<256x32xf32, #tpu.memory_space<vmem_shared>>) target_semaphore(%run_scoped3A : memref<!tpu.dma_semaphore, #tpu.memory_space<semaphore_mem>>)
      %dma_wait3A = arith.constant 0 : i32
      %dma_wait3A_71 = tpu.memref_slice %arg14[%add3A_26, %dma_wait3A] : memref<51200x32xf32, #tpu.memory_space<vmem_shared>> -> memref<256x32xf32, #tpu.memory_space<vmem_shared>>
      %dma_wait3A_72 = arith.constant 0 : i32
      %dma_wait3A_73 = tpu.memref_slice %arg14[%add3A_26, %dma_wait3A_72] : memref<51200x32xf32, #tpu.memory_space<vmem_shared>> -> memref<256x32xf32, #tpu.memory_space<vmem_shared>>
      tpu.wait_dma2 semaphore(%run_scoped3A : memref<!tpu.dma_semaphore, #tpu.memory_space<semaphore_mem>>) src(%arg12 : memref<256x32xf32, #tpu.memory_space<vmem>>) dst(%dma_wait3A_73 : memref<256x32xf32, #tpu.memory_space<vmem_shared>>)
      tpu.yield
    }) : () -> ()
    %mul3A_27 = arith.constant 3200 : i32
    %mul3A_28 = arith.muli %arg1, %mul3A_27 : i32
    %add3A_29 = arith.constant 1536 : i32
    %add3A_30 = arith.addi %mul3A_28, %add3A_29 : i32
    "tpu.region"() ({
      %run_scoped3A = tpu.sem_alloc : memref<!tpu.dma_semaphore, #tpu.memory_space<semaphore_mem>>
      %dma_start3A = arith.constant 0 : i32
      %dma_start3A_68 = tpu.memref_slice %arg14[%add3A_30, %dma_start3A] : memref<51200x32xf32, #tpu.memory_space<vmem_shared>> -> memref<256x32xf32, #tpu.memory_space<vmem_shared>>
      %dma_start3A_69 = arith.constant 0 : i32
      %dma_start3A_70 = tpu.memref_slice %arg14[%add3A_30, %dma_start3A_69] : memref<51200x32xf32, #tpu.memory_space<vmem_shared>> -> memref<256x32xf32, #tpu.memory_space<vmem_shared>>
      tpu.enqueue_dma source(%arg12 : memref<256x32xf32, #tpu.memory_space<vmem>>) target(%dma_start3A_70 : memref<256x32xf32, #tpu.memory_space<vmem_shared>>) target_semaphore(%run_scoped3A : memref<!tpu.dma_semaphore, #tpu.memory_space<semaphore_mem>>)
      %dma_wait3A = arith.constant 0 : i32
      %dma_wait3A_71 = tpu.memref_slice %arg14[%add3A_30, %dma_wait3A] : memref<51200x32xf32, #tpu.memory_space<vmem_shared>> -> memref<256x32xf32, #tpu.memory_space<vmem_shared>>
      %dma_wait3A_72 = arith.constant 0 : i32
      %dma_wait3A_73 = tpu.memref_slice %arg14[%add3A_30, %dma_wait3A_72] : memref<51200x32xf32, #tpu.memory_space<vmem_shared>> -> memref<256x32xf32, #tpu.memory_space<vmem_shared>>
      tpu.wait_dma2 semaphore(%run_scoped3A : memref<!tpu.dma_semaphore, #tpu.memory_space<semaphore_mem>>) src(%arg12 : memref<256x32xf32, #tpu.memory_space<vmem>>) dst(%dma_wait3A_73 : memref<256x32xf32, #tpu.memory_space<vmem_shared>>)
      tpu.yield
    }) : () -> ()
    %mul3A_31 = arith.constant 3200 : i32
    %mul3A_32 = arith.muli %arg1, %mul3A_31 : i32
    %add3A_33 = arith.constant 1792 : i32
    %add3A_34 = arith.addi %mul3A_32, %add3A_33 : i32
    "tpu.region"() ({
      %run_scoped3A = tpu.sem_alloc : memref<!tpu.dma_semaphore, #tpu.memory_space<semaphore_mem>>
      %dma_start3A = arith.constant 0 : i32
      %dma_start3A_68 = tpu.memref_slice %arg14[%add3A_34, %dma_start3A] : memref<51200x32xf32, #tpu.memory_space<vmem_shared>> -> memref<256x32xf32, #tpu.memory_space<vmem_shared>>
      %dma_start3A_69 = arith.constant 0 : i32
      %dma_start3A_70 = tpu.memref_slice %arg14[%add3A_34, %dma_start3A_69] : memref<51200x32xf32, #tpu.memory_space<vmem_shared>> -> memref<256x32xf32, #tpu.memory_space<vmem_shared>>
      tpu.enqueue_dma source(%arg12 : memref<256x32xf32, #tpu.memory_space<vmem>>) target(%dma_start3A_70 : memref<256x32xf32, #tpu.memory_space<vmem_shared>>) target_semaphore(%run_scoped3A : memref<!tpu.dma_semaphore, #tpu.memory_space<semaphore_mem>>)
      %dma_wait3A = arith.constant 0 : i32
      %dma_wait3A_71 = tpu.memref_slice %arg14[%add3A_34, %dma_wait3A] : memref<51200x32xf32, #tpu.memory_space<vmem_shared>> -> memref<256x32xf32, #tpu.memory_space<vmem_shared>>
      %dma_wait3A_72 = arith.constant 0 : i32
      %dma_wait3A_73 = tpu.memref_slice %arg14[%add3A_34, %dma_wait3A_72] : memref<51200x32xf32, #tpu.memory_space<vmem_shared>> -> memref<256x32xf32, #tpu.memory_space<vmem_shared>>
      tpu.wait_dma2 semaphore(%run_scoped3A : memref<!tpu.dma_semaphore, #tpu.memory_space<semaphore_mem>>) src(%arg12 : memref<256x32xf32, #tpu.memory_space<vmem>>) dst(%dma_wait3A_73 : memref<256x32xf32, #tpu.memory_space<vmem_shared>>)
      tpu.yield
    }) : () -> ()
    %mul3A_35 = arith.constant 3200 : i32
    %mul3A_36 = arith.muli %arg1, %mul3A_35 : i32
    %add3A_37 = arith.constant 2048 : i32
    %add3A_38 = arith.addi %mul3A_36, %add3A_37 : i32
    "tpu.region"() ({
      %run_scoped3A = tpu.sem_alloc : memref<!tpu.dma_semaphore, #tpu.memory_space<semaphore_mem>>
      %dma_start3A = arith.constant 0 : i32
      %dma_start3A_68 = tpu.memref_slice %arg14[%add3A_38, %dma_start3A] : memref<51200x32xf32, #tpu.memory_space<vmem_shared>> -> memref<256x32xf32, #tpu.memory_space<vmem_shared>>
      %dma_start3A_69 = arith.constant 0 : i32
      %dma_start3A_70 = tpu.memref_slice %arg14[%add3A_38, %dma_start3A_69] : memref<51200x32xf32, #tpu.memory_space<vmem_shared>> -> memref<256x32xf32, #tpu.memory_space<vmem_shared>>
      tpu.enqueue_dma source(%arg12 : memref<256x32xf32, #tpu.memory_space<vmem>>) target(%dma_start3A_70 : memref<256x32xf32, #tpu.memory_space<vmem_shared>>) target_semaphore(%run_scoped3A : memref<!tpu.dma_semaphore, #tpu.memory_space<semaphore_mem>>)
      %dma_wait3A = arith.constant 0 : i32
      %dma_wait3A_71 = tpu.memref_slice %arg14[%add3A_38, %dma_wait3A] : memref<51200x32xf32, #tpu.memory_space<vmem_shared>> -> memref<256x32xf32, #tpu.memory_space<vmem_shared>>
      %dma_wait3A_72 = arith.constant 0 : i32
      %dma_wait3A_73 = tpu.memref_slice %arg14[%add3A_38, %dma_wait3A_72] : memref<51200x32xf32, #tpu.memory_space<vmem_shared>> -> memref<256x32xf32, #tpu.memory_space<vmem_shared>>
      tpu.wait_dma2 semaphore(%run_scoped3A : memref<!tpu.dma_semaphore, #tpu.memory_space<semaphore_mem>>) src(%arg12 : memref<256x32xf32, #tpu.memory_space<vmem>>) dst(%dma_wait3A_73 : memref<256x32xf32, #tpu.memory_space<vmem_shared>>)
      tpu.yield
    }) : () -> ()
    %mul3A_39 = arith.constant 3200 : i32
    %mul3A_40 = arith.muli %arg1, %mul3A_39 : i32
    %add3A_41 = arith.constant 2304 : i32
    %add3A_42 = arith.addi %mul3A_40, %add3A_41 : i32
    "tpu.region"() ({
      %run_scoped3A = tpu.sem_alloc : memref<!tpu.dma_semaphore, #tpu.memory_space<semaphore_mem>>
      %dma_start3A = arith.constant 0 : i32
      %dma_start3A_68 = tpu.memref_slice %arg14[%add3A_42, %dma_start3A] : memref<51200x32xf32, #tpu.memory_space<vmem_shared>> -> memref<256x32xf32, #tpu.memory_space<vmem_shared>>
      %dma_start3A_69 = arith.constant 0 : i32
      %dma_start3A_70 = tpu.memref_slice %arg14[%add3A_42, %dma_start3A_69] : memref<51200x32xf32, #tpu.memory_space<vmem_shared>> -> memref<256x32xf32, #tpu.memory_space<vmem_shared>>
      tpu.enqueue_dma source(%arg12 : memref<256x32xf32, #tpu.memory_space<vmem>>) target(%dma_start3A_70 : memref<256x32xf32, #tpu.memory_space<vmem_shared>>) target_semaphore(%run_scoped3A : memref<!tpu.dma_semaphore, #tpu.memory_space<semaphore_mem>>)
      %dma_wait3A = arith.constant 0 : i32
      %dma_wait3A_71 = tpu.memref_slice %arg14[%add3A_42, %dma_wait3A] : memref<51200x32xf32, #tpu.memory_space<vmem_shared>> -> memref<256x32xf32, #tpu.memory_space<vmem_shared>>
      %dma_wait3A_72 = arith.constant 0 : i32
      %dma_wait3A_73 = tpu.memref_slice %arg14[%add3A_42, %dma_wait3A_72] : memref<51200x32xf32, #tpu.memory_space<vmem_shared>> -> memref<256x32xf32, #tpu.memory_space<vmem_shared>>
      tpu.wait_dma2 semaphore(%run_scoped3A : memref<!tpu.dma_semaphore, #tpu.memory_space<semaphore_mem>>) src(%arg12 : memref<256x32xf32, #tpu.memory_space<vmem>>) dst(%dma_wait3A_73 : memref<256x32xf32, #tpu.memory_space<vmem_shared>>)
      tpu.yield
    }) : () -> ()
    %mul3A_43 = arith.constant 3200 : i32
    %mul3A_44 = arith.muli %arg1, %mul3A_43 : i32
    %add3A_45 = arith.constant 2560 : i32
    %add3A_46 = arith.addi %mul3A_44, %add3A_45 : i32
    "tpu.region"() ({
      %run_scoped3A = tpu.sem_alloc : memref<!tpu.dma_semaphore, #tpu.memory_space<semaphore_mem>>
      %dma_start3A = arith.constant 0 : i32
      %dma_start3A_68 = tpu.memref_slice %arg14[%add3A_46, %dma_start3A] : memref<51200x32xf32, #tpu.memory_space<vmem_shared>> -> memref<256x32xf32, #tpu.memory_space<vmem_shared>>
      %dma_start3A_69 = arith.constant 0 : i32
      %dma_start3A_70 = tpu.memref_slice %arg14[%add3A_46, %dma_start3A_69] : memref<51200x32xf32, #tpu.memory_space<vmem_shared>> -> memref<256x32xf32, #tpu.memory_space<vmem_shared>>
      tpu.enqueue_dma source(%arg12 : memref<256x32xf32, #tpu.memory_space<vmem>>) target(%dma_start3A_70 : memref<256x32xf32, #tpu.memory_space<vmem_shared>>) target_semaphore(%run_scoped3A : memref<!tpu.dma_semaphore, #tpu.memory_space<semaphore_mem>>)
      %dma_wait3A = arith.constant 0 : i32
      %dma_wait3A_71 = tpu.memref_slice %arg14[%add3A_46, %dma_wait3A] : memref<51200x32xf32, #tpu.memory_space<vmem_shared>> -> memref<256x32xf32, #tpu.memory_space<vmem_shared>>
      %dma_wait3A_72 = arith.constant 0 : i32
      %dma_wait3A_73 = tpu.memref_slice %arg14[%add3A_46, %dma_wait3A_72] : memref<51200x32xf32, #tpu.memory_space<vmem_shared>> -> memref<256x32xf32, #tpu.memory_space<vmem_shared>>
      tpu.wait_dma2 semaphore(%run_scoped3A : memref<!tpu.dma_semaphore, #tpu.memory_space<semaphore_mem>>) src(%arg12 : memref<256x32xf32, #tpu.memory_space<vmem>>) dst(%dma_wait3A_73 : memref<256x32xf32, #tpu.memory_space<vmem_shared>>)
      tpu.yield
    }) : () -> ()
    %mul3A_47 = arith.constant 3200 : i32
    %mul3A_48 = arith.muli %arg1, %mul3A_47 : i32
    %add3A_49 = arith.constant 2816 : i32
    %add3A_50 = arith.addi %mul3A_48, %add3A_49 : i32
    "tpu.region"() ({
      %run_scoped3A = tpu.sem_alloc : memref<!tpu.dma_semaphore, #tpu.memory_space<semaphore_mem>>
      %dma_start3A = arith.constant 0 : i32
      %dma_start3A_68 = tpu.memref_slice %arg14[%add3A_50, %dma_start3A] : memref<51200x32xf32, #tpu.memory_space<vmem_shared>> -> memref<256x32xf32, #tpu.memory_space<vmem_shared>>
      %dma_start3A_69 = arith.constant 0 : i32
      %dma_start3A_70 = tpu.memref_slice %arg14[%add3A_50, %dma_start3A_69] : memref<51200x32xf32, #tpu.memory_space<vmem_shared>> -> memref<256x32xf32, #tpu.memory_space<vmem_shared>>
      tpu.enqueue_dma source(%arg12 : memref<256x32xf32, #tpu.memory_space<vmem>>) target(%dma_start3A_70 : memref<256x32xf32, #tpu.memory_space<vmem_shared>>) target_semaphore(%run_scoped3A : memref<!tpu.dma_semaphore, #tpu.memory_space<semaphore_mem>>)
      %dma_wait3A = arith.constant 0 : i32
      %dma_wait3A_71 = tpu.memref_slice %arg14[%add3A_50, %dma_wait3A] : memref<51200x32xf32, #tpu.memory_space<vmem_shared>> -> memref<256x32xf32, #tpu.memory_space<vmem_shared>>
      %dma_wait3A_72 = arith.constant 0 : i32
      %dma_wait3A_73 = tpu.memref_slice %arg14[%add3A_50, %dma_wait3A_72] : memref<51200x32xf32, #tpu.memory_space<vmem_shared>> -> memref<256x32xf32, #tpu.memory_space<vmem_shared>>
      tpu.wait_dma2 semaphore(%run_scoped3A : memref<!tpu.dma_semaphore, #tpu.memory_space<semaphore_mem>>) src(%arg12 : memref<256x32xf32, #tpu.memory_space<vmem>>) dst(%dma_wait3A_73 : memref<256x32xf32, #tpu.memory_space<vmem_shared>>)
      tpu.yield
    }) : () -> ()
    %mul3A_51 = arith.constant 3200 : i32
    %mul3A_52 = arith.muli %arg1, %mul3A_51 : i32
    %add3A_53 = arith.constant 3072 : i32
    %add3A_54 = arith.addi %mul3A_52, %add3A_53 : i32
    "tpu.region"() ({
      %run_scoped3A = tpu.sem_alloc : memref<!tpu.dma_semaphore, #tpu.memory_space<semaphore_mem>>
      %dma_start3A = arith.constant 0 : i32
      %dma_start3A_68 = arith.constant 0 : i32
      %dma_start3A_69 = tpu.memref_slice %arg12[%dma_start3A, %dma_start3A_68] : memref<256x32xf32, #tpu.memory_space<vmem>> -> memref<128x32xf32, #tpu.memory_space<vmem>>
      %dma_start3A_70 = arith.constant 0 : i32
      %dma_start3A_71 = tpu.memref_slice %arg14[%add3A_54, %dma_start3A_70] : memref<51200x32xf32, #tpu.memory_space<vmem_shared>> -> memref<128x32xf32, #tpu.memory_space<vmem_shared>>
      %dma_start3A_72 = arith.constant 0 : i32
      %dma_start3A_73 = tpu.memref_slice %arg14[%add3A_54, %dma_start3A_72] : memref<51200x32xf32, #tpu.memory_space<vmem_shared>> -> memref<128x32xf32, #tpu.memory_space<vmem_shared>>
      %dma_start3A_74 = arith.constant 0 : i32
      %dma_start3A_75 = arith.constant 0 : i32
      %dma_start3A_76 = tpu.memref_slice %arg12[%dma_start3A_74, %dma_start3A_75] : memref<256x32xf32, #tpu.memory_space<vmem>> -> memref<128x32xf32, #tpu.memory_space<vmem>>
      tpu.enqueue_dma source(%dma_start3A_76 : memref<128x32xf32, #tpu.memory_space<vmem>>) target(%dma_start3A_73 : memref<128x32xf32, #tpu.memory_space<vmem_shared>>) target_semaphore(%run_scoped3A : memref<!tpu.dma_semaphore, #tpu.memory_space<semaphore_mem>>)
      %dma_wait3A = arith.constant 0 : i32
      %dma_wait3A_77 = arith.constant 0 : i32
      %dma_wait3A_78 = tpu.memref_slice %arg12[%dma_wait3A, %dma_wait3A_77] : memref<256x32xf32, #tpu.memory_space<vmem>> -> memref<128x32xf32, #tpu.memory_space<vmem>>
      %dma_wait3A_79 = arith.constant 0 : i32
      %dma_wait3A_80 = tpu.memref_slice %arg14[%add3A_54, %dma_wait3A_79] : memref<51200x32xf32, #tpu.memory_space<vmem_shared>> -> memref<128x32xf32, #tpu.memory_space<vmem_shared>>
      %dma_wait3A_81 = arith.constant 0 : i32
      %dma_wait3A_82 = tpu.memref_slice %arg14[%add3A_54, %dma_wait3A_81] : memref<51200x32xf32, #tpu.memory_space<vmem_shared>> -> memref<128x32xf32, #tpu.memory_space<vmem_shared>>
      %dma_wait3A_83 = arith.constant 0 : i32
      %dma_wait3A_84 = arith.constant 0 : i32
      %dma_wait3A_85 = tpu.memref_slice %arg12[%dma_wait3A_83, %dma_wait3A_84] : memref<256x32xf32, #tpu.memory_space<vmem>> -> memref<128x32xf32, #tpu.memory_space<vmem>>
      tpu.wait_dma2 semaphore(%run_scoped3A : memref<!tpu.dma_semaphore, #tpu.memory_space<semaphore_mem>>) src(%dma_wait3A_85 : memref<128x32xf32, #tpu.memory_space<vmem>>) dst(%dma_wait3A_82 : memref<128x32xf32, #tpu.memory_space<vmem_shared>>)
      tpu.yield
    }) : () -> ()
    %barrier3A = arith.constant 0 : index
    tpu.barrier barrier_id(%barrier3A)
    %scan3A_55 = arith.constant 0 : i32
    %scan3A_56 = arith.constant 196 : i32
    %scan3A_57 = arith.addi %scan3A_55, %scan3A_56 : i32
    %scan3A_58 = arith.constant 1 : i32
    scf.for %scan3A_68 = %scan3A_55 to %scan3A_57 step %scan3A_58  : i32 {
      %mul3A_69 = arith.constant 1 : i32
      %mul3A_70 = arith.muli %scan3A_68, %mul3A_69 : i32
      %add3A_71 = arith.constant 0 : i32
      %add3A_72 = arith.addi %add3A_71, %mul3A_70 : i32
      %mul3A_73 = arith.constant 196 : i32
      %mul3A_74 = arith.muli %arg1, %mul3A_73 : i32
      %add3A_75 = arith.addi %mul3A_74, %add3A_72 : i32
      %mul3A_76 = arith.constant 2 : i32
      %mul3A_77 = arith.muli %add3A_75, %mul3A_76 : i32
      %mul3A_78 = arith.constant 6272 : i32
      %mul3A_79 = arith.muli %arg0, %mul3A_78 : i32
      %add3A_80 = arith.addi %mul3A_79, %mul3A_77 : i32
      "tpu.region"() ({
        %run_scoped3A = tpu.sem_alloc : memref<!tpu.dma_semaphore, #tpu.memory_space<semaphore_mem>>
        %dma_start3A_169 = arith.constant 0 : i32
        %dma_start3A_170 = tpu.memref_slice %arg4[%add3A_80, %dma_start3A_169] : memref<12544x128xi32, #tpu.memory_space<hbm>> -> memref<2x128xi32, #tpu.memory_space<hbm>>
        %dma_start3A_171 = arith.constant 0 : i32
        %dma_start3A_172 = tpu.memref_slice %arg4[%add3A_80, %dma_start3A_171] : memref<12544x128xi32, #tpu.memory_space<hbm>> -> memref<2x128xi32, #tpu.memory_space<hbm>>
        tpu.enqueue_dma source(%dma_start3A_172 : memref<2x128xi32, #tpu.memory_space<hbm>>) target(%arg8 : memref<2x128xi32, #tpu.memory_space<vmem>>) target_semaphore(%run_scoped3A : memref<!tpu.dma_semaphore, #tpu.memory_space<semaphore_mem>>)
        %dma_wait3A_173 = arith.constant 0 : i32
        %dma_wait3A_174 = tpu.memref_slice %arg4[%add3A_80, %dma_wait3A_173] : memref<12544x128xi32, #tpu.memory_space<hbm>> -> memref<2x128xi32, #tpu.memory_space<hbm>>
        %dma_wait3A_175 = arith.constant 0 : i32
        %dma_wait3A_176 = tpu.memref_slice %arg4[%add3A_80, %dma_wait3A_175] : memref<12544x128xi32, #tpu.memory_space<hbm>> -> memref<2x128xi32, #tpu.memory_space<hbm>>
        tpu.wait_dma2 semaphore(%run_scoped3A : memref<!tpu.dma_semaphore, #tpu.memory_space<semaphore_mem>>) src(%dma_wait3A_176 : memref<2x128xi32, #tpu.memory_space<hbm>>) dst(%arg8 : memref<2x128xi32, #tpu.memory_space<vmem>>)
        tpu.yield
      }) : () -> ()
      %mul3A_81 = arith.constant 6272 : i32
      %mul3A_82 = arith.muli %arg0, %mul3A_81 : i32
      %add3A_83 = arith.addi %mul3A_82, %mul3A_77 : i32
      "tpu.region"() ({
        %run_scoped3A = tpu.sem_alloc : memref<!tpu.dma_semaphore, #tpu.memory_space<semaphore_mem>>
        %dma_start3A_169 = arith.constant 0 : i32
        %dma_start3A_170 = tpu.memref_slice %arg6[%add3A_83, %dma_start3A_169] : memref<12544x128xi32, #tpu.memory_space<hbm>> -> memref<2x128xi32, #tpu.memory_space<hbm>>
        %dma_start3A_171 = arith.constant 0 : i32
        %dma_start3A_172 = tpu.memref_slice %arg6[%add3A_83, %dma_start3A_171] : memref<12544x128xi32, #tpu.memory_space<hbm>> -> memref<2x128xi32, #tpu.memory_space<hbm>>
        tpu.enqueue_dma source(%dma_start3A_172 : memref<2x128xi32, #tpu.memory_space<hbm>>) target(%arg11 : memref<2x128xi32, #tpu.memory_space<vmem>>) target_semaphore(%run_scoped3A : memref<!tpu.dma_semaphore, #tpu.memory_space<semaphore_mem>>)
        %dma_wait3A_173 = arith.constant 0 : i32
        %dma_wait3A_174 = tpu.memref_slice %arg6[%add3A_83, %dma_wait3A_173] : memref<12544x128xi32, #tpu.memory_space<hbm>> -> memref<2x128xi32, #tpu.memory_space<hbm>>
        %dma_wait3A_175 = arith.constant 0 : i32
        %dma_wait3A_176 = tpu.memref_slice %arg6[%add3A_83, %dma_wait3A_175] : memref<12544x128xi32, #tpu.memory_space<hbm>> -> memref<2x128xi32, #tpu.memory_space<hbm>>
        tpu.wait_dma2 semaphore(%run_scoped3A : memref<!tpu.dma_semaphore, #tpu.memory_space<semaphore_mem>>) src(%dma_wait3A_176 : memref<2x128xi32, #tpu.memory_space<hbm>>) dst(%arg11 : memref<2x128xi32, #tpu.memory_space<vmem>>)
        tpu.yield
      }) : () -> ()
      "tpu.region"() ({
        %run_scoped3A = tpu.sem_alloc : memref<!tpu.dma_semaphore, #tpu.memory_space<semaphore_mem>>
        %dma_start3A_169 = arith.constant 0 : i32
        %dma_start3A_170 = tpu.memref_slice %arg5[%mul3A_77, %dma_start3A_169] : memref<6272x128xi32, #tpu.memory_space<hbm>> -> memref<1x128xi32, #tpu.memory_space<hbm>>
        %dma_start3A_171 = tpu.memref_squeeze %dma_start3A_170 : memref<1x128xi32, #tpu.memory_space<hbm>> -> memref<128xi32, #tpu.memory_space<hbm>>
        %dma_start3A_172 = arith.constant 0 : i32
        %dma_start3A_173 = tpu.memref_slice %arg5[%mul3A_77, %dma_start3A_172] : memref<6272x128xi32, #tpu.memory_space<hbm>> -> memref<1x128xi32, #tpu.memory_space<hbm>>
        %dma_start3A_174 = tpu.memref_squeeze %dma_start3A_173 : memref<1x128xi32, #tpu.memory_space<hbm>> -> memref<128xi32, #tpu.memory_space<hbm>>
        tpu.enqueue_dma source(%dma_start3A_174 : memref<128xi32, #tpu.memory_space<hbm>>) target(%arg9 : memref<128xi32, #tpu.memory_space<vmem>>) target_semaphore(%run_scoped3A : memref<!tpu.dma_semaphore, #tpu.memory_space<semaphore_mem>>)
        %dma_wait3A_175 = arith.constant 0 : i32
        %dma_wait3A_176 = tpu.memref_slice %arg5[%mul3A_77, %dma_wait3A_175] : memref<6272x128xi32, #tpu.memory_space<hbm>> -> memref<1x128xi32, #tpu.memory_space<hbm>>
        %dma_wait3A_177 = tpu.memref_squeeze %dma_wait3A_176 : memref<1x128xi32, #tpu.memory_space<hbm>> -> memref<128xi32, #tpu.memory_space<hbm>>
        %dma_wait3A_178 = arith.constant 0 : i32
        %dma_wait3A_179 = tpu.memref_slice %arg5[%mul3A_77, %dma_wait3A_178] : memref<6272x128xi32, #tpu.memory_space<hbm>> -> memref<1x128xi32, #tpu.memory_space<hbm>>
        %dma_wait3A_180 = tpu.memref_squeeze %dma_wait3A_179 : memref<1x128xi32, #tpu.memory_space<hbm>> -> memref<128xi32, #tpu.memory_space<hbm>>
        tpu.wait_dma2 semaphore(%run_scoped3A : memref<!tpu.dma_semaphore, #tpu.memory_space<semaphore_mem>>) src(%dma_wait3A_180 : memref<128xi32, #tpu.memory_space<hbm>>) dst(%arg9 : memref<128xi32, #tpu.memory_space<vmem>>)
        tpu.yield
      }) : () -> ()
      %add3A_84 = arith.constant 1 : i32
      %add3A_85 = arith.addi %mul3A_77, %add3A_84 : i32
      "tpu.region"() ({
        %run_scoped3A = tpu.sem_alloc : memref<!tpu.dma_semaphore, #tpu.memory_space<semaphore_mem>>
        %dma_start3A_169 = arith.constant 0 : i32
        %dma_start3A_170 = tpu.memref_slice %arg5[%add3A_85, %dma_start3A_169] : memref<6272x128xi32, #tpu.memory_space<hbm>> -> memref<1x128xi32, #tpu.memory_space<hbm>>
        %dma_start3A_171 = tpu.memref_squeeze %dma_start3A_170 : memref<1x128xi32, #tpu.memory_space<hbm>> -> memref<128xi32, #tpu.memory_space<hbm>>
        %dma_start3A_172 = arith.constant 0 : i32
        %dma_start3A_173 = tpu.memref_slice %arg5[%add3A_85, %dma_start3A_172] : memref<6272x128xi32, #tpu.memory_space<hbm>> -> memref<1x128xi32, #tpu.memory_space<hbm>>
        %dma_start3A_174 = tpu.memref_squeeze %dma_start3A_173 : memref<1x128xi32, #tpu.memory_space<hbm>> -> memref<128xi32, #tpu.memory_space<hbm>>
        tpu.enqueue_dma source(%dma_start3A_174 : memref<128xi32, #tpu.memory_space<hbm>>) target(%arg10 : memref<128xi32, #tpu.memory_space<vmem>>) target_semaphore(%run_scoped3A : memref<!tpu.dma_semaphore, #tpu.memory_space<semaphore_mem>>)
        %dma_wait3A_175 = arith.constant 0 : i32
        %dma_wait3A_176 = tpu.memref_slice %arg5[%add3A_85, %dma_wait3A_175] : memref<6272x128xi32, #tpu.memory_space<hbm>> -> memref<1x128xi32, #tpu.memory_space<hbm>>
        %dma_wait3A_177 = tpu.memref_squeeze %dma_wait3A_176 : memref<1x128xi32, #tpu.memory_space<hbm>> -> memref<128xi32, #tpu.memory_space<hbm>>
        %dma_wait3A_178 = arith.constant 0 : i32
        %dma_wait3A_179 = tpu.memref_slice %arg5[%add3A_85, %dma_wait3A_178] : memref<6272x128xi32, #tpu.memory_space<hbm>> -> memref<1x128xi32, #tpu.memory_space<hbm>>
        %dma_wait3A_180 = tpu.memref_squeeze %dma_wait3A_179 : memref<1x128xi32, #tpu.memory_space<hbm>> -> memref<128xi32, #tpu.memory_space<hbm>>
        tpu.wait_dma2 semaphore(%run_scoped3A : memref<!tpu.dma_semaphore, #tpu.memory_space<semaphore_mem>>) src(%dma_wait3A_180 : memref<128xi32, #tpu.memory_space<hbm>>) dst(%arg10 : memref<128xi32, #tpu.memory_space<vmem>>)
        tpu.yield
      }) : () -> ()
      %dma_start3A = arith.constant 0 : i32
      %dma_start3A_86 = arith.constant 0 : i32
      %dma_start3A_87 = arith.constant 0 : i32
      %dma_start3A_88 = tpu.memref_slice %arg12[%dma_start3A_86, %dma_start3A_87] : memref<256x32xf32, #tpu.memory_space<vmem>> -> memref<128x32xf32, #tpu.memory_space<vmem>>
      %dma_start3A_89 = arith.constant 0 : i32
      %dma_start3A_90 = tpu.memref_slice %arg8[%dma_start3A, %dma_start3A_89] : memref<2x128xi32, #tpu.memory_space<vmem>> -> memref<1x128xi32, #tpu.memory_space<vmem>>
      %dma_start3A_91 = tpu.memref_squeeze %dma_start3A_90 : memref<1x128xi32, #tpu.memory_space<vmem>> -> memref<128xi32, #tpu.memory_space<vmem>>
      %dma_start3A_92 = arith.constant 0 : i32
      %dma_start3A_93 = arith.constant 0 : i32
      %dma_start3A_94 = tpu.memref_slice %arg2[%dma_start3A_92, %dma_start3A_93] : memref<102400x32xf32, #tpu.memory_space<hbm>> -> memref<102400x32xf32, #tpu.memory_space<hbm>>
      tpu.enqueue_indirect_dma source(%dma_start3A_94 : memref<102400x32xf32, #tpu.memory_space<hbm>>) target(%dma_start3A_88 : memref<128x32xf32, #tpu.memory_space<vmem>>) offsets(%dma_start3A_91 : memref<128xi32, #tpu.memory_space<vmem>>) semaphore(%arg15 : memref<!tpu.dma_semaphore, #tpu.memory_space<semaphore_mem>>)
      %dma_start3A_95 = arith.constant 0 : i32
      %dma_start3A_96 = arith.constant 0 : i32
      %dma_start3A_97 = arith.constant 0 : i32
      %dma_start3A_98 = tpu.memref_slice %arg13[%dma_start3A_96, %dma_start3A_97] : memref<256x32xf32, #tpu.memory_space<vmem>> -> memref<128x32xf32, #tpu.memory_space<vmem>>
      %dma_start3A_99 = arith.constant 0 : i32
      %dma_start3A_100 = tpu.memref_slice %arg11[%dma_start3A_95, %dma_start3A_99] : memref<2x128xi32, #tpu.memory_space<vmem>> -> memref<1x128xi32, #tpu.memory_space<vmem>>
      %dma_start3A_101 = tpu.memref_squeeze %dma_start3A_100 : memref<1x128xi32, #tpu.memory_space<vmem>> -> memref<128xi32, #tpu.memory_space<vmem>>
      %dma_start3A_102 = arith.constant 0 : i32
      %dma_start3A_103 = arith.constant 0 : i32
      %dma_start3A_104 = tpu.memref_slice %arg3[%dma_start3A_102, %dma_start3A_103] : memref<1024x32xf32, #tpu.memory_space<hbm>> -> memref<1024x32xf32, #tpu.memory_space<hbm>>
      tpu.enqueue_indirect_dma source(%dma_start3A_104 : memref<1024x32xf32, #tpu.memory_space<hbm>>) target(%dma_start3A_98 : memref<128x32xf32, #tpu.memory_space<vmem>>) offsets(%dma_start3A_101 : memref<128xi32, #tpu.memory_space<vmem>>) semaphore(%arg16 : memref<!tpu.dma_semaphore, #tpu.memory_space<semaphore_mem>>)
      %dma_start3A_105 = arith.constant 1 : i32
      %dma_start3A_106 = arith.constant 128 : i32
      %dma_start3A_107 = arith.constant 0 : i32
      %dma_start3A_108 = tpu.memref_slice %arg12[%dma_start3A_106, %dma_start3A_107] : memref<256x32xf32, #tpu.memory_space<vmem>> -> memref<128x32xf32, #tpu.memory_space<vmem>>
      %dma_start3A_109 = arith.constant 0 : i32
      %dma_start3A_110 = tpu.memref_slice %arg8[%dma_start3A_105, %dma_start3A_109] : memref<2x128xi32, #tpu.memory_space<vmem>> -> memref<1x128xi32, #tpu.memory_space<vmem>>
      %dma_start3A_111 = tpu.memref_squeeze %dma_start3A_110 : memref<1x128xi32, #tpu.memory_space<vmem>> -> memref<128xi32, #tpu.memory_space<vmem>>
      %dma_start3A_112 = arith.constant 0 : i32
      %dma_start3A_113 = arith.constant 0 : i32
      %dma_start3A_114 = tpu.memref_slice %arg2[%dma_start3A_112, %dma_start3A_113] : memref<102400x32xf32, #tpu.memory_space<hbm>> -> memref<102400x32xf32, #tpu.memory_space<hbm>>
      tpu.enqueue_indirect_dma source(%dma_start3A_114 : memref<102400x32xf32, #tpu.memory_space<hbm>>) target(%dma_start3A_108 : memref<128x32xf32, #tpu.memory_space<vmem>>) offsets(%dma_start3A_111 : memref<128xi32, #tpu.memory_space<vmem>>) semaphore(%arg15 : memref<!tpu.dma_semaphore, #tpu.memory_space<semaphore_mem>>)
      %dma_start3A_115 = arith.constant 1 : i32
      %dma_start3A_116 = arith.constant 128 : i32
      %dma_start3A_117 = arith.constant 0 : i32
      %dma_start3A_118 = tpu.memref_slice %arg13[%dma_start3A_116, %dma_start3A_117] : memref<256x32xf32, #tpu.memory_space<vmem>> -> memref<128x32xf32, #tpu.memory_space<vmem>>
      %dma_start3A_119 = arith.constant 0 : i32
      %dma_start3A_120 = tpu.memref_slice %arg11[%dma_start3A_115, %dma_start3A_119] : memref<2x128xi32, #tpu.memory_space<vmem>> -> memref<1x128xi32, #tpu.memory_space<vmem>>
      %dma_start3A_121 = tpu.memref_squeeze %dma_start3A_120 : memref<1x128xi32, #tpu.memory_space<vmem>> -> memref<128xi32, #tpu.memory_space<vmem>>
      %dma_start3A_122 = arith.constant 0 : i32
      %dma_start3A_123 = arith.constant 0 : i32
      %dma_start3A_124 = tpu.memref_slice %arg3[%dma_start3A_122, %dma_start3A_123] : memref<1024x32xf32, #tpu.memory_space<hbm>> -> memref<1024x32xf32, #tpu.memory_space<hbm>>
      tpu.enqueue_indirect_dma source(%dma_start3A_124 : memref<1024x32xf32, #tpu.memory_space<hbm>>) target(%dma_start3A_118 : memref<128x32xf32, #tpu.memory_space<vmem>>) offsets(%dma_start3A_121 : memref<128xi32, #tpu.memory_space<vmem>>) semaphore(%arg16 : memref<!tpu.dma_semaphore, #tpu.memory_space<semaphore_mem>>)
      %dma_wait3A = arith.constant 0 : i32
      %dma_wait3A_125 = arith.constant 0 : i32
      %dma_wait3A_126 = arith.constant 0 : i32
      %dma_wait3A_127 = tpu.memref_slice %arg12[%dma_wait3A_125, %dma_wait3A_126] : memref<256x32xf32, #tpu.memory_space<vmem>> -> memref<128x32xf32, #tpu.memory_space<vmem>>
      %dma_wait3A_128 = arith.constant 0 : i32
      %dma_wait3A_129 = tpu.memref_slice %arg8[%dma_wait3A, %dma_wait3A_128] : memref<2x128xi32, #tpu.memory_space<vmem>> -> memref<1x128xi32, #tpu.memory_space<vmem>>
      %dma_wait3A_130 = tpu.memref_squeeze %dma_wait3A_129 : memref<1x128xi32, #tpu.memory_space<vmem>> -> memref<128xi32, #tpu.memory_space<vmem>>
      %dma_wait3A_131 = arith.constant 0 : i32
      %dma_wait3A_132 = arith.constant 0 : i32
      %dma_wait3A_133 = tpu.memref_slice %arg2[%dma_wait3A_131, %dma_wait3A_132] : memref<102400x32xf32, #tpu.memory_space<hbm>> -> memref<102400x32xf32, #tpu.memory_space<hbm>>
      tpu.wait_indirect_dma semaphore(%arg15 : memref<!tpu.dma_semaphore, #tpu.memory_space<semaphore_mem>>) src(%dma_wait3A_133 : memref<102400x32xf32, #tpu.memory_space<hbm>>) dst(%dma_wait3A_127 : memref<128x32xf32, #tpu.memory_space<vmem>>)
      %dma_wait3A_134 = arith.constant 0 : i32
      %dma_wait3A_135 = arith.constant 0 : i32
      %dma_wait3A_136 = arith.constant 0 : i32
      %dma_wait3A_137 = tpu.memref_slice %arg13[%dma_wait3A_135, %dma_wait3A_136] : memref<256x32xf32, #tpu.memory_space<vmem>> -> memref<128x32xf32, #tpu.memory_space<vmem>>
      %dma_wait3A_138 = arith.constant 0 : i32
      %dma_wait3A_139 = tpu.memref_slice %arg11[%dma_wait3A_134, %dma_wait3A_138] : memref<2x128xi32, #tpu.memory_space<vmem>> -> memref<1x128xi32, #tpu.memory_space<vmem>>
      %dma_wait3A_140 = tpu.memref_squeeze %dma_wait3A_139 : memref<1x128xi32, #tpu.memory_space<vmem>> -> memref<128xi32, #tpu.memory_space<vmem>>
      %dma_wait3A_141 = arith.constant 0 : i32
      %dma_wait3A_142 = arith.constant 0 : i32
      %dma_wait3A_143 = tpu.memref_slice %arg3[%dma_wait3A_141, %dma_wait3A_142] : memref<1024x32xf32, #tpu.memory_space<hbm>> -> memref<1024x32xf32, #tpu.memory_space<hbm>>
      tpu.wait_indirect_dma semaphore(%arg16 : memref<!tpu.dma_semaphore, #tpu.memory_space<semaphore_mem>>) src(%dma_wait3A_143 : memref<1024x32xf32, #tpu.memory_space<hbm>>) dst(%dma_wait3A_137 : memref<128x32xf32, #tpu.memory_space<vmem>>)
      %dma_wait3A_144 = arith.constant 1 : i32
      %dma_wait3A_145 = arith.constant 128 : i32
      %dma_wait3A_146 = arith.constant 0 : i32
      %dma_wait3A_147 = tpu.memref_slice %arg12[%dma_wait3A_145, %dma_wait3A_146] : memref<256x32xf32, #tpu.memory_space<vmem>> -> memref<128x32xf32, #tpu.memory_space<vmem>>
      %dma_wait3A_148 = arith.constant 0 : i32
      %dma_wait3A_149 = tpu.memref_slice %arg8[%dma_wait3A_144, %dma_wait3A_148] : memref<2x128xi32, #tpu.memory_space<vmem>> -> memref<1x128xi32, #tpu.memory_space<vmem>>
      %dma_wait3A_150 = tpu.memref_squeeze %dma_wait3A_149 : memref<1x128xi32, #tpu.memory_space<vmem>> -> memref<128xi32, #tpu.memory_space<vmem>>
      %dma_wait3A_151 = arith.constant 0 : i32
      %dma_wait3A_152 = arith.constant 0 : i32
      %dma_wait3A_153 = tpu.memref_slice %arg2[%dma_wait3A_151, %dma_wait3A_152] : memref<102400x32xf32, #tpu.memory_space<hbm>> -> memref<102400x32xf32, #tpu.memory_space<hbm>>
      tpu.wait_indirect_dma semaphore(%arg15 : memref<!tpu.dma_semaphore, #tpu.memory_space<semaphore_mem>>) src(%dma_wait3A_153 : memref<102400x32xf32, #tpu.memory_space<hbm>>) dst(%dma_wait3A_147 : memref<128x32xf32, #tpu.memory_space<vmem>>)
      %dma_wait3A_154 = arith.constant 1 : i32
      %dma_wait3A_155 = arith.constant 128 : i32
      %dma_wait3A_156 = arith.constant 0 : i32
      %dma_wait3A_157 = tpu.memref_slice %arg13[%dma_wait3A_155, %dma_wait3A_156] : memref<256x32xf32, #tpu.memory_space<vmem>> -> memref<128x32xf32, #tpu.memory_space<vmem>>
      %dma_wait3A_158 = arith.constant 0 : i32
      %dma_wait3A_159 = tpu.memref_slice %arg11[%dma_wait3A_154, %dma_wait3A_158] : memref<2x128xi32, #tpu.memory_space<vmem>> -> memref<1x128xi32, #tpu.memory_space<vmem>>
      %dma_wait3A_160 = tpu.memref_squeeze %dma_wait3A_159 : memref<1x128xi32, #tpu.memory_space<vmem>> -> memref<128xi32, #tpu.memory_space<vmem>>
      %dma_wait3A_161 = arith.constant 0 : i32
      %dma_wait3A_162 = arith.constant 0 : i32
      %dma_wait3A_163 = tpu.memref_slice %arg3[%dma_wait3A_161, %dma_wait3A_162] : memref<1024x32xf32, #tpu.memory_space<hbm>> -> memref<1024x32xf32, #tpu.memory_space<hbm>>
      tpu.wait_indirect_dma semaphore(%arg16 : memref<!tpu.dma_semaphore, #tpu.memory_space<semaphore_mem>>) src(%dma_wait3A_163 : memref<1024x32xf32, #tpu.memory_space<hbm>>) dst(%dma_wait3A_157 : memref<128x32xf32, #tpu.memory_space<vmem>>)
      %scan3A_164 = arith.constant 0 : i32
      %scan3A_165 = arith.constant 256 : i32
      %scan3A_166 = arith.addi %scan3A_164, %scan3A_165 : i32
      %scan3A_167 = arith.constant 4 : i32
      scf.for %scan3A_169 = %scan3A_164 to %scan3A_166 step %scan3A_167  : i32 {
        %mul3A_170 = arith.constant 1 : i32
        %mul3A_171 = arith.muli %scan3A_169, %mul3A_170 : i32
        %add3A_172 = arith.constant 0 : i32
        %add3A_173 = arith.addi %add3A_172, %mul3A_171 : i32
        %get3A = arith.index_cast %add3A_173 : i32 to index
        %get3A_174 = arith.constant 0 : index
        %get3A_175 = tpu.vector_load %arg12[%get3A, %get3A_174] {strides = array<i32>} : memref<256x32xf32, #tpu.memory_space<vmem>>, vector<1x16xf32>,
        %get3A_176 = vector.shape_cast %get3A_175 : vector<1x16xf32> to vector<16xf32>
        %get3A_177 = arith.index_cast %add3A_173 : i32 to index
        %get3A_178 = arith.constant 0 : index
        %get3A_179 = tpu.vector_load %arg13[%get3A_177, %get3A_178] {strides = array<i32>} : memref<256x32xf32, #tpu.memory_space<vmem>>, vector<1x16xf32>,
        %get3A_180 = vector.shape_cast %get3A_179 : vector<1x16xf32> to vector<16xf32>
        %add3A_181 = arith.addf %get3A_176, %get3A_180 : vector<16xf32>
        %max3A = arith.constant 0.000000e+00 : f32
        %max3A_182 = vector.broadcast %max3A : f32 to vector<16xf32>
        %max3A_183 = arith.maximumf %add3A_181, %max3A_182 : vector<16xf32>
        %swap3A = arith.index_cast %add3A_173 : i32 to index
        %swap3A_184 = arith.constant 0 : index
        %swap3A_185 = tpu.vector_load %arg12[%swap3A, %swap3A_184] {strides = array<i32>} : memref<256x32xf32, #tpu.memory_space<vmem>>, vector<1x16xf32>,
        %swap3A_186 = vector.shape_cast %swap3A_185 : vector<1x16xf32> to vector<16xf32>
        %swap3A_187 = vector.shape_cast %max3A_183 : vector<16xf32> to vector<1x16xf32>
        tpu.vector_store %arg12[%swap3A, %swap3A_184], %swap3A_187 {strides = array<i32>} : memref<256x32xf32, #tpu.memory_space<vmem>>, vector<1x16xf32>,
        %get3A_188 = arith.index_cast %add3A_173 : i32 to index
        %get3A_189 = arith.constant 16 : index
        %get3A_190 = tpu.vector_load %arg12[%get3A_188, %get3A_189] {strides = array<i32>} : memref<256x32xf32, #tpu.memory_space<vmem>>, vector<1x16xf32>,
        %get3A_191 = vector.shape_cast %get3A_190 : vector<1x16xf32> to vector<16xf32>
        %get3A_192 = arith.index_cast %add3A_173 : i32 to index
        %get3A_193 = arith.constant 16 : index
        %get3A_194 = tpu.vector_load %arg13[%get3A_192, %get3A_193] {strides = array<i32>} : memref<256x32xf32, #tpu.memory_space<vmem>>, vector<1x16xf32>,
        %get3A_195 = vector.shape_cast %get3A_194 : vector<1x16xf32> to vector<16xf32>
        %add3A_196 = arith.addf %get3A_191, %get3A_195 : vector<16xf32>
        %max3A_197 = arith.constant 0.000000e+00 : f32
        %max3A_198 = vector.broadcast %max3A_197 : f32 to vector<16xf32>
        %max3A_199 = arith.maximumf %add3A_196, %max3A_198 : vector<16xf32>
        %swap3A_200 = arith.index_cast %add3A_173 : i32 to index
        %swap3A_201 = arith.constant 16 : index
        %swap3A_202 = tpu.vector_load %arg12[%swap3A_200, %swap3A_201] {strides = array<i32>} : memref<256x32xf32, #tpu.memory_space<vmem>>, vector<1x16xf32>,
        %swap3A_203 = vector.shape_cast %swap3A_202 : vector<1x16xf32> to vector<16xf32>
        %swap3A_204 = vector.shape_cast %max3A_199 : vector<16xf32> to vector<1x16xf32>
        tpu.vector_store %arg12[%swap3A_200, %swap3A_201], %swap3A_204 {strides = array<i32>} : memref<256x32xf32, #tpu.memory_space<vmem>>, vector<1x16xf32>,
        %scan3A_205 = arith.constant 1 : i32
        %scan3A_206 = arith.addi %scan3A_169, %scan3A_205 : i32
        %mul3A_207 = arith.constant 1 : i32
        %mul3A_208 = arith.muli %scan3A_206, %mul3A_207 : i32
        %add3A_209 = arith.constant 0 : i32
        %add3A_210 = arith.addi %add3A_209, %mul3A_208 : i32
        %get3A_211 = arith.index_cast %add3A_210 : i32 to index
        %get3A_212 = arith.constant 0 : index
        %get3A_213 = tpu.vector_load %arg12[%get3A_211, %get3A_212] {strides = array<i32>} : memref<256x32xf32, #tpu.memory_space<vmem>>, vector<1x16xf32>,
        %get3A_214 = vector.shape_cast %get3A_213 : vector<1x16xf32> to vector<16xf32>
        %get3A_215 = arith.index_cast %add3A_210 : i32 to index
        %get3A_216 = arith.constant 0 : index
        %get3A_217 = tpu.vector_load %arg13[%get3A_215, %get3A_216] {strides = array<i32>} : memref<256x32xf32, #tpu.memory_space<vmem>>, vector<1x16xf32>,
        %get3A_218 = vector.shape_cast %get3A_217 : vector<1x16xf32> to vector<16xf32>
        %add3A_219 = arith.addf %get3A_214, %get3A_218 : vector<16xf32>
        %max3A_220 = arith.constant 0.000000e+00 : f32
        %max3A_221 = vector.broadcast %max3A_220 : f32 to vector<16xf32>
        %max3A_222 = arith.maximumf %add3A_219, %max3A_221 : vector<16xf32>
        %swap3A_223 = arith.index_cast %add3A_210 : i32 to index
        %swap3A_224 = arith.constant 0 : index
        %swap3A_225 = tpu.vector_load %arg12[%swap3A_223, %swap3A_224] {strides = array<i32>} : memref<256x32xf32, #tpu.memory_space<vmem>>, vector<1x16xf32>,
        %swap3A_226 = vector.shape_cast %swap3A_225 : vector<1x16xf32> to vector<16xf32>
        %swap3A_227 = vector.shape_cast %max3A_222 : vector<16xf32> to vector<1x16xf32>
        tpu.vector_store %arg12[%swap3A_223, %swap3A_224], %swap3A_227 {strides = array<i32>} : memref<256x32xf32, #tpu.memory_space<vmem>>, vector<1x16xf32>,
        %get3A_228 = arith.index_cast %add3A_210 : i32 to index
        %get3A_229 = arith.constant 16 : index
        %get3A_230 = tpu.vector_load %arg12[%get3A_228, %get3A_229] {strides = array<i32>} : memref<256x32xf32, #tpu.memory_space<vmem>>, vector<1x16xf32>,
        %get3A_231 = vector.shape_cast %get3A_230 : vector<1x16xf32> to vector<16xf32>
        %get3A_232 = arith.index_cast %add3A_210 : i32 to index
        %get3A_233 = arith.constant 16 : index
        %get3A_234 = tpu.vector_load %arg13[%get3A_232, %get3A_233] {strides = array<i32>} : memref<256x32xf32, #tpu.memory_space<vmem>>, vector<1x16xf32>,
        %get3A_235 = vector.shape_cast %get3A_234 : vector<1x16xf32> to vector<16xf32>
        %add3A_236 = arith.addf %get3A_231, %get3A_235 : vector<16xf32>
        %max3A_237 = arith.constant 0.000000e+00 : f32
        %max3A_238 = vector.broadcast %max3A_237 : f32 to vector<16xf32>
        %max3A_239 = arith.maximumf %add3A_236, %max3A_238 : vector<16xf32>
        %swap3A_240 = arith.index_cast %add3A_210 : i32 to index
        %swap3A_241 = arith.constant 16 : index
        %swap3A_242 = tpu.vector_load %arg12[%swap3A_240, %swap3A_241] {strides = array<i32>} : memref<256x32xf32, #tpu.memory_space<vmem>>, vector<1x16xf32>,
        %swap3A_243 = vector.shape_cast %swap3A_242 : vector<1x16xf32> to vector<16xf32>
        %swap3A_244 = vector.shape_cast %max3A_239 : vector<16xf32> to vector<1x16xf32>
        tpu.vector_store %arg12[%swap3A_240, %swap3A_241], %swap3A_244 {strides = array<i32>} : memref<256x32xf32, #tpu.memory_space<vmem>>, vector<1x16xf32>,
        %scan3A_245 = arith.constant 2 : i32
        %scan3A_246 = arith.addi %scan3A_169, %scan3A_245 : i32
        %mul3A_247 = arith.constant 1 : i32
        %mul3A_248 = arith.muli %scan3A_246, %mul3A_247 : i32
        %add3A_249 = arith.constant 0 : i32
        %add3A_250 = arith.addi %add3A_249, %mul3A_248 : i32
        %get3A_251 = arith.index_cast %add3A_250 : i32 to index
        %get3A_252 = arith.constant 0 : index
        %get3A_253 = tpu.vector_load %arg12[%get3A_251, %get3A_252] {strides = array<i32>} : memref<256x32xf32, #tpu.memory_space<vmem>>, vector<1x16xf32>,
        %get3A_254 = vector.shape_cast %get3A_253 : vector<1x16xf32> to vector<16xf32>
        %get3A_255 = arith.index_cast %add3A_250 : i32 to index
        %get3A_256 = arith.constant 0 : index
        %get3A_257 = tpu.vector_load %arg13[%get3A_255, %get3A_256] {strides = array<i32>} : memref<256x32xf32, #tpu.memory_space<vmem>>, vector<1x16xf32>,
        %get3A_258 = vector.shape_cast %get3A_257 : vector<1x16xf32> to vector<16xf32>
        %add3A_259 = arith.addf %get3A_254, %get3A_258 : vector<16xf32>
        %max3A_260 = arith.constant 0.000000e+00 : f32
        %max3A_261 = vector.broadcast %max3A_260 : f32 to vector<16xf32>
        %max3A_262 = arith.maximumf %add3A_259, %max3A_261 : vector<16xf32>
        %swap3A_263 = arith.index_cast %add3A_250 : i32 to index
        %swap3A_264 = arith.constant 0 : index
        %swap3A_265 = tpu.vector_load %arg12[%swap3A_263, %swap3A_264] {strides = array<i32>} : memref<256x32xf32, #tpu.memory_space<vmem>>, vector<1x16xf32>,
        %swap3A_266 = vector.shape_cast %swap3A_265 : vector<1x16xf32> to vector<16xf32>
        %swap3A_267 = vector.shape_cast %max3A_262 : vector<16xf32> to vector<1x16xf32>
        tpu.vector_store %arg12[%swap3A_263, %swap3A_264], %swap3A_267 {strides = array<i32>} : memref<256x32xf32, #tpu.memory_space<vmem>>, vector<1x16xf32>,
        %get3A_268 = arith.index_cast %add3A_250 : i32 to index
        %get3A_269 = arith.constant 16 : index
        %get3A_270 = tpu.vector_load %arg12[%get3A_268, %get3A_269] {strides = array<i32>} : memref<256x32xf32, #tpu.memory_space<vmem>>, vector<1x16xf32>,
        %get3A_271 = vector.shape_cast %get3A_270 : vector<1x16xf32> to vector<16xf32>
        %get3A_272 = arith.index_cast %add3A_250 : i32 to index
        %get3A_273 = arith.constant 16 : index
        %get3A_274 = tpu.vector_load %arg13[%get3A_272, %get3A_273] {strides = array<i32>} : memref<256x32xf32, #tpu.memory_space<vmem>>, vector<1x16xf32>,
        %get3A_275 = vector.shape_cast %get3A_274 : vector<1x16xf32> to vector<16xf32>
        %add3A_276 = arith.addf %get3A_271, %get3A_275 : vector<16xf32>
        %max3A_277 = arith.constant 0.000000e+00 : f32
        %max3A_278 = vector.broadcast %max3A_277 : f32 to vector<16xf32>
        %max3A_279 = arith.maximumf %add3A_276, %max3A_278 : vector<16xf32>
        %swap3A_280 = arith.index_cast %add3A_250 : i32 to index
        %swap3A_281 = arith.constant 16 : index
        %swap3A_282 = tpu.vector_load %arg12[%swap3A_280, %swap3A_281] {strides = array<i32>} : memref<256x32xf32, #tpu.memory_space<vmem>>, vector<1x16xf32>,
        %swap3A_283 = vector.shape_cast %swap3A_282 : vector<1x16xf32> to vector<16xf32>
        %swap3A_284 = vector.shape_cast %max3A_279 : vector<16xf32> to vector<1x16xf32>
        tpu.vector_store %arg12[%swap3A_280, %swap3A_281], %swap3A_284 {strides = array<i32>} : memref<256x32xf32, #tpu.memory_space<vmem>>, vector<1x16xf32>,
        %scan3A_285 = arith.constant 3 : i32
        %scan3A_286 = arith.addi %scan3A_169, %scan3A_285 : i32
        %mul3A_287 = arith.constant 1 : i32
        %mul3A_288 = arith.muli %scan3A_286, %mul3A_287 : i32
        %add3A_289 = arith.constant 0 : i32
        %add3A_290 = arith.addi %add3A_289, %mul3A_288 : i32
        %get3A_291 = arith.index_cast %add3A_290 : i32 to index
        %get3A_292 = arith.constant 0 : index
        %get3A_293 = tpu.vector_load %arg12[%get3A_291, %get3A_292] {strides = array<i32>} : memref<256x32xf32, #tpu.memory_space<vmem>>, vector<1x16xf32>,
        %get3A_294 = vector.shape_cast %get3A_293 : vector<1x16xf32> to vector<16xf32>
        %get3A_295 = arith.index_cast %add3A_290 : i32 to index
        %get3A_296 = arith.constant 0 : index
        %get3A_297 = tpu.vector_load %arg13[%get3A_295, %get3A_296] {strides = array<i32>} : memref<256x32xf32, #tpu.memory_space<vmem>>, vector<1x16xf32>,
        %get3A_298 = vector.shape_cast %get3A_297 : vector<1x16xf32> to vector<16xf32>
        %add3A_299 = arith.addf %get3A_294, %get3A_298 : vector<16xf32>
        %max3A_300 = arith.constant 0.000000e+00 : f32
        %max3A_301 = vector.broadcast %max3A_300 : f32 to vector<16xf32>
        %max3A_302 = arith.maximumf %add3A_299, %max3A_301 : vector<16xf32>
        %swap3A_303 = arith.index_cast %add3A_290 : i32 to index
        %swap3A_304 = arith.constant 0 : index
        %swap3A_305 = tpu.vector_load %arg12[%swap3A_303, %swap3A_304] {strides = array<i32>} : memref<256x32xf32, #tpu.memory_space<vmem>>, vector<1x16xf32>,
        %swap3A_306 = vector.shape_cast %swap3A_305 : vector<1x16xf32> to vector<16xf32>
        %swap3A_307 = vector.shape_cast %max3A_302 : vector<16xf32> to vector<1x16xf32>
        tpu.vector_store %arg12[%swap3A_303, %swap3A_304], %swap3A_307 {strides = array<i32>} : memref<256x32xf32, #tpu.memory_space<vmem>>, vector<1x16xf32>,
        %get3A_308 = arith.index_cast %add3A_290 : i32 to index
        %get3A_309 = arith.constant 16 : index
        %get3A_310 = tpu.vector_load %arg12[%get3A_308, %get3A_309] {strides = array<i32>} : memref<256x32xf32, #tpu.memory_space<vmem>>, vector<1x16xf32>,
        %get3A_311 = vector.shape_cast %get3A_310 : vector<1x16xf32> to vector<16xf32>
        %get3A_312 = arith.index_cast %add3A_290 : i32 to index
        %get3A_313 = arith.constant 16 : index
        %get3A_314 = tpu.vector_load %arg13[%get3A_312, %get3A_313] {strides = array<i32>} : memref<256x32xf32, #tpu.memory_space<vmem>>, vector<1x16xf32>,
        %get3A_315 = vector.shape_cast %get3A_314 : vector<1x16xf32> to vector<16xf32>
        %add3A_316 = arith.addf %get3A_311, %get3A_315 : vector<16xf32>
        %max3A_317 = arith.constant 0.000000e+00 : f32
        %max3A_318 = vector.broadcast %max3A_317 : f32 to vector<16xf32>
        %max3A_319 = arith.maximumf %add3A_316, %max3A_318 : vector<16xf32>
        %swap3A_320 = arith.index_cast %add3A_290 : i32 to index
        %swap3A_321 = arith.constant 16 : index
        %swap3A_322 = tpu.vector_load %arg12[%swap3A_320, %swap3A_321] {strides = array<i32>} : memref<256x32xf32, #tpu.memory_space<vmem>>, vector<1x16xf32>,
        %swap3A_323 = vector.shape_cast %swap3A_322 : vector<1x16xf32> to vector<16xf32>
        %swap3A_324 = vector.shape_cast %max3A_319 : vector<16xf32> to vector<1x16xf32>
        tpu.vector_store %arg12[%swap3A_320, %swap3A_321], %swap3A_324 {strides = array<i32>} : memref<256x32xf32, #tpu.memory_space<vmem>>, vector<1x16xf32>,
      }
      %scan3A_168 = arith.constant 256 : i32
      "tpu.region"() ({
        %run_scoped3A = tpu.sem_alloc : memref<!tpu.dma_semaphore, #tpu.memory_space<semaphore_mem>>
        %dma_start3A_169 = arith.constant 0 : i32
        %dma_start3A_170 = arith.constant 0 : i32
        %dma_start3A_171 = tpu.memref_slice %arg12[%dma_start3A_169, %dma_start3A_170] : memref<256x32xf32, #tpu.memory_space<vmem>> -> memref<128x32xf32, #tpu.memory_space<vmem>>
        %dma_start3A_172 = arith.constant 0 : i32
        %dma_start3A_173 = arith.constant 0 : i32
        %dma_start3A_174 = tpu.memref_slice %arg14[%dma_start3A_172, %dma_start3A_173] : memref<51200x32xf32, #tpu.memory_space<vmem_shared>> -> memref<51200x32xf32, #tpu.memory_space<vmem_shared>>
        tpu.enqueue_indirect_dma source(%dma_start3A_171 : memref<128x32xf32, #tpu.memory_space<vmem>>) target(%dma_start3A_174 : memref<51200x32xf32, #tpu.memory_space<vmem_shared>>) offsets(%arg9 : memref<128xi32, #tpu.memory_space<vmem>>) semaphore(%run_scoped3A : memref<!tpu.dma_semaphore, #tpu.memory_space<semaphore_mem>>) {add = true}
        %dma_wait3A_175 = arith.constant 0 : i32
        %dma_wait3A_176 = arith.constant 0 : i32
        %dma_wait3A_177 = tpu.memref_slice %arg12[%dma_wait3A_175, %dma_wait3A_176] : memref<256x32xf32, #tpu.memory_space<vmem>> -> memref<128x32xf32, #tpu.memory_space<vmem>>
        %dma_wait3A_178 = arith.constant 0 : i32
        %dma_wait3A_179 = arith.constant 0 : i32
        %dma_wait3A_180 = tpu.memref_slice %arg14[%dma_wait3A_178, %dma_wait3A_179] : memref<51200x32xf32, #tpu.memory_space<vmem_shared>> -> memref<51200x32xf32, #tpu.memory_space<vmem_shared>>
        tpu.wait_indirect_dma semaphore(%run_scoped3A : memref<!tpu.dma_semaphore, #tpu.memory_space<semaphore_mem>>) src(%dma_wait3A_177 : memref<128x32xf32, #tpu.memory_space<vmem>>) dst(%dma_wait3A_180 : memref<51200x32xf32, #tpu.memory_space<vmem_shared>>)
        tpu.yield
      }) : () -> ()
      "tpu.region"() ({
        %run_scoped3A = tpu.sem_alloc : memref<!tpu.dma_semaphore, #tpu.memory_space<semaphore_mem>>
        %dma_start3A_169 = arith.constant 128 : i32
        %dma_start3A_170 = arith.constant 0 : i32
        %dma_start3A_171 = tpu.memref_slice %arg12[%dma_start3A_169, %dma_start3A_170] : memref<256x32xf32, #tpu.memory_space<vmem>> -> memref<128x32xf32, #tpu.memory_space<vmem>>
        %dma_start3A_172 = arith.constant 0 : i32
        %dma_start3A_173 = arith.constant 0 : i32
        %dma_start3A_174 = tpu.memref_slice %arg14[%dma_start3A_172, %dma_start3A_173] : memref<51200x32xf32, #tpu.memory_space<vmem_shared>> -> memref<51200x32xf32, #tpu.memory_space<vmem_shared>>
        tpu.enqueue_indirect_dma source(%dma_start3A_171 : memref<128x32xf32, #tpu.memory_space<vmem>>) target(%dma_start3A_174 : memref<51200x32xf32, #tpu.memory_space<vmem_shared>>) offsets(%arg10 : memref<128xi32, #tpu.memory_space<vmem>>) semaphore(%run_scoped3A : memref<!tpu.dma_semaphore, #tpu.memory_space<semaphore_mem>>) {add = true}
        %dma_wait3A_175 = arith.constant 128 : i32
        %dma_wait3A_176 = arith.constant 0 : i32
        %dma_wait3A_177 = tpu.memref_slice %arg12[%dma_wait3A_175, %dma_wait3A_176] : memref<256x32xf32, #tpu.memory_space<vmem>> -> memref<128x32xf32, #tpu.memory_space<vmem>>
        %dma_wait3A_178 = arith.constant 0 : i32
        %dma_wait3A_179 = arith.constant 0 : i32
        %dma_wait3A_180 = tpu.memref_slice %arg14[%dma_wait3A_178, %dma_wait3A_179] : memref<51200x32xf32, #tpu.memory_space<vmem_shared>> -> memref<51200x32xf32, #tpu.memory_space<vmem_shared>>
        tpu.wait_indirect_dma semaphore(%run_scoped3A : memref<!tpu.dma_semaphore, #tpu.memory_space<semaphore_mem>>) src(%dma_wait3A_177 : memref<128x32xf32, #tpu.memory_space<vmem>>) dst(%dma_wait3A_180 : memref<51200x32xf32, #tpu.memory_space<vmem_shared>>)
        tpu.yield
      }) : () -> ()
    }
    %scan3A_59 = arith.constant 196 : i32
    %barrier3A_60 = arith.constant 0 : index
    tpu.barrier barrier_id(%barrier3A_60)
    %mul3A_61 = arith.constant 3200 : i32
    %mul3A_62 = arith.muli %arg1, %mul3A_61 : i32
    %mul3A_63 = arith.constant 51200 : i32
    %mul3A_64 = arith.muli %arg0, %mul3A_63 : i32
    %mul3A_65 = arith.constant 3200 : i32
    %mul3A_66 = arith.muli %arg1, %mul3A_65 : i32
    %add3A_67 = arith.addi %mul3A_64, %mul3A_66 : i32
    "tpu.region"() ({
      %run_scoped3A = tpu.sem_alloc : memref<!tpu.dma_semaphore, #tpu.memory_space<semaphore_mem>>
      %dma_start3A = arith.constant 0 : i32
      %dma_start3A_68 = tpu.memref_slice %arg7[%add3A_67, %dma_start3A] : memref<102400x32xf32, #tpu.memory_space<hbm>> -> memref<3200x32xf32, #tpu.memory_space<hbm>>
      %dma_start3A_69 = arith.constant 0 : i32
      %dma_start3A_70 = tpu.memref_slice %arg14[%mul3A_62, %dma_start3A_69] : memref<51200x32xf32, #tpu.memory_space<vmem_shared>> -> memref<3200x32xf32, #tpu.memory_space<vmem_shared>>
      tpu.enqueue_dma source(%dma_start3A_70 : memref<3200x32xf32, #tpu.memory_space<vmem_shared>>) target(%dma_start3A_68 : memref<3200x32xf32, #tpu.memory_space<hbm>>) target_semaphore(%run_scoped3A : memref<!tpu.dma_semaphore, #tpu.memory_space<semaphore_mem>>)
      %dma_wait3A = arith.constant 0 : i32
      %dma_wait3A_71 = tpu.memref_slice %arg7[%add3A_67, %dma_wait3A] : memref<102400x32xf32, #tpu.memory_space<hbm>> -> memref<3200x32xf32, #tpu.memory_space<hbm>>
      %dma_wait3A_72 = arith.constant 0 : i32
      %dma_wait3A_73 = tpu.memref_slice %arg14[%mul3A_62, %dma_wait3A_72] : memref<51200x32xf32, #tpu.memory_space<vmem_shared>> -> memref<3200x32xf32, #tpu.memory_space<vmem_shared>>
      tpu.wait_dma2 semaphore(%run_scoped3A : memref<!tpu.dma_semaphore, #tpu.memory_space<semaphore_mem>>) src(%dma_wait3A_73 : memref<3200x32xf32, #tpu.memory_space<vmem_shared>>) dst(%dma_wait3A_71 : memref<3200x32xf32, #tpu.memory_space<hbm>>)
      tpu.yield
    }) : () -> ()
    return
  }
}

#map = affine_map<(d0, d1) -> (0, 0)>
module attributes {stable_mosaic.version = 14 : i64} {
  func.func @_layer_body(%arg0: i32, %arg1: i32, %arg2: memref<102400x32xf32, #tpu.memory_space<hbm>>, %arg3: memref<1024x32xf32, #tpu.memory_space<hbm>>, %arg4: memref<12544x128xi32, #tpu.memory_space<hbm>>, %arg5: memref<6272x128xi32, #tpu.memory_space<hbm>>, %arg6: memref<12544x128xi32, #tpu.memory_space<hbm>>, %arg7: memref<102400x32xf32, #tpu.memory_space<hbm>>, %arg8: memref<2x128xi32, #tpu.memory_space<vmem>>, %arg9: memref<128xi32, #tpu.memory_space<vmem>>, %arg10: memref<128xi32, #tpu.memory_space<vmem>>, %arg11: memref<2x128xi32, #tpu.memory_space<vmem>>, %arg12: memref<256x32xf32, #tpu.memory_space<vmem>>, %arg13: memref<256x32xf32, #tpu.memory_space<vmem>>, %arg14: memref<51200x32xf32, #tpu.memory_space<vmem_shared>>, %arg15: memref<!tpu.dma_semaphore, #tpu.memory_space<semaphore_mem>>, %arg16: memref<!tpu.dma_semaphore, #tpu.memory_space<semaphore_mem>>) attributes {dimension_semantics = [#tpu.dimension_semantics<core_parallel>, #tpu.dimension_semantics<subcore_parallel>], iteration_bounds = array<i64: 2, 16>, scalar_prefetch = 0 : i64, scratch_operands = 9 : i64, tpu.core_type = #tpu.core_type<sc_vector_subcore>, window_params = [{transform_indices = #map}, {transform_indices = #map}, {transform_indices = #map}, {transform_indices = #map}, {transform_indices = #map}, {transform_indices = #map}]} {
    %broadcast_in_dim3A = arith.constant 0.000000e+00 : f32
    %broadcast_in_dim3A_0 = vector.broadcast %broadcast_in_dim3A : f32 to vector<16xf32>
    %scan3A = arith.constant 0 : i32
    %scan3A_1 = arith.constant 256 : i32
    %scan3A_2 = arith.addi %scan3A, %scan3A_1 : i32
    %scan3A_3 = arith.constant 1 : i32
    scf.for %scan3A_68 = %scan3A to %scan3A_2 step %scan3A_3  : i32 {
      %mul3A_69 = arith.constant 1 : i32
      %mul3A_70 = arith.muli %scan3A_68, %mul3A_69 : i32
      %add3A_71 = arith.constant 0 : i32
      %add3A_72 = arith.addi %add3A_71, %mul3A_70 : i32
      %swap3A = arith.index_cast %add3A_72 : i32 to index
      %swap3A_73 = arith.constant 0 : index
      %swap3A_74 = tpu.vector_load %arg12[%swap3A, %swap3A_73] {strides = array<i32>} : memref<256x32xf32, #tpu.memory_space<vmem>>, vector<1x16xf32>,
      %swap3A_75 = vector.shape_cast %swap3A_74 : vector<1x16xf32> to vector<16xf32>
      %swap3A_76 = vector.shape_cast %broadcast_in_dim3A_0 : vector<16xf32> to vector<1x16xf32>
      tpu.vector_store %arg12[%swap3A, %swap3A_73], %swap3A_76 {strides = array<i32>} : memref<256x32xf32, #tpu.memory_space<vmem>>, vector<1x16xf32>,
      %swap3A_77 = arith.index_cast %add3A_72 : i32 to index
      %swap3A_78 = arith.constant 16 : index
      %swap3A_79 = tpu.vector_load %arg12[%swap3A_77, %swap3A_78] {strides = array<i32>} : memref<256x32xf32, #tpu.memory_space<vmem>>, vector<1x16xf32>,
      %swap3A_80 = vector.shape_cast %swap3A_79 : vector<1x16xf32> to vector<16xf32>
      %swap3A_81 = vector.shape_cast %broadcast_in_dim3A_0 : vector<16xf32> to vector<1x16xf32>
      tpu.vector_store %arg12[%swap3A_77, %swap3A_78], %swap3A_81 {strides = array<i32>} : memref<256x32xf32, #tpu.memory_space<vmem>>, vector<1x16xf32>,
    }
    %scan3A_4 = arith.constant 256 : i32
    %mul3A = arith.constant 3200 : i32
    %mul3A_5 = arith.muli %arg1, %mul3A : i32
    %add3A = arith.constant 0 : i32
    %add3A_6 = arith.addi %mul3A_5, %add3A : i32
    "tpu.region"() ({
      %run_scoped3A = tpu.sem_alloc : memref<!tpu.dma_semaphore, #tpu.memory_space<semaphore_mem>>
      %dma_start3A = arith.constant 0 : i32
      %dma_start3A_68 = tpu.memref_slice %arg14[%add3A_6, %dma_start3A] : memref<51200x32xf32, #tpu.memory_space<vmem_shared>> -> memref<256x32xf32, #tpu.memory_space<vmem_shared>>
      %dma_start3A_69 = arith.constant 0 : i32
      %dma_start3A_70 = tpu.memref_slice %arg14[%add3A_6, %dma_start3A_69] : memref<51200x32xf32, #tpu.memory_space<vmem_shared>> -> memref<256x32xf32, #tpu.memory_space<vmem_shared>>
      tpu.enqueue_dma source(%arg12 : memref<256x32xf32, #tpu.memory_space<vmem>>) target(%dma_start3A_70 : memref<256x32xf32, #tpu.memory_space<vmem_shared>>) target_semaphore(%run_scoped3A : memref<!tpu.dma_semaphore, #tpu.memory_space<semaphore_mem>>)
      %dma_wait3A = arith.constant 0 : i32
      %dma_wait3A_71 = tpu.memref_slice %arg14[%add3A_6, %dma_wait3A] : memref<51200x32xf32, #tpu.memory_space<vmem_shared>> -> memref<256x32xf32, #tpu.memory_space<vmem_shared>>
      %dma_wait3A_72 = arith.constant 0 : i32
      %dma_wait3A_73 = tpu.memref_slice %arg14[%add3A_6, %dma_wait3A_72] : memref<51200x32xf32, #tpu.memory_space<vmem_shared>> -> memref<256x32xf32, #tpu.memory_space<vmem_shared>>
      tpu.wait_dma2 semaphore(%run_scoped3A : memref<!tpu.dma_semaphore, #tpu.memory_space<semaphore_mem>>) src(%arg12 : memref<256x32xf32, #tpu.memory_space<vmem>>) dst(%dma_wait3A_73 : memref<256x32xf32, #tpu.memory_space<vmem_shared>>)
      tpu.yield
    }) : () -> ()
    %mul3A_7 = arith.constant 3200 : i32
    %mul3A_8 = arith.muli %arg1, %mul3A_7 : i32
    %add3A_9 = arith.constant 256 : i32
    %add3A_10 = arith.addi %mul3A_8, %add3A_9 : i32
    "tpu.region"() ({
      %run_scoped3A = tpu.sem_alloc : memref<!tpu.dma_semaphore, #tpu.memory_space<semaphore_mem>>
      %dma_start3A = arith.constant 0 : i32
      %dma_start3A_68 = tpu.memref_slice %arg14[%add3A_10, %dma_start3A] : memref<51200x32xf32, #tpu.memory_space<vmem_shared>> -> memref<256x32xf32, #tpu.memory_space<vmem_shared>>
      %dma_start3A_69 = arith.constant 0 : i32
      %dma_start3A_70 = tpu.memref_slice %arg14[%add3A_10, %dma_start3A_69] : memref<51200x32xf32, #tpu.memory_space<vmem_shared>> -> memref<256x32xf32, #tpu.memory_space<vmem_shared>>
      tpu.enqueue_dma source(%arg12 : memref<256x32xf32, #tpu.memory_space<vmem>>) target(%dma_start3A_70 : memref<256x32xf32, #tpu.memory_space<vmem_shared>>) target_semaphore(%run_scoped3A : memref<!tpu.dma_semaphore, #tpu.memory_space<semaphore_mem>>)
      %dma_wait3A = arith.constant 0 : i32
      %dma_wait3A_71 = tpu.memref_slice %arg14[%add3A_10, %dma_wait3A] : memref<51200x32xf32, #tpu.memory_space<vmem_shared>> -> memref<256x32xf32, #tpu.memory_space<vmem_shared>>
      %dma_wait3A_72 = arith.constant 0 : i32
      %dma_wait3A_73 = tpu.memref_slice %arg14[%add3A_10, %dma_wait3A_72] : memref<51200x32xf32, #tpu.memory_space<vmem_shared>> -> memref<256x32xf32, #tpu.memory_space<vmem_shared>>
      tpu.wait_dma2 semaphore(%run_scoped3A : memref<!tpu.dma_semaphore, #tpu.memory_space<semaphore_mem>>) src(%arg12 : memref<256x32xf32, #tpu.memory_space<vmem>>) dst(%dma_wait3A_73 : memref<256x32xf32, #tpu.memory_space<vmem_shared>>)
      tpu.yield
    }) : () -> ()
    %mul3A_11 = arith.constant 3200 : i32
    %mul3A_12 = arith.muli %arg1, %mul3A_11 : i32
    %add3A_13 = arith.constant 512 : i32
    %add3A_14 = arith.addi %mul3A_12, %add3A_13 : i32
    "tpu.region"() ({
      %run_scoped3A = tpu.sem_alloc : memref<!tpu.dma_semaphore, #tpu.memory_space<semaphore_mem>>
      %dma_start3A = arith.constant 0 : i32
      %dma_start3A_68 = tpu.memref_slice %arg14[%add3A_14, %dma_start3A] : memref<51200x32xf32, #tpu.memory_space<vmem_shared>> -> memref<256x32xf32, #tpu.memory_space<vmem_shared>>
      %dma_start3A_69 = arith.constant 0 : i32
      %dma_start3A_70 = tpu.memref_slice %arg14[%add3A_14, %dma_start3A_69] : memref<51200x32xf32, #tpu.memory_space<vmem_shared>> -> memref<256x32xf32, #tpu.memory_space<vmem_shared>>
      tpu.enqueue_dma source(%arg12 : memref<256x32xf32, #tpu.memory_space<vmem>>) target(%dma_start3A_70 : memref<256x32xf32, #tpu.memory_space<vmem_shared>>) target_semaphore(%run_scoped3A : memref<!tpu.dma_semaphore, #tpu.memory_space<semaphore_mem>>)
      %dma_wait3A = arith.constant 0 : i32
      %dma_wait3A_71 = tpu.memref_slice %arg14[%add3A_14, %dma_wait3A] : memref<51200x32xf32, #tpu.memory_space<vmem_shared>> -> memref<256x32xf32, #tpu.memory_space<vmem_shared>>
      %dma_wait3A_72 = arith.constant 0 : i32
      %dma_wait3A_73 = tpu.memref_slice %arg14[%add3A_14, %dma_wait3A_72] : memref<51200x32xf32, #tpu.memory_space<vmem_shared>> -> memref<256x32xf32, #tpu.memory_space<vmem_shared>>
      tpu.wait_dma2 semaphore(%run_scoped3A : memref<!tpu.dma_semaphore, #tpu.memory_space<semaphore_mem>>) src(%arg12 : memref<256x32xf32, #tpu.memory_space<vmem>>) dst(%dma_wait3A_73 : memref<256x32xf32, #tpu.memory_space<vmem_shared>>)
      tpu.yield
    }) : () -> ()
    %mul3A_15 = arith.constant 3200 : i32
    %mul3A_16 = arith.muli %arg1, %mul3A_15 : i32
    %add3A_17 = arith.constant 768 : i32
    %add3A_18 = arith.addi %mul3A_16, %add3A_17 : i32
    "tpu.region"() ({
      %run_scoped3A = tpu.sem_alloc : memref<!tpu.dma_semaphore, #tpu.memory_space<semaphore_mem>>
      %dma_start3A = arith.constant 0 : i32
      %dma_start3A_68 = tpu.memref_slice %arg14[%add3A_18, %dma_start3A] : memref<51200x32xf32, #tpu.memory_space<vmem_shared>> -> memref<256x32xf32, #tpu.memory_space<vmem_shared>>
      %dma_start3A_69 = arith.constant 0 : i32
      %dma_start3A_70 = tpu.memref_slice %arg14[%add3A_18, %dma_start3A_69] : memref<51200x32xf32, #tpu.memory_space<vmem_shared>> -> memref<256x32xf32, #tpu.memory_space<vmem_shared>>
      tpu.enqueue_dma source(%arg12 : memref<256x32xf32, #tpu.memory_space<vmem>>) target(%dma_start3A_70 : memref<256x32xf32, #tpu.memory_space<vmem_shared>>) target_semaphore(%run_scoped3A : memref<!tpu.dma_semaphore, #tpu.memory_space<semaphore_mem>>)
      %dma_wait3A = arith.constant 0 : i32
      %dma_wait3A_71 = tpu.memref_slice %arg14[%add3A_18, %dma_wait3A] : memref<51200x32xf32, #tpu.memory_space<vmem_shared>> -> memref<256x32xf32, #tpu.memory_space<vmem_shared>>
      %dma_wait3A_72 = arith.constant 0 : i32
      %dma_wait3A_73 = tpu.memref_slice %arg14[%add3A_18, %dma_wait3A_72] : memref<51200x32xf32, #tpu.memory_space<vmem_shared>> -> memref<256x32xf32, #tpu.memory_space<vmem_shared>>
      tpu.wait_dma2 semaphore(%run_scoped3A : memref<!tpu.dma_semaphore, #tpu.memory_space<semaphore_mem>>) src(%arg12 : memref<256x32xf32, #tpu.memory_space<vmem>>) dst(%dma_wait3A_73 : memref<256x32xf32, #tpu.memory_space<vmem_shared>>)
      tpu.yield
    }) : () -> ()
    %mul3A_19 = arith.constant 3200 : i32
    %mul3A_20 = arith.muli %arg1, %mul3A_19 : i32
    %add3A_21 = arith.constant 1024 : i32
    %add3A_22 = arith.addi %mul3A_20, %add3A_21 : i32
    "tpu.region"() ({
      %run_scoped3A = tpu.sem_alloc : memref<!tpu.dma_semaphore, #tpu.memory_space<semaphore_mem>>
      %dma_start3A = arith.constant 0 : i32
      %dma_start3A_68 = tpu.memref_slice %arg14[%add3A_22, %dma_start3A] : memref<51200x32xf32, #tpu.memory_space<vmem_shared>> -> memref<256x32xf32, #tpu.memory_space<vmem_shared>>
      %dma_start3A_69 = arith.constant 0 : i32
      %dma_start3A_70 = tpu.memref_slice %arg14[%add3A_22, %dma_start3A_69] : memref<51200x32xf32, #tpu.memory_space<vmem_shared>> -> memref<256x32xf32, #tpu.memory_space<vmem_shared>>
      tpu.enqueue_dma source(%arg12 : memref<256x32xf32, #tpu.memory_space<vmem>>) target(%dma_start3A_70 : memref<256x32xf32, #tpu.memory_space<vmem_shared>>) target_semaphore(%run_scoped3A : memref<!tpu.dma_semaphore, #tpu.memory_space<semaphore_mem>>)
      %dma_wait3A = arith.constant 0 : i32
      %dma_wait3A_71 = tpu.memref_slice %arg14[%add3A_22, %dma_wait3A] : memref<51200x32xf32, #tpu.memory_space<vmem_shared>> -> memref<256x32xf32, #tpu.memory_space<vmem_shared>>
      %dma_wait3A_72 = arith.constant 0 : i32
      %dma_wait3A_73 = tpu.memref_slice %arg14[%add3A_22, %dma_wait3A_72] : memref<51200x32xf32, #tpu.memory_space<vmem_shared>> -> memref<256x32xf32, #tpu.memory_space<vmem_shared>>
      tpu.wait_dma2 semaphore(%run_scoped3A : memref<!tpu.dma_semaphore, #tpu.memory_space<semaphore_mem>>) src(%arg12 : memref<256x32xf32, #tpu.memory_space<vmem>>) dst(%dma_wait3A_73 : memref<256x32xf32, #tpu.memory_space<vmem_shared>>)
      tpu.yield
    }) : () -> ()
    %mul3A_23 = arith.constant 3200 : i32
    %mul3A_24 = arith.muli %arg1, %mul3A_23 : i32
    %add3A_25 = arith.constant 1280 : i32
    %add3A_26 = arith.addi %mul3A_24, %add3A_25 : i32
    "tpu.region"() ({
      %run_scoped3A = tpu.sem_alloc : memref<!tpu.dma_semaphore, #tpu.memory_space<semaphore_mem>>
      %dma_start3A = arith.constant 0 : i32
      %dma_start3A_68 = tpu.memref_slice %arg14[%add3A_26, %dma_start3A] : memref<51200x32xf32, #tpu.memory_space<vmem_shared>> -> memref<256x32xf32, #tpu.memory_space<vmem_shared>>
      %dma_start3A_69 = arith.constant 0 : i32
      %dma_start3A_70 = tpu.memref_slice %arg14[%add3A_26, %dma_start3A_69] : memref<51200x32xf32, #tpu.memory_space<vmem_shared>> -> memref<256x32xf32, #tpu.memory_space<vmem_shared>>
      tpu.enqueue_dma source(%arg12 : memref<256x32xf32, #tpu.memory_space<vmem>>) target(%dma_start3A_70 : memref<256x32xf32, #tpu.memory_space<vmem_shared>>) target_semaphore(%run_scoped3A : memref<!tpu.dma_semaphore, #tpu.memory_space<semaphore_mem>>)
      %dma_wait3A = arith.constant 0 : i32
      %dma_wait3A_71 = tpu.memref_slice %arg14[%add3A_26, %dma_wait3A] : memref<51200x32xf32, #tpu.memory_space<vmem_shared>> -> memref<256x32xf32, #tpu.memory_space<vmem_shared>>
      %dma_wait3A_72 = arith.constant 0 : i32
      %dma_wait3A_73 = tpu.memref_slice %arg14[%add3A_26, %dma_wait3A_72] : memref<51200x32xf32, #tpu.memory_space<vmem_shared>> -> memref<256x32xf32, #tpu.memory_space<vmem_shared>>
      tpu.wait_dma2 semaphore(%run_scoped3A : memref<!tpu.dma_semaphore, #tpu.memory_space<semaphore_mem>>) src(%arg12 : memref<256x32xf32, #tpu.memory_space<vmem>>) dst(%dma_wait3A_73 : memref<256x32xf32, #tpu.memory_space<vmem_shared>>)
      tpu.yield
    }) : () -> ()
    %mul3A_27 = arith.constant 3200 : i32
    %mul3A_28 = arith.muli %arg1, %mul3A_27 : i32
    %add3A_29 = arith.constant 1536 : i32
    %add3A_30 = arith.addi %mul3A_28, %add3A_29 : i32
    "tpu.region"() ({
      %run_scoped3A = tpu.sem_alloc : memref<!tpu.dma_semaphore, #tpu.memory_space<semaphore_mem>>
      %dma_start3A = arith.constant 0 : i32
      %dma_start3A_68 = tpu.memref_slice %arg14[%add3A_30, %dma_start3A] : memref<51200x32xf32, #tpu.memory_space<vmem_shared>> -> memref<256x32xf32, #tpu.memory_space<vmem_shared>>
      %dma_start3A_69 = arith.constant 0 : i32
      %dma_start3A_70 = tpu.memref_slice %arg14[%add3A_30, %dma_start3A_69] : memref<51200x32xf32, #tpu.memory_space<vmem_shared>> -> memref<256x32xf32, #tpu.memory_space<vmem_shared>>
      tpu.enqueue_dma source(%arg12 : memref<256x32xf32, #tpu.memory_space<vmem>>) target(%dma_start3A_70 : memref<256x32xf32, #tpu.memory_space<vmem_shared>>) target_semaphore(%run_scoped3A : memref<!tpu.dma_semaphore, #tpu.memory_space<semaphore_mem>>)
      %dma_wait3A = arith.constant 0 : i32
      %dma_wait3A_71 = tpu.memref_slice %arg14[%add3A_30, %dma_wait3A] : memref<51200x32xf32, #tpu.memory_space<vmem_shared>> -> memref<256x32xf32, #tpu.memory_space<vmem_shared>>
      %dma_wait3A_72 = arith.constant 0 : i32
      %dma_wait3A_73 = tpu.memref_slice %arg14[%add3A_30, %dma_wait3A_72] : memref<51200x32xf32, #tpu.memory_space<vmem_shared>> -> memref<256x32xf32, #tpu.memory_space<vmem_shared>>
      tpu.wait_dma2 semaphore(%run_scoped3A : memref<!tpu.dma_semaphore, #tpu.memory_space<semaphore_mem>>) src(%arg12 : memref<256x32xf32, #tpu.memory_space<vmem>>) dst(%dma_wait3A_73 : memref<256x32xf32, #tpu.memory_space<vmem_shared>>)
      tpu.yield
    }) : () -> ()
    %mul3A_31 = arith.constant 3200 : i32
    %mul3A_32 = arith.muli %arg1, %mul3A_31 : i32
    %add3A_33 = arith.constant 1792 : i32
    %add3A_34 = arith.addi %mul3A_32, %add3A_33 : i32
    "tpu.region"() ({
      %run_scoped3A = tpu.sem_alloc : memref<!tpu.dma_semaphore, #tpu.memory_space<semaphore_mem>>
      %dma_start3A = arith.constant 0 : i32
      %dma_start3A_68 = tpu.memref_slice %arg14[%add3A_34, %dma_start3A] : memref<51200x32xf32, #tpu.memory_space<vmem_shared>> -> memref<256x32xf32, #tpu.memory_space<vmem_shared>>
      %dma_start3A_69 = arith.constant 0 : i32
      %dma_start3A_70 = tpu.memref_slice %arg14[%add3A_34, %dma_start3A_69] : memref<51200x32xf32, #tpu.memory_space<vmem_shared>> -> memref<256x32xf32, #tpu.memory_space<vmem_shared>>
      tpu.enqueue_dma source(%arg12 : memref<256x32xf32, #tpu.memory_space<vmem>>) target(%dma_start3A_70 : memref<256x32xf32, #tpu.memory_space<vmem_shared>>) target_semaphore(%run_scoped3A : memref<!tpu.dma_semaphore, #tpu.memory_space<semaphore_mem>>)
      %dma_wait3A = arith.constant 0 : i32
      %dma_wait3A_71 = tpu.memref_slice %arg14[%add3A_34, %dma_wait3A] : memref<51200x32xf32, #tpu.memory_space<vmem_shared>> -> memref<256x32xf32, #tpu.memory_space<vmem_shared>>
      %dma_wait3A_72 = arith.constant 0 : i32
      %dma_wait3A_73 = tpu.memref_slice %arg14[%add3A_34, %dma_wait3A_72] : memref<51200x32xf32, #tpu.memory_space<vmem_shared>> -> memref<256x32xf32, #tpu.memory_space<vmem_shared>>
      tpu.wait_dma2 semaphore(%run_scoped3A : memref<!tpu.dma_semaphore, #tpu.memory_space<semaphore_mem>>) src(%arg12 : memref<256x32xf32, #tpu.memory_space<vmem>>) dst(%dma_wait3A_73 : memref<256x32xf32, #tpu.memory_space<vmem_shared>>)
      tpu.yield
    }) : () -> ()
    %mul3A_35 = arith.constant 3200 : i32
    %mul3A_36 = arith.muli %arg1, %mul3A_35 : i32
    %add3A_37 = arith.constant 2048 : i32
    %add3A_38 = arith.addi %mul3A_36, %add3A_37 : i32
    "tpu.region"() ({
      %run_scoped3A = tpu.sem_alloc : memref<!tpu.dma_semaphore, #tpu.memory_space<semaphore_mem>>
      %dma_start3A = arith.constant 0 : i32
      %dma_start3A_68 = tpu.memref_slice %arg14[%add3A_38, %dma_start3A] : memref<51200x32xf32, #tpu.memory_space<vmem_shared>> -> memref<256x32xf32, #tpu.memory_space<vmem_shared>>
      %dma_start3A_69 = arith.constant 0 : i32
      %dma_start3A_70 = tpu.memref_slice %arg14[%add3A_38, %dma_start3A_69] : memref<51200x32xf32, #tpu.memory_space<vmem_shared>> -> memref<256x32xf32, #tpu.memory_space<vmem_shared>>
      tpu.enqueue_dma source(%arg12 : memref<256x32xf32, #tpu.memory_space<vmem>>) target(%dma_start3A_70 : memref<256x32xf32, #tpu.memory_space<vmem_shared>>) target_semaphore(%run_scoped3A : memref<!tpu.dma_semaphore, #tpu.memory_space<semaphore_mem>>)
      %dma_wait3A = arith.constant 0 : i32
      %dma_wait3A_71 = tpu.memref_slice %arg14[%add3A_38, %dma_wait3A] : memref<51200x32xf32, #tpu.memory_space<vmem_shared>> -> memref<256x32xf32, #tpu.memory_space<vmem_shared>>
      %dma_wait3A_72 = arith.constant 0 : i32
      %dma_wait3A_73 = tpu.memref_slice %arg14[%add3A_38, %dma_wait3A_72] : memref<51200x32xf32, #tpu.memory_space<vmem_shared>> -> memref<256x32xf32, #tpu.memory_space<vmem_shared>>
      tpu.wait_dma2 semaphore(%run_scoped3A : memref<!tpu.dma_semaphore, #tpu.memory_space<semaphore_mem>>) src(%arg12 : memref<256x32xf32, #tpu.memory_space<vmem>>) dst(%dma_wait3A_73 : memref<256x32xf32, #tpu.memory_space<vmem_shared>>)
      tpu.yield
    }) : () -> ()
    %mul3A_39 = arith.constant 3200 : i32
    %mul3A_40 = arith.muli %arg1, %mul3A_39 : i32
    %add3A_41 = arith.constant 2304 : i32
    %add3A_42 = arith.addi %mul3A_40, %add3A_41 : i32
    "tpu.region"() ({
      %run_scoped3A = tpu.sem_alloc : memref<!tpu.dma_semaphore, #tpu.memory_space<semaphore_mem>>
      %dma_start3A = arith.constant 0 : i32
      %dma_start3A_68 = tpu.memref_slice %arg14[%add3A_42, %dma_start3A] : memref<51200x32xf32, #tpu.memory_space<vmem_shared>> -> memref<256x32xf32, #tpu.memory_space<vmem_shared>>
      %dma_start3A_69 = arith.constant 0 : i32
      %dma_start3A_70 = tpu.memref_slice %arg14[%add3A_42, %dma_start3A_69] : memref<51200x32xf32, #tpu.memory_space<vmem_shared>> -> memref<256x32xf32, #tpu.memory_space<vmem_shared>>
      tpu.enqueue_dma source(%arg12 : memref<256x32xf32, #tpu.memory_space<vmem>>) target(%dma_start3A_70 : memref<256x32xf32, #tpu.memory_space<vmem_shared>>) target_semaphore(%run_scoped3A : memref<!tpu.dma_semaphore, #tpu.memory_space<semaphore_mem>>)
      %dma_wait3A = arith.constant 0 : i32
      %dma_wait3A_71 = tpu.memref_slice %arg14[%add3A_42, %dma_wait3A] : memref<51200x32xf32, #tpu.memory_space<vmem_shared>> -> memref<256x32xf32, #tpu.memory_space<vmem_shared>>
      %dma_wait3A_72 = arith.constant 0 : i32
      %dma_wait3A_73 = tpu.memref_slice %arg14[%add3A_42, %dma_wait3A_72] : memref<51200x32xf32, #tpu.memory_space<vmem_shared>> -> memref<256x32xf32, #tpu.memory_space<vmem_shared>>
      tpu.wait_dma2 semaphore(%run_scoped3A : memref<!tpu.dma_semaphore, #tpu.memory_space<semaphore_mem>>) src(%arg12 : memref<256x32xf32, #tpu.memory_space<vmem>>) dst(%dma_wait3A_73 : memref<256x32xf32, #tpu.memory_space<vmem_shared>>)
      tpu.yield
    }) : () -> ()
    %mul3A_43 = arith.constant 3200 : i32
    %mul3A_44 = arith.muli %arg1, %mul3A_43 : i32
    %add3A_45 = arith.constant 2560 : i32
    %add3A_46 = arith.addi %mul3A_44, %add3A_45 : i32
    "tpu.region"() ({
      %run_scoped3A = tpu.sem_alloc : memref<!tpu.dma_semaphore, #tpu.memory_space<semaphore_mem>>
      %dma_start3A = arith.constant 0 : i32
      %dma_start3A_68 = tpu.memref_slice %arg14[%add3A_46, %dma_start3A] : memref<51200x32xf32, #tpu.memory_space<vmem_shared>> -> memref<256x32xf32, #tpu.memory_space<vmem_shared>>
      %dma_start3A_69 = arith.constant 0 : i32
      %dma_start3A_70 = tpu.memref_slice %arg14[%add3A_46, %dma_start3A_69] : memref<51200x32xf32, #tpu.memory_space<vmem_shared>> -> memref<256x32xf32, #tpu.memory_space<vmem_shared>>
      tpu.enqueue_dma source(%arg12 : memref<256x32xf32, #tpu.memory_space<vmem>>) target(%dma_start3A_70 : memref<256x32xf32, #tpu.memory_space<vmem_shared>>) target_semaphore(%run_scoped3A : memref<!tpu.dma_semaphore, #tpu.memory_space<semaphore_mem>>)
      %dma_wait3A = arith.constant 0 : i32
      %dma_wait3A_71 = tpu.memref_slice %arg14[%add3A_46, %dma_wait3A] : memref<51200x32xf32, #tpu.memory_space<vmem_shared>> -> memref<256x32xf32, #tpu.memory_space<vmem_shared>>
      %dma_wait3A_72 = arith.constant 0 : i32
      %dma_wait3A_73 = tpu.memref_slice %arg14[%add3A_46, %dma_wait3A_72] : memref<51200x32xf32, #tpu.memory_space<vmem_shared>> -> memref<256x32xf32, #tpu.memory_space<vmem_shared>>
      tpu.wait_dma2 semaphore(%run_scoped3A : memref<!tpu.dma_semaphore, #tpu.memory_space<semaphore_mem>>) src(%arg12 : memref<256x32xf32, #tpu.memory_space<vmem>>) dst(%dma_wait3A_73 : memref<256x32xf32, #tpu.memory_space<vmem_shared>>)
      tpu.yield
    }) : () -> ()
    %mul3A_47 = arith.constant 3200 : i32
    %mul3A_48 = arith.muli %arg1, %mul3A_47 : i32
    %add3A_49 = arith.constant 2816 : i32
    %add3A_50 = arith.addi %mul3A_48, %add3A_49 : i32
    "tpu.region"() ({
      %run_scoped3A = tpu.sem_alloc : memref<!tpu.dma_semaphore, #tpu.memory_space<semaphore_mem>>
      %dma_start3A = arith.constant 0 : i32
      %dma_start3A_68 = tpu.memref_slice %arg14[%add3A_50, %dma_start3A] : memref<51200x32xf32, #tpu.memory_space<vmem_shared>> -> memref<256x32xf32, #tpu.memory_space<vmem_shared>>
      %dma_start3A_69 = arith.constant 0 : i32
      %dma_start3A_70 = tpu.memref_slice %arg14[%add3A_50, %dma_start3A_69] : memref<51200x32xf32, #tpu.memory_space<vmem_shared>> -> memref<256x32xf32, #tpu.memory_space<vmem_shared>>
      tpu.enqueue_dma source(%arg12 : memref<256x32xf32, #tpu.memory_space<vmem>>) target(%dma_start3A_70 : memref<256x32xf32, #tpu.memory_space<vmem_shared>>) target_semaphore(%run_scoped3A : memref<!tpu.dma_semaphore, #tpu.memory_space<semaphore_mem>>)
      %dma_wait3A = arith.constant 0 : i32
      %dma_wait3A_71 = tpu.memref_slice %arg14[%add3A_50, %dma_wait3A] : memref<51200x32xf32, #tpu.memory_space<vmem_shared>> -> memref<256x32xf32, #tpu.memory_space<vmem_shared>>
      %dma_wait3A_72 = arith.constant 0 : i32
      %dma_wait3A_73 = tpu.memref_slice %arg14[%add3A_50, %dma_wait3A_72] : memref<51200x32xf32, #tpu.memory_space<vmem_shared>> -> memref<256x32xf32, #tpu.memory_space<vmem_shared>>
      tpu.wait_dma2 semaphore(%run_scoped3A : memref<!tpu.dma_semaphore, #tpu.memory_space<semaphore_mem>>) src(%arg12 : memref<256x32xf32, #tpu.memory_space<vmem>>) dst(%dma_wait3A_73 : memref<256x32xf32, #tpu.memory_space<vmem_shared>>)
      tpu.yield
    }) : () -> ()
    %mul3A_51 = arith.constant 3200 : i32
    %mul3A_52 = arith.muli %arg1, %mul3A_51 : i32
    %add3A_53 = arith.constant 3072 : i32
    %add3A_54 = arith.addi %mul3A_52, %add3A_53 : i32
    "tpu.region"() ({
      %run_scoped3A = tpu.sem_alloc : memref<!tpu.dma_semaphore, #tpu.memory_space<semaphore_mem>>
      %dma_start3A = arith.constant 0 : i32
      %dma_start3A_68 = arith.constant 0 : i32
      %dma_start3A_69 = tpu.memref_slice %arg12[%dma_start3A, %dma_start3A_68] : memref<256x32xf32, #tpu.memory_space<vmem>> -> memref<128x32xf32, #tpu.memory_space<vmem>>
      %dma_start3A_70 = arith.constant 0 : i32
      %dma_start3A_71 = tpu.memref_slice %arg14[%add3A_54, %dma_start3A_70] : memref<51200x32xf32, #tpu.memory_space<vmem_shared>> -> memref<128x32xf32, #tpu.memory_space<vmem_shared>>
      %dma_start3A_72 = arith.constant 0 : i32
      %dma_start3A_73 = tpu.memref_slice %arg14[%add3A_54, %dma_start3A_72] : memref<51200x32xf32, #tpu.memory_space<vmem_shared>> -> memref<128x32xf32, #tpu.memory_space<vmem_shared>>
      %dma_start3A_74 = arith.constant 0 : i32
      %dma_start3A_75 = arith.constant 0 : i32
      %dma_start3A_76 = tpu.memref_slice %arg12[%dma_start3A_74, %dma_start3A_75] : memref<256x32xf32, #tpu.memory_space<vmem>> -> memref<128x32xf32, #tpu.memory_space<vmem>>
      tpu.enqueue_dma source(%dma_start3A_76 : memref<128x32xf32, #tpu.memory_space<vmem>>) target(%dma_start3A_73 : memref<128x32xf32, #tpu.memory_space<vmem_shared>>) target_semaphore(%run_scoped3A : memref<!tpu.dma_semaphore, #tpu.memory_space<semaphore_mem>>)
      %dma_wait3A = arith.constant 0 : i32
      %dma_wait3A_77 = arith.constant 0 : i32
      %dma_wait3A_78 = tpu.memref_slice %arg12[%dma_wait3A, %dma_wait3A_77] : memref<256x32xf32, #tpu.memory_space<vmem>> -> memref<128x32xf32, #tpu.memory_space<vmem>>
      %dma_wait3A_79 = arith.constant 0 : i32
      %dma_wait3A_80 = tpu.memref_slice %arg14[%add3A_54, %dma_wait3A_79] : memref<51200x32xf32, #tpu.memory_space<vmem_shared>> -> memref<128x32xf32, #tpu.memory_space<vmem_shared>>
      %dma_wait3A_81 = arith.constant 0 : i32
      %dma_wait3A_82 = tpu.memref_slice %arg14[%add3A_54, %dma_wait3A_81] : memref<51200x32xf32, #tpu.memory_space<vmem_shared>> -> memref<128x32xf32, #tpu.memory_space<vmem_shared>>
      %dma_wait3A_83 = arith.constant 0 : i32
      %dma_wait3A_84 = arith.constant 0 : i32
      %dma_wait3A_85 = tpu.memref_slice %arg12[%dma_wait3A_83, %dma_wait3A_84] : memref<256x32xf32, #tpu.memory_space<vmem>> -> memref<128x32xf32, #tpu.memory_space<vmem>>
      tpu.wait_dma2 semaphore(%run_scoped3A : memref<!tpu.dma_semaphore, #tpu.memory_space<semaphore_mem>>) src(%dma_wait3A_85 : memref<128x32xf32, #tpu.memory_space<vmem>>) dst(%dma_wait3A_82 : memref<128x32xf32, #tpu.memory_space<vmem_shared>>)
      tpu.yield
    }) : () -> ()
    %barrier3A = arith.constant 0 : index
    tpu.barrier barrier_id(%barrier3A)
    %scan3A_55 = arith.constant 0 : i32
    %scan3A_56 = arith.constant 196 : i32
    %scan3A_57 = arith.addi %scan3A_55, %scan3A_56 : i32
    %scan3A_58 = arith.constant 1 : i32
    scf.for %scan3A_68 = %scan3A_55 to %scan3A_57 step %scan3A_58  : i32 {
      %mul3A_69 = arith.constant 1 : i32
      %mul3A_70 = arith.muli %scan3A_68, %mul3A_69 : i32
      %add3A_71 = arith.constant 0 : i32
      %add3A_72 = arith.addi %add3A_71, %mul3A_70 : i32
      %mul3A_73 = arith.constant 196 : i32
      %mul3A_74 = arith.muli %arg1, %mul3A_73 : i32
      %add3A_75 = arith.addi %mul3A_74, %add3A_72 : i32
      %mul3A_76 = arith.constant 2 : i32
      %mul3A_77 = arith.muli %add3A_75, %mul3A_76 : i32
      %mul3A_78 = arith.constant 6272 : i32
      %mul3A_79 = arith.muli %arg0, %mul3A_78 : i32
      %add3A_80 = arith.addi %mul3A_79, %mul3A_77 : i32
      "tpu.region"() ({
        %run_scoped3A = tpu.sem_alloc : memref<!tpu.dma_semaphore, #tpu.memory_space<semaphore_mem>>
        %dma_start3A_169 = arith.constant 0 : i32
        %dma_start3A_170 = tpu.memref_slice %arg4[%add3A_80, %dma_start3A_169] : memref<12544x128xi32, #tpu.memory_space<hbm>> -> memref<2x128xi32, #tpu.memory_space<hbm>>
        %dma_start3A_171 = arith.constant 0 : i32
        %dma_start3A_172 = tpu.memref_slice %arg4[%add3A_80, %dma_start3A_171] : memref<12544x128xi32, #tpu.memory_space<hbm>> -> memref<2x128xi32, #tpu.memory_space<hbm>>
        tpu.enqueue_dma source(%dma_start3A_172 : memref<2x128xi32, #tpu.memory_space<hbm>>) target(%arg8 : memref<2x128xi32, #tpu.memory_space<vmem>>) target_semaphore(%run_scoped3A : memref<!tpu.dma_semaphore, #tpu.memory_space<semaphore_mem>>)
        %dma_wait3A_173 = arith.constant 0 : i32
        %dma_wait3A_174 = tpu.memref_slice %arg4[%add3A_80, %dma_wait3A_173] : memref<12544x128xi32, #tpu.memory_space<hbm>> -> memref<2x128xi32, #tpu.memory_space<hbm>>
        %dma_wait3A_175 = arith.constant 0 : i32
        %dma_wait3A_176 = tpu.memref_slice %arg4[%add3A_80, %dma_wait3A_175] : memref<12544x128xi32, #tpu.memory_space<hbm>> -> memref<2x128xi32, #tpu.memory_space<hbm>>
        tpu.wait_dma2 semaphore(%run_scoped3A : memref<!tpu.dma_semaphore, #tpu.memory_space<semaphore_mem>>) src(%dma_wait3A_176 : memref<2x128xi32, #tpu.memory_space<hbm>>) dst(%arg8 : memref<2x128xi32, #tpu.memory_space<vmem>>)
        tpu.yield
      }) : () -> ()
      %mul3A_81 = arith.constant 6272 : i32
      %mul3A_82 = arith.muli %arg0, %mul3A_81 : i32
      %add3A_83 = arith.addi %mul3A_82, %mul3A_77 : i32
      "tpu.region"() ({
        %run_scoped3A = tpu.sem_alloc : memref<!tpu.dma_semaphore, #tpu.memory_space<semaphore_mem>>
        %dma_start3A_169 = arith.constant 0 : i32
        %dma_start3A_170 = tpu.memref_slice %arg6[%add3A_83, %dma_start3A_169] : memref<12544x128xi32, #tpu.memory_space<hbm>> -> memref<2x128xi32, #tpu.memory_space<hbm>>
        %dma_start3A_171 = arith.constant 0 : i32
        %dma_start3A_172 = tpu.memref_slice %arg6[%add3A_83, %dma_start3A_171] : memref<12544x128xi32, #tpu.memory_space<hbm>> -> memref<2x128xi32, #tpu.memory_space<hbm>>
        tpu.enqueue_dma source(%dma_start3A_172 : memref<2x128xi32, #tpu.memory_space<hbm>>) target(%arg11 : memref<2x128xi32, #tpu.memory_space<vmem>>) target_semaphore(%run_scoped3A : memref<!tpu.dma_semaphore, #tpu.memory_space<semaphore_mem>>)
        %dma_wait3A_173 = arith.constant 0 : i32
        %dma_wait3A_174 = tpu.memref_slice %arg6[%add3A_83, %dma_wait3A_173] : memref<12544x128xi32, #tpu.memory_space<hbm>> -> memref<2x128xi32, #tpu.memory_space<hbm>>
        %dma_wait3A_175 = arith.constant 0 : i32
        %dma_wait3A_176 = tpu.memref_slice %arg6[%add3A_83, %dma_wait3A_175] : memref<12544x128xi32, #tpu.memory_space<hbm>> -> memref<2x128xi32, #tpu.memory_space<hbm>>
        tpu.wait_dma2 semaphore(%run_scoped3A : memref<!tpu.dma_semaphore, #tpu.memory_space<semaphore_mem>>) src(%dma_wait3A_176 : memref<2x128xi32, #tpu.memory_space<hbm>>) dst(%arg11 : memref<2x128xi32, #tpu.memory_space<vmem>>)
        tpu.yield
      }) : () -> ()
      "tpu.region"() ({
        %run_scoped3A = tpu.sem_alloc : memref<!tpu.dma_semaphore, #tpu.memory_space<semaphore_mem>>
        %dma_start3A_169 = arith.constant 0 : i32
        %dma_start3A_170 = tpu.memref_slice %arg5[%mul3A_77, %dma_start3A_169] : memref<6272x128xi32, #tpu.memory_space<hbm>> -> memref<1x128xi32, #tpu.memory_space<hbm>>
        %dma_start3A_171 = tpu.memref_squeeze %dma_start3A_170 : memref<1x128xi32, #tpu.memory_space<hbm>> -> memref<128xi32, #tpu.memory_space<hbm>>
        %dma_start3A_172 = arith.constant 0 : i32
        %dma_start3A_173 = tpu.memref_slice %arg5[%mul3A_77, %dma_start3A_172] : memref<6272x128xi32, #tpu.memory_space<hbm>> -> memref<1x128xi32, #tpu.memory_space<hbm>>
        %dma_start3A_174 = tpu.memref_squeeze %dma_start3A_173 : memref<1x128xi32, #tpu.memory_space<hbm>> -> memref<128xi32, #tpu.memory_space<hbm>>
        tpu.enqueue_dma source(%dma_start3A_174 : memref<128xi32, #tpu.memory_space<hbm>>) target(%arg9 : memref<128xi32, #tpu.memory_space<vmem>>) target_semaphore(%run_scoped3A : memref<!tpu.dma_semaphore, #tpu.memory_space<semaphore_mem>>)
        %dma_wait3A_175 = arith.constant 0 : i32
        %dma_wait3A_176 = tpu.memref_slice %arg5[%mul3A_77, %dma_wait3A_175] : memref<6272x128xi32, #tpu.memory_space<hbm>> -> memref<1x128xi32, #tpu.memory_space<hbm>>
        %dma_wait3A_177 = tpu.memref_squeeze %dma_wait3A_176 : memref<1x128xi32, #tpu.memory_space<hbm>> -> memref<128xi32, #tpu.memory_space<hbm>>
        %dma_wait3A_178 = arith.constant 0 : i32
        %dma_wait3A_179 = tpu.memref_slice %arg5[%mul3A_77, %dma_wait3A_178] : memref<6272x128xi32, #tpu.memory_space<hbm>> -> memref<1x128xi32, #tpu.memory_space<hbm>>
        %dma_wait3A_180 = tpu.memref_squeeze %dma_wait3A_179 : memref<1x128xi32, #tpu.memory_space<hbm>> -> memref<128xi32, #tpu.memory_space<hbm>>
        tpu.wait_dma2 semaphore(%run_scoped3A : memref<!tpu.dma_semaphore, #tpu.memory_space<semaphore_mem>>) src(%dma_wait3A_180 : memref<128xi32, #tpu.memory_space<hbm>>) dst(%arg9 : memref<128xi32, #tpu.memory_space<vmem>>)
        tpu.yield
      }) : () -> ()
      %add3A_84 = arith.constant 1 : i32
      %add3A_85 = arith.addi %mul3A_77, %add3A_84 : i32
      "tpu.region"() ({
        %run_scoped3A = tpu.sem_alloc : memref<!tpu.dma_semaphore, #tpu.memory_space<semaphore_mem>>
        %dma_start3A_169 = arith.constant 0 : i32
        %dma_start3A_170 = tpu.memref_slice %arg5[%add3A_85, %dma_start3A_169] : memref<6272x128xi32, #tpu.memory_space<hbm>> -> memref<1x128xi32, #tpu.memory_space<hbm>>
        %dma_start3A_171 = tpu.memref_squeeze %dma_start3A_170 : memref<1x128xi32, #tpu.memory_space<hbm>> -> memref<128xi32, #tpu.memory_space<hbm>>
        %dma_start3A_172 = arith.constant 0 : i32
        %dma_start3A_173 = tpu.memref_slice %arg5[%add3A_85, %dma_start3A_172] : memref<6272x128xi32, #tpu.memory_space<hbm>> -> memref<1x128xi32, #tpu.memory_space<hbm>>
        %dma_start3A_174 = tpu.memref_squeeze %dma_start3A_173 : memref<1x128xi32, #tpu.memory_space<hbm>> -> memref<128xi32, #tpu.memory_space<hbm>>
        tpu.enqueue_dma source(%dma_start3A_174 : memref<128xi32, #tpu.memory_space<hbm>>) target(%arg10 : memref<128xi32, #tpu.memory_space<vmem>>) target_semaphore(%run_scoped3A : memref<!tpu.dma_semaphore, #tpu.memory_space<semaphore_mem>>)
        %dma_wait3A_175 = arith.constant 0 : i32
        %dma_wait3A_176 = tpu.memref_slice %arg5[%add3A_85, %dma_wait3A_175] : memref<6272x128xi32, #tpu.memory_space<hbm>> -> memref<1x128xi32, #tpu.memory_space<hbm>>
        %dma_wait3A_177 = tpu.memref_squeeze %dma_wait3A_176 : memref<1x128xi32, #tpu.memory_space<hbm>> -> memref<128xi32, #tpu.memory_space<hbm>>
        %dma_wait3A_178 = arith.constant 0 : i32
        %dma_wait3A_179 = tpu.memref_slice %arg5[%add3A_85, %dma_wait3A_178] : memref<6272x128xi32, #tpu.memory_space<hbm>> -> memref<1x128xi32, #tpu.memory_space<hbm>>
        %dma_wait3A_180 = tpu.memref_squeeze %dma_wait3A_179 : memref<1x128xi32, #tpu.memory_space<hbm>> -> memref<128xi32, #tpu.memory_space<hbm>>
        tpu.wait_dma2 semaphore(%run_scoped3A : memref<!tpu.dma_semaphore, #tpu.memory_space<semaphore_mem>>) src(%dma_wait3A_180 : memref<128xi32, #tpu.memory_space<hbm>>) dst(%arg10 : memref<128xi32, #tpu.memory_space<vmem>>)
        tpu.yield
      }) : () -> ()
      %dma_start3A = arith.constant 0 : i32
      %dma_start3A_86 = arith.constant 0 : i32
      %dma_start3A_87 = arith.constant 0 : i32
      %dma_start3A_88 = tpu.memref_slice %arg12[%dma_start3A_86, %dma_start3A_87] : memref<256x32xf32, #tpu.memory_space<vmem>> -> memref<128x32xf32, #tpu.memory_space<vmem>>
      %dma_start3A_89 = arith.constant 0 : i32
      %dma_start3A_90 = tpu.memref_slice %arg8[%dma_start3A, %dma_start3A_89] : memref<2x128xi32, #tpu.memory_space<vmem>> -> memref<1x128xi32, #tpu.memory_space<vmem>>
      %dma_start3A_91 = tpu.memref_squeeze %dma_start3A_90 : memref<1x128xi32, #tpu.memory_space<vmem>> -> memref<128xi32, #tpu.memory_space<vmem>>
      %dma_start3A_92 = arith.constant 0 : i32
      %dma_start3A_93 = arith.constant 0 : i32
      %dma_start3A_94 = tpu.memref_slice %arg2[%dma_start3A_92, %dma_start3A_93] : memref<102400x32xf32, #tpu.memory_space<hbm>> -> memref<102400x32xf32, #tpu.memory_space<hbm>>
      tpu.enqueue_indirect_dma source(%dma_start3A_94 : memref<102400x32xf32, #tpu.memory_space<hbm>>) target(%dma_start3A_88 : memref<128x32xf32, #tpu.memory_space<vmem>>) offsets(%dma_start3A_91 : memref<128xi32, #tpu.memory_space<vmem>>) semaphore(%arg15 : memref<!tpu.dma_semaphore, #tpu.memory_space<semaphore_mem>>)
      %dma_start3A_95 = arith.constant 0 : i32
      %dma_start3A_96 = arith.constant 0 : i32
      %dma_start3A_97 = arith.constant 0 : i32
      %dma_start3A_98 = tpu.memref_slice %arg13[%dma_start3A_96, %dma_start3A_97] : memref<256x32xf32, #tpu.memory_space<vmem>> -> memref<128x32xf32, #tpu.memory_space<vmem>>
      %dma_start3A_99 = arith.constant 0 : i32
      %dma_start3A_100 = tpu.memref_slice %arg11[%dma_start3A_95, %dma_start3A_99] : memref<2x128xi32, #tpu.memory_space<vmem>> -> memref<1x128xi32, #tpu.memory_space<vmem>>
      %dma_start3A_101 = tpu.memref_squeeze %dma_start3A_100 : memref<1x128xi32, #tpu.memory_space<vmem>> -> memref<128xi32, #tpu.memory_space<vmem>>
      %dma_start3A_102 = arith.constant 0 : i32
      %dma_start3A_103 = arith.constant 0 : i32
      %dma_start3A_104 = tpu.memref_slice %arg3[%dma_start3A_102, %dma_start3A_103] : memref<1024x32xf32, #tpu.memory_space<hbm>> -> memref<1024x32xf32, #tpu.memory_space<hbm>>
      tpu.enqueue_indirect_dma source(%dma_start3A_104 : memref<1024x32xf32, #tpu.memory_space<hbm>>) target(%dma_start3A_98 : memref<128x32xf32, #tpu.memory_space<vmem>>) offsets(%dma_start3A_101 : memref<128xi32, #tpu.memory_space<vmem>>) semaphore(%arg16 : memref<!tpu.dma_semaphore, #tpu.memory_space<semaphore_mem>>)
      %dma_start3A_105 = arith.constant 1 : i32
      %dma_start3A_106 = arith.constant 128 : i32
      %dma_start3A_107 = arith.constant 0 : i32
      %dma_start3A_108 = tpu.memref_slice %arg12[%dma_start3A_106, %dma_start3A_107] : memref<256x32xf32, #tpu.memory_space<vmem>> -> memref<128x32xf32, #tpu.memory_space<vmem>>
      %dma_start3A_109 = arith.constant 0 : i32
      %dma_start3A_110 = tpu.memref_slice %arg8[%dma_start3A_105, %dma_start3A_109] : memref<2x128xi32, #tpu.memory_space<vmem>> -> memref<1x128xi32, #tpu.memory_space<vmem>>
      %dma_start3A_111 = tpu.memref_squeeze %dma_start3A_110 : memref<1x128xi32, #tpu.memory_space<vmem>> -> memref<128xi32, #tpu.memory_space<vmem>>
      %dma_start3A_112 = arith.constant 0 : i32
      %dma_start3A_113 = arith.constant 0 : i32
      %dma_start3A_114 = tpu.memref_slice %arg2[%dma_start3A_112, %dma_start3A_113] : memref<102400x32xf32, #tpu.memory_space<hbm>> -> memref<102400x32xf32, #tpu.memory_space<hbm>>
      tpu.enqueue_indirect_dma source(%dma_start3A_114 : memref<102400x32xf32, #tpu.memory_space<hbm>>) target(%dma_start3A_108 : memref<128x32xf32, #tpu.memory_space<vmem>>) offsets(%dma_start3A_111 : memref<128xi32, #tpu.memory_space<vmem>>) semaphore(%arg15 : memref<!tpu.dma_semaphore, #tpu.memory_space<semaphore_mem>>)
      %dma_start3A_115 = arith.constant 1 : i32
      %dma_start3A_116 = arith.constant 128 : i32
      %dma_start3A_117 = arith.constant 0 : i32
      %dma_start3A_118 = tpu.memref_slice %arg13[%dma_start3A_116, %dma_start3A_117] : memref<256x32xf32, #tpu.memory_space<vmem>> -> memref<128x32xf32, #tpu.memory_space<vmem>>
      %dma_start3A_119 = arith.constant 0 : i32
      %dma_start3A_120 = tpu.memref_slice %arg11[%dma_start3A_115, %dma_start3A_119] : memref<2x128xi32, #tpu.memory_space<vmem>> -> memref<1x128xi32, #tpu.memory_space<vmem>>
      %dma_start3A_121 = tpu.memref_squeeze %dma_start3A_120 : memref<1x128xi32, #tpu.memory_space<vmem>> -> memref<128xi32, #tpu.memory_space<vmem>>
      %dma_start3A_122 = arith.constant 0 : i32
      %dma_start3A_123 = arith.constant 0 : i32
      %dma_start3A_124 = tpu.memref_slice %arg3[%dma_start3A_122, %dma_start3A_123] : memref<1024x32xf32, #tpu.memory_space<hbm>> -> memref<1024x32xf32, #tpu.memory_space<hbm>>
      tpu.enqueue_indirect_dma source(%dma_start3A_124 : memref<1024x32xf32, #tpu.memory_space<hbm>>) target(%dma_start3A_118 : memref<128x32xf32, #tpu.memory_space<vmem>>) offsets(%dma_start3A_121 : memref<128xi32, #tpu.memory_space<vmem>>) semaphore(%arg16 : memref<!tpu.dma_semaphore, #tpu.memory_space<semaphore_mem>>)
      %dma_wait3A = arith.constant 0 : i32
      %dma_wait3A_125 = arith.constant 0 : i32
      %dma_wait3A_126 = arith.constant 0 : i32
      %dma_wait3A_127 = tpu.memref_slice %arg12[%dma_wait3A_125, %dma_wait3A_126] : memref<256x32xf32, #tpu.memory_space<vmem>> -> memref<128x32xf32, #tpu.memory_space<vmem>>
      %dma_wait3A_128 = arith.constant 0 : i32
      %dma_wait3A_129 = tpu.memref_slice %arg8[%dma_wait3A, %dma_wait3A_128] : memref<2x128xi32, #tpu.memory_space<vmem>> -> memref<1x128xi32, #tpu.memory_space<vmem>>
      %dma_wait3A_130 = tpu.memref_squeeze %dma_wait3A_129 : memref<1x128xi32, #tpu.memory_space<vmem>> -> memref<128xi32, #tpu.memory_space<vmem>>
      %dma_wait3A_131 = arith.constant 0 : i32
      %dma_wait3A_132 = arith.constant 0 : i32
      %dma_wait3A_133 = tpu.memref_slice %arg2[%dma_wait3A_131, %dma_wait3A_132] : memref<102400x32xf32, #tpu.memory_space<hbm>> -> memref<102400x32xf32, #tpu.memory_space<hbm>>
      tpu.wait_indirect_dma semaphore(%arg15 : memref<!tpu.dma_semaphore, #tpu.memory_space<semaphore_mem>>) src(%dma_wait3A_133 : memref<102400x32xf32, #tpu.memory_space<hbm>>) dst(%dma_wait3A_127 : memref<128x32xf32, #tpu.memory_space<vmem>>)
      %dma_wait3A_134 = arith.constant 0 : i32
      %dma_wait3A_135 = arith.constant 0 : i32
      %dma_wait3A_136 = arith.constant 0 : i32
      %dma_wait3A_137 = tpu.memref_slice %arg13[%dma_wait3A_135, %dma_wait3A_136] : memref<256x32xf32, #tpu.memory_space<vmem>> -> memref<128x32xf32, #tpu.memory_space<vmem>>
      %dma_wait3A_138 = arith.constant 0 : i32
      %dma_wait3A_139 = tpu.memref_slice %arg11[%dma_wait3A_134, %dma_wait3A_138] : memref<2x128xi32, #tpu.memory_space<vmem>> -> memref<1x128xi32, #tpu.memory_space<vmem>>
      %dma_wait3A_140 = tpu.memref_squeeze %dma_wait3A_139 : memref<1x128xi32, #tpu.memory_space<vmem>> -> memref<128xi32, #tpu.memory_space<vmem>>
      %dma_wait3A_141 = arith.constant 0 : i32
      %dma_wait3A_142 = arith.constant 0 : i32
      %dma_wait3A_143 = tpu.memref_slice %arg3[%dma_wait3A_141, %dma_wait3A_142] : memref<1024x32xf32, #tpu.memory_space<hbm>> -> memref<1024x32xf32, #tpu.memory_space<hbm>>
      tpu.wait_indirect_dma semaphore(%arg16 : memref<!tpu.dma_semaphore, #tpu.memory_space<semaphore_mem>>) src(%dma_wait3A_143 : memref<1024x32xf32, #tpu.memory_space<hbm>>) dst(%dma_wait3A_137 : memref<128x32xf32, #tpu.memory_space<vmem>>)
      %dma_wait3A_144 = arith.constant 1 : i32
      %dma_wait3A_145 = arith.constant 128 : i32
      %dma_wait3A_146 = arith.constant 0 : i32
      %dma_wait3A_147 = tpu.memref_slice %arg12[%dma_wait3A_145, %dma_wait3A_146] : memref<256x32xf32, #tpu.memory_space<vmem>> -> memref<128x32xf32, #tpu.memory_space<vmem>>
      %dma_wait3A_148 = arith.constant 0 : i32
      %dma_wait3A_149 = tpu.memref_slice %arg8[%dma_wait3A_144, %dma_wait3A_148] : memref<2x128xi32, #tpu.memory_space<vmem>> -> memref<1x128xi32, #tpu.memory_space<vmem>>
      %dma_wait3A_150 = tpu.memref_squeeze %dma_wait3A_149 : memref<1x128xi32, #tpu.memory_space<vmem>> -> memref<128xi32, #tpu.memory_space<vmem>>
      %dma_wait3A_151 = arith.constant 0 : i32
      %dma_wait3A_152 = arith.constant 0 : i32
      %dma_wait3A_153 = tpu.memref_slice %arg2[%dma_wait3A_151, %dma_wait3A_152] : memref<102400x32xf32, #tpu.memory_space<hbm>> -> memref<102400x32xf32, #tpu.memory_space<hbm>>
      tpu.wait_indirect_dma semaphore(%arg15 : memref<!tpu.dma_semaphore, #tpu.memory_space<semaphore_mem>>) src(%dma_wait3A_153 : memref<102400x32xf32, #tpu.memory_space<hbm>>) dst(%dma_wait3A_147 : memref<128x32xf32, #tpu.memory_space<vmem>>)
      %dma_wait3A_154 = arith.constant 1 : i32
      %dma_wait3A_155 = arith.constant 128 : i32
      %dma_wait3A_156 = arith.constant 0 : i32
      %dma_wait3A_157 = tpu.memref_slice %arg13[%dma_wait3A_155, %dma_wait3A_156] : memref<256x32xf32, #tpu.memory_space<vmem>> -> memref<128x32xf32, #tpu.memory_space<vmem>>
      %dma_wait3A_158 = arith.constant 0 : i32
      %dma_wait3A_159 = tpu.memref_slice %arg11[%dma_wait3A_154, %dma_wait3A_158] : memref<2x128xi32, #tpu.memory_space<vmem>> -> memref<1x128xi32, #tpu.memory_space<vmem>>
      %dma_wait3A_160 = tpu.memref_squeeze %dma_wait3A_159 : memref<1x128xi32, #tpu.memory_space<vmem>> -> memref<128xi32, #tpu.memory_space<vmem>>
      %dma_wait3A_161 = arith.constant 0 : i32
      %dma_wait3A_162 = arith.constant 0 : i32
      %dma_wait3A_163 = tpu.memref_slice %arg3[%dma_wait3A_161, %dma_wait3A_162] : memref<1024x32xf32, #tpu.memory_space<hbm>> -> memref<1024x32xf32, #tpu.memory_space<hbm>>
      tpu.wait_indirect_dma semaphore(%arg16 : memref<!tpu.dma_semaphore, #tpu.memory_space<semaphore_mem>>) src(%dma_wait3A_163 : memref<1024x32xf32, #tpu.memory_space<hbm>>) dst(%dma_wait3A_157 : memref<128x32xf32, #tpu.memory_space<vmem>>)
      %scan3A_164 = arith.constant 0 : i32
      %scan3A_165 = arith.constant 256 : i32
      %scan3A_166 = arith.addi %scan3A_164, %scan3A_165 : i32
      %scan3A_167 = arith.constant 4 : i32
      scf.for %scan3A_169 = %scan3A_164 to %scan3A_166 step %scan3A_167  : i32 {
        %mul3A_170 = arith.constant 1 : i32
        %mul3A_171 = arith.muli %scan3A_169, %mul3A_170 : i32
        %add3A_172 = arith.constant 0 : i32
        %add3A_173 = arith.addi %add3A_172, %mul3A_171 : i32
        %get3A = arith.index_cast %add3A_173 : i32 to index
        %get3A_174 = arith.constant 0 : index
        %get3A_175 = tpu.vector_load %arg12[%get3A, %get3A_174] {strides = array<i32>} : memref<256x32xf32, #tpu.memory_space<vmem>>, vector<1x16xf32>,
        %get3A_176 = vector.shape_cast %get3A_175 : vector<1x16xf32> to vector<16xf32>
        %get3A_177 = arith.index_cast %add3A_173 : i32 to index
        %get3A_178 = arith.constant 0 : index
        %get3A_179 = tpu.vector_load %arg13[%get3A_177, %get3A_178] {strides = array<i32>} : memref<256x32xf32, #tpu.memory_space<vmem>>, vector<1x16xf32>,
        %get3A_180 = vector.shape_cast %get3A_179 : vector<1x16xf32> to vector<16xf32>
        %add3A_181 = arith.addf %get3A_176, %get3A_180 : vector<16xf32>
        %max3A = arith.constant 0.000000e+00 : f32
        %max3A_182 = vector.broadcast %max3A : f32 to vector<16xf32>
        %max3A_183 = arith.maximumf %add3A_181, %max3A_182 : vector<16xf32>
        %swap3A = arith.index_cast %add3A_173 : i32 to index
        %swap3A_184 = arith.constant 0 : index
        %swap3A_185 = tpu.vector_load %arg12[%swap3A, %swap3A_184] {strides = array<i32>} : memref<256x32xf32, #tpu.memory_space<vmem>>, vector<1x16xf32>,
        %swap3A_186 = vector.shape_cast %swap3A_185 : vector<1x16xf32> to vector<16xf32>
        %swap3A_187 = vector.shape_cast %max3A_183 : vector<16xf32> to vector<1x16xf32>
        tpu.vector_store %arg12[%swap3A, %swap3A_184], %swap3A_187 {strides = array<i32>} : memref<256x32xf32, #tpu.memory_space<vmem>>, vector<1x16xf32>,
        %get3A_188 = arith.index_cast %add3A_173 : i32 to index
        %get3A_189 = arith.constant 16 : index
        %get3A_190 = tpu.vector_load %arg12[%get3A_188, %get3A_189] {strides = array<i32>} : memref<256x32xf32, #tpu.memory_space<vmem>>, vector<1x16xf32>,
        %get3A_191 = vector.shape_cast %get3A_190 : vector<1x16xf32> to vector<16xf32>
        %get3A_192 = arith.index_cast %add3A_173 : i32 to index
        %get3A_193 = arith.constant 16 : index
        %get3A_194 = tpu.vector_load %arg13[%get3A_192, %get3A_193] {strides = array<i32>} : memref<256x32xf32, #tpu.memory_space<vmem>>, vector<1x16xf32>,
        %get3A_195 = vector.shape_cast %get3A_194 : vector<1x16xf32> to vector<16xf32>
        %add3A_196 = arith.addf %get3A_191, %get3A_195 : vector<16xf32>
        %max3A_197 = arith.constant 0.000000e+00 : f32
        %max3A_198 = vector.broadcast %max3A_197 : f32 to vector<16xf32>
        %max3A_199 = arith.maximumf %add3A_196, %max3A_198 : vector<16xf32>
        %swap3A_200 = arith.index_cast %add3A_173 : i32 to index
        %swap3A_201 = arith.constant 16 : index
        %swap3A_202 = tpu.vector_load %arg12[%swap3A_200, %swap3A_201] {strides = array<i32>} : memref<256x32xf32, #tpu.memory_space<vmem>>, vector<1x16xf32>,
        %swap3A_203 = vector.shape_cast %swap3A_202 : vector<1x16xf32> to vector<16xf32>
        %swap3A_204 = vector.shape_cast %max3A_199 : vector<16xf32> to vector<1x16xf32>
        tpu.vector_store %arg12[%swap3A_200, %swap3A_201], %swap3A_204 {strides = array<i32>} : memref<256x32xf32, #tpu.memory_space<vmem>>, vector<1x16xf32>,
        %scan3A_205 = arith.constant 1 : i32
        %scan3A_206 = arith.addi %scan3A_169, %scan3A_205 : i32
        %mul3A_207 = arith.constant 1 : i32
        %mul3A_208 = arith.muli %scan3A_206, %mul3A_207 : i32
        %add3A_209 = arith.constant 0 : i32
        %add3A_210 = arith.addi %add3A_209, %mul3A_208 : i32
        %get3A_211 = arith.index_cast %add3A_210 : i32 to index
        %get3A_212 = arith.constant 0 : index
        %get3A_213 = tpu.vector_load %arg12[%get3A_211, %get3A_212] {strides = array<i32>} : memref<256x32xf32, #tpu.memory_space<vmem>>, vector<1x16xf32>,
        %get3A_214 = vector.shape_cast %get3A_213 : vector<1x16xf32> to vector<16xf32>
        %get3A_215 = arith.index_cast %add3A_210 : i32 to index
        %get3A_216 = arith.constant 0 : index
        %get3A_217 = tpu.vector_load %arg13[%get3A_215, %get3A_216] {strides = array<i32>} : memref<256x32xf32, #tpu.memory_space<vmem>>, vector<1x16xf32>,
        %get3A_218 = vector.shape_cast %get3A_217 : vector<1x16xf32> to vector<16xf32>
        %add3A_219 = arith.addf %get3A_214, %get3A_218 : vector<16xf32>
        %max3A_220 = arith.constant 0.000000e+00 : f32
        %max3A_221 = vector.broadcast %max3A_220 : f32 to vector<16xf32>
        %max3A_222 = arith.maximumf %add3A_219, %max3A_221 : vector<16xf32>
        %swap3A_223 = arith.index_cast %add3A_210 : i32 to index
        %swap3A_224 = arith.constant 0 : index
        %swap3A_225 = tpu.vector_load %arg12[%swap3A_223, %swap3A_224] {strides = array<i32>} : memref<256x32xf32, #tpu.memory_space<vmem>>, vector<1x16xf32>,
        %swap3A_226 = vector.shape_cast %swap3A_225 : vector<1x16xf32> to vector<16xf32>
        %swap3A_227 = vector.shape_cast %max3A_222 : vector<16xf32> to vector<1x16xf32>
        tpu.vector_store %arg12[%swap3A_223, %swap3A_224], %swap3A_227 {strides = array<i32>} : memref<256x32xf32, #tpu.memory_space<vmem>>, vector<1x16xf32>,
        %get3A_228 = arith.index_cast %add3A_210 : i32 to index
        %get3A_229 = arith.constant 16 : index
        %get3A_230 = tpu.vector_load %arg12[%get3A_228, %get3A_229] {strides = array<i32>} : memref<256x32xf32, #tpu.memory_space<vmem>>, vector<1x16xf32>,
        %get3A_231 = vector.shape_cast %get3A_230 : vector<1x16xf32> to vector<16xf32>
        %get3A_232 = arith.index_cast %add3A_210 : i32 to index
        %get3A_233 = arith.constant 16 : index
        %get3A_234 = tpu.vector_load %arg13[%get3A_232, %get3A_233] {strides = array<i32>} : memref<256x32xf32, #tpu.memory_space<vmem>>, vector<1x16xf32>,
        %get3A_235 = vector.shape_cast %get3A_234 : vector<1x16xf32> to vector<16xf32>
        %add3A_236 = arith.addf %get3A_231, %get3A_235 : vector<16xf32>
        %max3A_237 = arith.constant 0.000000e+00 : f32
        %max3A_238 = vector.broadcast %max3A_237 : f32 to vector<16xf32>
        %max3A_239 = arith.maximumf %add3A_236, %max3A_238 : vector<16xf32>
        %swap3A_240 = arith.index_cast %add3A_210 : i32 to index
        %swap3A_241 = arith.constant 16 : index
        %swap3A_242 = tpu.vector_load %arg12[%swap3A_240, %swap3A_241] {strides = array<i32>} : memref<256x32xf32, #tpu.memory_space<vmem>>, vector<1x16xf32>,
        %swap3A_243 = vector.shape_cast %swap3A_242 : vector<1x16xf32> to vector<16xf32>
        %swap3A_244 = vector.shape_cast %max3A_239 : vector<16xf32> to vector<1x16xf32>
        tpu.vector_store %arg12[%swap3A_240, %swap3A_241], %swap3A_244 {strides = array<i32>} : memref<256x32xf32, #tpu.memory_space<vmem>>, vector<1x16xf32>,
        %scan3A_245 = arith.constant 2 : i32
        %scan3A_246 = arith.addi %scan3A_169, %scan3A_245 : i32
        %mul3A_247 = arith.constant 1 : i32
        %mul3A_248 = arith.muli %scan3A_246, %mul3A_247 : i32
        %add3A_249 = arith.constant 0 : i32
        %add3A_250 = arith.addi %add3A_249, %mul3A_248 : i32
        %get3A_251 = arith.index_cast %add3A_250 : i32 to index
        %get3A_252 = arith.constant 0 : index
        %get3A_253 = tpu.vector_load %arg12[%get3A_251, %get3A_252] {strides = array<i32>} : memref<256x32xf32, #tpu.memory_space<vmem>>, vector<1x16xf32>,
        %get3A_254 = vector.shape_cast %get3A_253 : vector<1x16xf32> to vector<16xf32>
        %get3A_255 = arith.index_cast %add3A_250 : i32 to index
        %get3A_256 = arith.constant 0 : index
        %get3A_257 = tpu.vector_load %arg13[%get3A_255, %get3A_256] {strides = array<i32>} : memref<256x32xf32, #tpu.memory_space<vmem>>, vector<1x16xf32>,
        %get3A_258 = vector.shape_cast %get3A_257 : vector<1x16xf32> to vector<16xf32>
        %add3A_259 = arith.addf %get3A_254, %get3A_258 : vector<16xf32>
        %max3A_260 = arith.constant 0.000000e+00 : f32
        %max3A_261 = vector.broadcast %max3A_260 : f32 to vector<16xf32>
        %max3A_262 = arith.maximumf %add3A_259, %max3A_261 : vector<16xf32>
        %swap3A_263 = arith.index_cast %add3A_250 : i32 to index
        %swap3A_264 = arith.constant 0 : index
        %swap3A_265 = tpu.vector_load %arg12[%swap3A_263, %swap3A_264] {strides = array<i32>} : memref<256x32xf32, #tpu.memory_space<vmem>>, vector<1x16xf32>,
        %swap3A_266 = vector.shape_cast %swap3A_265 : vector<1x16xf32> to vector<16xf32>
        %swap3A_267 = vector.shape_cast %max3A_262 : vector<16xf32> to vector<1x16xf32>
        tpu.vector_store %arg12[%swap3A_263, %swap3A_264], %swap3A_267 {strides = array<i32>} : memref<256x32xf32, #tpu.memory_space<vmem>>, vector<1x16xf32>,
        %get3A_268 = arith.index_cast %add3A_250 : i32 to index
        %get3A_269 = arith.constant 16 : index
        %get3A_270 = tpu.vector_load %arg12[%get3A_268, %get3A_269] {strides = array<i32>} : memref<256x32xf32, #tpu.memory_space<vmem>>, vector<1x16xf32>,
        %get3A_271 = vector.shape_cast %get3A_270 : vector<1x16xf32> to vector<16xf32>
        %get3A_272 = arith.index_cast %add3A_250 : i32 to index
        %get3A_273 = arith.constant 16 : index
        %get3A_274 = tpu.vector_load %arg13[%get3A_272, %get3A_273] {strides = array<i32>} : memref<256x32xf32, #tpu.memory_space<vmem>>, vector<1x16xf32>,
        %get3A_275 = vector.shape_cast %get3A_274 : vector<1x16xf32> to vector<16xf32>
        %add3A_276 = arith.addf %get3A_271, %get3A_275 : vector<16xf32>
        %max3A_277 = arith.constant 0.000000e+00 : f32
        %max3A_278 = vector.broadcast %max3A_277 : f32 to vector<16xf32>
        %max3A_279 = arith.maximumf %add3A_276, %max3A_278 : vector<16xf32>
        %swap3A_280 = arith.index_cast %add3A_250 : i32 to index
        %swap3A_281 = arith.constant 16 : index
        %swap3A_282 = tpu.vector_load %arg12[%swap3A_280, %swap3A_281] {strides = array<i32>} : memref<256x32xf32, #tpu.memory_space<vmem>>, vector<1x16xf32>,
        %swap3A_283 = vector.shape_cast %swap3A_282 : vector<1x16xf32> to vector<16xf32>
        %swap3A_284 = vector.shape_cast %max3A_279 : vector<16xf32> to vector<1x16xf32>
        tpu.vector_store %arg12[%swap3A_280, %swap3A_281], %swap3A_284 {strides = array<i32>} : memref<256x32xf32, #tpu.memory_space<vmem>>, vector<1x16xf32>,
        %scan3A_285 = arith.constant 3 : i32
        %scan3A_286 = arith.addi %scan3A_169, %scan3A_285 : i32
        %mul3A_287 = arith.constant 1 : i32
        %mul3A_288 = arith.muli %scan3A_286, %mul3A_287 : i32
        %add3A_289 = arith.constant 0 : i32
        %add3A_290 = arith.addi %add3A_289, %mul3A_288 : i32
        %get3A_291 = arith.index_cast %add3A_290 : i32 to index
        %get3A_292 = arith.constant 0 : index
        %get3A_293 = tpu.vector_load %arg12[%get3A_291, %get3A_292] {strides = array<i32>} : memref<256x32xf32, #tpu.memory_space<vmem>>, vector<1x16xf32>,
        %get3A_294 = vector.shape_cast %get3A_293 : vector<1x16xf32> to vector<16xf32>
        %get3A_295 = arith.index_cast %add3A_290 : i32 to index
        %get3A_296 = arith.constant 0 : index
        %get3A_297 = tpu.vector_load %arg13[%get3A_295, %get3A_296] {strides = array<i32>} : memref<256x32xf32, #tpu.memory_space<vmem>>, vector<1x16xf32>,
        %get3A_298 = vector.shape_cast %get3A_297 : vector<1x16xf32> to vector<16xf32>
        %add3A_299 = arith.addf %get3A_294, %get3A_298 : vector<16xf32>
        %max3A_300 = arith.constant 0.000000e+00 : f32
        %max3A_301 = vector.broadcast %max3A_300 : f32 to vector<16xf32>
        %max3A_302 = arith.maximumf %add3A_299, %max3A_301 : vector<16xf32>
        %swap3A_303 = arith.index_cast %add3A_290 : i32 to index
        %swap3A_304 = arith.constant 0 : index
        %swap3A_305 = tpu.vector_load %arg12[%swap3A_303, %swap3A_304] {strides = array<i32>} : memref<256x32xf32, #tpu.memory_space<vmem>>, vector<1x16xf32>,
        %swap3A_306 = vector.shape_cast %swap3A_305 : vector<1x16xf32> to vector<16xf32>
        %swap3A_307 = vector.shape_cast %max3A_302 : vector<16xf32> to vector<1x16xf32>
        tpu.vector_store %arg12[%swap3A_303, %swap3A_304], %swap3A_307 {strides = array<i32>} : memref<256x32xf32, #tpu.memory_space<vmem>>, vector<1x16xf32>,
        %get3A_308 = arith.index_cast %add3A_290 : i32 to index
        %get3A_309 = arith.constant 16 : index
        %get3A_310 = tpu.vector_load %arg12[%get3A_308, %get3A_309] {strides = array<i32>} : memref<256x32xf32, #tpu.memory_space<vmem>>, vector<1x16xf32>,
        %get3A_311 = vector.shape_cast %get3A_310 : vector<1x16xf32> to vector<16xf32>
        %get3A_312 = arith.index_cast %add3A_290 : i32 to index
        %get3A_313 = arith.constant 16 : index
        %get3A_314 = tpu.vector_load %arg13[%get3A_312, %get3A_313] {strides = array<i32>} : memref<256x32xf32, #tpu.memory_space<vmem>>, vector<1x16xf32>,
        %get3A_315 = vector.shape_cast %get3A_314 : vector<1x16xf32> to vector<16xf32>
        %add3A_316 = arith.addf %get3A_311, %get3A_315 : vector<16xf32>
        %max3A_317 = arith.constant 0.000000e+00 : f32
        %max3A_318 = vector.broadcast %max3A_317 : f32 to vector<16xf32>
        %max3A_319 = arith.maximumf %add3A_316, %max3A_318 : vector<16xf32>
        %swap3A_320 = arith.index_cast %add3A_290 : i32 to index
        %swap3A_321 = arith.constant 16 : index
        %swap3A_322 = tpu.vector_load %arg12[%swap3A_320, %swap3A_321] {strides = array<i32>} : memref<256x32xf32, #tpu.memory_space<vmem>>, vector<1x16xf32>,
        %swap3A_323 = vector.shape_cast %swap3A_322 : vector<1x16xf32> to vector<16xf32>
        %swap3A_324 = vector.shape_cast %max3A_319 : vector<16xf32> to vector<1x16xf32>
        tpu.vector_store %arg12[%swap3A_320, %swap3A_321], %swap3A_324 {strides = array<i32>} : memref<256x32xf32, #tpu.memory_space<vmem>>, vector<1x16xf32>,
      }
      %scan3A_168 = arith.constant 256 : i32
      "tpu.region"() ({
        %run_scoped3A = tpu.sem_alloc : memref<!tpu.dma_semaphore, #tpu.memory_space<semaphore_mem>>
        %dma_start3A_169 = arith.constant 0 : i32
        %dma_start3A_170 = arith.constant 0 : i32
        %dma_start3A_171 = tpu.memref_slice %arg12[%dma_start3A_169, %dma_start3A_170] : memref<256x32xf32, #tpu.memory_space<vmem>> -> memref<128x32xf32, #tpu.memory_space<vmem>>
        %dma_start3A_172 = arith.constant 0 : i32
        %dma_start3A_173 = arith.constant 0 : i32
        %dma_start3A_174 = tpu.memref_slice %arg14[%dma_start3A_172, %dma_start3A_173] : memref<51200x32xf32, #tpu.memory_space<vmem_shared>> -> memref<51200x32xf32, #tpu.memory_space<vmem_shared>>
        tpu.enqueue_indirect_dma source(%dma_start3A_171 : memref<128x32xf32, #tpu.memory_space<vmem>>) target(%dma_start3A_174 : memref<51200x32xf32, #tpu.memory_space<vmem_shared>>) offsets(%arg9 : memref<128xi32, #tpu.memory_space<vmem>>) semaphore(%run_scoped3A : memref<!tpu.dma_semaphore, #tpu.memory_space<semaphore_mem>>) {add = true}
        %dma_wait3A_175 = arith.constant 0 : i32
        %dma_wait3A_176 = arith.constant 0 : i32
        %dma_wait3A_177 = tpu.memref_slice %arg12[%dma_wait3A_175, %dma_wait3A_176] : memref<256x32xf32, #tpu.memory_space<vmem>> -> memref<128x32xf32, #tpu.memory_space<vmem>>
        %dma_wait3A_178 = arith.constant 0 : i32
        %dma_wait3A_179 = arith.constant 0 : i32
        %dma_wait3A_180 = tpu.memref_slice %arg14[%dma_wait3A_178, %dma_wait3A_179] : memref<51200x32xf32, #tpu.memory_space<vmem_shared>> -> memref<51200x32xf32, #tpu.memory_space<vmem_shared>>
        tpu.wait_indirect_dma semaphore(%run_scoped3A : memref<!tpu.dma_semaphore, #tpu.memory_space<semaphore_mem>>) src(%dma_wait3A_177 : memref<128x32xf32, #tpu.memory_space<vmem>>) dst(%dma_wait3A_180 : memref<51200x32xf32, #tpu.memory_space<vmem_shared>>)
        tpu.yield
      }) : () -> ()
      "tpu.region"() ({
        %run_scoped3A = tpu.sem_alloc : memref<!tpu.dma_semaphore, #tpu.memory_space<semaphore_mem>>
        %dma_start3A_169 = arith.constant 128 : i32
        %dma_start3A_170 = arith.constant 0 : i32
        %dma_start3A_171 = tpu.memref_slice %arg12[%dma_start3A_169, %dma_start3A_170] : memref<256x32xf32, #tpu.memory_space<vmem>> -> memref<128x32xf32, #tpu.memory_space<vmem>>
        %dma_start3A_172 = arith.constant 0 : i32
        %dma_start3A_173 = arith.constant 0 : i32
        %dma_start3A_174 = tpu.memref_slice %arg14[%dma_start3A_172, %dma_start3A_173] : memref<51200x32xf32, #tpu.memory_space<vmem_shared>> -> memref<51200x32xf32, #tpu.memory_space<vmem_shared>>
        tpu.enqueue_indirect_dma source(%dma_start3A_171 : memref<128x32xf32, #tpu.memory_space<vmem>>) target(%dma_start3A_174 : memref<51200x32xf32, #tpu.memory_space<vmem_shared>>) offsets(%arg10 : memref<128xi32, #tpu.memory_space<vmem>>) semaphore(%run_scoped3A : memref<!tpu.dma_semaphore, #tpu.memory_space<semaphore_mem>>) {add = true}
        %dma_wait3A_175 = arith.constant 128 : i32
        %dma_wait3A_176 = arith.constant 0 : i32
        %dma_wait3A_177 = tpu.memref_slice %arg12[%dma_wait3A_175, %dma_wait3A_176] : memref<256x32xf32, #tpu.memory_space<vmem>> -> memref<128x32xf32, #tpu.memory_space<vmem>>
        %dma_wait3A_178 = arith.constant 0 : i32
        %dma_wait3A_179 = arith.constant 0 : i32
        %dma_wait3A_180 = tpu.memref_slice %arg14[%dma_wait3A_178, %dma_wait3A_179] : memref<51200x32xf32, #tpu.memory_space<vmem_shared>> -> memref<51200x32xf32, #tpu.memory_space<vmem_shared>>
        tpu.wait_indirect_dma semaphore(%run_scoped3A : memref<!tpu.dma_semaphore, #tpu.memory_space<semaphore_mem>>) src(%dma_wait3A_177 : memref<128x32xf32, #tpu.memory_space<vmem>>) dst(%dma_wait3A_180 : memref<51200x32xf32, #tpu.memory_space<vmem_shared>>)
        tpu.yield
      }) : () -> ()
    }
    %scan3A_59 = arith.constant 196 : i32
    %barrier3A_60 = arith.constant 0 : index
    tpu.barrier barrier_id(%barrier3A_60)
    %mul3A_61 = arith.constant 3200 : i32
    %mul3A_62 = arith.muli %arg1, %mul3A_61 : i32
    %mul3A_63 = arith.constant 51200 : i32
    %mul3A_64 = arith.muli %arg0, %mul3A_63 : i32
    %mul3A_65 = arith.constant 3200 : i32
    %mul3A_66 = arith.muli %arg1, %mul3A_65 : i32
    %add3A_67 = arith.addi %mul3A_64, %mul3A_66 : i32
    "tpu.region"() ({
      %run_scoped3A = tpu.sem_alloc : memref<!tpu.dma_semaphore, #tpu.memory_space<semaphore_mem>>
      %dma_start3A = arith.constant 0 : i32
      %dma_start3A_68 = tpu.memref_slice %arg7[%add3A_67, %dma_start3A] : memref<102400x32xf32, #tpu.memory_space<hbm>> -> memref<3200x32xf32, #tpu.memory_space<hbm>>
      %dma_start3A_69 = arith.constant 0 : i32
      %dma_start3A_70 = tpu.memref_slice %arg14[%mul3A_62, %dma_start3A_69] : memref<51200x32xf32, #tpu.memory_space<vmem_shared>> -> memref<3200x32xf32, #tpu.memory_space<vmem_shared>>
      tpu.enqueue_dma source(%dma_start3A_70 : memref<3200x32xf32, #tpu.memory_space<vmem_shared>>) target(%dma_start3A_68 : memref<3200x32xf32, #tpu.memory_space<hbm>>) target_semaphore(%run_scoped3A : memref<!tpu.dma_semaphore, #tpu.memory_space<semaphore_mem>>)
      %dma_wait3A = arith.constant 0 : i32
      %dma_wait3A_71 = tpu.memref_slice %arg7[%add3A_67, %dma_wait3A] : memref<102400x32xf32, #tpu.memory_space<hbm>> -> memref<3200x32xf32, #tpu.memory_space<hbm>>
      %dma_wait3A_72 = arith.constant 0 : i32
      %dma_wait3A_73 = tpu.memref_slice %arg14[%mul3A_62, %dma_wait3A_72] : memref<51200x32xf32, #tpu.memory_space<vmem_shared>> -> memref<3200x32xf32, #tpu.memory_space<vmem_shared>>
      tpu.wait_dma2 semaphore(%run_scoped3A : memref<!tpu.dma_semaphore, #tpu.memory_space<semaphore_mem>>) src(%dma_wait3A_73 : memref<3200x32xf32, #tpu.memory_space<vmem_shared>>) dst(%dma_wait3A_71 : memref<3200x32xf32, #tpu.memory_space<hbm>>)
      tpu.yield
    }) : () -> ()
    return
  }
}

#map = affine_map<(d0, d1) -> (0, 0)>
module attributes {stable_mosaic.version = 14 : i64} {
  func.func @_layer_body(%arg0: i32, %arg1: i32, %arg2: memref<102400x32xf32, #tpu.memory_space<hbm>>, %arg3: memref<1024x32xf32, #tpu.memory_space<hbm>>, %arg4: memref<12544x128xi32, #tpu.memory_space<hbm>>, %arg5: memref<6272x128xi32, #tpu.memory_space<hbm>>, %arg6: memref<12544x128xi32, #tpu.memory_space<hbm>>, %arg7: memref<102400x32xf32, #tpu.memory_space<hbm>>, %arg8: memref<2x128xi32, #tpu.memory_space<vmem>>, %arg9: memref<128xi32, #tpu.memory_space<vmem>>, %arg10: memref<128xi32, #tpu.memory_space<vmem>>, %arg11: memref<2x128xi32, #tpu.memory_space<vmem>>, %arg12: memref<256x32xf32, #tpu.memory_space<vmem>>, %arg13: memref<256x32xf32, #tpu.memory_space<vmem>>, %arg14: memref<51200x32xf32, #tpu.memory_space<vmem_shared>>, %arg15: memref<!tpu.dma_semaphore, #tpu.memory_space<semaphore_mem>>, %arg16: memref<!tpu.dma_semaphore, #tpu.memory_space<semaphore_mem>>) attributes {dimension_semantics = [#tpu.dimension_semantics<core_parallel>, #tpu.dimension_semantics<subcore_parallel>], iteration_bounds = array<i64: 2, 16>, scalar_prefetch = 0 : i64, scratch_operands = 9 : i64, tpu.core_type = #tpu.core_type<sc_vector_subcore>, window_params = [{transform_indices = #map}, {transform_indices = #map}, {transform_indices = #map}, {transform_indices = #map}, {transform_indices = #map}, {transform_indices = #map}]} {
    %broadcast_in_dim3A = arith.constant 0.000000e+00 : f32
    %broadcast_in_dim3A_0 = vector.broadcast %broadcast_in_dim3A : f32 to vector<16xf32>
    %scan3A = arith.constant 0 : i32
    %scan3A_1 = arith.constant 256 : i32
    %scan3A_2 = arith.addi %scan3A, %scan3A_1 : i32
    %scan3A_3 = arith.constant 1 : i32
    scf.for %scan3A_68 = %scan3A to %scan3A_2 step %scan3A_3  : i32 {
      %mul3A_69 = arith.constant 1 : i32
      %mul3A_70 = arith.muli %scan3A_68, %mul3A_69 : i32
      %add3A_71 = arith.constant 0 : i32
      %add3A_72 = arith.addi %add3A_71, %mul3A_70 : i32
      %swap3A = arith.index_cast %add3A_72 : i32 to index
      %swap3A_73 = arith.constant 0 : index
      %swap3A_74 = tpu.vector_load %arg12[%swap3A, %swap3A_73] {strides = array<i32>} : memref<256x32xf32, #tpu.memory_space<vmem>>, vector<1x16xf32>,
      %swap3A_75 = vector.shape_cast %swap3A_74 : vector<1x16xf32> to vector<16xf32>
      %swap3A_76 = vector.shape_cast %broadcast_in_dim3A_0 : vector<16xf32> to vector<1x16xf32>
      tpu.vector_store %arg12[%swap3A, %swap3A_73], %swap3A_76 {strides = array<i32>} : memref<256x32xf32, #tpu.memory_space<vmem>>, vector<1x16xf32>,
      %swap3A_77 = arith.index_cast %add3A_72 : i32 to index
      %swap3A_78 = arith.constant 16 : index
      %swap3A_79 = tpu.vector_load %arg12[%swap3A_77, %swap3A_78] {strides = array<i32>} : memref<256x32xf32, #tpu.memory_space<vmem>>, vector<1x16xf32>,
      %swap3A_80 = vector.shape_cast %swap3A_79 : vector<1x16xf32> to vector<16xf32>
      %swap3A_81 = vector.shape_cast %broadcast_in_dim3A_0 : vector<16xf32> to vector<1x16xf32>
      tpu.vector_store %arg12[%swap3A_77, %swap3A_78], %swap3A_81 {strides = array<i32>} : memref<256x32xf32, #tpu.memory_space<vmem>>, vector<1x16xf32>,
    }
    %scan3A_4 = arith.constant 256 : i32
    %mul3A = arith.constant 3200 : i32
    %mul3A_5 = arith.muli %arg1, %mul3A : i32
    %add3A = arith.constant 0 : i32
    %add3A_6 = arith.addi %mul3A_5, %add3A : i32
    "tpu.region"() ({
      %run_scoped3A = tpu.sem_alloc : memref<!tpu.dma_semaphore, #tpu.memory_space<semaphore_mem>>
      %dma_start3A = arith.constant 0 : i32
      %dma_start3A_68 = tpu.memref_slice %arg14[%add3A_6, %dma_start3A] : memref<51200x32xf32, #tpu.memory_space<vmem_shared>> -> memref<256x32xf32, #tpu.memory_space<vmem_shared>>
      %dma_start3A_69 = arith.constant 0 : i32
      %dma_start3A_70 = tpu.memref_slice %arg14[%add3A_6, %dma_start3A_69] : memref<51200x32xf32, #tpu.memory_space<vmem_shared>> -> memref<256x32xf32, #tpu.memory_space<vmem_shared>>
      tpu.enqueue_dma source(%arg12 : memref<256x32xf32, #tpu.memory_space<vmem>>) target(%dma_start3A_70 : memref<256x32xf32, #tpu.memory_space<vmem_shared>>) target_semaphore(%run_scoped3A : memref<!tpu.dma_semaphore, #tpu.memory_space<semaphore_mem>>)
      %dma_wait3A = arith.constant 0 : i32
      %dma_wait3A_71 = tpu.memref_slice %arg14[%add3A_6, %dma_wait3A] : memref<51200x32xf32, #tpu.memory_space<vmem_shared>> -> memref<256x32xf32, #tpu.memory_space<vmem_shared>>
      %dma_wait3A_72 = arith.constant 0 : i32
      %dma_wait3A_73 = tpu.memref_slice %arg14[%add3A_6, %dma_wait3A_72] : memref<51200x32xf32, #tpu.memory_space<vmem_shared>> -> memref<256x32xf32, #tpu.memory_space<vmem_shared>>
      tpu.wait_dma2 semaphore(%run_scoped3A : memref<!tpu.dma_semaphore, #tpu.memory_space<semaphore_mem>>) src(%arg12 : memref<256x32xf32, #tpu.memory_space<vmem>>) dst(%dma_wait3A_73 : memref<256x32xf32, #tpu.memory_space<vmem_shared>>)
      tpu.yield
    }) : () -> ()
    %mul3A_7 = arith.constant 3200 : i32
    %mul3A_8 = arith.muli %arg1, %mul3A_7 : i32
    %add3A_9 = arith.constant 256 : i32
    %add3A_10 = arith.addi %mul3A_8, %add3A_9 : i32
    "tpu.region"() ({
      %run_scoped3A = tpu.sem_alloc : memref<!tpu.dma_semaphore, #tpu.memory_space<semaphore_mem>>
      %dma_start3A = arith.constant 0 : i32
      %dma_start3A_68 = tpu.memref_slice %arg14[%add3A_10, %dma_start3A] : memref<51200x32xf32, #tpu.memory_space<vmem_shared>> -> memref<256x32xf32, #tpu.memory_space<vmem_shared>>
      %dma_start3A_69 = arith.constant 0 : i32
      %dma_start3A_70 = tpu.memref_slice %arg14[%add3A_10, %dma_start3A_69] : memref<51200x32xf32, #tpu.memory_space<vmem_shared>> -> memref<256x32xf32, #tpu.memory_space<vmem_shared>>
      tpu.enqueue_dma source(%arg12 : memref<256x32xf32, #tpu.memory_space<vmem>>) target(%dma_start3A_70 : memref<256x32xf32, #tpu.memory_space<vmem_shared>>) target_semaphore(%run_scoped3A : memref<!tpu.dma_semaphore, #tpu.memory_space<semaphore_mem>>)
      %dma_wait3A = arith.constant 0 : i32
      %dma_wait3A_71 = tpu.memref_slice %arg14[%add3A_10, %dma_wait3A] : memref<51200x32xf32, #tpu.memory_space<vmem_shared>> -> memref<256x32xf32, #tpu.memory_space<vmem_shared>>
      %dma_wait3A_72 = arith.constant 0 : i32
      %dma_wait3A_73 = tpu.memref_slice %arg14[%add3A_10, %dma_wait3A_72] : memref<51200x32xf32, #tpu.memory_space<vmem_shared>> -> memref<256x32xf32, #tpu.memory_space<vmem_shared>>
      tpu.wait_dma2 semaphore(%run_scoped3A : memref<!tpu.dma_semaphore, #tpu.memory_space<semaphore_mem>>) src(%arg12 : memref<256x32xf32, #tpu.memory_space<vmem>>) dst(%dma_wait3A_73 : memref<256x32xf32, #tpu.memory_space<vmem_shared>>)
      tpu.yield
    }) : () -> ()
    %mul3A_11 = arith.constant 3200 : i32
    %mul3A_12 = arith.muli %arg1, %mul3A_11 : i32
    %add3A_13 = arith.constant 512 : i32
    %add3A_14 = arith.addi %mul3A_12, %add3A_13 : i32
    "tpu.region"() ({
      %run_scoped3A = tpu.sem_alloc : memref<!tpu.dma_semaphore, #tpu.memory_space<semaphore_mem>>
      %dma_start3A = arith.constant 0 : i32
      %dma_start3A_68 = tpu.memref_slice %arg14[%add3A_14, %dma_start3A] : memref<51200x32xf32, #tpu.memory_space<vmem_shared>> -> memref<256x32xf32, #tpu.memory_space<vmem_shared>>
      %dma_start3A_69 = arith.constant 0 : i32
      %dma_start3A_70 = tpu.memref_slice %arg14[%add3A_14, %dma_start3A_69] : memref<51200x32xf32, #tpu.memory_space<vmem_shared>> -> memref<256x32xf32, #tpu.memory_space<vmem_shared>>
      tpu.enqueue_dma source(%arg12 : memref<256x32xf32, #tpu.memory_space<vmem>>) target(%dma_start3A_70 : memref<256x32xf32, #tpu.memory_space<vmem_shared>>) target_semaphore(%run_scoped3A : memref<!tpu.dma_semaphore, #tpu.memory_space<semaphore_mem>>)
      %dma_wait3A = arith.constant 0 : i32
      %dma_wait3A_71 = tpu.memref_slice %arg14[%add3A_14, %dma_wait3A] : memref<51200x32xf32, #tpu.memory_space<vmem_shared>> -> memref<256x32xf32, #tpu.memory_space<vmem_shared>>
      %dma_wait3A_72 = arith.constant 0 : i32
      %dma_wait3A_73 = tpu.memref_slice %arg14[%add3A_14, %dma_wait3A_72] : memref<51200x32xf32, #tpu.memory_space<vmem_shared>> -> memref<256x32xf32, #tpu.memory_space<vmem_shared>>
      tpu.wait_dma2 semaphore(%run_scoped3A : memref<!tpu.dma_semaphore, #tpu.memory_space<semaphore_mem>>) src(%arg12 : memref<256x32xf32, #tpu.memory_space<vmem>>) dst(%dma_wait3A_73 : memref<256x32xf32, #tpu.memory_space<vmem_shared>>)
      tpu.yield
    }) : () -> ()
    %mul3A_15 = arith.constant 3200 : i32
    %mul3A_16 = arith.muli %arg1, %mul3A_15 : i32
    %add3A_17 = arith.constant 768 : i32
    %add3A_18 = arith.addi %mul3A_16, %add3A_17 : i32
    "tpu.region"() ({
      %run_scoped3A = tpu.sem_alloc : memref<!tpu.dma_semaphore, #tpu.memory_space<semaphore_mem>>
      %dma_start3A = arith.constant 0 : i32
      %dma_start3A_68 = tpu.memref_slice %arg14[%add3A_18, %dma_start3A] : memref<51200x32xf32, #tpu.memory_space<vmem_shared>> -> memref<256x32xf32, #tpu.memory_space<vmem_shared>>
      %dma_start3A_69 = arith.constant 0 : i32
      %dma_start3A_70 = tpu.memref_slice %arg14[%add3A_18, %dma_start3A_69] : memref<51200x32xf32, #tpu.memory_space<vmem_shared>> -> memref<256x32xf32, #tpu.memory_space<vmem_shared>>
      tpu.enqueue_dma source(%arg12 : memref<256x32xf32, #tpu.memory_space<vmem>>) target(%dma_start3A_70 : memref<256x32xf32, #tpu.memory_space<vmem_shared>>) target_semaphore(%run_scoped3A : memref<!tpu.dma_semaphore, #tpu.memory_space<semaphore_mem>>)
      %dma_wait3A = arith.constant 0 : i32
      %dma_wait3A_71 = tpu.memref_slice %arg14[%add3A_18, %dma_wait3A] : memref<51200x32xf32, #tpu.memory_space<vmem_shared>> -> memref<256x32xf32, #tpu.memory_space<vmem_shared>>
      %dma_wait3A_72 = arith.constant 0 : i32
      %dma_wait3A_73 = tpu.memref_slice %arg14[%add3A_18, %dma_wait3A_72] : memref<51200x32xf32, #tpu.memory_space<vmem_shared>> -> memref<256x32xf32, #tpu.memory_space<vmem_shared>>
      tpu.wait_dma2 semaphore(%run_scoped3A : memref<!tpu.dma_semaphore, #tpu.memory_space<semaphore_mem>>) src(%arg12 : memref<256x32xf32, #tpu.memory_space<vmem>>) dst(%dma_wait3A_73 : memref<256x32xf32, #tpu.memory_space<vmem_shared>>)
      tpu.yield
    }) : () -> ()
    %mul3A_19 = arith.constant 3200 : i32
    %mul3A_20 = arith.muli %arg1, %mul3A_19 : i32
    %add3A_21 = arith.constant 1024 : i32
    %add3A_22 = arith.addi %mul3A_20, %add3A_21 : i32
    "tpu.region"() ({
      %run_scoped3A = tpu.sem_alloc : memref<!tpu.dma_semaphore, #tpu.memory_space<semaphore_mem>>
      %dma_start3A = arith.constant 0 : i32
      %dma_start3A_68 = tpu.memref_slice %arg14[%add3A_22, %dma_start3A] : memref<51200x32xf32, #tpu.memory_space<vmem_shared>> -> memref<256x32xf32, #tpu.memory_space<vmem_shared>>
      %dma_start3A_69 = arith.constant 0 : i32
      %dma_start3A_70 = tpu.memref_slice %arg14[%add3A_22, %dma_start3A_69] : memref<51200x32xf32, #tpu.memory_space<vmem_shared>> -> memref<256x32xf32, #tpu.memory_space<vmem_shared>>
      tpu.enqueue_dma source(%arg12 : memref<256x32xf32, #tpu.memory_space<vmem>>) target(%dma_start3A_70 : memref<256x32xf32, #tpu.memory_space<vmem_shared>>) target_semaphore(%run_scoped3A : memref<!tpu.dma_semaphore, #tpu.memory_space<semaphore_mem>>)
      %dma_wait3A = arith.constant 0 : i32
      %dma_wait3A_71 = tpu.memref_slice %arg14[%add3A_22, %dma_wait3A] : memref<51200x32xf32, #tpu.memory_space<vmem_shared>> -> memref<256x32xf32, #tpu.memory_space<vmem_shared>>
      %dma_wait3A_72 = arith.constant 0 : i32
      %dma_wait3A_73 = tpu.memref_slice %arg14[%add3A_22, %dma_wait3A_72] : memref<51200x32xf32, #tpu.memory_space<vmem_shared>> -> memref<256x32xf32, #tpu.memory_space<vmem_shared>>
      tpu.wait_dma2 semaphore(%run_scoped3A : memref<!tpu.dma_semaphore, #tpu.memory_space<semaphore_mem>>) src(%arg12 : memref<256x32xf32, #tpu.memory_space<vmem>>) dst(%dma_wait3A_73 : memref<256x32xf32, #tpu.memory_space<vmem_shared>>)
      tpu.yield
    }) : () -> ()
    %mul3A_23 = arith.constant 3200 : i32
    %mul3A_24 = arith.muli %arg1, %mul3A_23 : i32
    %add3A_25 = arith.constant 1280 : i32
    %add3A_26 = arith.addi %mul3A_24, %add3A_25 : i32
    "tpu.region"() ({
      %run_scoped3A = tpu.sem_alloc : memref<!tpu.dma_semaphore, #tpu.memory_space<semaphore_mem>>
      %dma_start3A = arith.constant 0 : i32
      %dma_start3A_68 = tpu.memref_slice %arg14[%add3A_26, %dma_start3A] : memref<51200x32xf32, #tpu.memory_space<vmem_shared>> -> memref<256x32xf32, #tpu.memory_space<vmem_shared>>
      %dma_start3A_69 = arith.constant 0 : i32
      %dma_start3A_70 = tpu.memref_slice %arg14[%add3A_26, %dma_start3A_69] : memref<51200x32xf32, #tpu.memory_space<vmem_shared>> -> memref<256x32xf32, #tpu.memory_space<vmem_shared>>
      tpu.enqueue_dma source(%arg12 : memref<256x32xf32, #tpu.memory_space<vmem>>) target(%dma_start3A_70 : memref<256x32xf32, #tpu.memory_space<vmem_shared>>) target_semaphore(%run_scoped3A : memref<!tpu.dma_semaphore, #tpu.memory_space<semaphore_mem>>)
      %dma_wait3A = arith.constant 0 : i32
      %dma_wait3A_71 = tpu.memref_slice %arg14[%add3A_26, %dma_wait3A] : memref<51200x32xf32, #tpu.memory_space<vmem_shared>> -> memref<256x32xf32, #tpu.memory_space<vmem_shared>>
      %dma_wait3A_72 = arith.constant 0 : i32
      %dma_wait3A_73 = tpu.memref_slice %arg14[%add3A_26, %dma_wait3A_72] : memref<51200x32xf32, #tpu.memory_space<vmem_shared>> -> memref<256x32xf32, #tpu.memory_space<vmem_shared>>
      tpu.wait_dma2 semaphore(%run_scoped3A : memref<!tpu.dma_semaphore, #tpu.memory_space<semaphore_mem>>) src(%arg12 : memref<256x32xf32, #tpu.memory_space<vmem>>) dst(%dma_wait3A_73 : memref<256x32xf32, #tpu.memory_space<vmem_shared>>)
      tpu.yield
    }) : () -> ()
    %mul3A_27 = arith.constant 3200 : i32
    %mul3A_28 = arith.muli %arg1, %mul3A_27 : i32
    %add3A_29 = arith.constant 1536 : i32
    %add3A_30 = arith.addi %mul3A_28, %add3A_29 : i32
    "tpu.region"() ({
      %run_scoped3A = tpu.sem_alloc : memref<!tpu.dma_semaphore, #tpu.memory_space<semaphore_mem>>
      %dma_start3A = arith.constant 0 : i32
      %dma_start3A_68 = tpu.memref_slice %arg14[%add3A_30, %dma_start3A] : memref<51200x32xf32, #tpu.memory_space<vmem_shared>> -> memref<256x32xf32, #tpu.memory_space<vmem_shared>>
      %dma_start3A_69 = arith.constant 0 : i32
      %dma_start3A_70 = tpu.memref_slice %arg14[%add3A_30, %dma_start3A_69] : memref<51200x32xf32, #tpu.memory_space<vmem_shared>> -> memref<256x32xf32, #tpu.memory_space<vmem_shared>>
      tpu.enqueue_dma source(%arg12 : memref<256x32xf32, #tpu.memory_space<vmem>>) target(%dma_start3A_70 : memref<256x32xf32, #tpu.memory_space<vmem_shared>>) target_semaphore(%run_scoped3A : memref<!tpu.dma_semaphore, #tpu.memory_space<semaphore_mem>>)
      %dma_wait3A = arith.constant 0 : i32
      %dma_wait3A_71 = tpu.memref_slice %arg14[%add3A_30, %dma_wait3A] : memref<51200x32xf32, #tpu.memory_space<vmem_shared>> -> memref<256x32xf32, #tpu.memory_space<vmem_shared>>
      %dma_wait3A_72 = arith.constant 0 : i32
      %dma_wait3A_73 = tpu.memref_slice %arg14[%add3A_30, %dma_wait3A_72] : memref<51200x32xf32, #tpu.memory_space<vmem_shared>> -> memref<256x32xf32, #tpu.memory_space<vmem_shared>>
      tpu.wait_dma2 semaphore(%run_scoped3A : memref<!tpu.dma_semaphore, #tpu.memory_space<semaphore_mem>>) src(%arg12 : memref<256x32xf32, #tpu.memory_space<vmem>>) dst(%dma_wait3A_73 : memref<256x32xf32, #tpu.memory_space<vmem_shared>>)
      tpu.yield
    }) : () -> ()
    %mul3A_31 = arith.constant 3200 : i32
    %mul3A_32 = arith.muli %arg1, %mul3A_31 : i32
    %add3A_33 = arith.constant 1792 : i32
    %add3A_34 = arith.addi %mul3A_32, %add3A_33 : i32
    "tpu.region"() ({
      %run_scoped3A = tpu.sem_alloc : memref<!tpu.dma_semaphore, #tpu.memory_space<semaphore_mem>>
      %dma_start3A = arith.constant 0 : i32
      %dma_start3A_68 = tpu.memref_slice %arg14[%add3A_34, %dma_start3A] : memref<51200x32xf32, #tpu.memory_space<vmem_shared>> -> memref<256x32xf32, #tpu.memory_space<vmem_shared>>
      %dma_start3A_69 = arith.constant 0 : i32
      %dma_start3A_70 = tpu.memref_slice %arg14[%add3A_34, %dma_start3A_69] : memref<51200x32xf32, #tpu.memory_space<vmem_shared>> -> memref<256x32xf32, #tpu.memory_space<vmem_shared>>
      tpu.enqueue_dma source(%arg12 : memref<256x32xf32, #tpu.memory_space<vmem>>) target(%dma_start3A_70 : memref<256x32xf32, #tpu.memory_space<vmem_shared>>) target_semaphore(%run_scoped3A : memref<!tpu.dma_semaphore, #tpu.memory_space<semaphore_mem>>)
      %dma_wait3A = arith.constant 0 : i32
      %dma_wait3A_71 = tpu.memref_slice %arg14[%add3A_34, %dma_wait3A] : memref<51200x32xf32, #tpu.memory_space<vmem_shared>> -> memref<256x32xf32, #tpu.memory_space<vmem_shared>>
      %dma_wait3A_72 = arith.constant 0 : i32
      %dma_wait3A_73 = tpu.memref_slice %arg14[%add3A_34, %dma_wait3A_72] : memref<51200x32xf32, #tpu.memory_space<vmem_shared>> -> memref<256x32xf32, #tpu.memory_space<vmem_shared>>
      tpu.wait_dma2 semaphore(%run_scoped3A : memref<!tpu.dma_semaphore, #tpu.memory_space<semaphore_mem>>) src(%arg12 : memref<256x32xf32, #tpu.memory_space<vmem>>) dst(%dma_wait3A_73 : memref<256x32xf32, #tpu.memory_space<vmem_shared>>)
      tpu.yield
    }) : () -> ()
    %mul3A_35 = arith.constant 3200 : i32
    %mul3A_36 = arith.muli %arg1, %mul3A_35 : i32
    %add3A_37 = arith.constant 2048 : i32
    %add3A_38 = arith.addi %mul3A_36, %add3A_37 : i32
    "tpu.region"() ({
      %run_scoped3A = tpu.sem_alloc : memref<!tpu.dma_semaphore, #tpu.memory_space<semaphore_mem>>
      %dma_start3A = arith.constant 0 : i32
      %dma_start3A_68 = tpu.memref_slice %arg14[%add3A_38, %dma_start3A] : memref<51200x32xf32, #tpu.memory_space<vmem_shared>> -> memref<256x32xf32, #tpu.memory_space<vmem_shared>>
      %dma_start3A_69 = arith.constant 0 : i32
      %dma_start3A_70 = tpu.memref_slice %arg14[%add3A_38, %dma_start3A_69] : memref<51200x32xf32, #tpu.memory_space<vmem_shared>> -> memref<256x32xf32, #tpu.memory_space<vmem_shared>>
      tpu.enqueue_dma source(%arg12 : memref<256x32xf32, #tpu.memory_space<vmem>>) target(%dma_start3A_70 : memref<256x32xf32, #tpu.memory_space<vmem_shared>>) target_semaphore(%run_scoped3A : memref<!tpu.dma_semaphore, #tpu.memory_space<semaphore_mem>>)
      %dma_wait3A = arith.constant 0 : i32
      %dma_wait3A_71 = tpu.memref_slice %arg14[%add3A_38, %dma_wait3A] : memref<51200x32xf32, #tpu.memory_space<vmem_shared>> -> memref<256x32xf32, #tpu.memory_space<vmem_shared>>
      %dma_wait3A_72 = arith.constant 0 : i32
      %dma_wait3A_73 = tpu.memref_slice %arg14[%add3A_38, %dma_wait3A_72] : memref<51200x32xf32, #tpu.memory_space<vmem_shared>> -> memref<256x32xf32, #tpu.memory_space<vmem_shared>>
      tpu.wait_dma2 semaphore(%run_scoped3A : memref<!tpu.dma_semaphore, #tpu.memory_space<semaphore_mem>>) src(%arg12 : memref<256x32xf32, #tpu.memory_space<vmem>>) dst(%dma_wait3A_73 : memref<256x32xf32, #tpu.memory_space<vmem_shared>>)
      tpu.yield
    }) : () -> ()
    %mul3A_39 = arith.constant 3200 : i32
    %mul3A_40 = arith.muli %arg1, %mul3A_39 : i32
    %add3A_41 = arith.constant 2304 : i32
    %add3A_42 = arith.addi %mul3A_40, %add3A_41 : i32
    "tpu.region"() ({
      %run_scoped3A = tpu.sem_alloc : memref<!tpu.dma_semaphore, #tpu.memory_space<semaphore_mem>>
      %dma_start3A = arith.constant 0 : i32
      %dma_start3A_68 = tpu.memref_slice %arg14[%add3A_42, %dma_start3A] : memref<51200x32xf32, #tpu.memory_space<vmem_shared>> -> memref<256x32xf32, #tpu.memory_space<vmem_shared>>
      %dma_start3A_69 = arith.constant 0 : i32
      %dma_start3A_70 = tpu.memref_slice %arg14[%add3A_42, %dma_start3A_69] : memref<51200x32xf32, #tpu.memory_space<vmem_shared>> -> memref<256x32xf32, #tpu.memory_space<vmem_shared>>
      tpu.enqueue_dma source(%arg12 : memref<256x32xf32, #tpu.memory_space<vmem>>) target(%dma_start3A_70 : memref<256x32xf32, #tpu.memory_space<vmem_shared>>) target_semaphore(%run_scoped3A : memref<!tpu.dma_semaphore, #tpu.memory_space<semaphore_mem>>)
      %dma_wait3A = arith.constant 0 : i32
      %dma_wait3A_71 = tpu.memref_slice %arg14[%add3A_42, %dma_wait3A] : memref<51200x32xf32, #tpu.memory_space<vmem_shared>> -> memref<256x32xf32, #tpu.memory_space<vmem_shared>>
      %dma_wait3A_72 = arith.constant 0 : i32
      %dma_wait3A_73 = tpu.memref_slice %arg14[%add3A_42, %dma_wait3A_72] : memref<51200x32xf32, #tpu.memory_space<vmem_shared>> -> memref<256x32xf32, #tpu.memory_space<vmem_shared>>
      tpu.wait_dma2 semaphore(%run_scoped3A : memref<!tpu.dma_semaphore, #tpu.memory_space<semaphore_mem>>) src(%arg12 : memref<256x32xf32, #tpu.memory_space<vmem>>) dst(%dma_wait3A_73 : memref<256x32xf32, #tpu.memory_space<vmem_shared>>)
      tpu.yield
    }) : () -> ()
    %mul3A_43 = arith.constant 3200 : i32
    %mul3A_44 = arith.muli %arg1, %mul3A_43 : i32
    %add3A_45 = arith.constant 2560 : i32
    %add3A_46 = arith.addi %mul3A_44, %add3A_45 : i32
    "tpu.region"() ({
      %run_scoped3A = tpu.sem_alloc : memref<!tpu.dma_semaphore, #tpu.memory_space<semaphore_mem>>
      %dma_start3A = arith.constant 0 : i32
      %dma_start3A_68 = tpu.memref_slice %arg14[%add3A_46, %dma_start3A] : memref<51200x32xf32, #tpu.memory_space<vmem_shared>> -> memref<256x32xf32, #tpu.memory_space<vmem_shared>>
      %dma_start3A_69 = arith.constant 0 : i32
      %dma_start3A_70 = tpu.memref_slice %arg14[%add3A_46, %dma_start3A_69] : memref<51200x32xf32, #tpu.memory_space<vmem_shared>> -> memref<256x32xf32, #tpu.memory_space<vmem_shared>>
      tpu.enqueue_dma source(%arg12 : memref<256x32xf32, #tpu.memory_space<vmem>>) target(%dma_start3A_70 : memref<256x32xf32, #tpu.memory_space<vmem_shared>>) target_semaphore(%run_scoped3A : memref<!tpu.dma_semaphore, #tpu.memory_space<semaphore_mem>>)
      %dma_wait3A = arith.constant 0 : i32
      %dma_wait3A_71 = tpu.memref_slice %arg14[%add3A_46, %dma_wait3A] : memref<51200x32xf32, #tpu.memory_space<vmem_shared>> -> memref<256x32xf32, #tpu.memory_space<vmem_shared>>
      %dma_wait3A_72 = arith.constant 0 : i32
      %dma_wait3A_73 = tpu.memref_slice %arg14[%add3A_46, %dma_wait3A_72] : memref<51200x32xf32, #tpu.memory_space<vmem_shared>> -> memref<256x32xf32, #tpu.memory_space<vmem_shared>>
      tpu.wait_dma2 semaphore(%run_scoped3A : memref<!tpu.dma_semaphore, #tpu.memory_space<semaphore_mem>>) src(%arg12 : memref<256x32xf32, #tpu.memory_space<vmem>>) dst(%dma_wait3A_73 : memref<256x32xf32, #tpu.memory_space<vmem_shared>>)
      tpu.yield
    }) : () -> ()
    %mul3A_47 = arith.constant 3200 : i32
    %mul3A_48 = arith.muli %arg1, %mul3A_47 : i32
    %add3A_49 = arith.constant 2816 : i32
    %add3A_50 = arith.addi %mul3A_48, %add3A_49 : i32
    "tpu.region"() ({
      %run_scoped3A = tpu.sem_alloc : memref<!tpu.dma_semaphore, #tpu.memory_space<semaphore_mem>>
      %dma_start3A = arith.constant 0 : i32
      %dma_start3A_68 = tpu.memref_slice %arg14[%add3A_50, %dma_start3A] : memref<51200x32xf32, #tpu.memory_space<vmem_shared>> -> memref<256x32xf32, #tpu.memory_space<vmem_shared>>
      %dma_start3A_69 = arith.constant 0 : i32
      %dma_start3A_70 = tpu.memref_slice %arg14[%add3A_50, %dma_start3A_69] : memref<51200x32xf32, #tpu.memory_space<vmem_shared>> -> memref<256x32xf32, #tpu.memory_space<vmem_shared>>
      tpu.enqueue_dma source(%arg12 : memref<256x32xf32, #tpu.memory_space<vmem>>) target(%dma_start3A_70 : memref<256x32xf32, #tpu.memory_space<vmem_shared>>) target_semaphore(%run_scoped3A : memref<!tpu.dma_semaphore, #tpu.memory_space<semaphore_mem>>)
      %dma_wait3A = arith.constant 0 : i32
      %dma_wait3A_71 = tpu.memref_slice %arg14[%add3A_50, %dma_wait3A] : memref<51200x32xf32, #tpu.memory_space<vmem_shared>> -> memref<256x32xf32, #tpu.memory_space<vmem_shared>>
      %dma_wait3A_72 = arith.constant 0 : i32
      %dma_wait3A_73 = tpu.memref_slice %arg14[%add3A_50, %dma_wait3A_72] : memref<51200x32xf32, #tpu.memory_space<vmem_shared>> -> memref<256x32xf32, #tpu.memory_space<vmem_shared>>
      tpu.wait_dma2 semaphore(%run_scoped3A : memref<!tpu.dma_semaphore, #tpu.memory_space<semaphore_mem>>) src(%arg12 : memref<256x32xf32, #tpu.memory_space<vmem>>) dst(%dma_wait3A_73 : memref<256x32xf32, #tpu.memory_space<vmem_shared>>)
      tpu.yield
    }) : () -> ()
    %mul3A_51 = arith.constant 3200 : i32
    %mul3A_52 = arith.muli %arg1, %mul3A_51 : i32
    %add3A_53 = arith.constant 3072 : i32
    %add3A_54 = arith.addi %mul3A_52, %add3A_53 : i32
    "tpu.region"() ({
      %run_scoped3A = tpu.sem_alloc : memref<!tpu.dma_semaphore, #tpu.memory_space<semaphore_mem>>
      %dma_start3A = arith.constant 0 : i32
      %dma_start3A_68 = arith.constant 0 : i32
      %dma_start3A_69 = tpu.memref_slice %arg12[%dma_start3A, %dma_start3A_68] : memref<256x32xf32, #tpu.memory_space<vmem>> -> memref<128x32xf32, #tpu.memory_space<vmem>>
      %dma_start3A_70 = arith.constant 0 : i32
      %dma_start3A_71 = tpu.memref_slice %arg14[%add3A_54, %dma_start3A_70] : memref<51200x32xf32, #tpu.memory_space<vmem_shared>> -> memref<128x32xf32, #tpu.memory_space<vmem_shared>>
      %dma_start3A_72 = arith.constant 0 : i32
      %dma_start3A_73 = tpu.memref_slice %arg14[%add3A_54, %dma_start3A_72] : memref<51200x32xf32, #tpu.memory_space<vmem_shared>> -> memref<128x32xf32, #tpu.memory_space<vmem_shared>>
      %dma_start3A_74 = arith.constant 0 : i32
      %dma_start3A_75 = arith.constant 0 : i32
      %dma_start3A_76 = tpu.memref_slice %arg12[%dma_start3A_74, %dma_start3A_75] : memref<256x32xf32, #tpu.memory_space<vmem>> -> memref<128x32xf32, #tpu.memory_space<vmem>>
      tpu.enqueue_dma source(%dma_start3A_76 : memref<128x32xf32, #tpu.memory_space<vmem>>) target(%dma_start3A_73 : memref<128x32xf32, #tpu.memory_space<vmem_shared>>) target_semaphore(%run_scoped3A : memref<!tpu.dma_semaphore, #tpu.memory_space<semaphore_mem>>)
      %dma_wait3A = arith.constant 0 : i32
      %dma_wait3A_77 = arith.constant 0 : i32
      %dma_wait3A_78 = tpu.memref_slice %arg12[%dma_wait3A, %dma_wait3A_77] : memref<256x32xf32, #tpu.memory_space<vmem>> -> memref<128x32xf32, #tpu.memory_space<vmem>>
      %dma_wait3A_79 = arith.constant 0 : i32
      %dma_wait3A_80 = tpu.memref_slice %arg14[%add3A_54, %dma_wait3A_79] : memref<51200x32xf32, #tpu.memory_space<vmem_shared>> -> memref<128x32xf32, #tpu.memory_space<vmem_shared>>
      %dma_wait3A_81 = arith.constant 0 : i32
      %dma_wait3A_82 = tpu.memref_slice %arg14[%add3A_54, %dma_wait3A_81] : memref<51200x32xf32, #tpu.memory_space<vmem_shared>> -> memref<128x32xf32, #tpu.memory_space<vmem_shared>>
      %dma_wait3A_83 = arith.constant 0 : i32
      %dma_wait3A_84 = arith.constant 0 : i32
      %dma_wait3A_85 = tpu.memref_slice %arg12[%dma_wait3A_83, %dma_wait3A_84] : memref<256x32xf32, #tpu.memory_space<vmem>> -> memref<128x32xf32, #tpu.memory_space<vmem>>
      tpu.wait_dma2 semaphore(%run_scoped3A : memref<!tpu.dma_semaphore, #tpu.memory_space<semaphore_mem>>) src(%dma_wait3A_85 : memref<128x32xf32, #tpu.memory_space<vmem>>) dst(%dma_wait3A_82 : memref<128x32xf32, #tpu.memory_space<vmem_shared>>)
      tpu.yield
    }) : () -> ()
    %barrier3A = arith.constant 0 : index
    tpu.barrier barrier_id(%barrier3A)
    %scan3A_55 = arith.constant 0 : i32
    %scan3A_56 = arith.constant 196 : i32
    %scan3A_57 = arith.addi %scan3A_55, %scan3A_56 : i32
    %scan3A_58 = arith.constant 1 : i32
    scf.for %scan3A_68 = %scan3A_55 to %scan3A_57 step %scan3A_58  : i32 {
      %mul3A_69 = arith.constant 1 : i32
      %mul3A_70 = arith.muli %scan3A_68, %mul3A_69 : i32
      %add3A_71 = arith.constant 0 : i32
      %add3A_72 = arith.addi %add3A_71, %mul3A_70 : i32
      %mul3A_73 = arith.constant 196 : i32
      %mul3A_74 = arith.muli %arg1, %mul3A_73 : i32
      %add3A_75 = arith.addi %mul3A_74, %add3A_72 : i32
      %mul3A_76 = arith.constant 2 : i32
      %mul3A_77 = arith.muli %add3A_75, %mul3A_76 : i32
      %mul3A_78 = arith.constant 6272 : i32
      %mul3A_79 = arith.muli %arg0, %mul3A_78 : i32
      %add3A_80 = arith.addi %mul3A_79, %mul3A_77 : i32
      "tpu.region"() ({
        %run_scoped3A = tpu.sem_alloc : memref<!tpu.dma_semaphore, #tpu.memory_space<semaphore_mem>>
        %dma_start3A_169 = arith.constant 0 : i32
        %dma_start3A_170 = tpu.memref_slice %arg4[%add3A_80, %dma_start3A_169] : memref<12544x128xi32, #tpu.memory_space<hbm>> -> memref<2x128xi32, #tpu.memory_space<hbm>>
        %dma_start3A_171 = arith.constant 0 : i32
        %dma_start3A_172 = tpu.memref_slice %arg4[%add3A_80, %dma_start3A_171] : memref<12544x128xi32, #tpu.memory_space<hbm>> -> memref<2x128xi32, #tpu.memory_space<hbm>>
        tpu.enqueue_dma source(%dma_start3A_172 : memref<2x128xi32, #tpu.memory_space<hbm>>) target(%arg8 : memref<2x128xi32, #tpu.memory_space<vmem>>) target_semaphore(%run_scoped3A : memref<!tpu.dma_semaphore, #tpu.memory_space<semaphore_mem>>)
        %dma_wait3A_173 = arith.constant 0 : i32
        %dma_wait3A_174 = tpu.memref_slice %arg4[%add3A_80, %dma_wait3A_173] : memref<12544x128xi32, #tpu.memory_space<hbm>> -> memref<2x128xi32, #tpu.memory_space<hbm>>
        %dma_wait3A_175 = arith.constant 0 : i32
        %dma_wait3A_176 = tpu.memref_slice %arg4[%add3A_80, %dma_wait3A_175] : memref<12544x128xi32, #tpu.memory_space<hbm>> -> memref<2x128xi32, #tpu.memory_space<hbm>>
        tpu.wait_dma2 semaphore(%run_scoped3A : memref<!tpu.dma_semaphore, #tpu.memory_space<semaphore_mem>>) src(%dma_wait3A_176 : memref<2x128xi32, #tpu.memory_space<hbm>>) dst(%arg8 : memref<2x128xi32, #tpu.memory_space<vmem>>)
        tpu.yield
      }) : () -> ()
      %mul3A_81 = arith.constant 6272 : i32
      %mul3A_82 = arith.muli %arg0, %mul3A_81 : i32
      %add3A_83 = arith.addi %mul3A_82, %mul3A_77 : i32
      "tpu.region"() ({
        %run_scoped3A = tpu.sem_alloc : memref<!tpu.dma_semaphore, #tpu.memory_space<semaphore_mem>>
        %dma_start3A_169 = arith.constant 0 : i32
        %dma_start3A_170 = tpu.memref_slice %arg6[%add3A_83, %dma_start3A_169] : memref<12544x128xi32, #tpu.memory_space<hbm>> -> memref<2x128xi32, #tpu.memory_space<hbm>>
        %dma_start3A_171 = arith.constant 0 : i32
        %dma_start3A_172 = tpu.memref_slice %arg6[%add3A_83, %dma_start3A_171] : memref<12544x128xi32, #tpu.memory_space<hbm>> -> memref<2x128xi32, #tpu.memory_space<hbm>>
        tpu.enqueue_dma source(%dma_start3A_172 : memref<2x128xi32, #tpu.memory_space<hbm>>) target(%arg11 : memref<2x128xi32, #tpu.memory_space<vmem>>) target_semaphore(%run_scoped3A : memref<!tpu.dma_semaphore, #tpu.memory_space<semaphore_mem>>)
        %dma_wait3A_173 = arith.constant 0 : i32
        %dma_wait3A_174 = tpu.memref_slice %arg6[%add3A_83, %dma_wait3A_173] : memref<12544x128xi32, #tpu.memory_space<hbm>> -> memref<2x128xi32, #tpu.memory_space<hbm>>
        %dma_wait3A_175 = arith.constant 0 : i32
        %dma_wait3A_176 = tpu.memref_slice %arg6[%add3A_83, %dma_wait3A_175] : memref<12544x128xi32, #tpu.memory_space<hbm>> -> memref<2x128xi32, #tpu.memory_space<hbm>>
        tpu.wait_dma2 semaphore(%run_scoped3A : memref<!tpu.dma_semaphore, #tpu.memory_space<semaphore_mem>>) src(%dma_wait3A_176 : memref<2x128xi32, #tpu.memory_space<hbm>>) dst(%arg11 : memref<2x128xi32, #tpu.memory_space<vmem>>)
        tpu.yield
      }) : () -> ()
      "tpu.region"() ({
        %run_scoped3A = tpu.sem_alloc : memref<!tpu.dma_semaphore, #tpu.memory_space<semaphore_mem>>
        %dma_start3A_169 = arith.constant 0 : i32
        %dma_start3A_170 = tpu.memref_slice %arg5[%mul3A_77, %dma_start3A_169] : memref<6272x128xi32, #tpu.memory_space<hbm>> -> memref<1x128xi32, #tpu.memory_space<hbm>>
        %dma_start3A_171 = tpu.memref_squeeze %dma_start3A_170 : memref<1x128xi32, #tpu.memory_space<hbm>> -> memref<128xi32, #tpu.memory_space<hbm>>
        %dma_start3A_172 = arith.constant 0 : i32
        %dma_start3A_173 = tpu.memref_slice %arg5[%mul3A_77, %dma_start3A_172] : memref<6272x128xi32, #tpu.memory_space<hbm>> -> memref<1x128xi32, #tpu.memory_space<hbm>>
        %dma_start3A_174 = tpu.memref_squeeze %dma_start3A_173 : memref<1x128xi32, #tpu.memory_space<hbm>> -> memref<128xi32, #tpu.memory_space<hbm>>
        tpu.enqueue_dma source(%dma_start3A_174 : memref<128xi32, #tpu.memory_space<hbm>>) target(%arg9 : memref<128xi32, #tpu.memory_space<vmem>>) target_semaphore(%run_scoped3A : memref<!tpu.dma_semaphore, #tpu.memory_space<semaphore_mem>>)
        %dma_wait3A_175 = arith.constant 0 : i32
        %dma_wait3A_176 = tpu.memref_slice %arg5[%mul3A_77, %dma_wait3A_175] : memref<6272x128xi32, #tpu.memory_space<hbm>> -> memref<1x128xi32, #tpu.memory_space<hbm>>
        %dma_wait3A_177 = tpu.memref_squeeze %dma_wait3A_176 : memref<1x128xi32, #tpu.memory_space<hbm>> -> memref<128xi32, #tpu.memory_space<hbm>>
        %dma_wait3A_178 = arith.constant 0 : i32
        %dma_wait3A_179 = tpu.memref_slice %arg5[%mul3A_77, %dma_wait3A_178] : memref<6272x128xi32, #tpu.memory_space<hbm>> -> memref<1x128xi32, #tpu.memory_space<hbm>>
        %dma_wait3A_180 = tpu.memref_squeeze %dma_wait3A_179 : memref<1x128xi32, #tpu.memory_space<hbm>> -> memref<128xi32, #tpu.memory_space<hbm>>
        tpu.wait_dma2 semaphore(%run_scoped3A : memref<!tpu.dma_semaphore, #tpu.memory_space<semaphore_mem>>) src(%dma_wait3A_180 : memref<128xi32, #tpu.memory_space<hbm>>) dst(%arg9 : memref<128xi32, #tpu.memory_space<vmem>>)
        tpu.yield
      }) : () -> ()
      %add3A_84 = arith.constant 1 : i32
      %add3A_85 = arith.addi %mul3A_77, %add3A_84 : i32
      "tpu.region"() ({
        %run_scoped3A = tpu.sem_alloc : memref<!tpu.dma_semaphore, #tpu.memory_space<semaphore_mem>>
        %dma_start3A_169 = arith.constant 0 : i32
        %dma_start3A_170 = tpu.memref_slice %arg5[%add3A_85, %dma_start3A_169] : memref<6272x128xi32, #tpu.memory_space<hbm>> -> memref<1x128xi32, #tpu.memory_space<hbm>>
        %dma_start3A_171 = tpu.memref_squeeze %dma_start3A_170 : memref<1x128xi32, #tpu.memory_space<hbm>> -> memref<128xi32, #tpu.memory_space<hbm>>
        %dma_start3A_172 = arith.constant 0 : i32
        %dma_start3A_173 = tpu.memref_slice %arg5[%add3A_85, %dma_start3A_172] : memref<6272x128xi32, #tpu.memory_space<hbm>> -> memref<1x128xi32, #tpu.memory_space<hbm>>
        %dma_start3A_174 = tpu.memref_squeeze %dma_start3A_173 : memref<1x128xi32, #tpu.memory_space<hbm>> -> memref<128xi32, #tpu.memory_space<hbm>>
        tpu.enqueue_dma source(%dma_start3A_174 : memref<128xi32, #tpu.memory_space<hbm>>) target(%arg10 : memref<128xi32, #tpu.memory_space<vmem>>) target_semaphore(%run_scoped3A : memref<!tpu.dma_semaphore, #tpu.memory_space<semaphore_mem>>)
        %dma_wait3A_175 = arith.constant 0 : i32
        %dma_wait3A_176 = tpu.memref_slice %arg5[%add3A_85, %dma_wait3A_175] : memref<6272x128xi32, #tpu.memory_space<hbm>> -> memref<1x128xi32, #tpu.memory_space<hbm>>
        %dma_wait3A_177 = tpu.memref_squeeze %dma_wait3A_176 : memref<1x128xi32, #tpu.memory_space<hbm>> -> memref<128xi32, #tpu.memory_space<hbm>>
        %dma_wait3A_178 = arith.constant 0 : i32
        %dma_wait3A_179 = tpu.memref_slice %arg5[%add3A_85, %dma_wait3A_178] : memref<6272x128xi32, #tpu.memory_space<hbm>> -> memref<1x128xi32, #tpu.memory_space<hbm>>
        %dma_wait3A_180 = tpu.memref_squeeze %dma_wait3A_179 : memref<1x128xi32, #tpu.memory_space<hbm>> -> memref<128xi32, #tpu.memory_space<hbm>>
        tpu.wait_dma2 semaphore(%run_scoped3A : memref<!tpu.dma_semaphore, #tpu.memory_space<semaphore_mem>>) src(%dma_wait3A_180 : memref<128xi32, #tpu.memory_space<hbm>>) dst(%arg10 : memref<128xi32, #tpu.memory_space<vmem>>)
        tpu.yield
      }) : () -> ()
      %dma_start3A = arith.constant 0 : i32
      %dma_start3A_86 = arith.constant 0 : i32
      %dma_start3A_87 = arith.constant 0 : i32
      %dma_start3A_88 = tpu.memref_slice %arg12[%dma_start3A_86, %dma_start3A_87] : memref<256x32xf32, #tpu.memory_space<vmem>> -> memref<128x32xf32, #tpu.memory_space<vmem>>
      %dma_start3A_89 = arith.constant 0 : i32
      %dma_start3A_90 = tpu.memref_slice %arg8[%dma_start3A, %dma_start3A_89] : memref<2x128xi32, #tpu.memory_space<vmem>> -> memref<1x128xi32, #tpu.memory_space<vmem>>
      %dma_start3A_91 = tpu.memref_squeeze %dma_start3A_90 : memref<1x128xi32, #tpu.memory_space<vmem>> -> memref<128xi32, #tpu.memory_space<vmem>>
      %dma_start3A_92 = arith.constant 0 : i32
      %dma_start3A_93 = arith.constant 0 : i32
      %dma_start3A_94 = tpu.memref_slice %arg2[%dma_start3A_92, %dma_start3A_93] : memref<102400x32xf32, #tpu.memory_space<hbm>> -> memref<102400x32xf32, #tpu.memory_space<hbm>>
      tpu.enqueue_indirect_dma source(%dma_start3A_94 : memref<102400x32xf32, #tpu.memory_space<hbm>>) target(%dma_start3A_88 : memref<128x32xf32, #tpu.memory_space<vmem>>) offsets(%dma_start3A_91 : memref<128xi32, #tpu.memory_space<vmem>>) semaphore(%arg15 : memref<!tpu.dma_semaphore, #tpu.memory_space<semaphore_mem>>)
      %dma_start3A_95 = arith.constant 0 : i32
      %dma_start3A_96 = arith.constant 0 : i32
      %dma_start3A_97 = arith.constant 0 : i32
      %dma_start3A_98 = tpu.memref_slice %arg13[%dma_start3A_96, %dma_start3A_97] : memref<256x32xf32, #tpu.memory_space<vmem>> -> memref<128x32xf32, #tpu.memory_space<vmem>>
      %dma_start3A_99 = arith.constant 0 : i32
      %dma_start3A_100 = tpu.memref_slice %arg11[%dma_start3A_95, %dma_start3A_99] : memref<2x128xi32, #tpu.memory_space<vmem>> -> memref<1x128xi32, #tpu.memory_space<vmem>>
      %dma_start3A_101 = tpu.memref_squeeze %dma_start3A_100 : memref<1x128xi32, #tpu.memory_space<vmem>> -> memref<128xi32, #tpu.memory_space<vmem>>
      %dma_start3A_102 = arith.constant 0 : i32
      %dma_start3A_103 = arith.constant 0 : i32
      %dma_start3A_104 = tpu.memref_slice %arg3[%dma_start3A_102, %dma_start3A_103] : memref<1024x32xf32, #tpu.memory_space<hbm>> -> memref<1024x32xf32, #tpu.memory_space<hbm>>
      tpu.enqueue_indirect_dma source(%dma_start3A_104 : memref<1024x32xf32, #tpu.memory_space<hbm>>) target(%dma_start3A_98 : memref<128x32xf32, #tpu.memory_space<vmem>>) offsets(%dma_start3A_101 : memref<128xi32, #tpu.memory_space<vmem>>) semaphore(%arg16 : memref<!tpu.dma_semaphore, #tpu.memory_space<semaphore_mem>>)
      %dma_start3A_105 = arith.constant 1 : i32
      %dma_start3A_106 = arith.constant 128 : i32
      %dma_start3A_107 = arith.constant 0 : i32
      %dma_start3A_108 = tpu.memref_slice %arg12[%dma_start3A_106, %dma_start3A_107] : memref<256x32xf32, #tpu.memory_space<vmem>> -> memref<128x32xf32, #tpu.memory_space<vmem>>
      %dma_start3A_109 = arith.constant 0 : i32
      %dma_start3A_110 = tpu.memref_slice %arg8[%dma_start3A_105, %dma_start3A_109] : memref<2x128xi32, #tpu.memory_space<vmem>> -> memref<1x128xi32, #tpu.memory_space<vmem>>
      %dma_start3A_111 = tpu.memref_squeeze %dma_start3A_110 : memref<1x128xi32, #tpu.memory_space<vmem>> -> memref<128xi32, #tpu.memory_space<vmem>>
      %dma_start3A_112 = arith.constant 0 : i32
      %dma_start3A_113 = arith.constant 0 : i32
      %dma_start3A_114 = tpu.memref_slice %arg2[%dma_start3A_112, %dma_start3A_113] : memref<102400x32xf32, #tpu.memory_space<hbm>> -> memref<102400x32xf32, #tpu.memory_space<hbm>>
      tpu.enqueue_indirect_dma source(%dma_start3A_114 : memref<102400x32xf32, #tpu.memory_space<hbm>>) target(%dma_start3A_108 : memref<128x32xf32, #tpu.memory_space<vmem>>) offsets(%dma_start3A_111 : memref<128xi32, #tpu.memory_space<vmem>>) semaphore(%arg15 : memref<!tpu.dma_semaphore, #tpu.memory_space<semaphore_mem>>)
      %dma_start3A_115 = arith.constant 1 : i32
      %dma_start3A_116 = arith.constant 128 : i32
      %dma_start3A_117 = arith.constant 0 : i32
      %dma_start3A_118 = tpu.memref_slice %arg13[%dma_start3A_116, %dma_start3A_117] : memref<256x32xf32, #tpu.memory_space<vmem>> -> memref<128x32xf32, #tpu.memory_space<vmem>>
      %dma_start3A_119 = arith.constant 0 : i32
      %dma_start3A_120 = tpu.memref_slice %arg11[%dma_start3A_115, %dma_start3A_119] : memref<2x128xi32, #tpu.memory_space<vmem>> -> memref<1x128xi32, #tpu.memory_space<vmem>>
      %dma_start3A_121 = tpu.memref_squeeze %dma_start3A_120 : memref<1x128xi32, #tpu.memory_space<vmem>> -> memref<128xi32, #tpu.memory_space<vmem>>
      %dma_start3A_122 = arith.constant 0 : i32
      %dma_start3A_123 = arith.constant 0 : i32
      %dma_start3A_124 = tpu.memref_slice %arg3[%dma_start3A_122, %dma_start3A_123] : memref<1024x32xf32, #tpu.memory_space<hbm>> -> memref<1024x32xf32, #tpu.memory_space<hbm>>
      tpu.enqueue_indirect_dma source(%dma_start3A_124 : memref<1024x32xf32, #tpu.memory_space<hbm>>) target(%dma_start3A_118 : memref<128x32xf32, #tpu.memory_space<vmem>>) offsets(%dma_start3A_121 : memref<128xi32, #tpu.memory_space<vmem>>) semaphore(%arg16 : memref<!tpu.dma_semaphore, #tpu.memory_space<semaphore_mem>>)
      %dma_wait3A = arith.constant 0 : i32
      %dma_wait3A_125 = arith.constant 0 : i32
      %dma_wait3A_126 = arith.constant 0 : i32
      %dma_wait3A_127 = tpu.memref_slice %arg12[%dma_wait3A_125, %dma_wait3A_126] : memref<256x32xf32, #tpu.memory_space<vmem>> -> memref<128x32xf32, #tpu.memory_space<vmem>>
      %dma_wait3A_128 = arith.constant 0 : i32
      %dma_wait3A_129 = tpu.memref_slice %arg8[%dma_wait3A, %dma_wait3A_128] : memref<2x128xi32, #tpu.memory_space<vmem>> -> memref<1x128xi32, #tpu.memory_space<vmem>>
      %dma_wait3A_130 = tpu.memref_squeeze %dma_wait3A_129 : memref<1x128xi32, #tpu.memory_space<vmem>> -> memref<128xi32, #tpu.memory_space<vmem>>
      %dma_wait3A_131 = arith.constant 0 : i32
      %dma_wait3A_132 = arith.constant 0 : i32
      %dma_wait3A_133 = tpu.memref_slice %arg2[%dma_wait3A_131, %dma_wait3A_132] : memref<102400x32xf32, #tpu.memory_space<hbm>> -> memref<102400x32xf32, #tpu.memory_space<hbm>>
      tpu.wait_indirect_dma semaphore(%arg15 : memref<!tpu.dma_semaphore, #tpu.memory_space<semaphore_mem>>) src(%dma_wait3A_133 : memref<102400x32xf32, #tpu.memory_space<hbm>>) dst(%dma_wait3A_127 : memref<128x32xf32, #tpu.memory_space<vmem>>)
      %dma_wait3A_134 = arith.constant 0 : i32
      %dma_wait3A_135 = arith.constant 0 : i32
      %dma_wait3A_136 = arith.constant 0 : i32
      %dma_wait3A_137 = tpu.memref_slice %arg13[%dma_wait3A_135, %dma_wait3A_136] : memref<256x32xf32, #tpu.memory_space<vmem>> -> memref<128x32xf32, #tpu.memory_space<vmem>>
      %dma_wait3A_138 = arith.constant 0 : i32
      %dma_wait3A_139 = tpu.memref_slice %arg11[%dma_wait3A_134, %dma_wait3A_138] : memref<2x128xi32, #tpu.memory_space<vmem>> -> memref<1x128xi32, #tpu.memory_space<vmem>>
      %dma_wait3A_140 = tpu.memref_squeeze %dma_wait3A_139 : memref<1x128xi32, #tpu.memory_space<vmem>> -> memref<128xi32, #tpu.memory_space<vmem>>
      %dma_wait3A_141 = arith.constant 0 : i32
      %dma_wait3A_142 = arith.constant 0 : i32
      %dma_wait3A_143 = tpu.memref_slice %arg3[%dma_wait3A_141, %dma_wait3A_142] : memref<1024x32xf32, #tpu.memory_space<hbm>> -> memref<1024x32xf32, #tpu.memory_space<hbm>>
      tpu.wait_indirect_dma semaphore(%arg16 : memref<!tpu.dma_semaphore, #tpu.memory_space<semaphore_mem>>) src(%dma_wait3A_143 : memref<1024x32xf32, #tpu.memory_space<hbm>>) dst(%dma_wait3A_137 : memref<128x32xf32, #tpu.memory_space<vmem>>)
      %dma_wait3A_144 = arith.constant 1 : i32
      %dma_wait3A_145 = arith.constant 128 : i32
      %dma_wait3A_146 = arith.constant 0 : i32
      %dma_wait3A_147 = tpu.memref_slice %arg12[%dma_wait3A_145, %dma_wait3A_146] : memref<256x32xf32, #tpu.memory_space<vmem>> -> memref<128x32xf32, #tpu.memory_space<vmem>>
      %dma_wait3A_148 = arith.constant 0 : i32
      %dma_wait3A_149 = tpu.memref_slice %arg8[%dma_wait3A_144, %dma_wait3A_148] : memref<2x128xi32, #tpu.memory_space<vmem>> -> memref<1x128xi32, #tpu.memory_space<vmem>>
      %dma_wait3A_150 = tpu.memref_squeeze %dma_wait3A_149 : memref<1x128xi32, #tpu.memory_space<vmem>> -> memref<128xi32, #tpu.memory_space<vmem>>
      %dma_wait3A_151 = arith.constant 0 : i32
      %dma_wait3A_152 = arith.constant 0 : i32
      %dma_wait3A_153 = tpu.memref_slice %arg2[%dma_wait3A_151, %dma_wait3A_152] : memref<102400x32xf32, #tpu.memory_space<hbm>> -> memref<102400x32xf32, #tpu.memory_space<hbm>>
      tpu.wait_indirect_dma semaphore(%arg15 : memref<!tpu.dma_semaphore, #tpu.memory_space<semaphore_mem>>) src(%dma_wait3A_153 : memref<102400x32xf32, #tpu.memory_space<hbm>>) dst(%dma_wait3A_147 : memref<128x32xf32, #tpu.memory_space<vmem>>)
      %dma_wait3A_154 = arith.constant 1 : i32
      %dma_wait3A_155 = arith.constant 128 : i32
      %dma_wait3A_156 = arith.constant 0 : i32
      %dma_wait3A_157 = tpu.memref_slice %arg13[%dma_wait3A_155, %dma_wait3A_156] : memref<256x32xf32, #tpu.memory_space<vmem>> -> memref<128x32xf32, #tpu.memory_space<vmem>>
      %dma_wait3A_158 = arith.constant 0 : i32
      %dma_wait3A_159 = tpu.memref_slice %arg11[%dma_wait3A_154, %dma_wait3A_158] : memref<2x128xi32, #tpu.memory_space<vmem>> -> memref<1x128xi32, #tpu.memory_space<vmem>>
      %dma_wait3A_160 = tpu.memref_squeeze %dma_wait3A_159 : memref<1x128xi32, #tpu.memory_space<vmem>> -> memref<128xi32, #tpu.memory_space<vmem>>
      %dma_wait3A_161 = arith.constant 0 : i32
      %dma_wait3A_162 = arith.constant 0 : i32
      %dma_wait3A_163 = tpu.memref_slice %arg3[%dma_wait3A_161, %dma_wait3A_162] : memref<1024x32xf32, #tpu.memory_space<hbm>> -> memref<1024x32xf32, #tpu.memory_space<hbm>>
      tpu.wait_indirect_dma semaphore(%arg16 : memref<!tpu.dma_semaphore, #tpu.memory_space<semaphore_mem>>) src(%dma_wait3A_163 : memref<1024x32xf32, #tpu.memory_space<hbm>>) dst(%dma_wait3A_157 : memref<128x32xf32, #tpu.memory_space<vmem>>)
      %scan3A_164 = arith.constant 0 : i32
      %scan3A_165 = arith.constant 256 : i32
      %scan3A_166 = arith.addi %scan3A_164, %scan3A_165 : i32
      %scan3A_167 = arith.constant 4 : i32
      scf.for %scan3A_169 = %scan3A_164 to %scan3A_166 step %scan3A_167  : i32 {
        %mul3A_170 = arith.constant 1 : i32
        %mul3A_171 = arith.muli %scan3A_169, %mul3A_170 : i32
        %add3A_172 = arith.constant 0 : i32
        %add3A_173 = arith.addi %add3A_172, %mul3A_171 : i32
        %get3A = arith.index_cast %add3A_173 : i32 to index
        %get3A_174 = arith.constant 0 : index
        %get3A_175 = tpu.vector_load %arg12[%get3A, %get3A_174] {strides = array<i32>} : memref<256x32xf32, #tpu.memory_space<vmem>>, vector<1x16xf32>,
        %get3A_176 = vector.shape_cast %get3A_175 : vector<1x16xf32> to vector<16xf32>
        %get3A_177 = arith.index_cast %add3A_173 : i32 to index
        %get3A_178 = arith.constant 0 : index
        %get3A_179 = tpu.vector_load %arg13[%get3A_177, %get3A_178] {strides = array<i32>} : memref<256x32xf32, #tpu.memory_space<vmem>>, vector<1x16xf32>,
        %get3A_180 = vector.shape_cast %get3A_179 : vector<1x16xf32> to vector<16xf32>
        %add3A_181 = arith.addf %get3A_176, %get3A_180 : vector<16xf32>
        %max3A = arith.constant 0.000000e+00 : f32
        %max3A_182 = vector.broadcast %max3A : f32 to vector<16xf32>
        %max3A_183 = arith.maximumf %add3A_181, %max3A_182 : vector<16xf32>
        %swap3A = arith.index_cast %add3A_173 : i32 to index
        %swap3A_184 = arith.constant 0 : index
        %swap3A_185 = tpu.vector_load %arg12[%swap3A, %swap3A_184] {strides = array<i32>} : memref<256x32xf32, #tpu.memory_space<vmem>>, vector<1x16xf32>,
        %swap3A_186 = vector.shape_cast %swap3A_185 : vector<1x16xf32> to vector<16xf32>
        %swap3A_187 = vector.shape_cast %max3A_183 : vector<16xf32> to vector<1x16xf32>
        tpu.vector_store %arg12[%swap3A, %swap3A_184], %swap3A_187 {strides = array<i32>} : memref<256x32xf32, #tpu.memory_space<vmem>>, vector<1x16xf32>,
        %get3A_188 = arith.index_cast %add3A_173 : i32 to index
        %get3A_189 = arith.constant 16 : index
        %get3A_190 = tpu.vector_load %arg12[%get3A_188, %get3A_189] {strides = array<i32>} : memref<256x32xf32, #tpu.memory_space<vmem>>, vector<1x16xf32>,
        %get3A_191 = vector.shape_cast %get3A_190 : vector<1x16xf32> to vector<16xf32>
        %get3A_192 = arith.index_cast %add3A_173 : i32 to index
        %get3A_193 = arith.constant 16 : index
        %get3A_194 = tpu.vector_load %arg13[%get3A_192, %get3A_193] {strides = array<i32>} : memref<256x32xf32, #tpu.memory_space<vmem>>, vector<1x16xf32>,
        %get3A_195 = vector.shape_cast %get3A_194 : vector<1x16xf32> to vector<16xf32>
        %add3A_196 = arith.addf %get3A_191, %get3A_195 : vector<16xf32>
        %max3A_197 = arith.constant 0.000000e+00 : f32
        %max3A_198 = vector.broadcast %max3A_197 : f32 to vector<16xf32>
        %max3A_199 = arith.maximumf %add3A_196, %max3A_198 : vector<16xf32>
        %swap3A_200 = arith.index_cast %add3A_173 : i32 to index
        %swap3A_201 = arith.constant 16 : index
        %swap3A_202 = tpu.vector_load %arg12[%swap3A_200, %swap3A_201] {strides = array<i32>} : memref<256x32xf32, #tpu.memory_space<vmem>>, vector<1x16xf32>,
        %swap3A_203 = vector.shape_cast %swap3A_202 : vector<1x16xf32> to vector<16xf32>
        %swap3A_204 = vector.shape_cast %max3A_199 : vector<16xf32> to vector<1x16xf32>
        tpu.vector_store %arg12[%swap3A_200, %swap3A_201], %swap3A_204 {strides = array<i32>} : memref<256x32xf32, #tpu.memory_space<vmem>>, vector<1x16xf32>,
        %scan3A_205 = arith.constant 1 : i32
        %scan3A_206 = arith.addi %scan3A_169, %scan3A_205 : i32
        %mul3A_207 = arith.constant 1 : i32
        %mul3A_208 = arith.muli %scan3A_206, %mul3A_207 : i32
        %add3A_209 = arith.constant 0 : i32
        %add3A_210 = arith.addi %add3A_209, %mul3A_208 : i32
        %get3A_211 = arith.index_cast %add3A_210 : i32 to index
        %get3A_212 = arith.constant 0 : index
        %get3A_213 = tpu.vector_load %arg12[%get3A_211, %get3A_212] {strides = array<i32>} : memref<256x32xf32, #tpu.memory_space<vmem>>, vector<1x16xf32>,
        %get3A_214 = vector.shape_cast %get3A_213 : vector<1x16xf32> to vector<16xf32>
        %get3A_215 = arith.index_cast %add3A_210 : i32 to index
        %get3A_216 = arith.constant 0 : index
        %get3A_217 = tpu.vector_load %arg13[%get3A_215, %get3A_216] {strides = array<i32>} : memref<256x32xf32, #tpu.memory_space<vmem>>, vector<1x16xf32>,
        %get3A_218 = vector.shape_cast %get3A_217 : vector<1x16xf32> to vector<16xf32>
        %add3A_219 = arith.addf %get3A_214, %get3A_218 : vector<16xf32>
        %max3A_220 = arith.constant 0.000000e+00 : f32
        %max3A_221 = vector.broadcast %max3A_220 : f32 to vector<16xf32>
        %max3A_222 = arith.maximumf %add3A_219, %max3A_221 : vector<16xf32>
        %swap3A_223 = arith.index_cast %add3A_210 : i32 to index
        %swap3A_224 = arith.constant 0 : index
        %swap3A_225 = tpu.vector_load %arg12[%swap3A_223, %swap3A_224] {strides = array<i32>} : memref<256x32xf32, #tpu.memory_space<vmem>>, vector<1x16xf32>,
        %swap3A_226 = vector.shape_cast %swap3A_225 : vector<1x16xf32> to vector<16xf32>
        %swap3A_227 = vector.shape_cast %max3A_222 : vector<16xf32> to vector<1x16xf32>
        tpu.vector_store %arg12[%swap3A_223, %swap3A_224], %swap3A_227 {strides = array<i32>} : memref<256x32xf32, #tpu.memory_space<vmem>>, vector<1x16xf32>,
        %get3A_228 = arith.index_cast %add3A_210 : i32 to index
        %get3A_229 = arith.constant 16 : index
        %get3A_230 = tpu.vector_load %arg12[%get3A_228, %get3A_229] {strides = array<i32>} : memref<256x32xf32, #tpu.memory_space<vmem>>, vector<1x16xf32>,
        %get3A_231 = vector.shape_cast %get3A_230 : vector<1x16xf32> to vector<16xf32>
        %get3A_232 = arith.index_cast %add3A_210 : i32 to index
        %get3A_233 = arith.constant 16 : index
        %get3A_234 = tpu.vector_load %arg13[%get3A_232, %get3A_233] {strides = array<i32>} : memref<256x32xf32, #tpu.memory_space<vmem>>, vector<1x16xf32>,
        %get3A_235 = vector.shape_cast %get3A_234 : vector<1x16xf32> to vector<16xf32>
        %add3A_236 = arith.addf %get3A_231, %get3A_235 : vector<16xf32>
        %max3A_237 = arith.constant 0.000000e+00 : f32
        %max3A_238 = vector.broadcast %max3A_237 : f32 to vector<16xf32>
        %max3A_239 = arith.maximumf %add3A_236, %max3A_238 : vector<16xf32>
        %swap3A_240 = arith.index_cast %add3A_210 : i32 to index
        %swap3A_241 = arith.constant 16 : index
        %swap3A_242 = tpu.vector_load %arg12[%swap3A_240, %swap3A_241] {strides = array<i32>} : memref<256x32xf32, #tpu.memory_space<vmem>>, vector<1x16xf32>,
        %swap3A_243 = vector.shape_cast %swap3A_242 : vector<1x16xf32> to vector<16xf32>
        %swap3A_244 = vector.shape_cast %max3A_239 : vector<16xf32> to vector<1x16xf32>
        tpu.vector_store %arg12[%swap3A_240, %swap3A_241], %swap3A_244 {strides = array<i32>} : memref<256x32xf32, #tpu.memory_space<vmem>>, vector<1x16xf32>,
        %scan3A_245 = arith.constant 2 : i32
        %scan3A_246 = arith.addi %scan3A_169, %scan3A_245 : i32
        %mul3A_247 = arith.constant 1 : i32
        %mul3A_248 = arith.muli %scan3A_246, %mul3A_247 : i32
        %add3A_249 = arith.constant 0 : i32
        %add3A_250 = arith.addi %add3A_249, %mul3A_248 : i32
        %get3A_251 = arith.index_cast %add3A_250 : i32 to index
        %get3A_252 = arith.constant 0 : index
        %get3A_253 = tpu.vector_load %arg12[%get3A_251, %get3A_252] {strides = array<i32>} : memref<256x32xf32, #tpu.memory_space<vmem>>, vector<1x16xf32>,
        %get3A_254 = vector.shape_cast %get3A_253 : vector<1x16xf32> to vector<16xf32>
        %get3A_255 = arith.index_cast %add3A_250 : i32 to index
        %get3A_256 = arith.constant 0 : index
        %get3A_257 = tpu.vector_load %arg13[%get3A_255, %get3A_256] {strides = array<i32>} : memref<256x32xf32, #tpu.memory_space<vmem>>, vector<1x16xf32>,
        %get3A_258 = vector.shape_cast %get3A_257 : vector<1x16xf32> to vector<16xf32>
        %add3A_259 = arith.addf %get3A_254, %get3A_258 : vector<16xf32>
        %max3A_260 = arith.constant 0.000000e+00 : f32
        %max3A_261 = vector.broadcast %max3A_260 : f32 to vector<16xf32>
        %max3A_262 = arith.maximumf %add3A_259, %max3A_261 : vector<16xf32>
        %swap3A_263 = arith.index_cast %add3A_250 : i32 to index
        %swap3A_264 = arith.constant 0 : index
        %swap3A_265 = tpu.vector_load %arg12[%swap3A_263, %swap3A_264] {strides = array<i32>} : memref<256x32xf32, #tpu.memory_space<vmem>>, vector<1x16xf32>,
        %swap3A_266 = vector.shape_cast %swap3A_265 : vector<1x16xf32> to vector<16xf32>
        %swap3A_267 = vector.shape_cast %max3A_262 : vector<16xf32> to vector<1x16xf32>
        tpu.vector_store %arg12[%swap3A_263, %swap3A_264], %swap3A_267 {strides = array<i32>} : memref<256x32xf32, #tpu.memory_space<vmem>>, vector<1x16xf32>,
        %get3A_268 = arith.index_cast %add3A_250 : i32 to index
        %get3A_269 = arith.constant 16 : index
        %get3A_270 = tpu.vector_load %arg12[%get3A_268, %get3A_269] {strides = array<i32>} : memref<256x32xf32, #tpu.memory_space<vmem>>, vector<1x16xf32>,
        %get3A_271 = vector.shape_cast %get3A_270 : vector<1x16xf32> to vector<16xf32>
        %get3A_272 = arith.index_cast %add3A_250 : i32 to index
        %get3A_273 = arith.constant 16 : index
        %get3A_274 = tpu.vector_load %arg13[%get3A_272, %get3A_273] {strides = array<i32>} : memref<256x32xf32, #tpu.memory_space<vmem>>, vector<1x16xf32>,
        %get3A_275 = vector.shape_cast %get3A_274 : vector<1x16xf32> to vector<16xf32>
        %add3A_276 = arith.addf %get3A_271, %get3A_275 : vector<16xf32>
        %max3A_277 = arith.constant 0.000000e+00 : f32
        %max3A_278 = vector.broadcast %max3A_277 : f32 to vector<16xf32>
        %max3A_279 = arith.maximumf %add3A_276, %max3A_278 : vector<16xf32>
        %swap3A_280 = arith.index_cast %add3A_250 : i32 to index
        %swap3A_281 = arith.constant 16 : index
        %swap3A_282 = tpu.vector_load %arg12[%swap3A_280, %swap3A_281] {strides = array<i32>} : memref<256x32xf32, #tpu.memory_space<vmem>>, vector<1x16xf32>,
        %swap3A_283 = vector.shape_cast %swap3A_282 : vector<1x16xf32> to vector<16xf32>
        %swap3A_284 = vector.shape_cast %max3A_279 : vector<16xf32> to vector<1x16xf32>
        tpu.vector_store %arg12[%swap3A_280, %swap3A_281], %swap3A_284 {strides = array<i32>} : memref<256x32xf32, #tpu.memory_space<vmem>>, vector<1x16xf32>,
        %scan3A_285 = arith.constant 3 : i32
        %scan3A_286 = arith.addi %scan3A_169, %scan3A_285 : i32
        %mul3A_287 = arith.constant 1 : i32
        %mul3A_288 = arith.muli %scan3A_286, %mul3A_287 : i32
        %add3A_289 = arith.constant 0 : i32
        %add3A_290 = arith.addi %add3A_289, %mul3A_288 : i32
        %get3A_291 = arith.index_cast %add3A_290 : i32 to index
        %get3A_292 = arith.constant 0 : index
        %get3A_293 = tpu.vector_load %arg12[%get3A_291, %get3A_292] {strides = array<i32>} : memref<256x32xf32, #tpu.memory_space<vmem>>, vector<1x16xf32>,
        %get3A_294 = vector.shape_cast %get3A_293 : vector<1x16xf32> to vector<16xf32>
        %get3A_295 = arith.index_cast %add3A_290 : i32 to index
        %get3A_296 = arith.constant 0 : index
        %get3A_297 = tpu.vector_load %arg13[%get3A_295, %get3A_296] {strides = array<i32>} : memref<256x32xf32, #tpu.memory_space<vmem>>, vector<1x16xf32>,
        %get3A_298 = vector.shape_cast %get3A_297 : vector<1x16xf32> to vector<16xf32>
        %add3A_299 = arith.addf %get3A_294, %get3A_298 : vector<16xf32>
        %max3A_300 = arith.constant 0.000000e+00 : f32
        %max3A_301 = vector.broadcast %max3A_300 : f32 to vector<16xf32>
        %max3A_302 = arith.maximumf %add3A_299, %max3A_301 : vector<16xf32>
        %swap3A_303 = arith.index_cast %add3A_290 : i32 to index
        %swap3A_304 = arith.constant 0 : index
        %swap3A_305 = tpu.vector_load %arg12[%swap3A_303, %swap3A_304] {strides = array<i32>} : memref<256x32xf32, #tpu.memory_space<vmem>>, vector<1x16xf32>,
        %swap3A_306 = vector.shape_cast %swap3A_305 : vector<1x16xf32> to vector<16xf32>
        %swap3A_307 = vector.shape_cast %max3A_302 : vector<16xf32> to vector<1x16xf32>
        tpu.vector_store %arg12[%swap3A_303, %swap3A_304], %swap3A_307 {strides = array<i32>} : memref<256x32xf32, #tpu.memory_space<vmem>>, vector<1x16xf32>,
        %get3A_308 = arith.index_cast %add3A_290 : i32 to index
        %get3A_309 = arith.constant 16 : index
        %get3A_310 = tpu.vector_load %arg12[%get3A_308, %get3A_309] {strides = array<i32>} : memref<256x32xf32, #tpu.memory_space<vmem>>, vector<1x16xf32>,
        %get3A_311 = vector.shape_cast %get3A_310 : vector<1x16xf32> to vector<16xf32>
        %get3A_312 = arith.index_cast %add3A_290 : i32 to index
        %get3A_313 = arith.constant 16 : index
        %get3A_314 = tpu.vector_load %arg13[%get3A_312, %get3A_313] {strides = array<i32>} : memref<256x32xf32, #tpu.memory_space<vmem>>, vector<1x16xf32>,
        %get3A_315 = vector.shape_cast %get3A_314 : vector<1x16xf32> to vector<16xf32>
        %add3A_316 = arith.addf %get3A_311, %get3A_315 : vector<16xf32>
        %max3A_317 = arith.constant 0.000000e+00 : f32
        %max3A_318 = vector.broadcast %max3A_317 : f32 to vector<16xf32>
        %max3A_319 = arith.maximumf %add3A_316, %max3A_318 : vector<16xf32>
        %swap3A_320 = arith.index_cast %add3A_290 : i32 to index
        %swap3A_321 = arith.constant 16 : index
        %swap3A_322 = tpu.vector_load %arg12[%swap3A_320, %swap3A_321] {strides = array<i32>} : memref<256x32xf32, #tpu.memory_space<vmem>>, vector<1x16xf32>,
        %swap3A_323 = vector.shape_cast %swap3A_322 : vector<1x16xf32> to vector<16xf32>
        %swap3A_324 = vector.shape_cast %max3A_319 : vector<16xf32> to vector<1x16xf32>
        tpu.vector_store %arg12[%swap3A_320, %swap3A_321], %swap3A_324 {strides = array<i32>} : memref<256x32xf32, #tpu.memory_space<vmem>>, vector<1x16xf32>,
      }
      %scan3A_168 = arith.constant 256 : i32
      "tpu.region"() ({
        %run_scoped3A = tpu.sem_alloc : memref<!tpu.dma_semaphore, #tpu.memory_space<semaphore_mem>>
        %dma_start3A_169 = arith.constant 0 : i32
        %dma_start3A_170 = arith.constant 0 : i32
        %dma_start3A_171 = tpu.memref_slice %arg12[%dma_start3A_169, %dma_start3A_170] : memref<256x32xf32, #tpu.memory_space<vmem>> -> memref<128x32xf32, #tpu.memory_space<vmem>>
        %dma_start3A_172 = arith.constant 0 : i32
        %dma_start3A_173 = arith.constant 0 : i32
        %dma_start3A_174 = tpu.memref_slice %arg14[%dma_start3A_172, %dma_start3A_173] : memref<51200x32xf32, #tpu.memory_space<vmem_shared>> -> memref<51200x32xf32, #tpu.memory_space<vmem_shared>>
        tpu.enqueue_indirect_dma source(%dma_start3A_171 : memref<128x32xf32, #tpu.memory_space<vmem>>) target(%dma_start3A_174 : memref<51200x32xf32, #tpu.memory_space<vmem_shared>>) offsets(%arg9 : memref<128xi32, #tpu.memory_space<vmem>>) semaphore(%run_scoped3A : memref<!tpu.dma_semaphore, #tpu.memory_space<semaphore_mem>>) {add = true}
        %dma_wait3A_175 = arith.constant 0 : i32
        %dma_wait3A_176 = arith.constant 0 : i32
        %dma_wait3A_177 = tpu.memref_slice %arg12[%dma_wait3A_175, %dma_wait3A_176] : memref<256x32xf32, #tpu.memory_space<vmem>> -> memref<128x32xf32, #tpu.memory_space<vmem>>
        %dma_wait3A_178 = arith.constant 0 : i32
        %dma_wait3A_179 = arith.constant 0 : i32
        %dma_wait3A_180 = tpu.memref_slice %arg14[%dma_wait3A_178, %dma_wait3A_179] : memref<51200x32xf32, #tpu.memory_space<vmem_shared>> -> memref<51200x32xf32, #tpu.memory_space<vmem_shared>>
        tpu.wait_indirect_dma semaphore(%run_scoped3A : memref<!tpu.dma_semaphore, #tpu.memory_space<semaphore_mem>>) src(%dma_wait3A_177 : memref<128x32xf32, #tpu.memory_space<vmem>>) dst(%dma_wait3A_180 : memref<51200x32xf32, #tpu.memory_space<vmem_shared>>)
        tpu.yield
      }) : () -> ()
      "tpu.region"() ({
        %run_scoped3A = tpu.sem_alloc : memref<!tpu.dma_semaphore, #tpu.memory_space<semaphore_mem>>
        %dma_start3A_169 = arith.constant 128 : i32
        %dma_start3A_170 = arith.constant 0 : i32
        %dma_start3A_171 = tpu.memref_slice %arg12[%dma_start3A_169, %dma_start3A_170] : memref<256x32xf32, #tpu.memory_space<vmem>> -> memref<128x32xf32, #tpu.memory_space<vmem>>
        %dma_start3A_172 = arith.constant 0 : i32
        %dma_start3A_173 = arith.constant 0 : i32
        %dma_start3A_174 = tpu.memref_slice %arg14[%dma_start3A_172, %dma_start3A_173] : memref<51200x32xf32, #tpu.memory_space<vmem_shared>> -> memref<51200x32xf32, #tpu.memory_space<vmem_shared>>
        tpu.enqueue_indirect_dma source(%dma_start3A_171 : memref<128x32xf32, #tpu.memory_space<vmem>>) target(%dma_start3A_174 : memref<51200x32xf32, #tpu.memory_space<vmem_shared>>) offsets(%arg10 : memref<128xi32, #tpu.memory_space<vmem>>) semaphore(%run_scoped3A : memref<!tpu.dma_semaphore, #tpu.memory_space<semaphore_mem>>) {add = true}
        %dma_wait3A_175 = arith.constant 128 : i32
        %dma_wait3A_176 = arith.constant 0 : i32
        %dma_wait3A_177 = tpu.memref_slice %arg12[%dma_wait3A_175, %dma_wait3A_176] : memref<256x32xf32, #tpu.memory_space<vmem>> -> memref<128x32xf32, #tpu.memory_space<vmem>>
        %dma_wait3A_178 = arith.constant 0 : i32
        %dma_wait3A_179 = arith.constant 0 : i32
        %dma_wait3A_180 = tpu.memref_slice %arg14[%dma_wait3A_178, %dma_wait3A_179] : memref<51200x32xf32, #tpu.memory_space<vmem_shared>> -> memref<51200x32xf32, #tpu.memory_space<vmem_shared>>
        tpu.wait_indirect_dma semaphore(%run_scoped3A : memref<!tpu.dma_semaphore, #tpu.memory_space<semaphore_mem>>) src(%dma_wait3A_177 : memref<128x32xf32, #tpu.memory_space<vmem>>) dst(%dma_wait3A_180 : memref<51200x32xf32, #tpu.memory_space<vmem_shared>>)
        tpu.yield
      }) : () -> ()
    }
    %scan3A_59 = arith.constant 196 : i32
    %barrier3A_60 = arith.constant 0 : index
    tpu.barrier barrier_id(%barrier3A_60)
    %mul3A_61 = arith.constant 3200 : i32
    %mul3A_62 = arith.muli %arg1, %mul3A_61 : i32
    %mul3A_63 = arith.constant 51200 : i32
    %mul3A_64 = arith.muli %arg0, %mul3A_63 : i32
    %mul3A_65 = arith.constant 3200 : i32
    %mul3A_66 = arith.muli %arg1, %mul3A_65 : i32
    %add3A_67 = arith.addi %mul3A_64, %mul3A_66 : i32
    "tpu.region"() ({
      %run_scoped3A = tpu.sem_alloc : memref<!tpu.dma_semaphore, #tpu.memory_space<semaphore_mem>>
      %dma_start3A = arith.constant 0 : i32
      %dma_start3A_68 = tpu.memref_slice %arg7[%add3A_67, %dma_start3A] : memref<102400x32xf32, #tpu.memory_space<hbm>> -> memref<3200x32xf32, #tpu.memory_space<hbm>>
      %dma_start3A_69 = arith.constant 0 : i32
      %dma_start3A_70 = tpu.memref_slice %arg14[%mul3A_62, %dma_start3A_69] : memref<51200x32xf32, #tpu.memory_space<vmem_shared>> -> memref<3200x32xf32, #tpu.memory_space<vmem_shared>>
      tpu.enqueue_dma source(%dma_start3A_70 : memref<3200x32xf32, #tpu.memory_space<vmem_shared>>) target(%dma_start3A_68 : memref<3200x32xf32, #tpu.memory_space<hbm>>) target_semaphore(%run_scoped3A : memref<!tpu.dma_semaphore, #tpu.memory_space<semaphore_mem>>)
      %dma_wait3A = arith.constant 0 : i32
      %dma_wait3A_71 = tpu.memref_slice %arg7[%add3A_67, %dma_wait3A] : memref<102400x32xf32, #tpu.memory_space<hbm>> -> memref<3200x32xf32, #tpu.memory_space<hbm>>
      %dma_wait3A_72 = arith.constant 0 : i32
      %dma_wait3A_73 = tpu.memref_slice %arg14[%mul3A_62, %dma_wait3A_72] : memref<51200x32xf32, #tpu.memory_space<vmem_shared>> -> memref<3200x32xf32, #tpu.memory_space<vmem_shared>>
      tpu.wait_dma2 semaphore(%run_scoped3A : memref<!tpu.dma_semaphore, #tpu.memory_space<semaphore_mem>>) src(%dma_wait3A_73 : memref<3200x32xf32, #tpu.memory_space<vmem_shared>>) dst(%dma_wait3A_71 : memref<3200x32xf32, #tpu.memory_space<hbm>>)
      tpu.yield
    }) : () -> ()
    return
  }
}

module attributes {stable_mosaic.version = 14 : i64} {
  func.func @_combo_body(%arg0: memref<3x8x64xf32, #tpu.memory_space<vmem>>, %arg1: memref<2x512x32xf32, #tpu.memory_space<vmem>>) attributes {dimension_semantics = [], scalar_prefetch = 0 : i64, scratch_operands = 0 : i64, tpu.core_type = #tpu.core_type<tc>} {
    %get3A = arith.constant 0 : index
    %get3A_0 = arith.constant 0 : index
    %get3A_1 = arith.constant 0 : index
    %get3A_2 = vector.load %arg0[%get3A, %get3A_0, %get3A_1] : memref<3x8x64xf32, #tpu.memory_space<vmem>>, vector<1x8x64xf32>
    %get3A_3 = vector.shape_cast %get3A_2 : vector<1x8x64xf32> to vector<8x64xf32>
    %broadcast_in_dim3A = vector.shape_cast %get3A_3 : vector<8x64xf32> to vector<8x1x64xf32>
    %broadcast_in_dim3A_4 = vector.shape_cast %broadcast_in_dim3A : vector<8x1x64xf32> to vector<8x1x64xf32>
    %broadcast_in_dim3A_5 = vector.broadcast %broadcast_in_dim3A_4 : vector<8x1x64xf32> to vector<8x64x64xf32>
    %reshape3A = vector.shape_cast %broadcast_in_dim3A_5 : vector<8x64x64xf32> to vector<512x64xf32>
    %get3A_6 = arith.constant 1 : index
    %get3A_7 = arith.constant 0 : index
    %get3A_8 = arith.constant 0 : index
    %get3A_9 = vector.load %arg0[%get3A_6, %get3A_7, %get3A_8] : memref<3x8x64xf32, #tpu.memory_space<vmem>>, vector<1x8x64xf32>
    %get3A_10 = vector.shape_cast %get3A_9 : vector<1x8x64xf32> to vector<8x64xf32>
    %broadcast_in_dim3A_11 = vector.shape_cast %get3A_10 : vector<8x64xf32> to vector<1x8x1x64xf32>
    %broadcast_in_dim3A_12 = vector.shape_cast %broadcast_in_dim3A_11 : vector<1x8x1x64xf32> to vector<1x8x1x64xf32>
    %broadcast_in_dim3A_13 = vector.broadcast %broadcast_in_dim3A_12 : vector<1x8x1x64xf32> to vector<8x8x8x64xf32>
    %reshape3A_14 = vector.shape_cast %broadcast_in_dim3A_13 : vector<8x8x8x64xf32> to vector<512x64xf32>
    %get3A_15 = arith.constant 2 : index
    %get3A_16 = arith.constant 0 : index
    %get3A_17 = arith.constant 0 : index
    %get3A_18 = vector.load %arg0[%get3A_15, %get3A_16, %get3A_17] : memref<3x8x64xf32, #tpu.memory_space<vmem>>, vector<1x8x64xf32>
    %get3A_19 = vector.shape_cast %get3A_18 : vector<1x8x64xf32> to vector<8x64xf32>
    %broadcast_in_dim3A_20 = vector.shape_cast %get3A_19 : vector<8x64xf32> to vector<1x1x8x64xf32>
    %broadcast_in_dim3A_21 = vector.shape_cast %broadcast_in_dim3A_20 : vector<1x1x8x64xf32> to vector<1x1x8x64xf32>
    %broadcast_in_dim3A_22 = vector.broadcast %broadcast_in_dim3A_21 : vector<1x1x8x64xf32> to vector<8x8x8x64xf32>
    %reshape3A_23 = vector.shape_cast %broadcast_in_dim3A_22 : vector<8x8x8x64xf32> to vector<512x64xf32>
    %add3A = arith.addf %reshape3A, %reshape3A_14 : vector<512x64xf32>
    %add3A_24 = arith.addf %add3A, %reshape3A_23 : vector<512x64xf32>
    %slice3A = vector.extract_strided_slice %add3A_24 {offsets = [0, 0], sizes = [512, 32], strides = [1, 1]} : vector<512x64xf32> to vector<512x32xf32>
    %swap3A = arith.constant 0 : index
    %swap3A_25 = arith.constant 0 : index
    %swap3A_26 = arith.constant 0 : index
    %swap3A_27 = vector.load %arg1[%swap3A, %swap3A_25, %swap3A_26] : memref<2x512x32xf32, #tpu.memory_space<vmem>>, vector<1x512x32xf32>
    %swap3A_28 = vector.shape_cast %swap3A_27 : vector<1x512x32xf32> to vector<512x32xf32>
    %swap3A_29 = vector.shape_cast %slice3A : vector<512x32xf32> to vector<1x512x32xf32>
    tpu.vector_store %arg1[%swap3A, %swap3A_25, %swap3A_26], %swap3A_29 {strides = array<i32>} : memref<2x512x32xf32, #tpu.memory_space<vmem>>, vector<1x512x32xf32>,
    %slice3A_30 = vector.extract_strided_slice %add3A_24 {offsets = [0, 32], sizes = [512, 32], strides = [1, 1]} : vector<512x64xf32> to vector<512x32xf32>
    %swap3A_31 = arith.constant 1 : index
    %swap3A_32 = arith.constant 0 : index
    %swap3A_33 = arith.constant 0 : index
    %swap3A_34 = vector.load %arg1[%swap3A_31, %swap3A_32, %swap3A_33] : memref<2x512x32xf32, #tpu.memory_space<vmem>>, vector<1x512x32xf32>
    %swap3A_35 = vector.shape_cast %swap3A_34 : vector<1x512x32xf32> to vector<512x32xf32>
    %swap3A_36 = vector.shape_cast %slice3A_30 : vector<512x32xf32> to vector<1x512x32xf32>
    tpu.vector_store %arg1[%swap3A_31, %swap3A_32, %swap3A_33], %swap3A_36 {strides = array<i32>} : memref<2x512x32xf32, #tpu.memory_space<vmem>>, vector<1x512x32xf32>,
    return
  }
}

module attributes {stable_mosaic.version = 14 : i64} {
  func.func @_mlp_body(%arg0: i32, %arg1: memref<1xf32, #tpu.memory_space<smem>>, %arg2: memref<2x1024x32xf32, #tpu.memory_space<vmem>>, %arg3: memref<2x1024x32xf32, #tpu.memory_space<vmem>>, %arg4: memref<64x64xf32, #tpu.memory_space<vmem>>, %arg5: memref<8x64xf32, #tpu.memory_space<vmem>>, %arg6: memref<64x64xf32, #tpu.memory_space<vmem>>, %arg7: memref<8x64xf32, #tpu.memory_space<vmem>>, %arg8: memref<1024x64xf32, #tpu.memory_space<vmem>>, %arg9: memref<8x64xf32, #tpu.memory_space<vmem>>) attributes {dimension_semantics = [#tpu.dimension_semantics<arbitrary>], iteration_bounds = array<i64: 50>, scalar_prefetch = 0 : i64, scratch_operands = 0 : i64, tpu.core_type = #tpu.core_type<tc>, window_params = [{transform_indices = @transform_0, window_bounds = array<i64: 1>}, {transform_indices = @transform_1, window_bounds = array<i64: 2, 1024, 32>}, {transform_indices = @transform_2, window_bounds = array<i64: 2, 1024, 32>}, {pipeline_mode = #tpu.pipeline_mode<synchronous>, transform_indices = @transform_3, window_bounds = array<i64: 64, 64>}, {pipeline_mode = #tpu.pipeline_mode<synchronous>, transform_indices = @transform_4, window_bounds = array<i64: 8, 64>}, {pipeline_mode = #tpu.pipeline_mode<synchronous>, transform_indices = @transform_5, window_bounds = array<i64: 64, 64>}, {pipeline_mode = #tpu.pipeline_mode<synchronous>, transform_indices = @transform_6, window_bounds = array<i64: 8, 64>}, {transform_indices = @transform_7, window_bounds = array<i64: 1024, 64>}, {pipeline_mode = #tpu.pipeline_mode<synchronous>, transform_indices = @transform_8, window_bounds = array<i64: 8, 64>}]} {
    %get3A = arith.constant 0 : index
    %get3A_0 = memref.load %arg1[%get3A] : memref<1xf32, #tpu.memory_space<smem>>
    %get3A_1 = arith.constant 0 : index
    %get3A_2 = arith.constant 0 : index
    %get3A_3 = arith.constant 0 : index
    %get3A_4 = vector.load %arg2[%get3A_1, %get3A_2, %get3A_3] : memref<2x1024x32xf32, #tpu.memory_space<vmem>>, vector<1x1024x32xf32>
    %get3A_5 = vector.shape_cast %get3A_4 : vector<1x1024x32xf32> to vector<1024x32xf32>
    %mul3A = vector.broadcast %get3A_0 : f32 to vector<1024x32xf32>
    %mul3A_6 = arith.mulf %get3A_5, %mul3A : vector<1024x32xf32>
    %get3A_7 = arith.constant 0 : index
    %get3A_8 = arith.constant 0 : index
    %get3A_9 = arith.constant 0 : index
    %get3A_10 = vector.load %arg3[%get3A_7, %get3A_8, %get3A_9] : memref<2x1024x32xf32, #tpu.memory_space<vmem>>, vector<1x1024x32xf32>
    %get3A_11 = vector.shape_cast %get3A_10 : vector<1x1024x32xf32> to vector<1024x32xf32>
    %add3A = arith.addf %mul3A_6, %get3A_11 : vector<1024x32xf32>
    %get3A_12 = arith.constant 1 : index
    %get3A_13 = arith.constant 0 : index
    %get3A_14 = arith.constant 0 : index
    %get3A_15 = vector.load %arg2[%get3A_12, %get3A_13, %get3A_14] : memref<2x1024x32xf32, #tpu.memory_space<vmem>>, vector<1x1024x32xf32>
    %get3A_16 = vector.shape_cast %get3A_15 : vector<1x1024x32xf32> to vector<1024x32xf32>
    %mul3A_17 = vector.broadcast %get3A_0 : f32 to vector<1024x32xf32>
    %mul3A_18 = arith.mulf %get3A_16, %mul3A_17 : vector<1024x32xf32>
    %get3A_19 = arith.constant 1 : index
    %get3A_20 = arith.constant 0 : index
    %get3A_21 = arith.constant 0 : index
    %get3A_22 = vector.load %arg3[%get3A_19, %get3A_20, %get3A_21] : memref<2x1024x32xf32, #tpu.memory_space<vmem>>, vector<1x1024x32xf32>
    %get3A_23 = vector.shape_cast %get3A_22 : vector<1x1024x32xf32> to vector<1024x32xf32>
    %add3A_24 = arith.addf %mul3A_18, %get3A_23 : vector<1024x32xf32>
    %concatenate3A = tpu.concatenate %add3A, %add3A_24 in 1 : vector<1024x32xf32>, vector<1024x32xf32> -> vector<1024x64xf32>
    %get3A_25 = arith.constant 0 : index
    %get3A_26 = arith.constant 0 : index
    %get3A_27 = vector.load %arg4[%get3A_25, %get3A_26] : memref<64x64xf32, #tpu.memory_space<vmem>>, vector<64x64xf32>
    %dot_general3A = arith.constant dense<0.000000e+00> : vector<1024x64xf32>
    %dot_general3A_28 = tpu.matmul %concatenate3A, %get3A_27, %dot_general3A {dimension_numbers = #tpu.dot_dimension_numbers<[1], [0], [0], [1], [0, 0, 1, 1], [], []>, transpose_lhs_hint = false} : vector<1024x64xf32>, vector<64x64xf32>, vector<1024x64xf32> -> vector<1024x64xf32>
    %get3A_29 = arith.constant 0 : index
    %get3A_30 = arith.constant 0 : index
    %get3A_31 = vector.load %arg5[%get3A_29, %get3A_30] : memref<8x64xf32, #tpu.memory_space<vmem>>, vector<1x64xf32>
    %add3A_32 = vector.broadcast %get3A_31 : vector<1x64xf32> to vector<1024x64xf32>
    %add3A_33 = arith.addf %dot_general3A_28, %add3A_32 : vector<1024x64xf32>
    %max3A = arith.constant 0.000000e+00 : f32
    %max3A_34 = vector.broadcast %max3A : f32 to vector<1024x64xf32>
    %max3A_35 = arith.maximumf %add3A_33, %max3A_34 : vector<1024x64xf32>
    %get3A_36 = arith.constant 0 : index
    %get3A_37 = arith.constant 0 : index
    %get3A_38 = vector.load %arg6[%get3A_36, %get3A_37] : memref<64x64xf32, #tpu.memory_space<vmem>>, vector<64x64xf32>
    %dot_general3A_39 = arith.constant dense<0.000000e+00> : vector<1024x64xf32>
    %dot_general3A_40 = tpu.matmul %max3A_35, %get3A_38, %dot_general3A_39 {dimension_numbers = #tpu.dot_dimension_numbers<[1], [0], [0], [1], [0, 0, 1, 1], [], []>, transpose_lhs_hint = false} : vector<1024x64xf32>, vector<64x64xf32>, vector<1024x64xf32> -> vector<1024x64xf32>
    %get3A_41 = arith.constant 0 : index
    %get3A_42 = arith.constant 0 : index
    %get3A_43 = vector.load %arg7[%get3A_41, %get3A_42] : memref<8x64xf32, #tpu.memory_space<vmem>>, vector<1x64xf32>
    %add3A_44 = vector.broadcast %get3A_43 : vector<1x64xf32> to vector<1024x64xf32>
    %add3A_45 = arith.addf %dot_general3A_40, %add3A_44 : vector<1024x64xf32>
    %max3A_46 = arith.constant 0.000000e+00 : f32
    %max3A_47 = vector.broadcast %max3A_46 : f32 to vector<1024x64xf32>
    %max3A_48 = arith.maximumf %add3A_45, %max3A_47 : vector<1024x64xf32>
    %swap3A = arith.constant 0 : index
    %swap3A_49 = arith.constant 0 : index
    %swap3A_50 = vector.load %arg8[%swap3A, %swap3A_49] : memref<1024x64xf32, #tpu.memory_space<vmem>>, vector<1024x64xf32>
    tpu.vector_store %arg8[%swap3A, %swap3A_49], %max3A_48 {strides = array<i32>} : memref<1024x64xf32, #tpu.memory_space<vmem>>, vector<1024x64xf32>,
    %mul3A_51 = arith.constant 1024 : i32
    %mul3A_52 = arith.muli %arg0, %mul3A_51 : i32
    %iota3A = tpu.iota {dimensions = array<i32: 0>} : vector<1024x1xi32>
    %add3A_53 = vector.broadcast %mul3A_52 : i32 to vector<1024x1xi32>
    %add3A_54 = arith.addi %add3A_53, %iota3A : vector<1024x1xi32>
    %lt3A = arith.constant 50000 : i32
    %lt3A_55 = vector.broadcast %lt3A : i32 to vector<1024x1xi32>
    %lt3A_56 = arith.cmpi slt, %add3A_54, %lt3A_55 : vector<1024x1xi32>
    %jit3A = arith.constant 0.000000e+00 : f32
    %broadcast_in_dim3A = vector.shape_cast %lt3A_56 : vector<1024x1xi1> to vector<1024x1xi1>
    %broadcast_in_dim3A_57 = vector.broadcast %broadcast_in_dim3A : vector<1024x1xi1> to vector<1024x64xi1>
    %broadcast_in_dim3A_58 = vector.broadcast %jit3A : f32 to vector<1024x64xf32>
    %select_n3A = arith.select %broadcast_in_dim3A_57, %max3A_48, %broadcast_in_dim3A_58 : vector<1024x64xi1>, vector<1024x64xf32>
    %reduce_sum3A = arith.constant dense<0.000000e+00> : vector<64xf32>
    %reduce_sum3A_59 = vector.multi_reduction <add>, %select_n3A, %reduce_sum3A [0] : vector<1024x64xf32> to vector<64xf32>
    %broadcast_in_dim3A_60 = vector.shape_cast %reduce_sum3A_59 : vector<64xf32> to vector<1x64xf32>
    %eq3A = arith.constant 0 : i32
    %eq3A_61 = arith.cmpi eq, %arg0, %eq3A : i32
    %convert_element_type3A = arith.extui %eq3A_61 : i1 to i32
    %cond3A = arith.constant 0 : i32
    %cond3A_62 = arith.cmpi ne, %convert_element_type3A, %cond3A : i32
    scf.if %cond3A_62 {
      %broadcast_in_dim3A_72 = arith.constant 0.000000e+00 : f32
      %broadcast_in_dim3A_73 = vector.broadcast %broadcast_in_dim3A_72 : f32 to vector<8x64xf32>
      %swap3A_74 = arith.constant 0 : index
      %swap3A_75 = arith.constant 0 : index
      %swap3A_76 = vector.load %arg9[%swap3A_74, %swap3A_75] : memref<8x64xf32, #tpu.memory_space<vmem>>, vector<8x64xf32>
      tpu.vector_store %arg9[%swap3A_74, %swap3A_75], %broadcast_in_dim3A_73 {strides = array<i32>} : memref<8x64xf32, #tpu.memory_space<vmem>>, vector<8x64xf32>,
    } else {
    }
    %get3A_63 = arith.constant 0 : index
    %get3A_64 = arith.constant 0 : index
    %get3A_65 = vector.load %arg9[%get3A_63, %get3A_64] : memref<8x64xf32, #tpu.memory_space<vmem>>, vector<8x64xf32>
    %broadcast_in_dim3A_66 = vector.shape_cast %broadcast_in_dim3A_60 : vector<1x64xf32> to vector<1x64xf32>
    %broadcast_in_dim3A_67 = vector.broadcast %broadcast_in_dim3A_66 : vector<1x64xf32> to vector<8x64xf32>
    %add3A_68 = arith.addf %get3A_65, %broadcast_in_dim3A_67 : vector<8x64xf32>
    %swap3A_69 = arith.constant 0 : index
    %swap3A_70 = arith.constant 0 : index
    %swap3A_71 = vector.load %arg9[%swap3A_69, %swap3A_70] : memref<8x64xf32, #tpu.memory_space<vmem>>, vector<8x64xf32>
    tpu.vector_store %arg9[%swap3A_69, %swap3A_70], %add3A_68 {strides = array<i32>} : memref<8x64xf32, #tpu.memory_space<vmem>>, vector<8x64xf32>,
    return
  }
  func.func @transform_0(%arg0: i32) -> i32 {
    %c0_i32 = arith.constant 0 : i32
    %c0_i32_0 = arith.constant 0 : i32
    return %c0_i32 : i32
  }
  func.func @transform_1(%arg0: i32) -> (i32, i32, i32) {
    %c0_i32 = arith.constant 0 : i32
    %c0_i32_0 = arith.constant 0 : i32
    %c0_i32_1 = arith.constant 0 : i32
    return %c0_i32, %arg0, %c0_i32_0 : i32, i32, i32
  }
  func.func @transform_2(%arg0: i32) -> (i32, i32, i32) {
    %c0_i32 = arith.constant 0 : i32
    %c0_i32_0 = arith.constant 0 : i32
    %c0_i32_1 = arith.constant 0 : i32
    return %c0_i32, %arg0, %c0_i32_0 : i32, i32, i32
  }
  func.func @transform_3(%arg0: i32) -> (i32, i32) {
    %c0_i32 = arith.constant 0 : i32
    %c0_i32_0 = arith.constant 0 : i32
    %c0_i32_1 = arith.constant 0 : i32
    return %c0_i32, %c0_i32_0 : i32, i32
  }
  func.func @transform_4(%arg0: i32) -> (i32, i32) {
    %c0_i32 = arith.constant 0 : i32
    %c0_i32_0 = arith.constant 0 : i32
    %c0_i32_1 = arith.constant 0 : i32
    return %c0_i32, %c0_i32_0 : i32, i32
  }
  func.func @transform_5(%arg0: i32) -> (i32, i32) {
    %c0_i32 = arith.constant 0 : i32
    %c0_i32_0 = arith.constant 0 : i32
    %c0_i32_1 = arith.constant 0 : i32
    return %c0_i32, %c0_i32_0 : i32, i32
  }
  func.func @transform_6(%arg0: i32) -> (i32, i32) {
    %c0_i32 = arith.constant 0 : i32
    %c0_i32_0 = arith.constant 0 : i32
    %c0_i32_1 = arith.constant 0 : i32
    return %c0_i32, %c0_i32_0 : i32, i32
  }
  func.func @transform_7(%arg0: i32) -> (i32, i32) {
    %c0_i32 = arith.constant 0 : i32
    %c0_i32_0 = arith.constant 0 : i32
    return %arg0, %c0_i32 : i32, i32
  }
  func.func @transform_8(%arg0: i32) -> (i32, i32) {
    %c0_i32 = arith.constant 0 : i32
    %c0_i32_0 = arith.constant 0 : i32
    %c0_i32_1 = arith.constant 0 : i32
    return %c0_i32, %c0_i32_0 : i32, i32
  }
}

module attributes {stable_mosaic.version = 14 : i64} {
  func.func @_bnres_body(%arg0: i32, %arg1: memref<1024x64xf32, #tpu.memory_space<vmem>>, %arg2: memref<2x1024x32xf32, #tpu.memory_space<vmem>>, %arg3: memref<8x64xf32, #tpu.memory_space<vmem>>, %arg4: memref<8x64xf32, #tpu.memory_space<vmem>>, %arg5: memref<8x64xf32, #tpu.memory_space<vmem>>, %arg6: memref<2x1024x32xf32, #tpu.memory_space<vmem>>, %arg7: memref<8x64xf32, #tpu.memory_space<vmem>>) attributes {dimension_semantics = [#tpu.dimension_semantics<arbitrary>], iteration_bounds = array<i64: 100>, scalar_prefetch = 0 : i64, scratch_operands = 1 : i64, tpu.core_type = #tpu.core_type<tc>, window_params = [{transform_indices = @transform_0, window_bounds = array<i64: 1024, 64>}, {transform_indices = @transform_1, window_bounds = array<i64: 2, 1024, 32>}, {pipeline_mode = #tpu.pipeline_mode<synchronous>, transform_indices = @transform_2, window_bounds = array<i64: 8, 64>}, {pipeline_mode = #tpu.pipeline_mode<synchronous>, transform_indices = @transform_3, window_bounds = array<i64: 8, 64>}, {pipeline_mode = #tpu.pipeline_mode<synchronous>, transform_indices = @transform_4, window_bounds = array<i64: 8, 64>}, {transform_indices = @transform_5, window_bounds = array<i64: 2, 1024, 32>}]} {
    %jit3A = arith.constant 50 : i32
    %eq3A = arith.constant 0 : i32
    %eq3A_0 = arith.cmpi eq, %jit3A, %eq3A : i32
    %jit3A_1 = arith.constant 1 : i32
    %select_n3A = arith.select %eq3A_0, %jit3A_1, %jit3A : i32
    %rem3A = arith.remsi %arg0, %select_n3A : i32
    %ne3A = arith.constant 0 : i32
    %ne3A_2 = arith.cmpi ne, %rem3A, %ne3A : i32
    %lt3A = arith.constant 0 : i32
    %lt3A_3 = arith.cmpi slt, %rem3A, %lt3A : i32
    %lt3A_4 = arith.constant 0 : i32
    %lt3A_5 = arith.cmpi slt, %select_n3A, %lt3A_4 : i32
    %ne3A_6 = arith.xori %lt3A_3, %lt3A_5 : i1
    %and3A = arith.andi %ne3A_6, %ne3A_2 : i1
    %add3A = arith.addi %rem3A, %select_n3A : i32
    %select_n3A_7 = arith.select %and3A, %add3A, %rem3A : i32
    %get3A = arith.constant 0 : index
    %get3A_8 = arith.constant 0 : index
    %get3A_9 = vector.load %arg3[%get3A, %get3A_8] : memref<8x64xf32, #tpu.memory_space<vmem>>, vector<1x64xf32>
    %div3A = arith.constant 5.000000e+04 : f32
    %div3A_10 = vector.broadcast %div3A : f32 to vector<1x64xf32>
    %div3A_11 = arith.divf %get3A_9, %div3A_10 : vector<1x64xf32>
    %eq3A_12 = arith.constant 0 : i32
    %eq3A_13 = arith.cmpi eq, %arg0, %eq3A_12 : i32
    %convert_element_type3A = arith.extui %eq3A_13 : i1 to i32
    %cond3A = arith.constant 0 : i32
    %cond3A_14 = arith.cmpi ne, %convert_element_type3A, %cond3A : i32
    scf.if %cond3A_14 {
      %broadcast_in_dim3A = arith.constant 0.000000e+00 : f32
      %broadcast_in_dim3A_24 = vector.broadcast %broadcast_in_dim3A : f32 to vector<8x64xf32>
      %swap3A = arith.constant 0 : index
      %swap3A_25 = arith.constant 0 : index
      %swap3A_26 = vector.load %arg7[%swap3A, %swap3A_25] : memref<8x64xf32, #tpu.memory_space<vmem>>, vector<8x64xf32>
      tpu.vector_store %arg7[%swap3A, %swap3A_25], %broadcast_in_dim3A_24 {strides = array<i32>} : memref<8x64xf32, #tpu.memory_space<vmem>>, vector<8x64xf32>,
    } else {
    }
    %lt3A_15 = arith.constant 50 : i32
    %lt3A_16 = arith.cmpi slt, %arg0, %lt3A_15 : i32
    %convert_element_type3A_17 = arith.extui %lt3A_16 : i1 to i32
    %cond3A_18 = arith.constant 0 : i32
    %cond3A_19 = arith.cmpi ne, %convert_element_type3A_17, %cond3A_18 : i32
    scf.if %cond3A_19 {
      %mul3A = arith.constant 1024 : i32
      %mul3A_24 = arith.muli %select_n3A_7, %mul3A : i32
      %iota3A = tpu.iota {dimensions = array<i32: 0>} : vector<1024x1xi32>
      %add3A_25 = vector.broadcast %mul3A_24 : i32 to vector<1024x1xi32>
      %add3A_26 = arith.addi %add3A_25, %iota3A : vector<1024x1xi32>
      %get3A_27 = arith.constant 0 : index
      %get3A_28 = arith.constant 0 : index
      %get3A_29 = vector.load %arg1[%get3A_27, %get3A_28] : memref<1024x64xf32, #tpu.memory_space<vmem>>, vector<1024x64xf32>
      %sub3A = vector.broadcast %div3A_11 : vector<1x64xf32> to vector<1024x64xf32>
      %sub3A_30 = arith.subf %get3A_29, %sub3A : vector<1024x64xf32>
      %lt3A_31 = arith.constant 50000 : i32
      %lt3A_32 = vector.broadcast %lt3A_31 : i32 to vector<1024x1xi32>
      %lt3A_33 = arith.cmpi slt, %add3A_26, %lt3A_32 : vector<1024x1xi32>
      %mul3A_34 = arith.mulf %sub3A_30, %sub3A_30 : vector<1024x64xf32>
      %jit3A_35 = arith.constant 0.000000e+00 : f32
      %broadcast_in_dim3A = vector.shape_cast %lt3A_33 : vector<1024x1xi1> to vector<1024x1xi1>
      %broadcast_in_dim3A_36 = vector.broadcast %broadcast_in_dim3A : vector<1024x1xi1> to vector<1024x64xi1>
      %broadcast_in_dim3A_37 = vector.broadcast %jit3A_35 : f32 to vector<1024x64xf32>
      %select_n3A_38 = arith.select %broadcast_in_dim3A_36, %mul3A_34, %broadcast_in_dim3A_37 : vector<1024x64xi1>, vector<1024x64xf32>
      %get3A_39 = arith.constant 0 : index
      %get3A_40 = arith.constant 0 : index
      %get3A_41 = vector.load %arg7[%get3A_39, %get3A_40] : memref<8x64xf32, #tpu.memory_space<vmem>>, vector<8x64xf32>
      %reduce_sum3A = arith.constant dense<0.000000e+00> : vector<64xf32>
      %reduce_sum3A_42 = vector.multi_reduction <add>, %select_n3A_38, %reduce_sum3A [0] : vector<1024x64xf32> to vector<64xf32>
      %broadcast_in_dim3A_43 = vector.shape_cast %reduce_sum3A_42 : vector<64xf32> to vector<1x64xf32>
      %broadcast_in_dim3A_44 = vector.shape_cast %broadcast_in_dim3A_43 : vector<1x64xf32> to vector<1x64xf32>
      %broadcast_in_dim3A_45 = vector.broadcast %broadcast_in_dim3A_44 : vector<1x64xf32> to vector<8x64xf32>
      %add3A_46 = arith.addf %get3A_41, %broadcast_in_dim3A_45 : vector<8x64xf32>
      %swap3A = arith.constant 0 : index
      %swap3A_47 = arith.constant 0 : index
      %swap3A_48 = vector.load %arg7[%swap3A, %swap3A_47] : memref<8x64xf32, #tpu.memory_space<vmem>>, vector<8x64xf32>
      tpu.vector_store %arg7[%swap3A, %swap3A_47], %add3A_46 {strides = array<i32>} : memref<8x64xf32, #tpu.memory_space<vmem>>, vector<8x64xf32>,
    } else {
    }
    %ge3A = arith.constant 50 : i32
    %ge3A_20 = arith.cmpi sge, %arg0, %ge3A : i32
    %convert_element_type3A_21 = arith.extui %ge3A_20 : i1 to i32
    %cond3A_22 = arith.constant 0 : i32
    %cond3A_23 = arith.cmpi ne, %convert_element_type3A_21, %cond3A_22 : i32
    scf.if %cond3A_23 {
      %get3A_24 = arith.constant 0 : index
      %get3A_25 = arith.constant 0 : index
      %get3A_26 = vector.load %arg7[%get3A_24, %get3A_25] : memref<8x64xf32, #tpu.memory_space<vmem>>, vector<1x64xf32>
      %div3A_27 = arith.constant 5.000000e+04 : f32
      %div3A_28 = vector.broadcast %div3A_27 : f32 to vector<1x64xf32>
      %div3A_29 = arith.divf %get3A_26, %div3A_28 : vector<1x64xf32>
      %get3A_30 = arith.constant 0 : index
      %get3A_31 = arith.constant 0 : index
      %get3A_32 = vector.load %arg4[%get3A_30, %get3A_31] : memref<8x64xf32, #tpu.memory_space<vmem>>, vector<1x64xf32>
      %get3A_33 = arith.constant 0 : index
      %get3A_34 = arith.constant 0 : index
      %get3A_35 = vector.load %arg1[%get3A_33, %get3A_34] : memref<1024x64xf32, #tpu.memory_space<vmem>>, vector<1024x64xf32>
      %sub3A = vector.broadcast %div3A_11 : vector<1x64xf32> to vector<1024x64xf32>
      %sub3A_36 = arith.subf %get3A_35, %sub3A : vector<1024x64xf32>
      %mul3A = vector.broadcast %get3A_32 : vector<1x64xf32> to vector<1024x64xf32>
      %mul3A_37 = arith.mulf %mul3A, %sub3A_36 : vector<1024x64xf32>
      %add3A_38 = arith.constant 9.99999974E-6 : f32
      %add3A_39 = vector.broadcast %add3A_38 : f32 to vector<1x64xf32>
      %add3A_40 = arith.addf %div3A_29, %add3A_39 : vector<1x64xf32>
      %sqrt3A = math.sqrt %add3A_40 : vector<1x64xf32>
      %div3A_41 = vector.broadcast %sqrt3A : vector<1x64xf32> to vector<1024x64xf32>
      %div3A_42 = arith.divf %mul3A_37, %div3A_41 : vector<1024x64xf32>
      %get3A_43 = arith.constant 0 : index
      %get3A_44 = arith.constant 0 : index
      %get3A_45 = vector.load %arg5[%get3A_43, %get3A_44] : memref<8x64xf32, #tpu.memory_space<vmem>>, vector<1x64xf32>
      %add3A_46 = vector.broadcast %get3A_45 : vector<1x64xf32> to vector<1024x64xf32>
      %add3A_47 = arith.addf %div3A_42, %add3A_46 : vector<1024x64xf32>
      %max3A = arith.constant 0.000000e+00 : f32
      %max3A_48 = vector.broadcast %max3A : f32 to vector<1024x64xf32>
      %max3A_49 = arith.maximumf %add3A_47, %max3A_48 : vector<1024x64xf32>
      %slice3A = vector.extract_strided_slice %max3A_49 {offsets = [0, 0], sizes = [1024, 32], strides = [1, 1]} : vector<1024x64xf32> to vector<1024x32xf32>
      %get3A_50 = arith.constant 0 : index
      %get3A_51 = arith.constant 0 : index
      %get3A_52 = arith.constant 0 : index
      %get3A_53 = vector.load %arg2[%get3A_50, %get3A_51, %get3A_52] : memref<2x1024x32xf32, #tpu.memory_space<vmem>>, vector<1x1024x32xf32>
      %get3A_54 = vector.shape_cast %get3A_53 : vector<1x1024x32xf32> to vector<1024x32xf32>
      %add3A_55 = arith.addf %slice3A, %get3A_54 : vector<1024x32xf32>
      %swap3A = arith.constant 0 : index
      %swap3A_56 = arith.constant 0 : index
      %swap3A_57 = arith.constant 0 : index
      %swap3A_58 = vector.load %arg6[%swap3A, %swap3A_56, %swap3A_57] : memref<2x1024x32xf32, #tpu.memory_space<vmem>>, vector<1x1024x32xf32>
      %swap3A_59 = vector.shape_cast %swap3A_58 : vector<1x1024x32xf32> to vector<1024x32xf32>
      %swap3A_60 = vector.shape_cast %add3A_55 : vector<1024x32xf32> to vector<1x1024x32xf32>
      tpu.vector_store %arg6[%swap3A, %swap3A_56, %swap3A_57], %swap3A_60 {strides = array<i32>} : memref<2x1024x32xf32, #tpu.memory_space<vmem>>, vector<1x1024x32xf32>,
      %slice3A_61 = vector.extract_strided_slice %max3A_49 {offsets = [0, 32], sizes = [1024, 32], strides = [1, 1]} : vector<1024x64xf32> to vector<1024x32xf32>
      %get3A_62 = arith.constant 1 : index
      %get3A_63 = arith.constant 0 : index
      %get3A_64 = arith.constant 0 : index
      %get3A_65 = vector.load %arg2[%get3A_62, %get3A_63, %get3A_64] : memref<2x1024x32xf32, #tpu.memory_space<vmem>>, vector<1x1024x32xf32>
      %get3A_66 = vector.shape_cast %get3A_65 : vector<1x1024x32xf32> to vector<1024x32xf32>
      %add3A_67 = arith.addf %slice3A_61, %get3A_66 : vector<1024x32xf32>
      %swap3A_68 = arith.constant 1 : index
      %swap3A_69 = arith.constant 0 : index
      %swap3A_70 = arith.constant 0 : index
      %swap3A_71 = vector.load %arg6[%swap3A_68, %swap3A_69, %swap3A_70] : memref<2x1024x32xf32, #tpu.memory_space<vmem>>, vector<1x1024x32xf32>
      %swap3A_72 = vector.shape_cast %swap3A_71 : vector<1x1024x32xf32> to vector<1024x32xf32>
      %swap3A_73 = vector.shape_cast %add3A_67 : vector<1024x32xf32> to vector<1x1024x32xf32>
      tpu.vector_store %arg6[%swap3A_68, %swap3A_69, %swap3A_70], %swap3A_73 {strides = array<i32>} : memref<2x1024x32xf32, #tpu.memory_space<vmem>>, vector<1x1024x32xf32>,
    } else {
    }
    return
  }
  func.func @transform_0(%arg0: i32) -> (i32, i32) {
    %jit3A = arith.constant 50 : i32
    %eq3A = arith.constant 0 : i32
    %eq3A_0 = arith.cmpi eq, %jit3A, %eq3A : i32
    %jit3A_1 = arith.constant 1 : i32
    %select_n3A = arith.select %eq3A_0, %jit3A_1, %jit3A : i32
    %rem3A = arith.remsi %arg0, %select_n3A : i32
    %ne3A = arith.constant 0 : i32
    %ne3A_2 = arith.cmpi ne, %rem3A, %ne3A : i32
    %lt3A = arith.constant 0 : i32
    %lt3A_3 = arith.cmpi slt, %rem3A, %lt3A : i32
    %lt3A_4 = arith.constant 0 : i32
    %lt3A_5 = arith.cmpi slt, %select_n3A, %lt3A_4 : i32
    %ne3A_6 = arith.xori %lt3A_3, %lt3A_5 : i1
    %and3A = arith.andi %ne3A_6, %ne3A_2 : i1
    %add3A = arith.addi %rem3A, %select_n3A : i32
    %select_n3A_7 = arith.select %and3A, %add3A, %rem3A : i32
    %c0_i32 = arith.constant 0 : i32
    %c0_i32_8 = arith.constant 0 : i32
    return %select_n3A_7, %c0_i32 : i32, i32
  }
  func.func @transform_1(%arg0: i32) -> (i32, i32, i32) {
    %jit3A = arith.constant 50 : i32
    %eq3A = arith.constant 0 : i32
    %eq3A_0 = arith.cmpi eq, %jit3A, %eq3A : i32
    %jit3A_1 = arith.constant 1 : i32
    %select_n3A = arith.select %eq3A_0, %jit3A_1, %jit3A : i32
    %rem3A = arith.remsi %arg0, %select_n3A : i32
    %ne3A = arith.constant 0 : i32
    %ne3A_2 = arith.cmpi ne, %rem3A, %ne3A : i32
    %lt3A = arith.constant 0 : i32
    %lt3A_3 = arith.cmpi slt, %rem3A, %lt3A : i32
    %lt3A_4 = arith.constant 0 : i32
    %lt3A_5 = arith.cmpi slt, %select_n3A, %lt3A_4 : i32
    %ne3A_6 = arith.xori %lt3A_3, %lt3A_5 : i1
    %and3A = arith.andi %ne3A_6, %ne3A_2 : i1
    %add3A = arith.addi %rem3A, %select_n3A : i32
    %select_n3A_7 = arith.select %and3A, %add3A, %rem3A : i32
    %c0_i32 = arith.constant 0 : i32
    %c0_i32_8 = arith.constant 0 : i32
    %c0_i32_9 = arith.constant 0 : i32
    return %c0_i32, %select_n3A_7, %c0_i32_8 : i32, i32, i32
  }
  func.func @transform_2(%arg0: i32) -> (i32, i32) {
    %c0_i32 = arith.constant 0 : i32
    %c0_i32_0 = arith.constant 0 : i32
    %c0_i32_1 = arith.constant 0 : i32
    return %c0_i32, %c0_i32_0 : i32, i32
  }
  func.func @transform_3(%arg0: i32) -> (i32, i32) {
    %c0_i32 = arith.constant 0 : i32
    %c0_i32_0 = arith.constant 0 : i32
    %c0_i32_1 = arith.constant 0 : i32
    return %c0_i32, %c0_i32_0 : i32, i32
  }
  func.func @transform_4(%arg0: i32) -> (i32, i32) {
    %c0_i32 = arith.constant 0 : i32
    %c0_i32_0 = arith.constant 0 : i32
    %c0_i32_1 = arith.constant 0 : i32
    return %c0_i32, %c0_i32_0 : i32, i32
  }
  func.func @transform_5(%arg0: i32) -> (i32, i32, i32) {
    %jit3A = arith.constant 50 : i32
    %eq3A = arith.constant 0 : i32
    %eq3A_0 = arith.cmpi eq, %jit3A, %eq3A : i32
    %jit3A_1 = arith.constant 1 : i32
    %select_n3A = arith.select %eq3A_0, %jit3A_1, %jit3A : i32
    %rem3A = arith.remsi %arg0, %select_n3A : i32
    %ne3A = arith.constant 0 : i32
    %ne3A_2 = arith.cmpi ne, %rem3A, %ne3A : i32
    %lt3A = arith.constant 0 : i32
    %lt3A_3 = arith.cmpi slt, %rem3A, %lt3A : i32
    %lt3A_4 = arith.constant 0 : i32
    %lt3A_5 = arith.cmpi slt, %select_n3A, %lt3A_4 : i32
    %ne3A_6 = arith.xori %lt3A_3, %lt3A_5 : i1
    %and3A = arith.andi %ne3A_6, %ne3A_2 : i1
    %add3A = arith.addi %rem3A, %select_n3A : i32
    %select_n3A_7 = arith.select %and3A, %add3A, %rem3A : i32
    %c0_i32 = arith.constant 0 : i32
    %c0_i32_8 = arith.constant 0 : i32
    %c0_i32_9 = arith.constant 0 : i32
    return %c0_i32, %select_n3A_7, %c0_i32_8 : i32, i32, i32
  }
}

module attributes {stable_mosaic.version = 14 : i64} {
  func.func @_pool_body(%arg0: i32, %arg1: memref<2x1024x32xf32, #tpu.memory_space<vmem>>, %arg2: memref<1x1x1024xi32, #tpu.memory_space<vmem>>, %arg3: memref<64x64xf32, #tpu.memory_space<vmem>>, %arg4: memref<8x64xf32, #tpu.memory_space<vmem>>, %arg5: memref<8x64xf32, #tpu.memory_space<vmem>>, %arg6: memref<8x64xf32, #tpu.memory_space<vmem>>, %arg7: memref<64x128xf32, #tpu.memory_space<vmem>>, %arg8: memref<8x128xf32, #tpu.memory_space<vmem>>, %arg9: memref<512x128xf32, #tpu.memory_space<vmem>>, %arg10: memref<512x64xf32, #tpu.memory_space<vmem>>) attributes {dimension_semantics = [#tpu.dimension_semantics<arbitrary>], iteration_bounds = array<i64: 50>, scalar_prefetch = 0 : i64, scratch_operands = 1 : i64, tpu.core_type = #tpu.core_type<tc>, window_params = [{transform_indices = @transform_0, window_bounds = array<i64: 2, 1024, 32>}, {transform_indices = @transform_1, window_bounds = array<i64: 1, 1, 1024>}, {pipeline_mode = #tpu.pipeline_mode<synchronous>, transform_indices = @transform_2, window_bounds = array<i64: 64, 64>}, {pipeline_mode = #tpu.pipeline_mode<synchronous>, transform_indices = @transform_3, window_bounds = array<i64: 8, 64>}, {pipeline_mode = #tpu.pipeline_mode<synchronous>, transform_indices = @transform_4, window_bounds = array<i64: 8, 64>}, {pipeline_mode = #tpu.pipeline_mode<synchronous>, transform_indices = @transform_5, window_bounds = array<i64: 8, 64>}, {pipeline_mode = #tpu.pipeline_mode<synchronous>, transform_indices = @transform_6, window_bounds = array<i64: 64, 128>}, {pipeline_mode = #tpu.pipeline_mode<synchronous>, transform_indices = @transform_7, window_bounds = array<i64: 8, 128>}, {pipeline_mode = #tpu.pipeline_mode<synchronous>, transform_indices = @transform_8, window_bounds = array<i64: 512, 128>}]} {
    %eq3A = arith.constant 0 : i32
    %eq3A_0 = arith.cmpi eq, %arg0, %eq3A : i32
    %convert_element_type3A = arith.extui %eq3A_0 : i1 to i32
    %cond3A = arith.constant 0 : i32
    %cond3A_1 = arith.cmpi ne, %convert_element_type3A, %cond3A : i32
    scf.if %cond3A_1 {
      %broadcast_in_dim3A_40 = arith.constant 0.000000e+00 : f32
      %broadcast_in_dim3A_41 = vector.broadcast %broadcast_in_dim3A_40 : f32 to vector<512x64xf32>
      %swap3A_42 = arith.constant 0 : index
      %swap3A_43 = arith.constant 0 : index
      %swap3A_44 = vector.load %arg10[%swap3A_42, %swap3A_43] : memref<512x64xf32, #tpu.memory_space<vmem>>, vector<512x64xf32>
      tpu.vector_store %arg10[%swap3A_42, %swap3A_43], %broadcast_in_dim3A_41 {strides = array<i32>} : memref<512x64xf32, #tpu.memory_space<vmem>>, vector<512x64xf32>,
    } else {
    }
    %get3A = arith.constant 0 : index
    %get3A_2 = arith.constant 0 : index
    %get3A_3 = arith.constant 0 : index
    %get3A_4 = vector.load %arg2[%get3A, %get3A_2, %get3A_3] : memref<1x1x1024xi32, #tpu.memory_space<vmem>>, vector<1x1x1024xi32>
    %get3A_5 = vector.shape_cast %get3A_4 : vector<1x1x1024xi32> to vector<1024xi32>
    %iota3A = tpu.iota {dimensions = array<i32: 0>} : vector<512x1024xi32>
    %broadcast_in_dim3A = vector.shape_cast %get3A_5 : vector<1024xi32> to vector<1x1024xi32>
    %eq3A_6 = vector.broadcast %broadcast_in_dim3A : vector<1x1024xi32> to vector<512x1024xi32>
    %eq3A_7 = arith.cmpi eq, %iota3A, %eq3A_6 : vector<512x1024xi32>
    %convert_element_type3A_8 = arith.extui %eq3A_7 : vector<512x1024xi1> to vector<512x1024xi32>
    %convert_element_type3A_9 = arith.sitofp %convert_element_type3A_8 : vector<512x1024xi32> to vector<512x1024xf32>
    %get3A_10 = arith.constant 0 : index
    %get3A_11 = arith.constant 0 : index
    %get3A_12 = vector.load %arg10[%get3A_10, %get3A_11] : memref<512x64xf32, #tpu.memory_space<vmem>>, vector<512x32xf32>
    %get3A_13 = arith.constant 0 : index
    %get3A_14 = arith.constant 0 : index
    %get3A_15 = arith.constant 0 : index
    %get3A_16 = vector.load %arg1[%get3A_13, %get3A_14, %get3A_15] : memref<2x1024x32xf32, #tpu.memory_space<vmem>>, vector<1x1024x32xf32>
    %get3A_17 = vector.shape_cast %get3A_16 : vector<1x1024x32xf32> to vector<1024x32xf32>
    %dot_general3A = arith.constant dense<0.000000e+00> : vector<512x32xf32>
    %dot_general3A_18 = tpu.matmul %convert_element_type3A_9, %get3A_17, %dot_general3A {dimension_numbers = #tpu.dot_dimension_numbers<[1], [0], [0], [1], [0, 0, 1, 1], [], []>, precision = #tpu.contract_precision<fp32>, transpose_lhs_hint = false} : vector<512x1024xf32>, vector<1024x32xf32>, vector<512x32xf32> -> vector<512x32xf32>
    %add3A = arith.addf %get3A_12, %dot_general3A_18 : vector<512x32xf32>
    %swap3A = arith.constant 0 : index
    %swap3A_19 = arith.constant 0 : index
    %swap3A_20 = vector.load %arg10[%swap3A, %swap3A_19] : memref<512x64xf32, #tpu.memory_space<vmem>>, vector<512x32xf32>
    tpu.vector_store %arg10[%swap3A, %swap3A_19], %add3A {strides = array<i32>} : memref<512x64xf32, #tpu.memory_space<vmem>>, vector<512x32xf32>,
    %get3A_21 = arith.constant 0 : index
    %get3A_22 = arith.constant 32 : index
    %get3A_23 = vector.load %arg10[%get3A_21, %get3A_22] : memref<512x64xf32, #tpu.memory_space<vmem>>, vector<512x32xf32>
    %get3A_24 = arith.constant 1 : index
    %get3A_25 = arith.constant 0 : index
    %get3A_26 = arith.constant 0 : index
    %get3A_27 = vector.load %arg1[%get3A_24, %get3A_25, %get3A_26] : memref<2x1024x32xf32, #tpu.memory_space<vmem>>, vector<1x1024x32xf32>
    %get3A_28 = vector.shape_cast %get3A_27 : vector<1x1024x32xf32> to vector<1024x32xf32>
    %dot_general3A_29 = arith.constant dense<0.000000e+00> : vector<512x32xf32>
    %dot_general3A_30 = tpu.matmul %convert_element_type3A_9, %get3A_28, %dot_general3A_29 {dimension_numbers = #tpu.dot_dimension_numbers<[1], [0], [0], [1], [0, 0, 1, 1], [], []>, precision = #tpu.contract_precision<fp32>, transpose_lhs_hint = false} : vector<512x1024xf32>, vector<1024x32xf32>, vector<512x32xf32> -> vector<512x32xf32>
    %add3A_31 = arith.addf %get3A_23, %dot_general3A_30 : vector<512x32xf32>
    %swap3A_32 = arith.constant 0 : index
    %swap3A_33 = arith.constant 32 : index
    %swap3A_34 = vector.load %arg10[%swap3A_32, %swap3A_33] : memref<512x64xf32, #tpu.memory_space<vmem>>, vector<512x32xf32>
    tpu.vector_store %arg10[%swap3A_32, %swap3A_33], %add3A_31 {strides = array<i32>} : memref<512x64xf32, #tpu.memory_space<vmem>>, vector<512x32xf32>,
    %eq3A_35 = arith.constant 49 : i32
    %eq3A_36 = arith.cmpi eq, %arg0, %eq3A_35 : i32
    %convert_element_type3A_37 = arith.extui %eq3A_36 : i1 to i32
    %cond3A_38 = arith.constant 0 : i32
    %cond3A_39 = arith.cmpi ne, %convert_element_type3A_37, %cond3A_38 : i32
    scf.if %cond3A_39 {
      %get3A_40 = arith.constant 0 : index
      %get3A_41 = arith.constant 0 : index
      %get3A_42 = vector.load %arg10[%get3A_40, %get3A_41] : memref<512x64xf32, #tpu.memory_space<vmem>>, vector<512x64xf32>
      %get3A_43 = arith.constant 0 : index
      %get3A_44 = arith.constant 0 : index
      %get3A_45 = vector.load %arg3[%get3A_43, %get3A_44] : memref<64x64xf32, #tpu.memory_space<vmem>>, vector<64x64xf32>
      %dot_general3A_46 = arith.constant dense<0.000000e+00> : vector<512x64xf32>
      %dot_general3A_47 = tpu.matmul %get3A_42, %get3A_45, %dot_general3A_46 {dimension_numbers = #tpu.dot_dimension_numbers<[1], [0], [0], [1], [0, 0, 1, 1], [], []>, transpose_lhs_hint = false} : vector<512x64xf32>, vector<64x64xf32>, vector<512x64xf32> -> vector<512x64xf32>
      %get3A_48 = arith.constant 0 : index
      %get3A_49 = arith.constant 0 : index
      %get3A_50 = vector.load %arg4[%get3A_48, %get3A_49] : memref<8x64xf32, #tpu.memory_space<vmem>>, vector<1x64xf32>
      %add3A_51 = vector.broadcast %get3A_50 : vector<1x64xf32> to vector<512x64xf32>
      %add3A_52 = arith.addf %dot_general3A_47, %add3A_51 : vector<512x64xf32>
      %reduce_sum3A = arith.constant dense<0.000000e+00> : vector<64xf32>
      %reduce_sum3A_53 = vector.multi_reduction <add>, %add3A_52, %reduce_sum3A [0] : vector<512x64xf32> to vector<64xf32>
      %broadcast_in_dim3A_54 = vector.shape_cast %reduce_sum3A_53 : vector<64xf32> to vector<1x64xf32>
      %div3A = arith.constant 5.120000e+02 : f32
      %div3A_55 = vector.broadcast %div3A : f32 to vector<1x64xf32>
      %div3A_56 = arith.divf %broadcast_in_dim3A_54, %div3A_55 : vector<1x64xf32>
      %sub3A = vector.broadcast %div3A_56 : vector<1x64xf32> to vector<512x64xf32>
      %sub3A_57 = arith.subf %add3A_52, %sub3A : vector<512x64xf32>
      %mul3A = arith.mulf %sub3A_57, %sub3A_57 : vector<512x64xf32>
      %reduce_sum3A_58 = arith.constant dense<0.000000e+00> : vector<64xf32>
      %reduce_sum3A_59 = vector.multi_reduction <add>, %mul3A, %reduce_sum3A_58 [0] : vector<512x64xf32> to vector<64xf32>
      %broadcast_in_dim3A_60 = vector.shape_cast %reduce_sum3A_59 : vector<64xf32> to vector<1x64xf32>
      %div3A_61 = arith.constant 5.120000e+02 : f32
      %div3A_62 = vector.broadcast %div3A_61 : f32 to vector<1x64xf32>
      %div3A_63 = arith.divf %broadcast_in_dim3A_60, %div3A_62 : vector<1x64xf32>
      %get3A_64 = arith.constant 0 : index
      %get3A_65 = arith.constant 0 : index
      %get3A_66 = vector.load %arg5[%get3A_64, %get3A_65] : memref<8x64xf32, #tpu.memory_space<vmem>>, vector<1x64xf32>
      %mul3A_67 = vector.broadcast %get3A_66 : vector<1x64xf32> to vector<512x64xf32>
      %mul3A_68 = arith.mulf %mul3A_67, %sub3A_57 : vector<512x64xf32>
      %add3A_69 = arith.constant 9.99999974E-6 : f32
      %add3A_70 = vector.broadcast %add3A_69 : f32 to vector<1x64xf32>
      %add3A_71 = arith.addf %div3A_63, %add3A_70 : vector<1x64xf32>
      %sqrt3A = math.sqrt %add3A_71 : vector<1x64xf32>
      %div3A_72 = vector.broadcast %sqrt3A : vector<1x64xf32> to vector<512x64xf32>
      %div3A_73 = arith.divf %mul3A_68, %div3A_72 : vector<512x64xf32>
      %get3A_74 = arith.constant 0 : index
      %get3A_75 = arith.constant 0 : index
      %get3A_76 = vector.load %arg6[%get3A_74, %get3A_75] : memref<8x64xf32, #tpu.memory_space<vmem>>, vector<1x64xf32>
      %add3A_77 = vector.broadcast %get3A_76 : vector<1x64xf32> to vector<512x64xf32>
      %add3A_78 = arith.addf %div3A_73, %add3A_77 : vector<512x64xf32>
      %max3A = arith.constant 0.000000e+00 : f32
      %max3A_79 = vector.broadcast %max3A : f32 to vector<512x64xf32>
      %max3A_80 = arith.maximumf %add3A_78, %max3A_79 : vector<512x64xf32>
      %get3A_81 = arith.constant 0 : index
      %get3A_82 = arith.constant 0 : index
      %get3A_83 = vector.load %arg7[%get3A_81, %get3A_82] : memref<64x128xf32, #tpu.memory_space<vmem>>, vector<64x128xf32>
      %dot_general3A_84 = arith.constant dense<0.000000e+00> : vector<512x128xf32>
      %dot_general3A_85 = tpu.matmul %max3A_80, %get3A_83, %dot_general3A_84 {dimension_numbers = #tpu.dot_dimension_numbers<[1], [0], [0], [1], [0, 0, 1, 1], [], []>, transpose_lhs_hint = false} : vector<512x64xf32>, vector<64x128xf32>, vector<512x128xf32> -> vector<512x128xf32>
      %get3A_86 = arith.constant 0 : index
      %get3A_87 = arith.constant 0 : index
      %get3A_88 = vector.load %arg8[%get3A_86, %get3A_87] : memref<8x128xf32, #tpu.memory_space<vmem>>, vector<1x128xf32>
      %add3A_89 = vector.broadcast %get3A_88 : vector<1x128xf32> to vector<512x128xf32>
      %add3A_90 = arith.addf %dot_general3A_85, %add3A_89 : vector<512x128xf32>
      %swap3A_91 = arith.constant 0 : index
      %swap3A_92 = arith.constant 0 : index
      %swap3A_93 = vector.load %arg9[%swap3A_91, %swap3A_92] : memref<512x128xf32, #tpu.memory_space<vmem>>, vector<512x128xf32>
      tpu.vector_store %arg9[%swap3A_91, %swap3A_92], %add3A_90 {strides = array<i32>} : memref<512x128xf32, #tpu.memory_space<vmem>>, vector<512x128xf32>,
    } else {
    }
    return
  }
  func.func @transform_0(%arg0: i32) -> (i32, i32, i32) {
    %c0_i32 = arith.constant 0 : i32
    %c0_i32_0 = arith.constant 0 : i32
    %c0_i32_1 = arith.constant 0 : i32
    return %c0_i32, %arg0, %c0_i32_0 : i32, i32, i32
  }
  func.func @transform_1(%arg0: i32) -> (i32, i32, i32) {
    %c0_i32 = arith.constant 0 : i32
    %c0_i32_0 = arith.constant 0 : i32
    %c0_i32_1 = arith.constant 0 : i32
    return %arg0, %c0_i32, %c0_i32_0 : i32, i32, i32
  }
  func.func @transform_2(%arg0: i32) -> (i32, i32) {
    %c0_i32 = arith.constant 0 : i32
    %c0_i32_0 = arith.constant 0 : i32
    %c0_i32_1 = arith.constant 0 : i32
    return %c0_i32, %c0_i32_0 : i32, i32
  }
  func.func @transform_3(%arg0: i32) -> (i32, i32) {
    %c0_i32 = arith.constant 0 : i32
    %c0_i32_0 = arith.constant 0 : i32
    %c0_i32_1 = arith.constant 0 : i32
    return %c0_i32, %c0_i32_0 : i32, i32
  }
  func.func @transform_4(%arg0: i32) -> (i32, i32) {
    %c0_i32 = arith.constant 0 : i32
    %c0_i32_0 = arith.constant 0 : i32
    %c0_i32_1 = arith.constant 0 : i32
    return %c0_i32, %c0_i32_0 : i32, i32
  }
  func.func @transform_5(%arg0: i32) -> (i32, i32) {
    %c0_i32 = arith.constant 0 : i32
    %c0_i32_0 = arith.constant 0 : i32
    %c0_i32_1 = arith.constant 0 : i32
    return %c0_i32, %c0_i32_0 : i32, i32
  }
  func.func @transform_6(%arg0: i32) -> (i32, i32) {
    %c0_i32 = arith.constant 0 : i32
    %c0_i32_0 = arith.constant 0 : i32
    %c0_i32_1 = arith.constant 0 : i32
    return %c0_i32, %c0_i32_0 : i32, i32
  }
  func.func @transform_7(%arg0: i32) -> (i32, i32) {
    %c0_i32 = arith.constant 0 : i32
    %c0_i32_0 = arith.constant 0 : i32
    %c0_i32_1 = arith.constant 0 : i32
    return %c0_i32, %c0_i32_0 : i32, i32
  }
  func.func @transform_8(%arg0: i32) -> (i32, i32) {
    %c0_i32 = arith.constant 0 : i32
    %c0_i32_0 = arith.constant 0 : i32
    %c0_i32_1 = arith.constant 0 : i32
    return %c0_i32, %c0_i32_0 : i32, i32
  }
}

</mosaic_0001>

<sc_bundles>
// kernel: kernel.17.cloned.1.call-start
scs
__scs_entry_jumppad:
0x0: {  	(pc) =	sbr.rel $0x88, $3  }
0x1: {  	(tag) =	ssettag $0x0;
	lr =	simm.s32 $0x1  }
0x2: {  	[smem:$0x3F8E] =	sst lr;
	_ =	strace $0xD0000000  }
0x3: {  	_ = 	snop  }
0x4: {  	_ = 	snop  }
0x5: {  	_ = 	snop  }
0x6: {  	_ = 	snop  }
0x7: {  	_ = 	snop  }
__scs_overlays_trampoline_lowered:
0x8: {  	[smem:$0x3F9D] =	sst s0  }
0x9: {  	[smem:$0x3F9E] =	sst s1  }
0xa: {  	[smem:$0x3F9F] =	sst s2  }
0xb: {  	[smem:$0x3FA0] =	sst s3  }
0xc: {  	[smem:$0x3FA1] =	sst s4  }
0xd: {  	[smem:$0x3FA2] =	sst s5  }
0xe: {  	[smem:$0x3FA3] =	sst s6  }
0xf: {  	[smem:$0x3FA4] =	sst s7  }
0x10: {  	[smem:$0x3FA5] =	sst s8  }
0x11: {  	[smem:$0x3FA6] =	sst s9;
	s0 =	simm.s32 @!p0 $0x0  }
0x12: {  	s1 =	sld [smem:$0x3F8C];
	s0 =	simm.s32 @p0 $0x1  }
0x13: {  	[smem:$0x3FA7] =	sst s0;
	s0 =	simm.s32 @!p1 $0x0  }
0x14: {  	s2 =	sld [smem:$0x3F8B];
	s0 =	simm.s32 @p1 $0x1  }
0x15: {  	[smem:$0x3FA8] =	sst s0;
	s0 =	simm.s32 @!p2 $0x0  }
0x16: {  	s3 =	sld [smem:$0x3FDB];
	s0 =	simm.s32 @p2 $0x1  }
0x17: {  	s4 =	simm.s32 $0x1BF5;
	[smem:$0x3FAA] =	sst s0  }
0x18: {  	s0 =	sld [smem:$0x3F8D];
	_ =	swait.ge [sflag:s4], $0x0  }
0x19: {  	s7 =	sld [smem:$0x3F8E]  }
0x1a: {  	s8 =	sadd.s32 $0xFFFFE003, lr  }
0x1b: {  	s9 =	sadd.s32 $0xFFFFFEF7, lr;
	s5 =	simm.s32 $0xFFFFFFFF;
	p2 =	slt.u32 s8, $0xFFFFF086  }
0x1c: {  	p1 =	slt.u32 s9, $0xF7A;
	s5 =	simm.s32 @!p2 $0x0  }
0x1d: {  	s5 =	simm.s32 @p1 $0x1;
	p0 =	seq.s32 s7, s2  }
0x1e: {  	s7 =	smul.u32 @!p0 $0xF7A, s2;
	p2 =	seq.s32 @!p0 s5, $0x0  }
0x1f: {  	s9 =	smul.u32 $0xF7A, s1;
	s8 =	simm.s32 @!p0 $0x1BF5;
	p2 =	por !p2, p0  }
0x20: {  	[sflag:s8] =	ssyncset.s32 @!p0 $0xFFFFF086;
	s6 =	sadd.s32 @!p0 s3, s7;
	s7 =	simm.s32 @!p0 $0x108  }
0x21: {  	s3 =	sadd.s32 s3, s9;
	s6 =	sadd.s32 @!p0 $0x88, s6;
	s7 =	simm.s32 @p2 $0x1082  }
0x22: {  	[simem:s7], [sflag:s8] =	dma.local @!p0 [hbm:s6], $0xF7A  }
0x23: {  	s9 =	sor.u32 $0xD0000000, s2;
	s6 =	simm.s32 $0x108;
	_ =	swait.ge @!p0 [sflag:s8], $0x0  }
0x24: {  	s3 =	sadd.s32 $0x88, s3;
	s6 =	simm.s32 @!p1 $0x1082;
	[sflag:s4] =	ssyncset.s32 $0xFFFFF086  }
0x25: {  	[simem:s6], [sflag:s4] =	dma.local [hbm:s3], $0xF7A  }
0x26: {  	[smem:$0x3F8E] =	sst s1;
	(tag) =	ssettag s2;
	_ =	strace s9  }
0x27: {  	s1 =	sld [smem:$0x3F9E]  }
0x28: {  	s2 =	sld [smem:$0x3F9F]  }
0x29: {  	s4 =	sld [smem:$0x3FA1]  }
0x2a: {  	p0 =	seq.s32 s5, $0x0;
	s5 =	sld [smem:$0x3FA2]  }
0x2b: {  	s6 =	sld [smem:$0x3FA3]  }
0x2c: {  	s7 =	sld [smem:$0x3FA4]  }
0x2d: {  	s3 =	simm.s32 $0x108;
	s8 =	sld [smem:$0x3FA5]  }
0x2e: {  	s3 =	simm.s32 @!p0 $0x1082;
	s9 =	sld [smem:$0x3FA6]  }
0x2f: {  	lr =	sadd.s32 s0, s3;
	s0 =	sld [smem:$0x3F9D]  }
0x30: {  	s3 =	sld [smem:$0x3FA0]  }
0x31: {  	[smem:$0x3FA9] =	sst s10  }
0x32: {  	s10 =	sld [smem:$0x3FA7];
	_ =	sdelay $0x3  }
0x33: {  	p0 =	seq.s32 s10, $0x1;
	s10 =	sld [smem:$0x3FA9];
	_ =	sdelay $0x3  }
0x34: {  	[smem:$0x3FA9] =	sst s10  }
0x35: {  	s10 =	sld [smem:$0x3FA8];
	_ =	sdelay $0x3  }
0x36: {  	p1 =	seq.s32 s10, $0x1;
	s10 =	sld [smem:$0x3FA9];
	_ =	sdelay $0x3  }
0x37: {  	[smem:$0x3FA9] =	sst s10  }
0x38: {  	s10 =	sld [smem:$0x3FAA]  }
0x39: {  	_ = 	snop;
	(pc) =	sbr.ind lr, $3  }
0x3a: {  	_ = 	snop  }
0x3b: {  	_ = 	snop  }
0x3c: {  	p2 =	seq.s32 s10, $0x1;
	s10 =	sld [smem:$0x3FA9]  }
0x3d: {  	_ =	shalt  }
0x3e: {  	_ =	shalt  }
0x3f: {  	_ =	shalt  }
0x40: {  	_ =	shalt  }
0x41: {  	_ =	shalt  }
0x42: {  	_ =	shalt  }
0x43: {  	_ =	shalt  }
0x44: {  	_ =	shalt  }
0x45: {  	_ =	shalt  }
0x46: {  	_ =	shalt  }
0x47: {  	_ =	shalt  }
0x48: {  	_ =	shalt  }
0x49: {  	_ =	shalt  }
0x4a: {  	_ =	shalt  }
0x4b: {  	_ =	shalt  }
0x4c: {  	_ =	shalt  }
0x4d: {  	_ =	shalt  }
0x4e: {  	_ =	shalt  }
0x4f: {  	_ =	shalt  }
0x50: {  	_ =	shalt  }
0x51: {  	_ =	shalt  }
0x52: {  	_ =	shalt  }
0x53: {  	_ =	shalt  }
0x54: {  	_ =	shalt  }
0x55: {  	_ =	shalt  }
0x56: {  	_ =	shalt  }
0x57: {  	_ =	shalt  }
0x58: {  	_ =	shalt  }
0x59: {  	_ =	shalt  }
0x5a: {  	_ =	shalt  }
0x5b: {  	_ =	shalt  }
0x5c: {  	_ =	shalt  }
0x5d: {  	_ =	shalt  }
0x5e: {  	_ =	shalt  }
0x5f: {  	_ =	shalt  }
0x60: {  	_ =	shalt  }
0x61: {  	_ =	shalt  }
0x62: {  	_ =	shalt  }
0x63: {  	_ =	shalt  }
0x64: {  	_ =	shalt  }
0x65: {  	_ =	shalt  }
0x66: {  	_ =	shalt  }
0x67: {  	_ =	shalt  }
0x68: {  	_ =	shalt  }
0x69: {  	_ =	shalt  }
0x6a: {  	_ =	shalt  }
0x6b: {  	_ =	shalt  }
0x6c: {  	_ =	shalt  }
0x6d: {  	_ =	shalt  }
0x6e: {  	_ =	shalt  }
0x6f: {  	_ =	shalt  }
0x70: {  	_ =	shalt  }
0x71: {  	_ =	shalt  }
0x72: {  	_ =	shalt  }
0x73: {  	_ =	shalt  }
0x74: {  	_ =	shalt  }
0x75: {  	_ =	shalt  }
0x76: {  	_ =	shalt  }
0x77: {  	_ =	shalt  }
0x78: {  	_ =	shalt  }
0x79: {  	_ =	shalt  }
0x7a: {  	_ =	shalt  }
0x7b: {  	_ =	shalt  }
0x7c: {  	_ =	shalt  }
0x7d: {  	_ =	shalt  }
0x7e: {  	_ =	shalt  }
0x7f: {  	_ =	shalt  }
0x80: {  	_ =	shalt  }
0x81: {  	_ =	shalt  }
0x82: {  	_ =	shalt  }
0x83: {  	_ =	shalt  }
0x84: {  	_ =	shalt  }
0x85: {  	_ =	shalt  }
0x86: {  	_ =	shalt  }
0x87: {  	_ =	shalt  }
.Lfunc_end0:
.L_simem_size_0:
called_computation_lowered:
.L_overlay_start_0:
0x88: {  	s2 =	sld [smem:$0x3FD9]  }
0x89: {  	s3 =	sld [smem:$0x3FFE];
	_ =	sdelay $0x1  }
0x8a: {  	s1 =	srdreg.scid  }
0x8b: {  	s0 =	sand.u32 $0x1, s1  }
0x8c: {  	s16 =	sshll.u32 s0, $0xA;
	s2 =	sadd.s32 s3, s2  }
0x8d: {  	s2 =	sadd.s32 s2, s16  }
0x8e: {  	[smem:$0x3FB5] =	sst s2  }
0x8f: {  	_ = 	snop  }
0x90: {  	(tm) =	ssettm $0x1  }
0x91: {  	s17 =	sld [smem:$0x3FFB];
	_ =	sdelay $0x3  }
0x92: {  	_ =	strace s17  }
0x93: {  	s2 =	sld [smem:$0x3FFC];
	_ =	sdelay $0x3  }
0x94: {  	_ =	strace s2  }
0x95: {  	s2 =	sld [smem:$0x3FFD];
	_ =	sdelay $0x3  }
0x96: {  	_ =	strace s2  }
0x97: {  	_ =	strace $0x8FFFFFFF  }
0x98: {  	s18 =	sld [smem:$0x3FDB];
	_ =	sdelay $0x1  }
0x99: {  	s19 =	simm.s32 $_scs_section_size  }
0x9a: {  	s4 =	simm.s32 $_size__tile_overlayer_lowered;
	s5 =	simm.s32 $_tile_overlayer_lowered  }
0x9b: {  	s22 =	simm.s32 $0x1BFF;
	s21 =	sshll.u32 s5, $0x1;
	s2 =	sadd.s32 s19, s18  }
0x9c: {  	s6 =	simm.s32 $0x0;
	s20 =	sshll.u32 s4, $0x1;
	s4 =	sadd.s32 s21, s2  }
0x9d: {  	[timem:s6], [sflag:s22] =	dma.local [hbm:s4], s20  }
0x9e: {  	_ =	swait.ge [sflag:s22], s20  }
0x9f: {  	s3 =	ssub.s32 $0x0, s20;
	[sflag:s22] =	ssyncset.done $0x0  }
0xa0: {  	[sflag:s22] =	ssyncadd.s32 s3;
	_ =	sdelay $0x1  }
0xa1: {  	s23 =	simm.s32 $0x1B8B  }
0xa2: {  	_ =	swait.ge [sflag:s23], $0x1  }
0xa3: {  	[sflag:s23] =	ssyncset.done $0x0  }
0xa4: {  	s25 =	simm.s32 $0x1B8E;
	s24 =	sld [smem:$0x3FFE];
	[sflag:s23] =	ssyncadd.s32 $0xFFFFFFFF  }
0xa5: {  	s26 =	simm.s32 $execute0_lowered;
	[smem:$0x3FD2] =	sst s25  }
0xa6: {  	s4 =	sshll.u32 s26, $0x1;
	_ =	strace $0x80000046;
	[dreg:$0x1] =	wrdreg $0xFFFFFFFF  }
0xa7: {  	s28 =	simm.s32 $_size_execute0_lowered;
	s2 =	sadd.s32 s2, s4;
	[dreg:$0x0] =	wrdreg $0x0  }
0xa8: {  	s4 =	sshll.u32 s28, $0x1;
	[dreg:$0x2] =	wrdreg s2  }
0xa9: {  	[dreg:$0x3] =	wrdreg s4  }
0xaa: {  	[dreg:$0x4] =	wrdreg $0xC0  }
0xab: {  	_ =	task [dreg:s6], $0x5FFFF  }
0xac: {  	[dreg:$0x1] =	wrdreg $0xFFFFFFFF  }
0xad: {  	[dreg:$0x0] =	wrdreg $0x60  }
0xae: {  	[dreg:$0x2] =	wrdreg s24  }
0xaf: {  	[dreg:$0x3] =	wrdreg $0x11000  }
0xb0: {  	[dreg:$0x4] =	wrdreg $0x9  }
0xb1: {  	_ =	task.clear_ibuf [dreg:s6], $0x5FFFF;
	_ =	strace $0x90000046  }
0xb2: {  	s29 =	simm.s32 $0x9;
	_ =	strace $0x80000048  }
0xb3: {  	_ =	swait.ge [sflag:s29], $0x1  }
0xb4: {  	[sflag:s29] =	ssyncadd.s32 $0xFFFFFFFF  }
0xb5: {  	_ =	strace $0x90000048  }
0xb6: {  	_ =	sfence  }
0xb7: {  	s30 =	sld [smem:$0x0];
	_ =	sdelay $0x2  }
0xb8: {  	s31 =	sshll.u32 s1, $0xD;
	s1 =	sshrl.u32 s1, $0x2  }
0xb9: {  	s3 =	sand.u32 $0x4000, s31;
	s1 =	sadd.s32 s1, s30  }
0xba: {  	s0 =	sor.u32 s3, s0;
	s1 =	sshll.u32 s1, $0x11  }
0xbb: {  	s0 =	sor.u32 s1, s0  }
0xbc: {  	s0 =	sadd.s32 $0x8F2B, s0  }
0xbd: {  	[sflag:s0] =	ssyncadd.remote.s32 $0x1  }
0xbe: {  	_ =	sfence.sel $0xFFFF  }
0xbf: {  	[dreg:$0x0] =	wrdreg $0xFFFFFFFF;
	(pc) =	sbr.abs _section_cstart, $3  }
0xc0: {  	[dreg:$0x1] =	wrdreg $0xFFFFFFFF  }
0xc1: {  	_ =	task.clear_ibuf [dreg:s6], $0x2FFFF;
	_ =	strace $0x9FFFFFFF  }
0xc2: {  	(tm) =	ssettm $0x7FFFFFFF  }
0xc3: {  	_ =	shalt  }
tec
execute0_lowered:
.L_overlay_start_1:
0x0: {  	(tag) =	ssettag $0x1  }
0x1: {  	s5 =	rddreg [dreg:$0x0]  }
0x2: {  	s1 =	rddreg [dreg:$0x1];
	s2 =	srdreg.scid  }
0x3: {  	s0 =	rddreg [dreg:$0x2];
	s3 =	simm.s32 $0x0;
	s6 =	sand.u32 $0x1, s2  }
0x4: {  	s12 =	simm.s32 $0x1;
	s2 =	stileid.u32;
	s7 =	smul.u32 $0x32000, s6  }
0x5: {  	s15 =	simm.s32 $0x0;
	[smem:$0x7FF] =	sst s3;
	s8 =	smul.u32 $0x3200, s2  }
0x6: {  	s4 =	sadd.s32 $0x9400, s5;
	_ =	strace $0x80000047;
	s9 =	smul.u32 $0x190, s2  }
0x7: {  	s28 =	smul.u32 $0x64000, s2;
	s29 =	ssub.s32 $0x2, s6;
	s13 =	sshll.u32 s2, $0x6  }
0x8: {  	s11 =	smul.u32 $0xE100, s6;
	s10 =	sshrl.u32 s29, $0x1;
	s13 =	sor.u32 $0x1C02, s13  }
0x9: {  	s7 =	sadd.s32 s8, s7;
	s9 =	sadd.s32 s9, s5;
	s8 =	sshrl.u32 s28, $0x2  }
0xa: {  	s30 =	ssub.s32 s29, s10;
	s10 =	simm.s32 $0x2;
	s5 =	sadd.s32 s7, s5  }
0xb: {  	s14 =	sadd.s32 s8, s1;
	s6 =	smax.u32 s30, $0x1;
	s7 =	sadd.s32 $0x7A00, s9  }
0xc: {  	s31 =	sadd.s32 s11, s9;
	s9 =	simm.s32 $0x80;
	s11 =	simm.s32 $0x100  }
0xd: {  	s5 =	sadd.s32 $0x26800, s5;
	s8 =	sadd.s32 $0xA600, s31;
	s14 =	sshrl.u32 s14, $0x3  }
.LBB2_1:
0xe: {  	s16 =	sadd.s32 $0x0, s7  }
0xf: {  	[tilespmem:s9], [sflag:$0x2] =	stream.linear.gather [hbm4b:s16+s3], $0x80, $0x38;
	[tilespmem:$0x1A100] =	vst v63  }
0x10: {  	_ =	swait.ge [sflag:s10], $0x80  }
0x11: {  	[sflag:s10] =	ssyncset.done $0x0  }
0x12: {  	s24 =	sadd.s32 $0x0, s8;
	[sflag:s10] =	ssyncadd.s32 $0xFFFFFF80  }
0x13: {  	[tilespmem:s3], [sflag:$0x2] =	stream.linear.gather [hbm4b:s24+s3], $0x80, $0x38;
	[tilespmem:$0x1A100] =	vst v63  }
0x14: {  	_ =	swait.ge [sflag:s10], $0x80  }
0x15: {  	[sflag:s10] =	ssyncset.done $0x0  }
0x16: {  	[sflag:s10] =	ssyncadd.s32 $0xFFFFFF80  }
0x17: {  	[tilespmem:s11], [sflag:$0x1] =	stream.indirect.gather [hbm4b:s4+s9], $0x20, s3, s9, $0xb8;
	[tilespmem:$0x1A100] =	vst v63  }
0x18: {  	_ =	swait.ge [sflag:s12], $0x1000  }
0x19: {  	[sflag:s12] =	ssyncset.done $0x0  }
0x1a: {  	[sflag:s12] =	ssyncadd.s32 $0xFFFFF000  }
0x1b: {  	[spmem:s1] =	stream.indirect.scatter [tilespmem:s11], [sflag:$0x2], $0x20, s9, s9, $0xb8;
	[tilespmem:$0x1A100] =	vst v63  }
0x1c: {  	_ =	swait.ge [sflag:s10], $0x1000  }
0x1d: {  	[sflag:s10] =	ssyncset.done $0x0  }
0x1e: {  	s17 =	sadd.s32 $0x1900, s24;
	[sflag:s10] =	ssyncadd.s32 $0xFFFFF000  }
0x1f: {  	[tilespmem:s3], [sflag:$0x2] =	stream.linear.gather [hbm4b:s17+s3], $0x80, $0x38;
	[tilespmem:$0x1A100] =	vst v63  }
0x20: {  	_ =	swait.ge [sflag:s10], $0x80  }
0x21: {  	[sflag:s10] =	ssyncset.done $0x0  }
0x22: {  	[sflag:s10] =	ssyncadd.s32 $0xFFFFFF80  }
0x23: {  	[tilespmem:s11], [sflag:$0x1] =	stream.indirect.gather [hbm4b:s4+s9], $0x20, s3, s9, $0xb8;
	[tilespmem:$0x1A100] =	vst v63  }
0x24: {  	_ =	swait.ge [sflag:s12], $0x1000  }
0x25: {  	[sflag:s12] =	ssyncset.done $0x0  }
0x26: {  	[sflag:s12] =	ssyncadd.s32 $0xFFFFF000  }
0x27: {  	[spmem:s1] =	stream.indirect.scatter.add.f32 [tilespmem:s11], [sflag:$0x2], $0x20, s9, s9, $0xb8;
	[tilespmem:$0x1A100] =	vst v63  }
0x28: {  	_ =	swait.ge [sflag:s10], $0x1000  }
0x29: {  	[sflag:s10] =	ssyncset.done $0x0  }
0x2a: {  	s25 =	sadd.s32 $0x3200, s24;
	[sflag:s10] =	ssyncadd.s32 $0xFFFFF000  }
0x2b: {  	[tilespmem:s3], [sflag:$0x2] =	stream.linear.gather [hbm4b:s25+s3], $0x80, $0x38;
	[tilespmem:$0x1A100] =	vst v63  }
0x2c: {  	_ =	swait.ge [sflag:s10], $0x80  }
0x2d: {  	[sflag:s10] =	ssyncset.done $0x0  }
0x2e: {  	[sflag:s10] =	ssyncadd.s32 $0xFFFFFF80  }
0x2f: {  	[tilespmem:s11], [sflag:$0x1] =	stream.indirect.gather [hbm4b:s4+s9], $0x20, s3, s9, $0xb8;
	[tilespmem:$0x1A100] =	vst v63  }
0x30: {  	_ =	swait.ge [sflag:s12], $0x1000  }
0x31: {  	[sflag:s12] =	ssyncset.done $0x0  }
0x32: {  	[sflag:s12] =	ssyncadd.s32 $0xFFFFF000  }
0x33: {  	[spmem:s1] =	stream.indirect.scatter.add.f32 [tilespmem:s11], [sflag:$0x2], $0x20, s9, s9, $0xb8;
	[tilespmem:$0x1A100] =	vst v63  }
0x34: {  	_ =	swait.ge [sflag:s10], $0x1000  }
0x35: {  	[sflag:s10] =	ssyncset.done $0x0  }
0x36: {  	s26 =	sadd.s32 $0x4B00, s24;
	[sflag:s10] =	ssyncadd.s32 $0xFFFFF000  }
0x37: {  	[tilespmem:s3], [sflag:$0x2] =	stream.linear.gather [hbm4b:s26+s3], $0x80, $0x38;
	[tilespmem:$0x1A100] =	vst v63  }
0x38: {  	_ =	swait.ge [sflag:s10], $0x80  }
0x39: {  	[sflag:s10] =	ssyncset.done $0x0  }
0x3a: {  	[sflag:s10] =	ssyncadd.s32 $0xFFFFFF80  }
0x3b: {  	[tilespmem:s11], [sflag:$0x1] =	stream.indirect.gather [hbm4b:s4+s9], $0x20, s3, s9, $0xb8;
	[tilespmem:$0x1A100] =	vst v63  }
0x3c: {  	_ =	swait.ge [sflag:s12], $0x1000  }
0x3d: {  	[sflag:s12] =	ssyncset.done $0x0  }
0x3e: {  	[sflag:s12] =	ssyncadd.s32 $0xFFFFF000  }
0x3f: {  	[spmem:s1] =	stream.indirect.scatter.add.f32 [tilespmem:s11], [sflag:$0x2], $0x20, s9, s9, $0xb8;
	[tilespmem:$0x1A100] =	vst v63  }
0x40: {  	_ =	swait.ge [sflag:s10], $0x1000  }
0x41: {  	[sflag:s10] =	ssyncset.done $0x0  }
0x42: {  	s28 =	sadd.s32 $0x6400, s24;
	[sflag:s10] =	ssyncadd.s32 $0xFFFFF000  }
0x43: {  	[tilespmem:s3], [sflag:$0x2] =	stream.linear.gather [hbm4b:s28+s3], $0x80, $0x38;
	[tilespmem:$0x1A100] =	vst v63  }
0x44: {  	_ =	swait.ge [sflag:s10], $0x80  }
0x45: {  	[sflag:s10] =	ssyncset.done $0x0  }
0x46: {  	[sflag:s10] =	ssyncadd.s32 $0xFFFFFF80  }
0x47: {  	[tilespmem:s11], [sflag:$0x1] =	stream.indirect.gather [hbm4b:s4+s9], $0x20, s3, s9, $0xb8;
	[tilespmem:$0x1A100] =	vst v63  }
0x48: {  	_ =	swait.ge [sflag:s12], $0x1000  }
0x49: {  	[sflag:s12] =	ssyncset.done $0x0  }
0x4a: {  	[sflag:s12] =	ssyncadd.s32 $0xFFFFF000  }
0x4b: {  	[spmem:s1] =	stream.indirect.scatter.add.f32 [tilespmem:s11], [sflag:$0x2], $0x20, s9, s9, $0xb8;
	[tilespmem:$0x1A100] =	vst v63  }
0x4c: {  	_ =	swait.ge [sflag:s10], $0x1000  }
0x4d: {  	[sflag:s10] =	ssyncset.done $0x0  }
0x4e: {  	s29 =	sadd.s32 $0x7D00, s24;
	[sflag:s10] =	ssyncadd.s32 $0xFFFFF000  }
0x4f: {  	[tilespmem:s3], [sflag:$0x2] =	stream.linear.gather [hbm4b:s29+s3], $0x80, $0x38;
	[tilespmem:$0x1A100] =	vst v63  }
0x50: {  	_ =	swait.ge [sflag:s10], $0x80  }
0x51: {  	[sflag:s10] =	ssyncset.done $0x0  }
0x52: {  	[sflag:s10] =	ssyncadd.s32 $0xFFFFFF80  }
0x53: {  	[tilespmem:s11], [sflag:$0x1] =	stream.indirect.gather [hbm4b:s4+s9], $0x20, s3, s9, $0xb8;
	[tilespmem:$0x1A100] =	vst v63  }
0x54: {  	_ =	swait.ge [sflag:s12], $0x1000  }
0x55: {  	[sflag:s12] =	ssyncset.done $0x0  }
0x56: {  	[sflag:s12] =	ssyncadd.s32 $0xFFFFF000  }
0x57: {  	[spmem:s1] =	stream.indirect.scatter.add.f32 [tilespmem:s11], [sflag:$0x2], $0x20, s9, s9, $0xb8;
	[tilespmem:$0x1A100] =	vst v63  }
0x58: {  	_ =	swait.ge [sflag:s10], $0x1000  }
0x59: {  	[sflag:s10] =	ssyncset.done $0x0  }
0x5a: {  	s30 =	sadd.s32 $0x9600, s24;
	[sflag:s10] =	ssyncadd.s32 $0xFFFFF000  }
0x5b: {  	[tilespmem:s3], [sflag:$0x2] =	stream.linear.gather [hbm4b:s30+s3], $0x80, $0x38;
	[tilespmem:$0x1A100] =	vst v63  }
0x5c: {  	_ =	swait.ge [sflag:s10], $0x80  }
0x5d: {  	[sflag:s10] =	ssyncset.done $0x0  }
0x5e: {  	[sflag:s10] =	ssyncadd.s32 $0xFFFFFF80  }
0x5f: {  	[tilespmem:s11], [sflag:$0x1] =	stream.indirect.gather [hbm4b:s4+s9], $0x20, s3, s9, $0xb8;
	[tilespmem:$0x1A100] =	vst v63  }
0x60: {  	_ =	swait.ge [sflag:s12], $0x1000  }
0x61: {  	[sflag:s12] =	ssyncset.done $0x0  }
0x62: {  	[sflag:s12] =	ssyncadd.s32 $0xFFFFF000  }
0x63: {  	[spmem:s1] =	stream.indirect.scatter.add.f32 [tilespmem:s11], [sflag:$0x2], $0x20, s9, s9, $0xb8;
	[tilespmem:$0x1A100] =	vst v63  }
0x64: {  	_ =	swait.ge [sflag:s10], $0x1000  }
0x65: {  	[sflag:s10] =	ssyncset.done $0x0  }
0x66: {  	s31 =	sadd.s32 $0xAF00, s24;
	[sflag:s10] =	ssyncadd.s32 $0xFFFFF000  }
0x67: {  	[tilespmem:s3], [sflag:$0x2] =	stream.linear.gather [hbm4b:s31+s3], $0x80, $0x38;
	[tilespmem:$0x1A100] =	vst v63  }
0x68: {  	_ =	swait.ge [sflag:s10], $0x80  }
0x69: {  	[sflag:s10] =	ssyncset.done $0x0  }
0x6a: {  	[sflag:s10] =	ssyncadd.s32 $0xFFFFFF80  }
0x6b: {  	[tilespmem:s11], [sflag:$0x1] =	stream.indirect.gather [hbm4b:s4+s9], $0x20, s3, s9, $0xb8;
	[tilespmem:$0x1A100] =	vst v63  }
0x6c: {  	_ =	swait.ge [sflag:s12], $0x1000  }
0x6d: {  	[sflag:s12] =	ssyncset.done $0x0  }
0x6e: {  	[sflag:s12] =	ssyncadd.s32 $0xFFFFF000  }
0x6f: {  	[spmem:s1] =	stream.indirect.scatter.add.f32 [tilespmem:s11], [sflag:$0x2], $0x20, s9, s9, $0xb8;
	[tilespmem:$0x1A100] =	vst v63  }
0x70: {  	_ =	swait.ge [sflag:s10], $0x1000  }
0x71: {  	[sflag:s10] =	ssyncset.done $0x0  }
0x72: {  	s16 =	sadd.s32 $0xC800, s24;
	[sflag:s10] =	ssyncadd.s32 $0xFFFFF000  }
0x73: {  	[tilespmem:s3], [sflag:$0x2] =	stream.linear.gather [hbm4b:s16+s3], $0x80, $0x38;
	[tilespmem:$0x1A100] =	vst v63  }
0x74: {  	_ =	swait.ge [sflag:s10], $0x80  }
0x75: {  	[sflag:s10] =	ssyncset.done $0x0  }
0x76: {  	[sflag:s10] =	ssyncadd.s32 $0xFFFFFF80  }
0x77: {  	[tilespmem:s11], [sflag:$0x1] =	stream.indirect.gather [hbm4b:s4+s9], $0x20, s3, s9, $0xb8;
	[tilespmem:$0x1A100] =	vst v63  }
0x78: {  	_ =	swait.ge [sflag:s12], $0x1000  }
0x79: {  	[sflag:s12] =	ssyncset.done $0x0  }
0x7a: {  	[sflag:s12] =	ssyncadd.s32 $0xFFFFF000  }
0x7b: {  	[spmem:s1] =	stream.indirect.scatter.add.f32 [tilespmem:s11], [sflag:$0x2], $0x20, s9, s9, $0xb8;
	[tilespmem:$0x1A100] =	vst v63  }
0x7c: {  	_ =	swait.ge [sflag:s10], $0x1000  }
0x7d: {  	s18 =	simm.s32 $0x20;
	s16 =	simm.s32 $0x10;
	[sflag:s10] =	ssyncset.done $0x0  }
.LBB2_2:
0x7e: {  	s19 =	sadd.s32 s16, s7  }
0x7f: {  	[sflag:s10] =	ssyncadd.s32 $0xFFFFF000;
	s20 =	smov.u32 s18;
	s17 =	sadd.s32 $0x10, s18  }
0x80: {  	[tilespmem:s9], [sflag:$0x2] =	stream.linear.gather [hbm4b:s19+s3], $0x80, $0x38;
	[tilespmem:$0x1A100] =	vst v63  }
0x81: {  	p0 =	sne.s32 s18, $0x180;
	_ =	swait.ge [sflag:s10], $0x80  }
0x82: {  	[sflag:s10] =	ssyncset.done $0x0  }
0x83: {  	s18 =	sadd.s32 s16, s8;
	s16 =	smov.u32 s20;
	[sflag:s10] =	ssyncadd.s32 $0xFFFFFF80  }
0x84: {  	[tilespmem:s3], [sflag:$0x2] =	stream.linear.gather [hbm4b:s18+s3], $0x80, $0x38;
	[tilespmem:$0x1A100] =	vst v63  }
0x85: {  	_ =	swait.ge [sflag:s10], $0x80  }
0x86: {  	[sflag:s10] =	ssyncset.done $0x0  }
0x87: {  	[sflag:s10] =	ssyncadd.s32 $0xFFFFFF80  }
0x88: {  	[tilespmem:s11], [sflag:$0x1] =	stream.indirect.gather [hbm4b:s4+s9], $0x20, s3, s9, $0xb8;
	[tilespmem:$0x1A100] =	vst v63  }
0x89: {  	_ =	swait.ge [sflag:s12], $0x1000  }
0x8a: {  	[sflag:s12] =	ssyncset.done $0x0  }
0x8b: {  	[sflag:s12] =	ssyncadd.s32 $0xFFFFF000  }
0x8c: {  	[spmem:s1] =	stream.indirect.scatter [tilespmem:s11], [sflag:$0x2], $0x20, s9, s9, $0xb8;
	[tilespmem:$0x1A100] =	vst v63  }
0x8d: {  	_ =	swait.ge [sflag:s10], $0x1000  }
0x8e: {  	[sflag:s10] =	ssyncset.done $0x0  }
0x8f: {  	s19 =	sadd.s32 $0x1900, s18;
	[sflag:s10] =	ssyncadd.s32 $0xFFFFF000  }
0x90: {  	[tilespmem:s3], [sflag:$0x2] =	stream.linear.gather [hbm4b:s19+s3], $0x80, $0x38;
	[tilespmem:$0x1A100] =	vst v63  }
0x91: {  	_ =	swait.ge [sflag:s10], $0x80  }
0x92: {  	[sflag:s10] =	ssyncset.done $0x0  }
0x93: {  	[sflag:s10] =	ssyncadd.s32 $0xFFFFFF80  }
0x94: {  	[tilespmem:s11], [sflag:$0x1] =	stream.indirect.gather [hbm4b:s4+s9], $0x20, s3, s9, $0xb8;
	[tilespmem:$0x1A100] =	vst v63  }
0x95: {  	_ =	swait.ge [sflag:s12], $0x1000  }
0x96: {  	[sflag:s12] =	ssyncset.done $0x0  }
0x97: {  	[sflag:s12] =	ssyncadd.s32 $0xFFFFF000  }
0x98: {  	[spmem:s1] =	stream.indirect.scatter.add.f32 [tilespmem:s11], [sflag:$0x2], $0x20, s9, s9, $0xb8;
	[tilespmem:$0x1A100] =	vst v63  }
0x99: {  	_ =	swait.ge [sflag:s10], $0x1000  }
0x9a: {  	[sflag:s10] =	ssyncset.done $0x0  }
0x9b: {  	s19 =	sadd.s32 $0x3200, s18;
	[sflag:s10] =	ssyncadd.s32 $0xFFFFF000  }
0x9c: {  	[tilespmem:s3], [sflag:$0x2] =	stream.linear.gather [hbm4b:s19+s3], $0x80, $0x38;
	[tilespmem:$0x1A100] =	vst v63  }
0x9d: {  	_ =	swait.ge [sflag:s10], $0x80  }
0x9e: {  	[sflag:s10] =	ssyncset.done $0x0  }
0x9f: {  	[sflag:s10] =	ssyncadd.s32 $0xFFFFFF80  }
0xa0: {  	[tilespmem:s11], [sflag:$0x1] =	stream.indirect.gather [hbm4b:s4+s9], $0x20, s3, s9, $0xb8;
	[tilespmem:$0x1A100] =	vst v63  }
0xa1: {  	_ =	swait.ge [sflag:s12], $0x1000  }
0xa2: {  	[sflag:s12] =	ssyncset.done $0x0  }
0xa3: {  	[sflag:s12] =	ssyncadd.s32 $0xFFFFF000  }
0xa4: {  	[spmem:s1] =	stream.indirect.scatter.add.f32 [tilespmem:s11], [sflag:$0x2], $0x20, s9, s9, $0xb8;
	[tilespmem:$0x1A100] =	vst v63  }
0xa5: {  	_ =	swait.ge [sflag:s10], $0x1000  }
0xa6: {  	[sflag:s10] =	ssyncset.done $0x0  }
0xa7: {  	s19 =	sadd.s32 $0x4B00, s18;
	[sflag:s10] =	ssyncadd.s32 $0xFFFFF000  }
0xa8: {  	[tilespmem:s3], [sflag:$0x2] =	stream.linear.gather [hbm4b:s19+s3], $0x80, $0x38;
	[tilespmem:$0x1A100] =	vst v63  }
0xa9: {  	_ =	swait.ge [sflag:s10], $0x80  }
0xaa: {  	[sflag:s10] =	ssyncset.done $0x0  }
0xab: {  	[sflag:s10] =	ssyncadd.s32 $0xFFFFFF80  }
0xac: {  	[tilespmem:s11], [sflag:$0x1] =	stream.indirect.gather [hbm4b:s4+s9], $0x20, s3, s9, $0xb8;
	[tilespmem:$0x1A100] =	vst v63  }
0xad: {  	_ =	swait.ge [sflag:s12], $0x1000  }
0xae: {  	[sflag:s12] =	ssyncset.done $0x0  }
0xaf: {  	[sflag:s12] =	ssyncadd.s32 $0xFFFFF000  }
0xb0: {  	[spmem:s1] =	stream.indirect.scatter.add.f32 [tilespmem:s11], [sflag:$0x2], $0x20, s9, s9, $0xb8;
	[tilespmem:$0x1A100] =	vst v63  }
0xb1: {  	_ =	swait.ge [sflag:s10], $0x1000  }
0xb2: {  	[sflag:s10] =	ssyncset.done $0x0  }
0xb3: {  	s19 =	sadd.s32 $0x6400, s18;
	[sflag:s10] =	ssyncadd.s32 $0xFFFFF000  }
0xb4: {  	[tilespmem:s3], [sflag:$0x2] =	stream.linear.gather [hbm4b:s19+s3], $0x80, $0x38;
	[tilespmem:$0x1A100] =	vst v63  }
0xb5: {  	_ =	swait.ge [sflag:s10], $0x80  }
0xb6: {  	[sflag:s10] =	ssyncset.done $0x0  }
0xb7: {  	[sflag:s10] =	ssyncadd.s32 $0xFFFFFF80  }
0xb8: {  	[tilespmem:s11], [sflag:$0x1] =	stream.indirect.gather [hbm4b:s4+s9], $0x20, s3, s9, $0xb8;
	[tilespmem:$0x1A100] =	vst v63  }
0xb9: {  	_ =	swait.ge [sflag:s12], $0x1000  }
0xba: {  	[sflag:s12] =	ssyncset.done $0x0  }
0xbb: {  	[sflag:s12] =	ssyncadd.s32 $0xFFFFF000  }
0xbc: {  	[spmem:s1] =	stream.indirect.scatter.add.f32 [tilespmem:s11], [sflag:$0x2], $0x20, s9, s9, $0xb8;
	[tilespmem:$0x1A100] =	vst v63  }
0xbd: {  	_ =	swait.ge [sflag:s10], $0x1000  }
0xbe: {  	[sflag:s10] =	ssyncset.done $0x0  }
0xbf: {  	s19 =	sadd.s32 $0x7D00, s18;
	[sflag:s10] =	ssyncadd.s32 $0xFFFFF000  }
0xc0: {  	[tilespmem:s3], [sflag:$0x2] =	stream.linear.gather [hbm4b:s19+s3], $0x80, $0x38;
	[tilespmem:$0x1A100] =	vst v63  }
0xc1: {  	_ =	swait.ge [sflag:s10], $0x80  }
0xc2: {  	[sflag:s10] =	ssyncset.done $0x0  }
0xc3: {  	[sflag:s10] =	ssyncadd.s32 $0xFFFFFF80  }
0xc4: {  	[tilespmem:s11], [sflag:$0x1] =	stream.indirect.gather [hbm4b:s4+s9], $0x20, s3, s9, $0xb8;
	[tilespmem:$0x1A100] =	vst v63  }
0xc5: {  	_ =	swait.ge [sflag:s12], $0x1000  }
0xc6: {  	[sflag:s12] =	ssyncset.done $0x0  }
0xc7: {  	[sflag:s12] =	ssyncadd.s32 $0xFFFFF000  }
0xc8: {  	[spmem:s1] =	stream.indirect.scatter.add.f32 [tilespmem:s11], [sflag:$0x2], $0x20, s9, s9, $0xb8;
	[tilespmem:$0x1A100] =	vst v63  }
0xc9: {  	_ =	swait.ge [sflag:s10], $0x1000  }
0xca: {  	[sflag:s10] =	ssyncset.done $0x0  }
0xcb: {  	s19 =	sadd.s32 $0x9600, s18;
	[sflag:s10] =	ssyncadd.s32 $0xFFFFF000  }
0xcc: {  	[tilespmem:s3], [sflag:$0x2] =	stream.linear.gather [hbm4b:s19+s3], $0x80, $0x38;
	[tilespmem:$0x1A100] =	vst v63  }
0xcd: {  	_ =	swait.ge [sflag:s10], $0x80  }
0xce: {  	[sflag:s10] =	ssyncset.done $0x0  }
0xcf: {  	[sflag:s10] =	ssyncadd.s32 $0xFFFFFF80  }
0xd0: {  	[tilespmem:s11], [sflag:$0x1] =	stream.indirect.gather [hbm4b:s4+s9], $0x20, s3, s9, $0xb8;
	[tilespmem:$0x1A100] =	vst v63  }
0xd1: {  	_ =	swait.ge [sflag:s12], $0x1000  }
0xd2: {  	[sflag:s12] =	ssyncset.done $0x0  }
0xd3: {  	[sflag:s12] =	ssyncadd.s32 $0xFFFFF000  }
0xd4: {  	[spmem:s1] =	stream.indirect.scatter.add.f32 [tilespmem:s11], [sflag:$0x2], $0x20, s9, s9, $0xb8;
	[tilespmem:$0x1A100] =	vst v63  }
0xd5: {  	_ =	swait.ge [sflag:s10], $0x1000  }
0xd6: {  	[sflag:s10] =	ssyncset.done $0x0  }
0xd7: {  	s19 =	sadd.s32 $0xAF00, s18;
	[sflag:s10] =	ssyncadd.s32 $0xFFFFF000  }
0xd8: {  	[tilespmem:s3], [sflag:$0x2] =	stream.linear.gather [hbm4b:s19+s3], $0x80, $0x38;
	[tilespmem:$0x1A100] =	vst v63  }
0xd9: {  	_ =	swait.ge [sflag:s10], $0x80  }
0xda: {  	[sflag:s10] =	ssyncset.done $0x0  }
0xdb: {  	[sflag:s10] =	ssyncadd.s32 $0xFFFFFF80  }
0xdc: {  	[tilespmem:s11], [sflag:$0x1] =	stream.indirect.gather [hbm4b:s4+s9], $0x20, s3, s9, $0xb8;
	[tilespmem:$0x1A100] =	vst v63  }
0xdd: {  	_ =	swait.ge [sflag:s12], $0x1000  }
0xde: {  	[sflag:s12] =	ssyncset.done $0x0  }
0xdf: {  	[sflag:s12] =	ssyncadd.s32 $0xFFFFF000  }
0xe0: {  	[spmem:s1] =	stream.indirect.scatter.add.f32 [tilespmem:s11], [sflag:$0x2], $0x20, s9, s9, $0xb8;
	[tilespmem:$0x1A100] =	vst v63  }
0xe1: {  	_ =	swait.ge [sflag:s10], $0x1000  }
0xe2: {  	[sflag:s10] =	ssyncset.done $0x0  }
0xe3: {  	s18 =	sadd.s32 $0xC800, s18;
	[sflag:s10] =	ssyncadd.s32 $0xFFFFF000  }
0xe4: {  	[tilespmem:s3], [sflag:$0x2] =	stream.linear.gather [hbm4b:s18+s3], $0x80, $0x38;
	[tilespmem:$0x1A100] =	vst v63  }
0xe5: {  	_ =	swait.ge [sflag:s10], $0x80  }
0xe6: {  	[sflag:s10] =	ssyncset.done $0x0  }
0xe7: {  	[sflag:s10] =	ssyncadd.s32 $0xFFFFFF80  }
0xe8: {  	[tilespmem:s11], [sflag:$0x1] =	stream.indirect.gather [hbm4b:s4+s9], $0x20, s3, s9, $0xb8;
	[tilespmem:$0x1A100] =	vst v63  }
0xe9: {  	_ =	swait.ge [sflag:s12], $0x1000  }
.Ltmp0:
0xea: {  	[sflag:s12] =	ssyncset.done $0x0;
	(pc) =	sbr.rel @p0 .LBB2_2-.Ltmp0, $4  }
0xeb: {  	[sflag:s12] =	ssyncadd.s32 $0xFFFFF000  }
0xec: {  	[spmem:s1] =	stream.indirect.scatter.add.f32 [tilespmem:s11], [sflag:$0x2], $0x20, s9, s9, $0xb8;
	[tilespmem:$0x1A100] =	vst v63  }
0xed: {  	_ =	swait.ge [sflag:s10], $0x1000  }
0xee: {  	s18 =	smov.u32 s17;
	[sflag:s10] =	ssyncset.done $0x0  }
0xef: {  	s17 =	sadd.s32 s16, s7;
	[sflag:s10] =	ssyncadd.s32 $0xFFFFF000  }
0xf0: {  	[tilespmem:s9], [sflag:$0x2] =	stream.linear.gather [hbm4b:s17+s3], $0x80, $0x38;
	[tilespmem:$0x1A100] =	vst v63  }
0xf1: {  	_ =	swait.ge [sflag:s10], $0x80  }
0xf2: {  	[sflag:s10] =	ssyncset.done $0x0  }
0xf3: {  	s23 =	sadd.s32 s16, s8;
	[sflag:s10] =	ssyncadd.s32 $0xFFFFFF80  }
0xf4: {  	[tilespmem:s3], [sflag:$0x2] =	stream.linear.gather [hbm4b:s23+s3], $0x80, $0x38;
	[tilespmem:$0x1A100] =	vst v63  }
0xf5: {  	_ =	swait.ge [sflag:s10], $0x80  }
0xf6: {  	[sflag:s10] =	ssyncset.done $0x0  }
0xf7: {  	[sflag:s10] =	ssyncadd.s32 $0xFFFFFF80  }
0xf8: {  	[tilespmem:s11], [sflag:$0x1] =	stream.indirect.gather [hbm4b:s4+s9], $0x20, s3, s9, $0xb8;
	[tilespmem:$0x1A100] =	vst v63  }
0xf9: {  	_ =	swait.ge [sflag:s12], $0x1000  }
0xfa: {  	[sflag:s12] =	ssyncset.done $0x0  }
0xfb: {  	[sflag:s12] =	ssyncadd.s32 $0xFFFFF000  }
0xfc: {  	[spmem:s1] =	stream.indirect.scatter [tilespmem:s11], [sflag:$0x2], $0x20, s9, s9, $0xb8;
	[tilespmem:$0x1A100] =	vst v63  }
0xfd: {  	_ =	swait.ge [sflag:s10], $0x1000  }
0xfe: {  	[sflag:s10] =	ssyncset.done $0x0  }
0xff: {  	s24 =	sadd.s32 $0x1900, s23;
	[sflag:s10] =	ssyncadd.s32 $0xFFFFF000  }
0x100: {  	[tilespmem:s3], [sflag:$0x2] =	stream.linear.gather [hbm4b:s24+s3], $0x80, $0x38;
	[tilespmem:$0x1A100] =	vst v63  }
0x101: {  	_ =	swait.ge [sflag:s10], $0x80  }
0x102: {  	[sflag:s10] =	ssyncset.done $0x0  }
0x103: {  	[sflag:s10] =	ssyncadd.s32 $0xFFFFFF80  }
0x104: {  	[tilespmem:s11], [sflag:$0x1] =	stream.indirect.gather [hbm4b:s4+s9], $0x20, s3, s9, $0xb8;
	[tilespmem:$0x1A100] =	vst v63  }
0x105: {  	_ =	swait.ge [sflag:s12], $0x1000  }
0x106: {  	[sflag:s12] =	ssyncset.done $0x0  }
0x107: {  	[sflag:s12] =	ssyncadd.s32 $0xFFFFF000  }
0x108: {  	[spmem:s1] =	stream.indirect.scatter.add.f32 [tilespmem:s11], [sflag:$0x2], $0x20, s9, s9, $0xb8;
	[tilespmem:$0x1A100] =	vst v63  }
0x109: {  	_ =	swait.ge [sflag:s10], $0x1000  }
0x10a: {  	[sflag:s10] =	ssyncset.done $0x0  }
0x10b: {  	s25 =	sadd.s32 $0x3200, s23;
	[sflag:s10] =	ssyncadd.s32 $0xFFFFF000  }
0x10c: {  	[tilespmem:s3], [sflag:$0x2] =	stream.linear.gather [hbm4b:s25+s3], $0x80, $0x38;
	[tilespmem:$0x1A100] =	vst v63  }
0x10d: {  	_ =	swait.ge [sflag:s10], $0x80  }
0x10e: {  	[sflag:s10] =	ssyncset.done $0x0  }
0x10f: {  	[sflag:s10] =	ssyncadd.s32 $0xFFFFFF80  }
0x110: {  	[tilespmem:s11], [sflag:$0x1] =	stream.indirect.gather [hbm4b:s4+s9], $0x20, s3, s9, $0xb8;
	[tilespmem:$0x1A100] =	vst v63  }
0x111: {  	_ =	swait.ge [sflag:s12], $0x1000  }
0x112: {  	[sflag:s12] =	ssyncset.done $0x0  }
0x113: {  	[sflag:s12] =	ssyncadd.s32 $0xFFFFF000  }
0x114: {  	[spmem:s1] =	stream.indirect.scatter.add.f32 [tilespmem:s11], [sflag:$0x2], $0x20, s9, s9, $0xb8;
	[tilespmem:$0x1A100] =	vst v63  }
0x115: {  	_ =	swait.ge [sflag:s10], $0x1000  }
0x116: {  	[sflag:s10] =	ssyncset.done $0x0  }
0x117: {  	s26 =	sadd.s32 $0x4B00, s23;
	[sflag:s10] =	ssyncadd.s32 $0xFFFFF000  }
0x118: {  	[tilespmem:s3], [sflag:$0x2] =	stream.linear.gather [hbm4b:s26+s3], $0x80, $0x38;
	[tilespmem:$0x1A100] =	vst v63  }
0x119: {  	_ =	swait.ge [sflag:s10], $0x80  }
0x11a: {  	[sflag:s10] =	ssyncset.done $0x0  }
0x11b: {  	[sflag:s10] =	ssyncadd.s32 $0xFFFFFF80  }
0x11c: {  	[tilespmem:s11], [sflag:$0x1] =	stream.indirect.gather [hbm4b:s4+s9], $0x20, s3, s9, $0xb8;
	[tilespmem:$0x1A100] =	vst v63  }
0x11d: {  	_ =	swait.ge [sflag:s12], $0x1000  }
0x11e: {  	[sflag:s12] =	ssyncset.done $0x0  }
0x11f: {  	[sflag:s12] =	ssyncadd.s32 $0xFFFFF000  }
0x120: {  	[spmem:s1] =	stream.indirect.scatter.add.f32 [tilespmem:s11], [sflag:$0x2], $0x20, s9, s9, $0xb8;
	[tilespmem:$0x1A100] =	vst v63  }
0x121: {  	_ =	swait.ge [sflag:s10], $0x1000  }
0x122: {  	[sflag:s10] =	ssyncset.done $0x0  }
0x123: {  	s28 =	sadd.s32 $0x6400, s23;
	[sflag:s10] =	ssyncadd.s32 $0xFFFFF000  }
0x124: {  	[tilespmem:s3], [sflag:$0x2] =	stream.linear.gather [hbm4b:s28+s3], $0x80, $0x38;
	[tilespmem:$0x1A100] =	vst v63  }
0x125: {  	_ =	swait.ge [sflag:s10], $0x80  }
0x126: {  	[sflag:s10] =	ssyncset.done $0x0  }
0x127: {  	[sflag:s10] =	ssyncadd.s32 $0xFFFFFF80  }
0x128: {  	[tilespmem:s11], [sflag:$0x1] =	stream.indirect.gather [hbm4b:s4+s9], $0x20, s3, s9, $0xb8;
	[tilespmem:$0x1A100] =	vst v63  }
0x129: {  	_ =	swait.ge [sflag:s12], $0x1000  }
0x12a: {  	[sflag:s12] =	ssyncset.done $0x0  }
0x12b: {  	[sflag:s12] =	ssyncadd.s32 $0xFFFFF000  }
0x12c: {  	[spmem:s1] =	stream.indirect.scatter.add.f32 [tilespmem:s11], [sflag:$0x2], $0x20, s9, s9, $0xb8;
	[tilespmem:$0x1A100] =	vst v63  }
0x12d: {  	_ =	swait.ge [sflag:s10], $0x1000  }
0x12e: {  	[sflag:s10] =	ssyncset.done $0x0  }
0x12f: {  	s29 =	sadd.s32 $0x7D00, s23;
	[sflag:s10] =	ssyncadd.s32 $0xFFFFF000  }
0x130: {  	[tilespmem:s3], [sflag:$0x2] =	stream.linear.gather [hbm4b:s29+s3], $0x80, $0x38;
	[tilespmem:$0x1A100] =	vst v63  }
0x131: {  	_ =	swait.ge [sflag:s10], $0x80  }
0x132: {  	[sflag:s10] =	ssyncset.done $0x0  }
0x133: {  	[sflag:s10] =	ssyncadd.s32 $0xFFFFFF80  }
0x134: {  	[tilespmem:s11], [sflag:$0x1] =	stream.indirect.gather [hbm4b:s4+s9], $0x20, s3, s9, $0xb8;
	[tilespmem:$0x1A100] =	vst v63  }
0x135: {  	_ =	swait.ge [sflag:s12], $0x1000  }
0x136: {  	[sflag:s12] =	ssyncset.done $0x0  }
0x137: {  	[sflag:s12] =	ssyncadd.s32 $0xFFFFF000  }
0x138: {  	[spmem:s1] =	stream.indirect.scatter.add.f32 [tilespmem:s11], [sflag:$0x2], $0x20, s9, s9, $0xb8;
	[tilespmem:$0x1A100] =	vst v63  }
0x139: {  	_ =	swait.ge [sflag:s10], $0x1000  }
0x13a: {  	[sflag:s10] =	ssyncset.done $0x0  }
0x13b: {  	s30 =	sadd.s32 $0x9600, s23;
	[sflag:s10] =	ssyncadd.s32 $0xFFFFF000  }
0x13c: {  	[tilespmem:s3], [sflag:$0x2] =	stream.linear.gather [hbm4b:s30+s3], $0x80, $0x38;
	[tilespmem:$0x1A100] =	vst v63  }
0x13d: {  	_ =	swait.ge [sflag:s10], $0x80  }
0x13e: {  	[sflag:s10] =	ssyncset.done $0x0  }
0x13f: {  	[sflag:s10] =	ssyncadd.s32 $0xFFFFFF80  }
0x140: {  	[tilespmem:s11], [sflag:$0x1] =	stream.indirect.gather [hbm4b:s4+s9], $0x20, s3, s9, $0xb8;
	[tilespmem:$0x1A100] =	vst v63  }
0x141: {  	_ =	swait.ge [sflag:s12], $0x1000  }
0x142: {  	[sflag:s12] =	ssyncset.done $0x0  }
0x143: {  	[sflag:s12] =	ssyncadd.s32 $0xFFFFF000  }
0x144: {  	[spmem:s1] =	stream.indirect.scatter.add.f32 [tilespmem:s11], [sflag:$0x2], $0x20, s9, s9, $0xb8;
	[tilespmem:$0x1A100] =	vst v63  }
0x145: {  	_ =	swait.ge [sflag:s10], $0x1000  }
0x146: {  	[sflag:s10] =	ssyncset.done $0x0  }
0x147: {  	s31 =	sadd.s32 $0xAF00, s23;
	[sflag:s10] =	ssyncadd.s32 $0xFFFFF000  }
0x148: {  	[tilespmem:s3], [sflag:$0x2] =	stream.linear.gather [hbm4b:s31+s3], $0x80, $0x38;
	[tilespmem:$0x1A100] =	vst v63  }
0x149: {  	_ =	swait.ge [sflag:s10], $0x80  }
0x14a: {  	[sflag:s10] =	ssyncset.done $0x0  }
0x14b: {  	[sflag:s10] =	ssyncadd.s32 $0xFFFFFF80  }
0x14c: {  	[tilespmem:s11], [sflag:$0x1] =	stream.indirect.gather [hbm4b:s4+s9], $0x20, s3, s9, $0xb8;
	[tilespmem:$0x1A100] =	vst v63  }
0x14d: {  	_ =	swait.ge [sflag:s12], $0x1000  }
0x14e: {  	[sflag:s12] =	ssyncset.done $0x0  }
0x14f: {  	[sflag:s12] =	ssyncadd.s32 $0xFFFFF000  }
0x150: {  	[spmem:s1] =	stream.indirect.scatter.add.f32 [tilespmem:s11], [sflag:$0x2], $0x20, s9, s9, $0xb8;
	[tilespmem:$0x1A100] =	vst v63  }
0x151: {  	_ =	swait.ge [sflag:s10], $0x1000  }
0x152: {  	[sflag:s10] =	ssyncset.done $0x0  }
0x153: {  	s16 =	sadd.s32 $0xC800, s23;
	[sflag:s10] =	ssyncadd.s32 $0xFFFFF000  }
0x154: {  	[tilespmem:s3], [sflag:$0x2] =	stream.linear.gather [hbm4b:s16+s3], $0x80, $0x38;
	[tilespmem:$0x1A100] =	vst v63  }
0x155: {  	_ =	swait.ge [sflag:s10], $0x80  }
0x156: {  	[sflag:s10] =	ssyncset.done $0x0  }
0x157: {  	[sflag:s10] =	ssyncadd.s32 $0xFFFFFF80  }
0x158: {  	[tilespmem:s11], [sflag:$0x1] =	stream.indirect.gather [hbm4b:s4+s9], $0x20, s3, s9, $0xb8;
	[tilespmem:$0x1A100] =	vst v63  }
0x159: {  	_ =	swait.ge [sflag:s12], $0x1000  }
0x15a: {  	[sflag:s12] =	ssyncset.done $0x0  }
0x15b: {  	[sflag:s12] =	ssyncadd.s32 $0xFFFFF000  }
0x15c: {  	[spmem:s1] =	stream.indirect.scatter.add.f32 [tilespmem:s11], [sflag:$0x2], $0x20, s9, s9, $0xb8;
	[tilespmem:$0x1A100] =	vst v63  }
0x15d: {  	s15 =	sadd.s32 $0x1, s15;
	_ =	swait.ge [sflag:s10], $0x1000  }
0x15e: {  	p0 =	sne.s32 s15, s6;
	[sflag:s10] =	ssyncset.done $0x0  }
.Ltmp1:
0x15f: {  	[sflag:s10] =	ssyncadd.s32 $0xFFFFF000;
	(pc) =	sbr.rel @p0 .LBB2_1-.Ltmp1, $4  }
0x160: {  	[hbm:s5], [sflag:s13] =	dma.local [spmem:s14], $0x3200  }
0x161: {  	_ =	swait.ge [sflag:s10], $0x3200  }
0x162: {  	[sflag:s10] =	ssyncset.done $0x0  }
0x163: {  	[sflag:s10] =	ssyncadd.s32 $0xFFFFCE00  }
0x164: {  	_ =	sfence.sel $0x180000  }
0x165: {  	[bflag:$0x0] =	sbarrier.arrive $0xFFFF  }
0x166: {  	p0 =	sne.s32 s2, $0x0;
	_ =	strace $0x90000047  }
0x167: {  	s0 =	sadd.s32 @!p0 $0x100000, s0;
	[bflag:$0x2] =	sbarrier.arrive $0xFFFF  }
0x168: {  	[sflag:s0] =	ssyncadd.tile.s32 @!p0 $0x1;
	_ =	shalt  }
.Lfunc_end2:
_tile_overlayer_lowered:
.L_overlay_start_2:
0x169: {  	(tag) =	ssettag $0x2  }
0x16a: {  	s0 =	rddreg [dreg:$0x0];
	s2 =	stileid.u32  }
0x16b: {  	s1 =	rddreg [dreg:$0x1];
	p0 =	sne.s32 s2, $0x0  }
0x16c: {  	s3 =	rddreg [dreg:$0x2];
	[bflag:$0x3] =	sbarrier.arrive $0xFFFF;
	s2 =	simm.s32 @!p0 $0x1C02  }
0x16d: {  	[timem:s3], [sflag:s2] =	dma.local @!p0 [hbm:s0], s1  }
0x16e: {  	s0 =	simm.s32 @!p0 $0x2  }
0x16f: {  	_ =	swait.ge @!p0 [sflag:s0], s1  }
0x170: {  	s1 =	ssub.s32 @!p0 $0x0, s1;
	[sflag:s0] =	ssyncset.done @!p0 $0x0  }
0x171: {  	[sflag:s0] =	ssyncadd.s32 @!p0 s1  }
0x172: {  	[bflag:$0x3] =	sbarrier.arrive $0xFFFF  }
0x173: {  	_ =	shalt  }

// kernel: kernel.20.cloned.1.call-start
scs
__scs_entry_jumppad:
0x0: {  	(pc) =	sbr.rel $0x88, $3  }
0x1: {  	(tag) =	ssettag $0x0;
	lr =	simm.s32 $0x1  }
0x2: {  	[smem:$0x3F8E] =	sst lr;
	_ =	strace $0xD0000000  }
0x3: {  	_ = 	snop  }
0x4: {  	_ = 	snop  }
0x5: {  	_ = 	snop  }
0x6: {  	_ = 	snop  }
0x7: {  	_ = 	snop  }
__scs_overlays_trampoline_lowered:
0x8: {  	[smem:$0x3F9D] =	sst s0  }
0x9: {  	[smem:$0x3F9E] =	sst s1  }
0xa: {  	[smem:$0x3F9F] =	sst s2  }
0xb: {  	[smem:$0x3FA0] =	sst s3  }
0xc: {  	[smem:$0x3FA1] =	sst s4  }
0xd: {  	[smem:$0x3FA2] =	sst s5  }
0xe: {  	[smem:$0x3FA3] =	sst s6  }
0xf: {  	[smem:$0x3FA4] =	sst s7  }
0x10: {  	[smem:$0x3FA5] =	sst s8  }
0x11: {  	[smem:$0x3FA6] =	sst s9;
	s0 =	simm.s32 @!p0 $0x0  }
0x12: {  	s1 =	sld [smem:$0x3F8C];
	s0 =	simm.s32 @p0 $0x1  }
0x13: {  	[smem:$0x3FA7] =	sst s0;
	s0 =	simm.s32 @!p1 $0x0  }
0x14: {  	s2 =	sld [smem:$0x3F8B];
	s0 =	simm.s32 @p1 $0x1  }
0x15: {  	[smem:$0x3FA8] =	sst s0;
	s0 =	simm.s32 @!p2 $0x0  }
0x16: {  	s3 =	sld [smem:$0x3FDB];
	s0 =	simm.s32 @p2 $0x1  }
0x17: {  	s4 =	simm.s32 $0x1BF5;
	[smem:$0x3FAA] =	sst s0  }
0x18: {  	s0 =	sld [smem:$0x3F8D];
	_ =	swait.ge [sflag:s4], $0x0  }
0x19: {  	s7 =	sld [smem:$0x3F8E]  }
0x1a: {  	s8 =	sadd.s32 $0xFFFFE003, lr  }
0x1b: {  	s9 =	sadd.s32 $0xFFFFFEF7, lr;
	s5 =	simm.s32 $0xFFFFFFFF;
	p2 =	slt.u32 s8, $0xFFFFF086  }
0x1c: {  	p1 =	slt.u32 s9, $0xF7A;
	s5 =	simm.s32 @!p2 $0x0  }
0x1d: {  	s5 =	simm.s32 @p1 $0x1;
	p0 =	seq.s32 s7, s2  }
0x1e: {  	s7 =	smul.u32 @!p0 $0xF7A, s2;
	p2 =	seq.s32 @!p0 s5, $0x0  }
0x1f: {  	s9 =	smul.u32 $0xF7A, s1;
	s8 =	simm.s32 @!p0 $0x1BF5;
	p2 =	por !p2, p0  }
0x20: {  	[sflag:s8] =	ssyncset.s32 @!p0 $0xFFFFF086;
	s6 =	sadd.s32 @!p0 s3, s7;
	s7 =	simm.s32 @!p0 $0x108  }
0x21: {  	s3 =	sadd.s32 s3, s9;
	s6 =	sadd.s32 @!p0 $0x88, s6;
	s7 =	simm.s32 @p2 $0x1082  }
0x22: {  	[simem:s7], [sflag:s8] =	dma.local @!p0 [hbm:s6], $0xF7A  }
0x23: {  	s9 =	sor.u32 $0xD0000000, s2;
	s6 =	simm.s32 $0x108;
	_ =	swait.ge @!p0 [sflag:s8], $0x0  }
0x24: {  	s3 =	sadd.s32 $0x88, s3;
	s6 =	simm.s32 @!p1 $0x1082;
	[sflag:s4] =	ssyncset.s32 $0xFFFFF086  }
0x25: {  	[simem:s6], [sflag:s4] =	dma.local [hbm:s3], $0xF7A  }
0x26: {  	[smem:$0x3F8E] =	sst s1;
	(tag) =	ssettag s2;
	_ =	strace s9  }
0x27: {  	s1 =	sld [smem:$0x3F9E]  }
0x28: {  	s2 =	sld [smem:$0x3F9F]  }
0x29: {  	s4 =	sld [smem:$0x3FA1]  }
0x2a: {  	p0 =	seq.s32 s5, $0x0;
	s5 =	sld [smem:$0x3FA2]  }
0x2b: {  	s6 =	sld [smem:$0x3FA3]  }
0x2c: {  	s7 =	sld [smem:$0x3FA4]  }
0x2d: {  	s3 =	simm.s32 $0x108;
	s8 =	sld [smem:$0x3FA5]  }
0x2e: {  	s3 =	simm.s32 @!p0 $0x1082;
	s9 =	sld [smem:$0x3FA6]  }
0x2f: {  	lr =	sadd.s32 s0, s3;
	s0 =	sld [smem:$0x3F9D]  }
0x30: {  	s3 =	sld [smem:$0x3FA0]  }
0x31: {  	[smem:$0x3FA9] =	sst s10  }
0x32: {  	s10 =	sld [smem:$0x3FA7];
	_ =	sdelay $0x3  }
0x33: {  	p0 =	seq.s32 s10, $0x1;
	s10 =	sld [smem:$0x3FA9];
	_ =	sdelay $0x3  }
0x34: {  	[smem:$0x3FA9] =	sst s10  }
0x35: {  	s10 =	sld [smem:$0x3FA8];
	_ =	sdelay $0x3  }
0x36: {  	p1 =	seq.s32 s10, $0x1;
	s10 =	sld [smem:$0x3FA9];
	_ =	sdelay $0x3  }
0x37: {  	[smem:$0x3FA9] =	sst s10  }
0x38: {  	s10 =	sld [smem:$0x3FAA]  }
0x39: {  	_ = 	snop;
	(pc) =	sbr.ind lr, $3  }
0x3a: {  	_ = 	snop  }
0x3b: {  	_ = 	snop  }
0x3c: {  	p2 =	seq.s32 s10, $0x1;
	s10 =	sld [smem:$0x3FA9]  }
0x3d: {  	_ =	shalt  }
0x3e: {  	_ =	shalt  }
0x3f: {  	_ =	shalt  }
0x40: {  	_ =	shalt  }
0x41: {  	_ =	shalt  }
0x42: {  	_ =	shalt  }
0x43: {  	_ =	shalt  }
0x44: {  	_ =	shalt  }
0x45: {  	_ =	shalt  }
0x46: {  	_ =	shalt  }
0x47: {  	_ =	shalt  }
0x48: {  	_ =	shalt  }
0x49: {  	_ =	shalt  }
0x4a: {  	_ =	shalt  }
0x4b: {  	_ =	shalt  }
0x4c: {  	_ =	shalt  }
0x4d: {  	_ =	shalt  }
0x4e: {  	_ =	shalt  }
0x4f: {  	_ =	shalt  }
0x50: {  	_ =	shalt  }
0x51: {  	_ =	shalt  }
0x52: {  	_ =	shalt  }
0x53: {  	_ =	shalt  }
0x54: {  	_ =	shalt  }
0x55: {  	_ =	shalt  }
0x56: {  	_ =	shalt  }
0x57: {  	_ =	shalt  }
0x58: {  	_ =	shalt  }
0x59: {  	_ =	shalt  }
0x5a: {  	_ =	shalt  }
0x5b: {  	_ =	shalt  }
0x5c: {  	_ =	shalt  }
0x5d: {  	_ =	shalt  }
0x5e: {  	_ =	shalt  }
0x5f: {  	_ =	shalt  }
0x60: {  	_ =	shalt  }
0x61: {  	_ =	shalt  }
0x62: {  	_ =	shalt  }
0x63: {  	_ =	shalt  }
0x64: {  	_ =	shalt  }
0x65: {  	_ =	shalt  }
0x66: {  	_ =	shalt  }
0x67: {  	_ =	shalt  }
0x68: {  	_ =	shalt  }
0x69: {  	_ =	shalt  }
0x6a: {  	_ =	shalt  }
0x6b: {  	_ =	shalt  }
0x6c: {  	_ =	shalt  }
0x6d: {  	_ =	shalt  }
0x6e: {  	_ =	shalt  }
0x6f: {  	_ =	shalt  }
0x70: {  	_ =	shalt  }
0x71: {  	_ =	shalt  }
0x72: {  	_ =	shalt  }
0x73: {  	_ =	shalt  }
0x74: {  	_ =	shalt  }
0x75: {  	_ =	shalt  }
0x76: {  	_ =	shalt  }
0x77: {  	_ =	shalt  }
0x78: {  	_ =	shalt  }
0x79: {  	_ =	shalt  }
0x7a: {  	_ =	shalt  }
0x7b: {  	_ =	shalt  }
0x7c: {  	_ =	shalt  }
0x7d: {  	_ =	shalt  }
0x7e: {  	_ =	shalt  }
0x7f: {  	_ =	shalt  }
0x80: {  	_ =	shalt  }
0x81: {  	_ =	shalt  }
0x82: {  	_ =	shalt  }
0x83: {  	_ =	shalt  }
0x84: {  	_ =	shalt  }
0x85: {  	_ =	shalt  }
0x86: {  	_ =	shalt  }
0x87: {  	_ =	shalt  }
.Lfunc_end0:
.L_simem_size_0:
called_computation.1_lowered:
.L_overlay_start_0:
0x88: {  	s2 =	sld [smem:$0x3FD9]  }
0x89: {  	s3 =	sld [smem:$0x3FFE];
	_ =	sdelay $0x1  }
0x8a: {  	s1 =	srdreg.scid  }
0x8b: {  	s0 =	sand.u32 $0x1, s1  }
0x8c: {  	s16 =	sshll.u32 s0, $0xA;
	s2 =	sadd.s32 s3, s2  }
0x8d: {  	s2 =	sadd.s32 s2, s16  }
0x8e: {  	[smem:$0x3FB5] =	sst s2  }
0x8f: {  	_ = 	snop  }
0x90: {  	(tm) =	ssettm $0x1  }
0x91: {  	s17 =	sld [smem:$0x3FFB];
	_ =	sdelay $0x3  }
0x92: {  	_ =	strace s17  }
0x93: {  	s2 =	sld [smem:$0x3FFC];
	_ =	sdelay $0x3  }
0x94: {  	_ =	strace s2  }
0x95: {  	s2 =	sld [smem:$0x3FFD];
	_ =	sdelay $0x3  }
0x96: {  	_ =	strace s2  }
0x97: {  	_ =	strace $0x8FFFFFFF  }
0x98: {  	s18 =	sld [smem:$0x3FDB];
	_ =	sdelay $0x1  }
0x99: {  	s19 =	simm.s32 $_scs_section_size  }
0x9a: {  	s4 =	simm.s32 $_size__tile_overlayer_lowered;
	s5 =	simm.s32 $_tile_overlayer_lowered  }
0x9b: {  	s22 =	simm.s32 $0x1BFF;
	s21 =	sshll.u32 s5, $0x1;
	s2 =	sadd.s32 s19, s18  }
0x9c: {  	s6 =	simm.s32 $0x0;
	s20 =	sshll.u32 s4, $0x1;
	s4 =	sadd.s32 s21, s2  }
0x9d: {  	[timem:s6], [sflag:s22] =	dma.local [hbm:s4], s20  }
0x9e: {  	_ =	swait.ge [sflag:s22], s20  }
0x9f: {  	s3 =	ssub.s32 $0x0, s20;
	[sflag:s22] =	ssyncset.done $0x0  }
0xa0: {  	[sflag:s22] =	ssyncadd.s32 s3;
	_ =	sdelay $0x1  }
0xa1: {  	s23 =	simm.s32 $0x1B8B  }
0xa2: {  	_ =	swait.ge [sflag:s23], $0x1  }
0xa3: {  	[sflag:s23] =	ssyncset.done $0x0  }
0xa4: {  	s25 =	simm.s32 $0x1B8E;
	s24 =	sld [smem:$0x3FFE];
	[sflag:s23] =	ssyncadd.s32 $0xFFFFFFFF  }
0xa5: {  	s26 =	simm.s32 $execute0_lowered;
	[smem:$0x3FD2] =	sst s25  }
0xa6: {  	s4 =	sshll.u32 s26, $0x1;
	_ =	strace $0x80000049;
	[dreg:$0x1] =	wrdreg $0xFFFFFFFF  }
0xa7: {  	s28 =	simm.s32 $_size_execute0_lowered;
	s2 =	sadd.s32 s2, s4;
	[dreg:$0x0] =	wrdreg $0x0  }
0xa8: {  	s4 =	sshll.u32 s28, $0x1;
	[dreg:$0x2] =	wrdreg s2  }
0xa9: {  	[dreg:$0x3] =	wrdreg s4  }
0xaa: {  	[dreg:$0x4] =	wrdreg $0xC0  }
0xab: {  	_ =	task [dreg:s6], $0x5FFFF  }
0xac: {  	[dreg:$0x1] =	wrdreg $0xFFFFFFFF  }
0xad: {  	[dreg:$0x0] =	wrdreg $0x60  }
0xae: {  	[dreg:$0x2] =	wrdreg s24  }
0xaf: {  	[dreg:$0x3] =	wrdreg $0x43000  }
0xb0: {  	[dreg:$0x4] =	wrdreg $0x9  }
0xb1: {  	_ =	task.clear_ibuf [dreg:s6], $0x5FFFF;
	_ =	strace $0x90000049  }
0xb2: {  	s29 =	simm.s32 $0x9;
	_ =	strace $0x8000004B  }
0xb3: {  	_ =	swait.ge [sflag:s29], $0x1  }
0xb4: {  	[sflag:s29] =	ssyncadd.s32 $0xFFFFFFFF  }
0xb5: {  	_ =	strace $0x9000004B  }
0xb6: {  	_ =	sfence  }
0xb7: {  	s30 =	sld [smem:$0x0];
	_ =	sdelay $0x2  }
0xb8: {  	s31 =	sshll.u32 s1, $0xD;
	s1 =	sshrl.u32 s1, $0x2  }
0xb9: {  	s3 =	sand.u32 $0x4000, s31;
	s1 =	sadd.s32 s1, s30  }
0xba: {  	s0 =	sor.u32 s3, s0;
	s1 =	sshll.u32 s1, $0x11  }
0xbb: {  	s0 =	sor.u32 s1, s0  }
0xbc: {  	s0 =	sadd.s32 $0x8F2B, s0  }
0xbd: {  	[sflag:s0] =	ssyncadd.remote.s32 $0x1  }
0xbe: {  	_ =	sfence.sel $0xFFFF  }
0xbf: {  	[dreg:$0x0] =	wrdreg $0xFFFFFFFF;
	(pc) =	sbr.abs _section_cstart, $3  }
0xc0: {  	[dreg:$0x1] =	wrdreg $0xFFFFFFFF  }
0xc1: {  	_ =	task.clear_ibuf [dreg:s6], $0x2FFFF;
	_ =	strace $0x9FFFFFFF  }
0xc2: {  	(tm) =	ssettm $0x7FFFFFFF  }
0xc3: {  	_ =	shalt  }
tec
execute0_lowered:
.L_overlay_start_1:
0x0: {  	(tag) =	ssettag $0x1  }
0x1: {  	s14 =	stileid.u32  }
0x2: {  	s1 =	srdreg.scid;
	s9 =	smul.u32 $0x3200, s14  }
0x3: {  	s1 =	sand.u32 $0x1, s1;
	s11 =	smul.u32 $0x64000, s14  }
0x4: {  	s0 =	rddreg [dreg:$0x0];
	s10 =	smul.u32 $0x32000, s1  }
0x5: {  	s2 =	rddreg [dreg:$0x1]  }
0x6: {  	s3 =	simm.s32 $0x0;
	s11 =	sshrl.u32 s11, $0x2;
	s9 =	sadd.s32 s9, s10  }
0x7: {  	s28 =	simm.s32 $0x300;
	s13 =	sadd.s32 s9, s0;
	s9 =	sadd.s32 s11, s2  }
0x8: {  	s29 =	simm.s32 $0x3;
	[smem:$0x7FF] =	sst s3;
	s11 =	sadd.s32 $0x2000, s9  }
0x9: {  	_ =	strace $0x8000004A;
	s16 =	sadd.s32 $0x4000, s9;
	[dreg:$0x3] =	wrdreg s11  }
0xa: {  	s30 =	simm.s32 $0x200;
	s17 =	sadd.s32 $0x6000, s9;
	[dreg:$0x4] =	wrdreg s16  }
0xb: {  	s31 =	simm.s32 $0x100;
	s18 =	sadd.s32 $0x8000, s9;
	[dreg:$0x5] =	wrdreg s17  }
0xc: {  	s4 =	sadd.s32 $0x26800, s0;
	s19 =	sadd.s32 $0xA000, s9;
	[dreg:$0x6] =	wrdreg s18  }
0xd: {  	s5 =	sadd.s32 $0x8A800, s0;
	s20 =	sadd.s32 $0xC000, s9;
	[dreg:$0x7] =	wrdreg s19  }
0xe: {  	s6 =	sadd.s32 $0xA4000, s0;
	s21 =	sadd.s32 $0xE000, s9;
	[dreg:$0x8] =	wrdreg s20  }
0xf: {  	s7 =	sadd.s32 $0x8B800, s0;
	s22 =	sadd.s32 $0x10000, s9;
	[dreg:$0x9] =	wrdreg s21  }
0x10: {  	s8 =	sadd.s32 $0xD5000, s0;
	s23 =	sadd.s32 $0x12000, s9;
	[dreg:$0xa] =	wrdreg s22  }
0x11: {  	s12 =	ssub.s32 $0x2, s1;
	s24 =	sadd.s32 $0x14000, s9;
	[dreg:$0xb] =	wrdreg s23  }
0x12: {  	s15 =	sshrl.u32 s12, $0x1;
	s25 =	sadd.s32 $0x16000, s9;
	[dreg:$0xc] =	wrdreg s24  }
0x13: {  	s10 =	ssub.s32 s12, s15;
	s26 =	sadd.s32 $0x18000, s9;
	[dreg:$0xd] =	wrdreg s25  }
0x14: {  	s12 =	simm.s32 $0x280;
	s15 =	simm.s32 $0x2;
	[dreg:$0xe] =	wrdreg s26  }
0x15: {  	s22 =	smul.u32 $0x18800, s1;
	s23 =	sadd.s32 $0x8B810, s0;
	s24 =	sadd.s32 $0x106000, s13  }
0x16: {  	s25 =	smax.u32 s10, $0x1;
	s26 =	smul.u32 $0xC4, s14;
	s0 =	simm.s32 $0x180  }
0x17: {  	s1 =	simm.s32 $0x80;
	s10 =	simm.s32 $0x2300;
	s11 =	simm.s32 $0x1300  }
0x18: {  	v0 =	vimm.f32 $0.0e+00;
	s13 =	simm.s32 $0x3300;
	s14 =	simm.s32 $0x1;
	s16 =	simm.s32 $0x0  }
.LBB2_1:
0x19: {  	s17 =	simm.s32 $0x80;
	s18 =	simm.s32 $0x0  }
.LBB2_2:
0x1a: {  	p0 =	sne.s32 s17, $0x7F80;
	[tilespmem:s18+$0x300] =	vst v0;
	s19 =	smov.u32 s17;
	s17 =	sadd.s32 $0x80, s17  }
.Ltmp0:
0x1b: {  	[tilespmem:s18+$0x310] =	vst v0;
	(pc) =	sbr.rel @p0 .LBB2_2-.Ltmp0, $2  }
0x1c: {  	_ =	sdelay $0x2  }
0x1d: {  	s18 =	sshra.s32 s19, $0x2  }
0x1e: {  	[tilespmem:s18+$0x300] =	vst v0  }
0x1f: {  	[tilespmem:s18+$0x310] =	vst v0  }
0x20: {  	[spmem:s9] =	stream.linear.scatter [tilespmem:s28], [sflag:$0x3], $0x2000, $0x38;
	[tilespmem:$0x1D300] =	vst v63  }
0x21: {  	_ =	swait.ge [sflag:s29], $0x2000  }
0x22: {  	[sflag:s29] =	ssyncset.done $0x0  }
0x23: {  	s17 =	rddreg [dreg:$0x3];
	[sflag:s29] =	ssyncadd.s32 $0xFFFFE000  }
0x24: {  	[spmem:s17] =	stream.linear.scatter [tilespmem:s28], [sflag:$0x3], $0x2000, $0x38;
	[tilespmem:$0x1D300] =	vst v63  }
0x25: {  	_ =	swait.ge [sflag:s29], $0x2000  }
0x26: {  	[sflag:s29] =	ssyncset.done $0x0  }
0x27: {  	s19 =	rddreg [dreg:$0x4];
	[sflag:s29] =	ssyncadd.s32 $0xFFFFE000  }
0x28: {  	[spmem:s19] =	stream.linear.scatter [tilespmem:s28], [sflag:$0x3], $0x2000, $0x38;
	[tilespmem:$0x1D300] =	vst v63  }
0x29: {  	_ =	swait.ge [sflag:s29], $0x2000  }
0x2a: {  	[sflag:s29] =	ssyncset.done $0x0  }
0x2b: {  	s20 =	rddreg [dreg:$0x5];
	[sflag:s29] =	ssyncadd.s32 $0xFFFFE000  }
0x2c: {  	[spmem:s20] =	stream.linear.scatter [tilespmem:s28], [sflag:$0x3], $0x2000, $0x38;
	[tilespmem:$0x1D300] =	vst v63  }
0x2d: {  	_ =	swait.ge [sflag:s29], $0x2000  }
0x2e: {  	[sflag:s29] =	ssyncset.done $0x0  }
0x2f: {  	s21 =	rddreg [dreg:$0x6];
	[sflag:s29] =	ssyncadd.s32 $0xFFFFE000  }
0x30: {  	[spmem:s21] =	stream.linear.scatter [tilespmem:s28], [sflag:$0x3], $0x2000, $0x38;
	[tilespmem:$0x1D300] =	vst v63  }
0x31: {  	_ =	swait.ge [sflag:s29], $0x2000  }
0x32: {  	[sflag:s29] =	ssyncset.done $0x0  }
0x33: {  	s18 =	rddreg [dreg:$0x7];
	[sflag:s29] =	ssyncadd.s32 $0xFFFFE000  }
0x34: {  	[spmem:s18] =	stream.linear.scatter [tilespmem:s28], [sflag:$0x3], $0x2000, $0x38;
	[tilespmem:$0x1D300] =	vst v63  }
0x35: {  	_ =	swait.ge [sflag:s29], $0x2000  }
0x36: {  	[sflag:s29] =	ssyncset.done $0x0  }
0x37: {  	s19 =	rddreg [dreg:$0x8];
	[sflag:s29] =	ssyncadd.s32 $0xFFFFE000  }
0x38: {  	[spmem:s19] =	stream.linear.scatter [tilespmem:s28], [sflag:$0x3], $0x2000, $0x38;
	[tilespmem:$0x1D300] =	vst v63  }
0x39: {  	_ =	swait.ge [sflag:s29], $0x2000  }
0x3a: {  	[sflag:s29] =	ssyncset.done $0x0  }
0x3b: {  	s20 =	rddreg [dreg:$0x9];
	[sflag:s29] =	ssyncadd.s32 $0xFFFFE000  }
0x3c: {  	[spmem:s20] =	stream.linear.scatter [tilespmem:s28], [sflag:$0x3], $0x2000, $0x38;
	[tilespmem:$0x1D300] =	vst v63  }
0x3d: {  	_ =	swait.ge [sflag:s29], $0x2000  }
0x3e: {  	[sflag:s29] =	ssyncset.done $0x0  }
0x3f: {  	s21 =	rddreg [dreg:$0xa];
	[sflag:s29] =	ssyncadd.s32 $0xFFFFE000  }
0x40: {  	[spmem:s21] =	stream.linear.scatter [tilespmem:s28], [sflag:$0x3], $0x2000, $0x38;
	[tilespmem:$0x1D300] =	vst v63  }
0x41: {  	_ =	swait.ge [sflag:s29], $0x2000  }
0x42: {  	[sflag:s29] =	ssyncset.done $0x0  }
0x43: {  	s18 =	rddreg [dreg:$0xb];
	[sflag:s29] =	ssyncadd.s32 $0xFFFFE000  }
0x44: {  	[spmem:s18] =	stream.linear.scatter [tilespmem:s28], [sflag:$0x3], $0x2000, $0x38;
	[tilespmem:$0x1D300] =	vst v63  }
0x45: {  	_ =	swait.ge [sflag:s29], $0x2000  }
0x46: {  	[sflag:s29] =	ssyncset.done $0x0  }
0x47: {  	s19 =	rddreg [dreg:$0xc];
	[sflag:s29] =	ssyncadd.s32 $0xFFFFE000  }
0x48: {  	[spmem:s19] =	stream.linear.scatter [tilespmem:s28], [sflag:$0x3], $0x2000, $0x38;
	[tilespmem:$0x1D300] =	vst v63  }
0x49: {  	_ =	swait.ge [sflag:s29], $0x2000  }
0x4a: {  	[sflag:s29] =	ssyncset.done $0x0  }
0x4b: {  	s20 =	rddreg [dreg:$0xd];
	[sflag:s29] =	ssyncadd.s32 $0xFFFFE000  }
0x4c: {  	[spmem:s20] =	stream.linear.scatter [tilespmem:s28], [sflag:$0x3], $0x2000, $0x38;
	[tilespmem:$0x1D300] =	vst v63  }
0x4d: {  	_ =	swait.ge [sflag:s29], $0x2000  }
0x4e: {  	[sflag:s29] =	ssyncset.done $0x0  }
0x4f: {  	s21 =	rddreg [dreg:$0xe];
	[sflag:s29] =	ssyncadd.s32 $0xFFFFE000  }
0x50: {  	[spmem:s21] =	stream.linear.scatter [tilespmem:s28], [sflag:$0x3], $0x1000, $0x38;
	[tilespmem:$0x1D300] =	vst v63  }
0x51: {  	_ =	swait.ge [sflag:s29], $0x1000  }
0x52: {  	[sflag:s29] =	ssyncset.done $0x0  }
0x53: {  	[sflag:s29] =	ssyncadd.s32 $0xFFFFF000  }
0x54: {  	s17 =	simm.s32 $0x0;
	[bflag:$0x0] =	sbarrier.arrive $0xFFFF  }
.LBB2_4:
0x55: {  	s18 =	sadd.s32 s26, s17  }
0x56: {  	s18 =	sshll.u32 s18, $0x5  }
0x57: {  	s19 =	sadd.s32 s22, s18  }
0x58: {  	s20 =	sadd.s32 s6, s19  }
0x59: {  	[tilespmem:s3], [sflag:$0x3] =	stream.linear.gather [hbm4b:s20+s3], $0x100, $0x38;
	[tilespmem:$0x1D300] =	vst v63  }
0x5a: {  	_ =	swait.ge [sflag:s29], $0x100  }
0x5b: {  	[sflag:s29] =	ssyncset.done $0x0  }
0x5c: {  	s19 =	sadd.s32 s8, s19;
	[sflag:s29] =	ssyncadd.s32 $0xFFFFFF00  }
0x5d: {  	[tilespmem:s30], [sflag:$0x3] =	stream.linear.gather [hbm4b:s19+s3], $0x100, $0x38;
	[tilespmem:$0x1D300] =	vst v63  }
0x5e: {  	_ =	swait.ge [sflag:s29], $0x100  }
0x5f: {  	[sflag:s29] =	ssyncset.done $0x0  }
0x60: {  	s21 =	sadd.s32 s7, s18;
	[sflag:s29] =	ssyncadd.s32 $0xFFFFFF00  }
0x61: {  	[tilespmem:s31], [sflag:$0x3] =	stream.linear.gather [hbm4b:s21+s3], $0x80, $0x38;
	[tilespmem:$0x1D300] =	vst v63  }
0x62: {  	_ =	swait.ge [sflag:s29], $0x80  }
0x63: {  	[sflag:s29] =	ssyncset.done $0x0  }
0x64: {  	s18 =	sadd.s32 s18, s23;
	[sflag:s29] =	ssyncadd.s32 $0xFFFFFF80  }
0x65: {  	[tilespmem:s0], [sflag:$0x3] =	stream.linear.gather [hbm4b:s18+s3], $0x80, $0x38;
	[tilespmem:$0x1D300] =	vst v63  }
0x66: {  	_ =	swait.ge [sflag:s29], $0x80  }
0x67: {  	[sflag:s29] =	ssyncset.done $0x0  }
0x68: {  	[sflag:s29] =	ssyncadd.s32 $0xFFFFFF80  }
0x69: {  	[tilespmem:s28], [sflag:$0x1] =	stream.indirect.gather [hbm4b:s4+s1], $0x20, s3, s1, $0xb8;
	[tilespmem:$0x1D300] =	vst v63  }
0x6a: {  	_ = 	snop  }
0x6b: {  	[tilespmem:s10], [sflag:$0x2] =	stream.indirect.gather [hbm4b:s5+s1], $0x20, s30, s1, $0xb8;
	[tilespmem:$0x1D300] =	vst v63  }
0x6c: {  	_ = 	snop  }
0x6d: {  	[tilespmem:s11], [sflag:$0x1] =	stream.indirect.gather [hbm4b:s4+s1], $0x20, s1, s1, $0xb8;
	[tilespmem:$0x1D300] =	vst v63  }
0x6e: {  	_ = 	snop  }
0x6f: {  	[tilespmem:s13], [sflag:$0x2] =	stream.indirect.gather [hbm4b:s5+s1], $0x20, s12, s1, $0xb8;
	[tilespmem:$0x1D300] =	vst v63  }
0x70: {  	_ =	swait.ge [sflag:s14], $0x1000  }
0x71: {  	[sflag:s14] =	ssyncset.done $0x0  }
0x72: {  	[sflag:s14] =	ssyncadd.s32 $0xFFFFF000  }
0x73: {  	_ =	swait.ge [sflag:s15], $0x1000  }
0x74: {  	[sflag:s15] =	ssyncset.done $0x0  }
0x75: {  	[sflag:s15] =	ssyncadd.s32 $0xFFFFF000  }
0x76: {  	_ =	swait.ge [sflag:s14], $0x1000  }
0x77: {  	[sflag:s14] =	ssyncset.done $0x0  }
0x78: {  	[sflag:s14] =	ssyncadd.s32 $0xFFFFF000  }
0x79: {  	_ =	swait.ge [sflag:s15], $0x1000  }
0x7a: {  	[sflag:s15] =	ssyncset.done $0x0  }
0x7b: {  	s18 =	simm.s32 $0x340;
	[sflag:s15] =	ssyncadd.s32 $0xFFFFF000  }
0x7c: {  	s19 =	simm.s32 $0x2340;
	v1 =	vld [tilespmem:s18+$0xFFFFFFC0]  }
0x7d: {  	v2 =	vld [tilespmem:s19+$0xFFFFFFC0];
	_ =	sdelay $0x4  }
0x7e: {  	v1 =	vadd.f32 v2, v1;
	_ =	sdelay $0x1  }
0x7f: {  	v1 =	vmax.f32 v1, $0.0e+00  }
0x80: {  	[tilespmem:s18+$0xFFFFFFC0] =	vst v1;
	v1 =	vld [tilespmem:s18+$0xFFFFFFD0]  }
0x81: {  	v2 =	vld [tilespmem:s19+$0xFFFFFFD0];
	_ =	sdelay $0x4  }
0x82: {  	v1 =	vadd.f32 v2, v1;
	_ =	sdelay $0x1  }
0x83: {  	v1 =	vmax.f32 v1, $0.0e+00  }
0x84: {  	[tilespmem:s18+$0xFFFFFFD0] =	vst v1;
	v1 =	vld [tilespmem:s18+$0xFFFFFFE0]  }
0x85: {  	v2 =	vld [tilespmem:s19+$0xFFFFFFE0];
	_ =	sdelay $0x4  }
0x86: {  	v1 =	vadd.f32 v2, v1;
	_ =	sdelay $0x1  }
0x87: {  	v1 =	vmax.f32 v1, $0.0e+00  }
0x88: {  	[tilespmem:s18+$0xFFFFFFE0] =	vst v1;
	v1 =	vld [tilespmem:s18+$0xFFFFFFF0]  }
0x89: {  	v2 =	vld [tilespmem:s19+$0xFFFFFFF0];
	_ =	sdelay $0x4  }
0x8a: {  	v1 =	vadd.f32 v2, v1;
	_ =	sdelay $0x1  }
0x8b: {  	v1 =	vmax.f32 v1, $0.0e+00  }
0x8c: {  	[tilespmem:s18+$0xFFFFFFF0] =	vst v1;
	v1 =	vld [tilespmem:s18+$0x0]  }
0x8d: {  	v2 =	vld [tilespmem:s19+$0x0];
	_ =	sdelay $0x4  }
0x8e: {  	v1 =	vadd.f32 v2, v1;
	_ =	sdelay $0x1  }
0x8f: {  	v1 =	vmax.f32 v1, $0.0e+00  }
0x90: {  	[tilespmem:s18+$0x0] =	vst v1;
	v1 =	vld [tilespmem:s18+$0x10]  }
0x91: {  	v2 =	vld [tilespmem:s19+$0x10];
	_ =	sdelay $0x4  }
0x92: {  	v1 =	vadd.f32 v2, v1;
	_ =	sdelay $0x1  }
0x93: {  	v1 =	vmax.f32 v1, $0.0e+00  }
0x94: {  	[tilespmem:s18+$0x10] =	vst v1;
	v1 =	vld [tilespmem:s18+$0x20]  }
0x95: {  	v2 =	vld [tilespmem:s19+$0x20];
	_ =	sdelay $0x4  }
0x96: {  	v1 =	vadd.f32 v2, v1;
	_ =	sdelay $0x1  }
0x97: {  	v1 =	vmax.f32 v1, $0.0e+00  }
0x98: {  	[tilespmem:s18+$0x20] =	vst v1;
	v1 =	vld [tilespmem:s18+$0x30]  }
0x99: {  	v2 =	vld [tilespmem:s19+$0x30];
	_ =	sdelay $0x4  }
0x9a: {  	v1 =	vadd.f32 v2, v1;
	_ =	sdelay $0x1  }
0x9b: {  	s20 =	simm.s32 $0x0;
	s21 =	simm.s32 $0x3C0;
	v1 =	vmax.f32 v1, $0.0e+00  }
.LBB2_5:
0x9c: {  	v2 =	vld [tilespmem:s21+$0xFFFFFFC0];
	[tilespmem:s18+$0x30] =	vst v1;
	s19 =	sadd.s32 $0x80, s19;
	s18 =	smov.u32 s21  }
0x9d: {  	s20 =	sadd.s32 $0x4, s20;
	v1 =	vld [tilespmem:s19+$0xFFFFFFC0]  }
0x9e: {  	p0 =	slt.u32 s20, $0xFC;
	_ =	sdelay $0x3  }
0x9f: {  	v1 =	vadd.f32 v1, v2;
	_ =	sdelay $0x1  }
0xa0: {  	v1 =	vmax.f32 v1, $0.0e+00  }
0xa1: {  	[tilespmem:s21+$0xFFFFFFC0] =	vst v1;
	v1 =	vld [tilespmem:s21+$0xFFFFFFD0]  }
0xa2: {  	v2 =	vld [tilespmem:s19+$0xFFFFFFD0];
	_ =	sdelay $0x4  }
0xa3: {  	v1 =	vadd.f32 v2, v1;
	_ =	sdelay $0x1  }
0xa4: {  	v1 =	vmax.f32 v1, $0.0e+00  }
0xa5: {  	[tilespmem:s21+$0xFFFFFFD0] =	vst v1;
	v1 =	vld [tilespmem:s21+$0xFFFFFFE0]  }
0xa6: {  	v2 =	vld [tilespmem:s19+$0xFFFFFFE0];
	_ =	sdelay $0x4  }
0xa7: {  	v1 =	vadd.f32 v2, v1;
	_ =	sdelay $0x1  }
0xa8: {  	v1 =	vmax.f32 v1, $0.0e+00  }
0xa9: {  	[tilespmem:s21+$0xFFFFFFE0] =	vst v1;
	v1 =	vld [tilespmem:s21+$0xFFFFFFF0]  }
0xaa: {  	v2 =	vld [tilespmem:s19+$0xFFFFFFF0];
	_ =	sdelay $0x4  }
0xab: {  	v1 =	vadd.f32 v2, v1;
	_ =	sdelay $0x1  }
0xac: {  	v1 =	vmax.f32 v1, $0.0e+00  }
0xad: {  	[tilespmem:s21+$0xFFFFFFF0] =	vst v1;
	v1 =	vld [tilespmem:s21+$0x0]  }
0xae: {  	v2 =	vld [tilespmem:s19+$0x0];
	_ =	sdelay $0x4  }
0xaf: {  	v1 =	vadd.f32 v2, v1;
	_ =	sdelay $0x1  }
0xb0: {  	v1 =	vmax.f32 v1, $0.0e+00  }
0xb1: {  	[tilespmem:s21+$0x0] =	vst v1;
	v1 =	vld [tilespmem:s21+$0x10]  }
0xb2: {  	v2 =	vld [tilespmem:s19+$0x10];
	_ =	sdelay $0x4  }
0xb3: {  	v1 =	vadd.f32 v2, v1;
	_ =	sdelay $0x1  }
0xb4: {  	v1 =	vmax.f32 v1, $0.0e+00  }
0xb5: {  	[tilespmem:s21+$0x10] =	vst v1;
	v1 =	vld [tilespmem:s21+$0x20]  }
0xb6: {  	v2 =	vld [tilespmem:s19+$0x20];
	_ =	sdelay $0x4  }
0xb7: {  	v1 =	vadd.f32 v2, v1;
	_ =	sdelay $0x1  }
0xb8: {  	v1 =	vmax.f32 v1, $0.0e+00  }
0xb9: {  	[tilespmem:s21+$0x20] =	vst v1;
	v1 =	vld [tilespmem:s21+$0x30]  }
0xba: {  	v2 =	vld [tilespmem:s19+$0x30];
	_ =	sdelay $0x2  }
.Ltmp1:
0xbb: {  	(pc) =	sbr.rel @p0 .LBB2_5-.Ltmp1, $3  }
0xbc: {  	_ = 	snop  }
0xbd: {  	v1 =	vadd.f32 v2, v1;
	_ =	sdelay $0x1  }
0xbe: {  	s21 =	sadd.s32 $0x80, s21;
	v1 =	vmax.f32 v1, $0.0e+00  }
0xbf: {  	[tilespmem:s18+$0x30] =	vst v1  }
0xc0: {  	[spmem:s2] =	stream.indirect.scatter.add.f32 [tilespmem:s28], [sflag:$0x3], $0x20, s31, s1, $0xb8;
	[tilespmem:$0x1D300] =	vst v63  }
0xc1: {  	s17 =	sadd.s32 $0x1, s17;
	_ =	swait.ge [sflag:s29], $0x1000  }
0xc2: {  	p0 =	sne.s32 s17, $0xC4;
	[sflag:s29] =	ssyncset.done $0x0  }
.Ltmp2:
0xc3: {  	[sflag:s29] =	ssyncadd.s32 $0xFFFFF000;
	(pc) =	sbr.rel @p0 .LBB2_4-.Ltmp2, $4  }
0xc4: {  	[spmem:s2] =	stream.indirect.scatter.add.f32 [tilespmem:s11], [sflag:$0x3], $0x20, s0, s1, $0xb8;
	[tilespmem:$0x1D300] =	vst v63  }
0xc5: {  	_ =	swait.ge [sflag:s29], $0x1000  }
0xc6: {  	[sflag:s29] =	ssyncset.done $0x0  }
0xc7: {  	[sflag:s29] =	ssyncadd.s32 $0xFFFFF000  }
0xc8: {  	s17 =	stileid.u32;
	s16 =	sadd.s32 $0x1, s16  }
0xc9: {  	[bflag:$0x0] =	sbarrier.arrive $0xFFFF;
	s17 =	sshll.u32 s17, $0x6;
	p0 =	sne.s32 s16, s25  }
.Ltmp3:
0xca: {  	s18 =	sshrl.u32 s9, $0x3;
	s17 =	sor.u32 $0x1C03, s17;
	(pc) =	sbr.rel @p0 .LBB2_1-.Ltmp3, $4  }
0xcb: {  	[hbm:s24], [sflag:s17] =	dma.local [spmem:s18], $0x3200  }
0xcc: {  	_ =	swait.ge [sflag:s29], $0x3200  }
0xcd: {  	[sflag:s29] =	ssyncset.done $0x0  }
0xce: {  	[sflag:s29] =	ssyncadd.s32 $0xFFFFCE00  }
0xcf: {  	_ =	sfence.sel $0x180000  }
0xd0: {  	[bflag:$0x0] =	sbarrier.arrive $0xFFFF  }
0xd1: {  	_ =	strace $0x9000004A  }
0xd2: {  	s0 =	stileid.u32;
	[bflag:$0x2] =	sbarrier.arrive $0xFFFF  }
0xd3: {  	p0 =	sne.s32 s0, $0x0;
	s0 =	rddreg [dreg:$0x2]  }
0xd4: {  	s0 =	sadd.s32 @!p0 $0x100000, s0  }
0xd5: {  	[sflag:s0] =	ssyncadd.tile.s32 @!p0 $0x1;
	_ =	shalt  }
.Lfunc_end2:
_tile_overlayer_lowered:
.L_overlay_start_2:
0xd6: {  	(tag) =	ssettag $0x2  }
0xd7: {  	s0 =	rddreg [dreg:$0x0];
	s2 =	stileid.u32  }
0xd8: {  	s1 =	rddreg [dreg:$0x1];
	p0 =	sne.s32 s2, $0x0  }
0xd9: {  	s3 =	rddreg [dreg:$0x2];
	[bflag:$0x3] =	sbarrier.arrive $0xFFFF;
	s2 =	simm.s32 @!p0 $0x1C03  }
0xda: {  	[timem:s3], [sflag:s2] =	dma.local @!p0 [hbm:s0], s1  }
0xdb: {  	s0 =	simm.s32 @!p0 $0x3  }
0xdc: {  	_ =	swait.ge @!p0 [sflag:s0], s1  }
0xdd: {  	s1 =	ssub.s32 @!p0 $0x0, s1;
	[sflag:s0] =	ssyncset.done @!p0 $0x0  }
0xde: {  	[sflag:s0] =	ssyncadd.s32 @!p0 s1  }
0xdf: {  	[bflag:$0x3] =	sbarrier.arrive $0xFFFF  }
0xe0: {  	_ =	shalt  }

// kernel: kernel.23.cloned.1.call-start
scs
__scs_entry_jumppad:
0x0: {  	(pc) =	sbr.rel $0x88, $3  }
0x1: {  	(tag) =	ssettag $0x0;
	lr =	simm.s32 $0x1  }
0x2: {  	[smem:$0x3F8E] =	sst lr;
	_ =	strace $0xD0000000  }
0x3: {  	_ = 	snop  }
0x4: {  	_ = 	snop  }
0x5: {  	_ = 	snop  }
0x6: {  	_ = 	snop  }
0x7: {  	_ = 	snop  }
__scs_overlays_trampoline_lowered:
0x8: {  	[smem:$0x3F9D] =	sst s0  }
0x9: {  	[smem:$0x3F9E] =	sst s1  }
0xa: {  	[smem:$0x3F9F] =	sst s2  }
0xb: {  	[smem:$0x3FA0] =	sst s3  }
0xc: {  	[smem:$0x3FA1] =	sst s4  }
0xd: {  	[smem:$0x3FA2] =	sst s5  }
0xe: {  	[smem:$0x3FA3] =	sst s6  }
0xf: {  	[smem:$0x3FA4] =	sst s7  }
0x10: {  	[smem:$0x3FA5] =	sst s8  }
0x11: {  	[smem:$0x3FA6] =	sst s9;
	s0 =	simm.s32 @!p0 $0x0  }
0x12: {  	s1 =	sld [smem:$0x3F8C];
	s0 =	simm.s32 @p0 $0x1  }
0x13: {  	[smem:$0x3FA7] =	sst s0;
	s0 =	simm.s32 @!p1 $0x0  }
0x14: {  	s2 =	sld [smem:$0x3F8B];
	s0 =	simm.s32 @p1 $0x1  }
0x15: {  	[smem:$0x3FA8] =	sst s0;
	s0 =	simm.s32 @!p2 $0x0  }
0x16: {  	s3 =	sld [smem:$0x3FDB];
	s0 =	simm.s32 @p2 $0x1  }
0x17: {  	s4 =	simm.s32 $0x1BF5;
	[smem:$0x3FAA] =	sst s0  }
0x18: {  	s0 =	sld [smem:$0x3F8D];
	_ =	swait.ge [sflag:s4], $0x0  }
0x19: {  	s7 =	sld [smem:$0x3F8E]  }
0x1a: {  	s8 =	sadd.s32 $0xFFFFE003, lr  }
0x1b: {  	s9 =	sadd.s32 $0xFFFFFEF7, lr;
	s5 =	simm.s32 $0xFFFFFFFF;
	p2 =	slt.u32 s8, $0xFFFFF086  }
0x1c: {  	p1 =	slt.u32 s9, $0xF7A;
	s5 =	simm.s32 @!p2 $0x0  }
0x1d: {  	s5 =	simm.s32 @p1 $0x1;
	p0 =	seq.s32 s7, s2  }
0x1e: {  	s7 =	smul.u32 @!p0 $0xF7A, s2;
	p2 =	seq.s32 @!p0 s5, $0x0  }
0x1f: {  	s9 =	smul.u32 $0xF7A, s1;
	s8 =	simm.s32 @!p0 $0x1BF5;
	p2 =	por !p2, p0  }
0x20: {  	[sflag:s8] =	ssyncset.s32 @!p0 $0xFFFFF086;
	s6 =	sadd.s32 @!p0 s3, s7;
	s7 =	simm.s32 @!p0 $0x108  }
0x21: {  	s3 =	sadd.s32 s3, s9;
	s6 =	sadd.s32 @!p0 $0x88, s6;
	s7 =	simm.s32 @p2 $0x1082  }
0x22: {  	[simem:s7], [sflag:s8] =	dma.local @!p0 [hbm:s6], $0xF7A  }
0x23: {  	s9 =	sor.u32 $0xD0000000, s2;
	s6 =	simm.s32 $0x108;
	_ =	swait.ge @!p0 [sflag:s8], $0x0  }
0x24: {  	s3 =	sadd.s32 $0x88, s3;
	s6 =	simm.s32 @!p1 $0x1082;
	[sflag:s4] =	ssyncset.s32 $0xFFFFF086  }
0x25: {  	[simem:s6], [sflag:s4] =	dma.local [hbm:s3], $0xF7A  }
0x26: {  	[smem:$0x3F8E] =	sst s1;
	(tag) =	ssettag s2;
	_ =	strace s9  }
0x27: {  	s1 =	sld [smem:$0x3F9E]  }
0x28: {  	s2 =	sld [smem:$0x3F9F]  }
0x29: {  	s4 =	sld [smem:$0x3FA1]  }
0x2a: {  	p0 =	seq.s32 s5, $0x0;
	s5 =	sld [smem:$0x3FA2]  }
0x2b: {  	s6 =	sld [smem:$0x3FA3]  }
0x2c: {  	s7 =	sld [smem:$0x3FA4]  }
0x2d: {  	s3 =	simm.s32 $0x108;
	s8 =	sld [smem:$0x3FA5]  }
0x2e: {  	s3 =	simm.s32 @!p0 $0x1082;
	s9 =	sld [smem:$0x3FA6]  }
0x2f: {  	lr =	sadd.s32 s0, s3;
	s0 =	sld [smem:$0x3F9D]  }
0x30: {  	s3 =	sld [smem:$0x3FA0]  }
0x31: {  	[smem:$0x3FA9] =	sst s10  }
0x32: {  	s10 =	sld [smem:$0x3FA7];
	_ =	sdelay $0x3  }
0x33: {  	p0 =	seq.s32 s10, $0x1;
	s10 =	sld [smem:$0x3FA9];
	_ =	sdelay $0x3  }
0x34: {  	[smem:$0x3FA9] =	sst s10  }
0x35: {  	s10 =	sld [smem:$0x3FA8];
	_ =	sdelay $0x3  }
0x36: {  	p1 =	seq.s32 s10, $0x1;
	s10 =	sld [smem:$0x3FA9];
	_ =	sdelay $0x3  }
0x37: {  	[smem:$0x3FA9] =	sst s10  }
0x38: {  	s10 =	sld [smem:$0x3FAA]  }
0x39: {  	_ = 	snop;
	(pc) =	sbr.ind lr, $3  }
0x3a: {  	_ = 	snop  }
0x3b: {  	_ = 	snop  }
0x3c: {  	p2 =	seq.s32 s10, $0x1;
	s10 =	sld [smem:$0x3FA9]  }
0x3d: {  	_ =	shalt  }
0x3e: {  	_ =	shalt  }
0x3f: {  	_ =	shalt  }
0x40: {  	_ =	shalt  }
0x41: {  	_ =	shalt  }
0x42: {  	_ =	shalt  }
0x43: {  	_ =	shalt  }
0x44: {  	_ =	shalt  }
0x45: {  	_ =	shalt  }
0x46: {  	_ =	shalt  }
0x47: {  	_ =	shalt  }
0x48: {  	_ =	shalt  }
0x49: {  	_ =	shalt  }
0x4a: {  	_ =	shalt  }
0x4b: {  	_ =	shalt  }
0x4c: {  	_ =	shalt  }
0x4d: {  	_ =	shalt  }
0x4e: {  	_ =	shalt  }
0x4f: {  	_ =	shalt  }
0x50: {  	_ =	shalt  }
0x51: {  	_ =	shalt  }
0x52: {  	_ =	shalt  }
0x53: {  	_ =	shalt  }
0x54: {  	_ =	shalt  }
0x55: {  	_ =	shalt  }
0x56: {  	_ =	shalt  }
0x57: {  	_ =	shalt  }
0x58: {  	_ =	shalt  }
0x59: {  	_ =	shalt  }
0x5a: {  	_ =	shalt  }
0x5b: {  	_ =	shalt  }
0x5c: {  	_ =	shalt  }
0x5d: {  	_ =	shalt  }
0x5e: {  	_ =	shalt  }
0x5f: {  	_ =	shalt  }
0x60: {  	_ =	shalt  }
0x61: {  	_ =	shalt  }
0x62: {  	_ =	shalt  }
0x63: {  	_ =	shalt  }
0x64: {  	_ =	shalt  }
0x65: {  	_ =	shalt  }
0x66: {  	_ =	shalt  }
0x67: {  	_ =	shalt  }
0x68: {  	_ =	shalt  }
0x69: {  	_ =	shalt  }
0x6a: {  	_ =	shalt  }
0x6b: {  	_ =	shalt  }
0x6c: {  	_ =	shalt  }
0x6d: {  	_ =	shalt  }
0x6e: {  	_ =	shalt  }
0x6f: {  	_ =	shalt  }
0x70: {  	_ =	shalt  }
0x71: {  	_ =	shalt  }
0x72: {  	_ =	shalt  }
0x73: {  	_ =	shalt  }
0x74: {  	_ =	shalt  }
0x75: {  	_ =	shalt  }
0x76: {  	_ =	shalt  }
0x77: {  	_ =	shalt  }
0x78: {  	_ =	shalt  }
0x79: {  	_ =	shalt  }
0x7a: {  	_ =	shalt  }
0x7b: {  	_ =	shalt  }
0x7c: {  	_ =	shalt  }
0x7d: {  	_ =	shalt  }
0x7e: {  	_ =	shalt  }
0x7f: {  	_ =	shalt  }
0x80: {  	_ =	shalt  }
0x81: {  	_ =	shalt  }
0x82: {  	_ =	shalt  }
0x83: {  	_ =	shalt  }
0x84: {  	_ =	shalt  }
0x85: {  	_ =	shalt  }
0x86: {  	_ =	shalt  }
0x87: {  	_ =	shalt  }
.Lfunc_end0:
.L_simem_size_0:
called_computation.2_lowered:
.L_overlay_start_0:
0x88: {  	s2 =	sld [smem:$0x3FD9]  }
0x89: {  	s3 =	sld [smem:$0x3FFE];
	_ =	sdelay $0x1  }
0x8a: {  	s1 =	srdreg.scid  }
0x8b: {  	s0 =	sand.u32 $0x1, s1  }
0x8c: {  	s16 =	sshll.u32 s0, $0xA;
	s2 =	sadd.s32 s3, s2  }
0x8d: {  	s2 =	sadd.s32 s2, s16  }
0x8e: {  	[smem:$0x3FB5] =	sst s2  }
0x8f: {  	_ = 	snop  }
0x90: {  	(tm) =	ssettm $0x1  }
0x91: {  	s17 =	sld [smem:$0x3FFB];
	_ =	sdelay $0x3  }
0x92: {  	_ =	strace s17  }
0x93: {  	s2 =	sld [smem:$0x3FFC];
	_ =	sdelay $0x3  }
0x94: {  	_ =	strace s2  }
0x95: {  	s2 =	sld [smem:$0x3FFD];
	_ =	sdelay $0x3  }
0x96: {  	_ =	strace s2  }
0x97: {  	_ =	strace $0x8FFFFFFF  }
0x98: {  	s18 =	sld [smem:$0x3FDB];
	_ =	sdelay $0x1  }
0x99: {  	s19 =	simm.s32 $_scs_section_size  }
0x9a: {  	s4 =	simm.s32 $_size__tile_overlayer_lowered;
	s5 =	simm.s32 $_tile_overlayer_lowered  }
0x9b: {  	s22 =	simm.s32 $0x1BFF;
	s21 =	sshll.u32 s5, $0x1;
	s2 =	sadd.s32 s19, s18  }
0x9c: {  	s6 =	simm.s32 $0x0;
	s20 =	sshll.u32 s4, $0x1;
	s4 =	sadd.s32 s21, s2  }
0x9d: {  	[timem:s6], [sflag:s22] =	dma.local [hbm:s4], s20  }
0x9e: {  	_ =	swait.ge [sflag:s22], s20  }
0x9f: {  	s3 =	ssub.s32 $0x0, s20;
	[sflag:s22] =	ssyncset.done $0x0  }
0xa0: {  	[sflag:s22] =	ssyncadd.s32 s3;
	_ =	sdelay $0x1  }
0xa1: {  	s23 =	simm.s32 $0x1B8B  }
0xa2: {  	_ =	swait.ge [sflag:s23], $0x1  }
0xa3: {  	[sflag:s23] =	ssyncset.done $0x0  }
0xa4: {  	s25 =	simm.s32 $0x1B8E;
	s24 =	sld [smem:$0x3FFE];
	[sflag:s23] =	ssyncadd.s32 $0xFFFFFFFF  }
0xa5: {  	s26 =	simm.s32 $execute0_lowered;
	[smem:$0x3FD2] =	sst s25  }
0xa6: {  	s4 =	sshll.u32 s26, $0x1;
	_ =	strace $0x8000004C;
	[dreg:$0x1] =	wrdreg $0xFFFFFFFF  }
0xa7: {  	s28 =	simm.s32 $_size_execute0_lowered;
	s2 =	sadd.s32 s2, s4;
	[dreg:$0x0] =	wrdreg $0x0  }
0xa8: {  	s4 =	sshll.u32 s28, $0x1;
	[dreg:$0x2] =	wrdreg s2  }
0xa9: {  	[dreg:$0x3] =	wrdreg s4  }
0xaa: {  	[dreg:$0x4] =	wrdreg $0xC0  }
0xab: {  	_ =	task [dreg:s6], $0x5FFFF  }
0xac: {  	[dreg:$0x1] =	wrdreg $0xFFFFFFFF  }
0xad: {  	[dreg:$0x0] =	wrdreg $0x60  }
0xae: {  	[dreg:$0x2] =	wrdreg s24  }
0xaf: {  	[dreg:$0x3] =	wrdreg $0x43000  }
0xb0: {  	[dreg:$0x4] =	wrdreg $0x9  }
0xb1: {  	_ =	task.clear_ibuf [dreg:s6], $0x5FFFF;
	_ =	strace $0x9000004C  }
0xb2: {  	s29 =	simm.s32 $0x9;
	_ =	strace $0x8000004E  }
0xb3: {  	_ =	swait.ge [sflag:s29], $0x1  }
0xb4: {  	[sflag:s29] =	ssyncadd.s32 $0xFFFFFFFF  }
0xb5: {  	_ =	strace $0x9000004E  }
0xb6: {  	_ =	sfence  }
0xb7: {  	s30 =	sld [smem:$0x0];
	_ =	sdelay $0x2  }
0xb8: {  	s31 =	sshll.u32 s1, $0xD;
	s1 =	sshrl.u32 s1, $0x2  }
0xb9: {  	s3 =	sand.u32 $0x4000, s31;
	s1 =	sadd.s32 s1, s30  }
0xba: {  	s0 =	sor.u32 s3, s0;
	s1 =	sshll.u32 s1, $0x11  }
0xbb: {  	s0 =	sor.u32 s1, s0  }
0xbc: {  	s0 =	sadd.s32 $0x8F2B, s0  }
0xbd: {  	[sflag:s0] =	ssyncadd.remote.s32 $0x1  }
0xbe: {  	_ =	sfence.sel $0xFFFF  }
0xbf: {  	[dreg:$0x0] =	wrdreg $0xFFFFFFFF;
	(pc) =	sbr.abs _section_cstart, $3  }
0xc0: {  	[dreg:$0x1] =	wrdreg $0xFFFFFFFF  }
0xc1: {  	_ =	task.clear_ibuf [dreg:s6], $0x2FFFF;
	_ =	strace $0x9FFFFFFF  }
0xc2: {  	(tm) =	ssettm $0x7FFFFFFF  }
0xc3: {  	_ =	shalt  }
tec
execute0_lowered:
.L_overlay_start_1:
0x0: {  	(tag) =	ssettag $0x1  }
0x1: {  	s14 =	stileid.u32  }
0x2: {  	s1 =	srdreg.scid;
	s9 =	smul.u32 $0x3200, s14  }
0x3: {  	s1 =	sand.u32 $0x1, s1;
	s11 =	smul.u32 $0x64000, s14  }
0x4: {  	s0 =	rddreg [dreg:$0x0];
	s10 =	smul.u32 $0x32000, s1  }
0x5: {  	s2 =	rddreg [dreg:$0x1]  }
0x6: {  	s3 =	simm.s32 $0x0;
	s11 =	sshrl.u32 s11, $0x2;
	s9 =	sadd.s32 s9, s10  }
0x7: {  	s28 =	simm.s32 $0x300;
	s13 =	sadd.s32 s9, s0;
	s9 =	sadd.s32 s11, s2  }
0x8: {  	s29 =	simm.s32 $0x3;
	[smem:$0x7FF] =	sst s3;
	s11 =	sadd.s32 $0x2000, s9  }
0x9: {  	_ =	strace $0x8000004D;
	s16 =	sadd.s32 $0x4000, s9;
	[dreg:$0x3] =	wrdreg s11  }
0xa: {  	s30 =	simm.s32 $0x200;
	s17 =	sadd.s32 $0x6000, s9;
	[dreg:$0x4] =	wrdreg s16  }
0xb: {  	s31 =	simm.s32 $0x100;
	s18 =	sadd.s32 $0x8000, s9;
	[dreg:$0x5] =	wrdreg s17  }
0xc: {  	s4 =	sadd.s32 $0xAC00, s0;
	s19 =	sadd.s32 $0xA000, s9;
	[dreg:$0x6] =	wrdreg s18  }
0xd: {  	s5 =	sadd.s32 $0x8A800, s0;
	s20 =	sadd.s32 $0xC000, s9;
	[dreg:$0x7] =	wrdreg s19  }
0xe: {  	s6 =	sadd.s32 $0xA4000, s0;
	s21 =	sadd.s32 $0xE000, s9;
	[dreg:$0x8] =	wrdreg s20  }
0xf: {  	s7 =	sadd.s32 $0x8B800, s0;
	s22 =	sadd.s32 $0x10000, s9;
	[dreg:$0x9] =	wrdreg s21  }
0x10: {  	s8 =	sadd.s32 $0xD5000, s0;
	s23 =	sadd.s32 $0x12000, s9;
	[dreg:$0xa] =	wrdreg s22  }
0x11: {  	s12 =	ssub.s32 $0x2, s1;
	s24 =	sadd.s32 $0x14000, s9;
	[dreg:$0xb] =	wrdreg s23  }
0x12: {  	s15 =	sshrl.u32 s12, $0x1;
	s25 =	sadd.s32 $0x16000, s9;
	[dreg:$0xc] =	wrdreg s24  }
0x13: {  	s10 =	ssub.s32 s12, s15;
	s26 =	sadd.s32 $0x18000, s9;
	[dreg:$0xd] =	wrdreg s25  }
0x14: {  	s12 =	simm.s32 $0x280;
	s15 =	simm.s32 $0x2;
	[dreg:$0xe] =	wrdreg s26  }
0x15: {  	s22 =	smul.u32 $0x18800, s1;
	s23 =	sadd.s32 $0x8B810, s0;
	s24 =	sadd.s32 $0x106000, s13  }
0x16: {  	s25 =	smax.u32 s10, $0x1;
	s26 =	smul.u32 $0xC4, s14;
	s0 =	simm.s32 $0x180  }
0x17: {  	s1 =	simm.s32 $0x80;
	s10 =	simm.s32 $0x2300;
	s11 =	simm.s32 $0x1300  }
0x18: {  	v0 =	vimm.f32 $0.0e+00;
	s13 =	simm.s32 $0x3300;
	s14 =	simm.s32 $0x1;
	s16 =	simm.s32 $0x0  }
.LBB2_1:
0x19: {  	s17 =	simm.s32 $0x80;
	s18 =	simm.s32 $0x0  }
.LBB2_2:
0x1a: {  	p0 =	sne.s32 s17, $0x7F80;
	[tilespmem:s18+$0x300] =	vst v0;
	s19 =	smov.u32 s17;
	s17 =	sadd.s32 $0x80, s17  }
.Ltmp0:
0x1b: {  	[tilespmem:s18+$0x310] =	vst v0;
	(pc) =	sbr.rel @p0 .LBB2_2-.Ltmp0, $2  }
0x1c: {  	_ =	sdelay $0x2  }
0x1d: {  	s18 =	sshra.s32 s19, $0x2  }
0x1e: {  	[tilespmem:s18+$0x300] =	vst v0  }
0x1f: {  	[tilespmem:s18+$0x310] =	vst v0  }
0x20: {  	[spmem:s9] =	stream.linear.scatter [tilespmem:s28], [sflag:$0x3], $0x2000, $0x38;
	[tilespmem:$0x1D300] =	vst v63  }
0x21: {  	_ =	swait.ge [sflag:s29], $0x2000  }
0x22: {  	[sflag:s29] =	ssyncset.done $0x0  }
0x23: {  	s17 =	rddreg [dreg:$0x3];
	[sflag:s29] =	ssyncadd.s32 $0xFFFFE000  }
0x24: {  	[spmem:s17] =	stream.linear.scatter [tilespmem:s28], [sflag:$0x3], $0x2000, $0x38;
	[tilespmem:$0x1D300] =	vst v63  }
0x25: {  	_ =	swait.ge [sflag:s29], $0x2000  }
0x26: {  	[sflag:s29] =	ssyncset.done $0x0  }
0x27: {  	s19 =	rddreg [dreg:$0x4];
	[sflag:s29] =	ssyncadd.s32 $0xFFFFE000  }
0x28: {  	[spmem:s19] =	stream.linear.scatter [tilespmem:s28], [sflag:$0x3], $0x2000, $0x38;
	[tilespmem:$0x1D300] =	vst v63  }
0x29: {  	_ =	swait.ge [sflag:s29], $0x2000  }
0x2a: {  	[sflag:s29] =	ssyncset.done $0x0  }
0x2b: {  	s20 =	rddreg [dreg:$0x5];
	[sflag:s29] =	ssyncadd.s32 $0xFFFFE000  }
0x2c: {  	[spmem:s20] =	stream.linear.scatter [tilespmem:s28], [sflag:$0x3], $0x2000, $0x38;
	[tilespmem:$0x1D300] =	vst v63  }
0x2d: {  	_ =	swait.ge [sflag:s29], $0x2000  }
0x2e: {  	[sflag:s29] =	ssyncset.done $0x0  }
0x2f: {  	s21 =	rddreg [dreg:$0x6];
	[sflag:s29] =	ssyncadd.s32 $0xFFFFE000  }
0x30: {  	[spmem:s21] =	stream.linear.scatter [tilespmem:s28], [sflag:$0x3], $0x2000, $0x38;
	[tilespmem:$0x1D300] =	vst v63  }
0x31: {  	_ =	swait.ge [sflag:s29], $0x2000  }
0x32: {  	[sflag:s29] =	ssyncset.done $0x0  }
0x33: {  	s18 =	rddreg [dreg:$0x7];
	[sflag:s29] =	ssyncadd.s32 $0xFFFFE000  }
0x34: {  	[spmem:s18] =	stream.linear.scatter [tilespmem:s28], [sflag:$0x3], $0x2000, $0x38;
	[tilespmem:$0x1D300] =	vst v63  }
0x35: {  	_ =	swait.ge [sflag:s29], $0x2000  }
0x36: {  	[sflag:s29] =	ssyncset.done $0x0  }
0x37: {  	s19 =	rddreg [dreg:$0x8];
	[sflag:s29] =	ssyncadd.s32 $0xFFFFE000  }
0x38: {  	[spmem:s19] =	stream.linear.scatter [tilespmem:s28], [sflag:$0x3], $0x2000, $0x38;
	[tilespmem:$0x1D300] =	vst v63  }
0x39: {  	_ =	swait.ge [sflag:s29], $0x2000  }
0x3a: {  	[sflag:s29] =	ssyncset.done $0x0  }
0x3b: {  	s20 =	rddreg [dreg:$0x9];
	[sflag:s29] =	ssyncadd.s32 $0xFFFFE000  }
0x3c: {  	[spmem:s20] =	stream.linear.scatter [tilespmem:s28], [sflag:$0x3], $0x2000, $0x38;
	[tilespmem:$0x1D300] =	vst v63  }
0x3d: {  	_ =	swait.ge [sflag:s29], $0x2000  }
0x3e: {  	[sflag:s29] =	ssyncset.done $0x0  }
0x3f: {  	s21 =	rddreg [dreg:$0xa];
	[sflag:s29] =	ssyncadd.s32 $0xFFFFE000  }
0x40: {  	[spmem:s21] =	stream.linear.scatter [tilespmem:s28], [sflag:$0x3], $0x2000, $0x38;
	[tilespmem:$0x1D300] =	vst v63  }
0x41: {  	_ =	swait.ge [sflag:s29], $0x2000  }
0x42: {  	[sflag:s29] =	ssyncset.done $0x0  }
0x43: {  	s18 =	rddreg [dreg:$0xb];
	[sflag:s29] =	ssyncadd.s32 $0xFFFFE000  }
0x44: {  	[spmem:s18] =	stream.linear.scatter [tilespmem:s28], [sflag:$0x3], $0x2000, $0x38;
	[tilespmem:$0x1D300] =	vst v63  }
0x45: {  	_ =	swait.ge [sflag:s29], $0x2000  }
0x46: {  	[sflag:s29] =	ssyncset.done $0x0  }
0x47: {  	s19 =	rddreg [dreg:$0xc];
	[sflag:s29] =	ssyncadd.s32 $0xFFFFE000  }
0x48: {  	[spmem:s19] =	stream.linear.scatter [tilespmem:s28], [sflag:$0x3], $0x2000, $0x38;
	[tilespmem:$0x1D300] =	vst v63  }
0x49: {  	_ =	swait.ge [sflag:s29], $0x2000  }
0x4a: {  	[sflag:s29] =	ssyncset.done $0x0  }
0x4b: {  	s20 =	rddreg [dreg:$0xd];
	[sflag:s29] =	ssyncadd.s32 $0xFFFFE000  }
0x4c: {  	[spmem:s20] =	stream.linear.scatter [tilespmem:s28], [sflag:$0x3], $0x2000, $0x38;
	[tilespmem:$0x1D300] =	vst v63  }
0x4d: {  	_ =	swait.ge [sflag:s29], $0x2000  }
0x4e: {  	[sflag:s29] =	ssyncset.done $0x0  }
0x4f: {  	s21 =	rddreg [dreg:$0xe];
	[sflag:s29] =	ssyncadd.s32 $0xFFFFE000  }
0x50: {  	[spmem:s21] =	stream.linear.scatter [tilespmem:s28], [sflag:$0x3], $0x1000, $0x38;
	[tilespmem:$0x1D300] =	vst v63  }
0x51: {  	_ =	swait.ge [sflag:s29], $0x1000  }
0x52: {  	[sflag:s29] =	ssyncset.done $0x0  }
0x53: {  	[sflag:s29] =	ssyncadd.s32 $0xFFFFF000  }
0x54: {  	s17 =	simm.s32 $0x0;
	[bflag:$0x0] =	sbarrier.arrive $0xFFFF  }
.LBB2_4:
0x55: {  	s18 =	sadd.s32 s26, s17  }
0x56: {  	s18 =	sshll.u32 s18, $0x5  }
0x57: {  	s19 =	sadd.s32 s22, s18  }
0x58: {  	s20 =	sadd.s32 s6, s19  }
0x59: {  	[tilespmem:s3], [sflag:$0x3] =	stream.linear.gather [hbm4b:s20+s3], $0x100, $0x38;
	[tilespmem:$0x1D300] =	vst v63  }
0x5a: {  	_ =	swait.ge [sflag:s29], $0x100  }
0x5b: {  	[sflag:s29] =	ssyncset.done $0x0  }
0x5c: {  	s19 =	sadd.s32 s8, s19;
	[sflag:s29] =	ssyncadd.s32 $0xFFFFFF00  }
0x5d: {  	[tilespmem:s30], [sflag:$0x3] =	stream.linear.gather [hbm4b:s19+s3], $0x100, $0x38;
	[tilespmem:$0x1D300] =	vst v63  }
0x5e: {  	_ =	swait.ge [sflag:s29], $0x100  }
0x5f: {  	[sflag:s29] =	ssyncset.done $0x0  }
0x60: {  	s21 =	sadd.s32 s7, s18;
	[sflag:s29] =	ssyncadd.s32 $0xFFFFFF00  }
0x61: {  	[tilespmem:s31], [sflag:$0x3] =	stream.linear.gather [hbm4b:s21+s3], $0x80, $0x38;
	[tilespmem:$0x1D300] =	vst v63  }
0x62: {  	_ =	swait.ge [sflag:s29], $0x80  }
0x63: {  	[sflag:s29] =	ssyncset.done $0x0  }
0x64: {  	s18 =	sadd.s32 s18, s23;
	[sflag:s29] =	ssyncadd.s32 $0xFFFFFF80  }
0x65: {  	[tilespmem:s0], [sflag:$0x3] =	stream.linear.gather [hbm4b:s18+s3], $0x80, $0x38;
	[tilespmem:$0x1D300] =	vst v63  }
0x66: {  	_ =	swait.ge [sflag:s29], $0x80  }
0x67: {  	[sflag:s29] =	ssyncset.done $0x0  }
0x68: {  	[sflag:s29] =	ssyncadd.s32 $0xFFFFFF80  }
0x69: {  	[tilespmem:s28], [sflag:$0x1] =	stream.indirect.gather [hbm4b:s4+s1], $0x20, s3, s1, $0xb8;
	[tilespmem:$0x1D300] =	vst v63  }
0x6a: {  	_ = 	snop  }
0x6b: {  	[tilespmem:s10], [sflag:$0x2] =	stream.indirect.gather [hbm4b:s5+s1], $0x20, s30, s1, $0xb8;
	[tilespmem:$0x1D300] =	vst v63  }
0x6c: {  	_ = 	snop  }
0x6d: {  	[tilespmem:s11], [sflag:$0x1] =	stream.indirect.gather [hbm4b:s4+s1], $0x20, s1, s1, $0xb8;
	[tilespmem:$0x1D300] =	vst v63  }
0x6e: {  	_ = 	snop  }
0x6f: {  	[tilespmem:s13], [sflag:$0x2] =	stream.indirect.gather [hbm4b:s5+s1], $0x20, s12, s1, $0xb8;
	[tilespmem:$0x1D300] =	vst v63  }
0x70: {  	_ =	swait.ge [sflag:s14], $0x1000  }
0x71: {  	[sflag:s14] =	ssyncset.done $0x0  }
0x72: {  	[sflag:s14] =	ssyncadd.s32 $0xFFFFF000  }
0x73: {  	_ =	swait.ge [sflag:s15], $0x1000  }
0x74: {  	[sflag:s15] =	ssyncset.done $0x0  }
0x75: {  	[sflag:s15] =	ssyncadd.s32 $0xFFFFF000  }
0x76: {  	_ =	swait.ge [sflag:s14], $0x1000  }
0x77: {  	[sflag:s14] =	ssyncset.done $0x0  }
0x78: {  	[sflag:s14] =	ssyncadd.s32 $0xFFFFF000  }
0x79: {  	_ =	swait.ge [sflag:s15], $0x1000  }
0x7a: {  	[sflag:s15] =	ssyncset.done $0x0  }
0x7b: {  	s18 =	simm.s32 $0x340;
	[sflag:s15] =	ssyncadd.s32 $0xFFFFF000  }
0x7c: {  	s19 =	simm.s32 $0x2340;
	v1 =	vld [tilespmem:s18+$0xFFFFFFC0]  }
0x7d: {  	v2 =	vld [tilespmem:s19+$0xFFFFFFC0];
	_ =	sdelay $0x4  }
0x7e: {  	v1 =	vadd.f32 v2, v1;
	_ =	sdelay $0x1  }
0x7f: {  	v1 =	vmax.f32 v1, $0.0e+00  }
0x80: {  	[tilespmem:s18+$0xFFFFFFC0] =	vst v1;
	v1 =	vld [tilespmem:s18+$0xFFFFFFD0]  }
0x81: {  	v2 =	vld [tilespmem:s19+$0xFFFFFFD0];
	_ =	sdelay $0x4  }
0x82: {  	v1 =	vadd.f32 v2, v1;
	_ =	sdelay $0x1  }
0x83: {  	v1 =	vmax.f32 v1, $0.0e+00  }
0x84: {  	[tilespmem:s18+$0xFFFFFFD0] =	vst v1;
	v1 =	vld [tilespmem:s18+$0xFFFFFFE0]  }
0x85: {  	v2 =	vld [tilespmem:s19+$0xFFFFFFE0];
	_ =	sdelay $0x4  }
0x86: {  	v1 =	vadd.f32 v2, v1;
	_ =	sdelay $0x1  }
0x87: {  	v1 =	vmax.f32 v1, $0.0e+00  }
0x88: {  	[tilespmem:s18+$0xFFFFFFE0] =	vst v1;
	v1 =	vld [tilespmem:s18+$0xFFFFFFF0]  }
0x89: {  	v2 =	vld [tilespmem:s19+$0xFFFFFFF0];
	_ =	sdelay $0x4  }
0x8a: {  	v1 =	vadd.f32 v2, v1;
	_ =	sdelay $0x1  }
0x8b: {  	v1 =	vmax.f32 v1, $0.0e+00  }
0x8c: {  	[tilespmem:s18+$0xFFFFFFF0] =	vst v1;
	v1 =	vld [tilespmem:s18+$0x0]  }
0x8d: {  	v2 =	vld [tilespmem:s19+$0x0];
	_ =	sdelay $0x4  }
0x8e: {  	v1 =	vadd.f32 v2, v1;
	_ =	sdelay $0x1  }
0x8f: {  	v1 =	vmax.f32 v1, $0.0e+00  }
0x90: {  	[tilespmem:s18+$0x0] =	vst v1;
	v1 =	vld [tilespmem:s18+$0x10]  }
0x91: {  	v2 =	vld [tilespmem:s19+$0x10];
	_ =	sdelay $0x4  }
0x92: {  	v1 =	vadd.f32 v2, v1;
	_ =	sdelay $0x1  }
0x93: {  	v1 =	vmax.f32 v1, $0.0e+00  }
0x94: {  	[tilespmem:s18+$0x10] =	vst v1;
	v1 =	vld [tilespmem:s18+$0x20]  }
0x95: {  	v2 =	vld [tilespmem:s19+$0x20];
	_ =	sdelay $0x4  }
0x96: {  	v1 =	vadd.f32 v2, v1;
	_ =	sdelay $0x1  }
0x97: {  	v1 =	vmax.f32 v1, $0.0e+00  }
0x98: {  	[tilespmem:s18+$0x20] =	vst v1;
	v1 =	vld [tilespmem:s18+$0x30]  }
0x99: {  	v2 =	vld [tilespmem:s19+$0x30];
	_ =	sdelay $0x4  }
0x9a: {  	v1 =	vadd.f32 v2, v1;
	_ =	sdelay $0x1  }
0x9b: {  	s20 =	simm.s32 $0x0;
	s21 =	simm.s32 $0x3C0;
	v1 =	vmax.f32 v1, $0.0e+00  }
.LBB2_5:
0x9c: {  	v2 =	vld [tilespmem:s21+$0xFFFFFFC0];
	[tilespmem:s18+$0x30] =	vst v1;
	s19 =	sadd.s32 $0x80, s19;
	s18 =	smov.u32 s21  }
0x9d: {  	s20 =	sadd.s32 $0x4, s20;
	v1 =	vld [tilespmem:s19+$0xFFFFFFC0]  }
0x9e: {  	p0 =	slt.u32 s20, $0xFC;
	_ =	sdelay $0x3  }
0x9f: {  	v1 =	vadd.f32 v1, v2;
	_ =	sdelay $0x1  }
0xa0: {  	v1 =	vmax.f32 v1, $0.0e+00  }
0xa1: {  	[tilespmem:s21+$0xFFFFFFC0] =	vst v1;
	v1 =	vld [tilespmem:s21+$0xFFFFFFD0]  }
0xa2: {  	v2 =	vld [tilespmem:s19+$0xFFFFFFD0];
	_ =	sdelay $0x4  }
0xa3: {  	v1 =	vadd.f32 v2, v1;
	_ =	sdelay $0x1  }
0xa4: {  	v1 =	vmax.f32 v1, $0.0e+00  }
0xa5: {  	[tilespmem:s21+$0xFFFFFFD0] =	vst v1;
	v1 =	vld [tilespmem:s21+$0xFFFFFFE0]  }
0xa6: {  	v2 =	vld [tilespmem:s19+$0xFFFFFFE0];
	_ =	sdelay $0x4  }
0xa7: {  	v1 =	vadd.f32 v2, v1;
	_ =	sdelay $0x1  }
0xa8: {  	v1 =	vmax.f32 v1, $0.0e+00  }
0xa9: {  	[tilespmem:s21+$0xFFFFFFE0] =	vst v1;
	v1 =	vld [tilespmem:s21+$0xFFFFFFF0]  }
0xaa: {  	v2 =	vld [tilespmem:s19+$0xFFFFFFF0];
	_ =	sdelay $0x4  }
0xab: {  	v1 =	vadd.f32 v2, v1;
	_ =	sdelay $0x1  }
0xac: {  	v1 =	vmax.f32 v1, $0.0e+00  }
0xad: {  	[tilespmem:s21+$0xFFFFFFF0] =	vst v1;
	v1 =	vld [tilespmem:s21+$0x0]  }
0xae: {  	v2 =	vld [tilespmem:s19+$0x0];
	_ =	sdelay $0x4  }
0xaf: {  	v1 =	vadd.f32 v2, v1;
	_ =	sdelay $0x1  }
0xb0: {  	v1 =	vmax.f32 v1, $0.0e+00  }
0xb1: {  	[tilespmem:s21+$0x0] =	vst v1;
	v1 =	vld [tilespmem:s21+$0x10]  }
0xb2: {  	v2 =	vld [tilespmem:s19+$0x10];
	_ =	sdelay $0x4  }
0xb3: {  	v1 =	vadd.f32 v2, v1;
	_ =	sdelay $0x1  }
0xb4: {  	v1 =	vmax.f32 v1, $0.0e+00  }
0xb5: {  	[tilespmem:s21+$0x10] =	vst v1;
	v1 =	vld [tilespmem:s21+$0x20]  }
0xb6: {  	v2 =	vld [tilespmem:s19+$0x20];
	_ =	sdelay $0x4  }
0xb7: {  	v1 =	vadd.f32 v2, v1;
	_ =	sdelay $0x1  }
0xb8: {  	v1 =	vmax.f32 v1, $0.0e+00  }
0xb9: {  	[tilespmem:s21+$0x20] =	vst v1;
	v1 =	vld [tilespmem:s21+$0x30]  }
0xba: {  	v2 =	vld [tilespmem:s19+$0x30];
	_ =	sdelay $0x2  }
.Ltmp1:
0xbb: {  	(pc) =	sbr.rel @p0 .LBB2_5-.Ltmp1, $3  }
0xbc: {  	_ = 	snop  }
0xbd: {  	v1 =	vadd.f32 v2, v1;
	_ =	sdelay $0x1  }
0xbe: {  	s21 =	sadd.s32 $0x80, s21;
	v1 =	vmax.f32 v1, $0.0e+00  }
0xbf: {  	[tilespmem:s18+$0x30] =	vst v1  }
0xc0: {  	[spmem:s2] =	stream.indirect.scatter.add.f32 [tilespmem:s28], [sflag:$0x3], $0x20, s31, s1, $0xb8;
	[tilespmem:$0x1D300] =	vst v63  }
0xc1: {  	s17 =	sadd.s32 $0x1, s17;
	_ =	swait.ge [sflag:s29], $0x1000  }
0xc2: {  	p0 =	sne.s32 s17, $0xC4;
	[sflag:s29] =	ssyncset.done $0x0  }
.Ltmp2:
0xc3: {  	[sflag:s29] =	ssyncadd.s32 $0xFFFFF000;
	(pc) =	sbr.rel @p0 .LBB2_4-.Ltmp2, $4  }
0xc4: {  	[spmem:s2] =	stream.indirect.scatter.add.f32 [tilespmem:s11], [sflag:$0x3], $0x20, s0, s1, $0xb8;
	[tilespmem:$0x1D300] =	vst v63  }
0xc5: {  	_ =	swait.ge [sflag:s29], $0x1000  }
0xc6: {  	[sflag:s29] =	ssyncset.done $0x0  }
0xc7: {  	[sflag:s29] =	ssyncadd.s32 $0xFFFFF000  }
0xc8: {  	s17 =	stileid.u32;
	s16 =	sadd.s32 $0x1, s16  }
0xc9: {  	[bflag:$0x0] =	sbarrier.arrive $0xFFFF;
	s17 =	sshll.u32 s17, $0x6;
	p0 =	sne.s32 s16, s25  }
.Ltmp3:
0xca: {  	s18 =	sshrl.u32 s9, $0x3;
	s17 =	sor.u32 $0x1C03, s17;
	(pc) =	sbr.rel @p0 .LBB2_1-.Ltmp3, $4  }
0xcb: {  	[hbm:s24], [sflag:s17] =	dma.local [spmem:s18], $0x3200  }
0xcc: {  	_ =	swait.ge [sflag:s29], $0x3200  }
0xcd: {  	[sflag:s29] =	ssyncset.done $0x0  }
0xce: {  	[sflag:s29] =	ssyncadd.s32 $0xFFFFCE00  }
0xcf: {  	_ =	sfence.sel $0x180000  }
0xd0: {  	[bflag:$0x0] =	sbarrier.arrive $0xFFFF  }
0xd1: {  	_ =	strace $0x9000004D  }
0xd2: {  	s0 =	stileid.u32;
	[bflag:$0x2] =	sbarrier.arrive $0xFFFF  }
0xd3: {  	p0 =	sne.s32 s0, $0x0;
	s0 =	rddreg [dreg:$0x2]  }
0xd4: {  	s0 =	sadd.s32 @!p0 $0x100000, s0  }
0xd5: {  	[sflag:s0] =	ssyncadd.tile.s32 @!p0 $0x1;
	_ =	shalt  }
.Lfunc_end2:
_tile_overlayer_lowered:
.L_overlay_start_2:
0xd6: {  	(tag) =	ssettag $0x2  }
0xd7: {  	s0 =	rddreg [dreg:$0x0];
	s2 =	stileid.u32  }
0xd8: {  	s1 =	rddreg [dreg:$0x1];
	p0 =	sne.s32 s2, $0x0  }
0xd9: {  	s3 =	rddreg [dreg:$0x2];
	[bflag:$0x3] =	sbarrier.arrive $0xFFFF;
	s2 =	simm.s32 @!p0 $0x1C03  }
0xda: {  	[timem:s3], [sflag:s2] =	dma.local @!p0 [hbm:s0], s1  }
0xdb: {  	s0 =	simm.s32 @!p0 $0x3  }
0xdc: {  	_ =	swait.ge @!p0 [sflag:s0], s1  }
0xdd: {  	s1 =	ssub.s32 @!p0 $0x0, s1;
	[sflag:s0] =	ssyncset.done @!p0 $0x0  }
0xde: {  	[sflag:s0] =	ssyncadd.s32 @!p0 s1  }
0xdf: {  	[bflag:$0x3] =	sbarrier.arrive $0xFFFF  }
0xe0: {  	_ =	shalt  }

// kernel: kernel.26.cloned.1.call-start
scs
__scs_entry_jumppad:
0x0: {  	(pc) =	sbr.rel $0x88, $3  }
0x1: {  	(tag) =	ssettag $0x0;
	lr =	simm.s32 $0x1  }
0x2: {  	[smem:$0x3F8E] =	sst lr;
	_ =	strace $0xD0000000  }
0x3: {  	_ = 	snop  }
0x4: {  	_ = 	snop  }
0x5: {  	_ = 	snop  }
0x6: {  	_ = 	snop  }
0x7: {  	_ = 	snop  }
__scs_overlays_trampoline_lowered:
0x8: {  	[smem:$0x3F9D] =	sst s0  }
0x9: {  	[smem:$0x3F9E] =	sst s1  }
0xa: {  	[smem:$0x3F9F] =	sst s2  }
0xb: {  	[smem:$0x3FA0] =	sst s3  }
0xc: {  	[smem:$0x3FA1] =	sst s4  }
0xd: {  	[smem:$0x3FA2] =	sst s5  }
0xe: {  	[smem:$0x3FA3] =	sst s6  }
0xf: {  	[smem:$0x3FA4] =	sst s7  }
0x10: {  	[smem:$0x3FA5] =	sst s8  }
0x11: {  	[smem:$0x3FA6] =	sst s9;
	s0 =	simm.s32 @!p0 $0x0  }
0x12: {  	s1 =	sld [smem:$0x3F8C];
	s0 =	simm.s32 @p0 $0x1  }
0x13: {  	[smem:$0x3FA7] =	sst s0;
	s0 =	simm.s32 @!p1 $0x0  }
0x14: {  	s2 =	sld [smem:$0x3F8B];
	s0 =	simm.s32 @p1 $0x1  }
0x15: {  	[smem:$0x3FA8] =	sst s0;
	s0 =	simm.s32 @!p2 $0x0  }
0x16: {  	s3 =	sld [smem:$0x3FDB];
	s0 =	simm.s32 @p2 $0x1  }
0x17: {  	s4 =	simm.s32 $0x1BF5;
	[smem:$0x3FAA] =	sst s0  }
0x18: {  	s0 =	sld [smem:$0x3F8D];
	_ =	swait.ge [sflag:s4], $0x0  }
0x19: {  	s7 =	sld [smem:$0x3F8E]  }
0x1a: {  	s8 =	sadd.s32 $0xFFFFE003, lr  }
0x1b: {  	s9 =	sadd.s32 $0xFFFFFEF7, lr;
	s5 =	simm.s32 $0xFFFFFFFF;
	p2 =	slt.u32 s8, $0xFFFFF086  }
0x1c: {  	p1 =	slt.u32 s9, $0xF7A;
	s5 =	simm.s32 @!p2 $0x0  }
0x1d: {  	s5 =	simm.s32 @p1 $0x1;
	p0 =	seq.s32 s7, s2  }
0x1e: {  	s7 =	smul.u32 @!p0 $0xF7A, s2;
	p2 =	seq.s32 @!p0 s5, $0x0  }
0x1f: {  	s9 =	smul.u32 $0xF7A, s1;
	s8 =	simm.s32 @!p0 $0x1BF5;
	p2 =	por !p2, p0  }
0x20: {  	[sflag:s8] =	ssyncset.s32 @!p0 $0xFFFFF086;
	s6 =	sadd.s32 @!p0 s3, s7;
	s7 =	simm.s32 @!p0 $0x108  }
0x21: {  	s3 =	sadd.s32 s3, s9;
	s6 =	sadd.s32 @!p0 $0x88, s6;
	s7 =	simm.s32 @p2 $0x1082  }
0x22: {  	[simem:s7], [sflag:s8] =	dma.local @!p0 [hbm:s6], $0xF7A  }
0x23: {  	s9 =	sor.u32 $0xD0000000, s2;
	s6 =	simm.s32 $0x108;
	_ =	swait.ge @!p0 [sflag:s8], $0x0  }
0x24: {  	s3 =	sadd.s32 $0x88, s3;
	s6 =	simm.s32 @!p1 $0x1082;
	[sflag:s4] =	ssyncset.s32 $0xFFFFF086  }
0x25: {  	[simem:s6], [sflag:s4] =	dma.local [hbm:s3], $0xF7A  }
0x26: {  	[smem:$0x3F8E] =	sst s1;
	(tag) =	ssettag s2;
	_ =	strace s9  }
0x27: {  	s1 =	sld [smem:$0x3F9E]  }
0x28: {  	s2 =	sld [smem:$0x3F9F]  }
0x29: {  	s4 =	sld [smem:$0x3FA1]  }
0x2a: {  	p0 =	seq.s32 s5, $0x0;
	s5 =	sld [smem:$0x3FA2]  }
0x2b: {  	s6 =	sld [smem:$0x3FA3]  }
0x2c: {  	s7 =	sld [smem:$0x3FA4]  }
0x2d: {  	s3 =	simm.s32 $0x108;
	s8 =	sld [smem:$0x3FA5]  }
0x2e: {  	s3 =	simm.s32 @!p0 $0x1082;
	s9 =	sld [smem:$0x3FA6]  }
0x2f: {  	lr =	sadd.s32 s0, s3;
	s0 =	sld [smem:$0x3F9D]  }
0x30: {  	s3 =	sld [smem:$0x3FA0]  }
0x31: {  	[smem:$0x3FA9] =	sst s10  }
0x32: {  	s10 =	sld [smem:$0x3FA7];
	_ =	sdelay $0x3  }
0x33: {  	p0 =	seq.s32 s10, $0x1;
	s10 =	sld [smem:$0x3FA9];
	_ =	sdelay $0x3  }
0x34: {  	[smem:$0x3FA9] =	sst s10  }
0x35: {  	s10 =	sld [smem:$0x3FA8];
	_ =	sdelay $0x3  }
0x36: {  	p1 =	seq.s32 s10, $0x1;
	s10 =	sld [smem:$0x3FA9];
	_ =	sdelay $0x3  }
0x37: {  	[smem:$0x3FA9] =	sst s10  }
0x38: {  	s10 =	sld [smem:$0x3FAA]  }
0x39: {  	_ = 	snop;
	(pc) =	sbr.ind lr, $3  }
0x3a: {  	_ = 	snop  }
0x3b: {  	_ = 	snop  }
0x3c: {  	p2 =	seq.s32 s10, $0x1;
	s10 =	sld [smem:$0x3FA9]  }
0x3d: {  	_ =	shalt  }
0x3e: {  	_ =	shalt  }
0x3f: {  	_ =	shalt  }
0x40: {  	_ =	shalt  }
0x41: {  	_ =	shalt  }
0x42: {  	_ =	shalt  }
0x43: {  	_ =	shalt  }
0x44: {  	_ =	shalt  }
0x45: {  	_ =	shalt  }
0x46: {  	_ =	shalt  }
0x47: {  	_ =	shalt  }
0x48: {  	_ =	shalt  }
0x49: {  	_ =	shalt  }
0x4a: {  	_ =	shalt  }
0x4b: {  	_ =	shalt  }
0x4c: {  	_ =	shalt  }
0x4d: {  	_ =	shalt  }
0x4e: {  	_ =	shalt  }
0x4f: {  	_ =	shalt  }
0x50: {  	_ =	shalt  }
0x51: {  	_ =	shalt  }
0x52: {  	_ =	shalt  }
0x53: {  	_ =	shalt  }
0x54: {  	_ =	shalt  }
0x55: {  	_ =	shalt  }
0x56: {  	_ =	shalt  }
0x57: {  	_ =	shalt  }
0x58: {  	_ =	shalt  }
0x59: {  	_ =	shalt  }
0x5a: {  	_ =	shalt  }
0x5b: {  	_ =	shalt  }
0x5c: {  	_ =	shalt  }
0x5d: {  	_ =	shalt  }
0x5e: {  	_ =	shalt  }
0x5f: {  	_ =	shalt  }
0x60: {  	_ =	shalt  }
0x61: {  	_ =	shalt  }
0x62: {  	_ =	shalt  }
0x63: {  	_ =	shalt  }
0x64: {  	_ =	shalt  }
0x65: {  	_ =	shalt  }
0x66: {  	_ =	shalt  }
0x67: {  	_ =	shalt  }
0x68: {  	_ =	shalt  }
0x69: {  	_ =	shalt  }
0x6a: {  	_ =	shalt  }
0x6b: {  	_ =	shalt  }
0x6c: {  	_ =	shalt  }
0x6d: {  	_ =	shalt  }
0x6e: {  	_ =	shalt  }
0x6f: {  	_ =	shalt  }
0x70: {  	_ =	shalt  }
0x71: {  	_ =	shalt  }
0x72: {  	_ =	shalt  }
0x73: {  	_ =	shalt  }
0x74: {  	_ =	shalt  }
0x75: {  	_ =	shalt  }
0x76: {  	_ =	shalt  }
0x77: {  	_ =	shalt  }
0x78: {  	_ =	shalt  }
0x79: {  	_ =	shalt  }
0x7a: {  	_ =	shalt  }
0x7b: {  	_ =	shalt  }
0x7c: {  	_ =	shalt  }
0x7d: {  	_ =	shalt  }
0x7e: {  	_ =	shalt  }
0x7f: {  	_ =	shalt  }
0x80: {  	_ =	shalt  }
0x81: {  	_ =	shalt  }
0x82: {  	_ =	shalt  }
0x83: {  	_ =	shalt  }
0x84: {  	_ =	shalt  }
0x85: {  	_ =	shalt  }
0x86: {  	_ =	shalt  }
0x87: {  	_ =	shalt  }
.Lfunc_end0:
.L_simem_size_0:
called_computation.3_lowered:
.L_overlay_start_0:
0x88: {  	s2 =	sld [smem:$0x3FD9]  }
0x89: {  	s3 =	sld [smem:$0x3FFE];
	_ =	sdelay $0x1  }
0x8a: {  	s1 =	srdreg.scid  }
0x8b: {  	s0 =	sand.u32 $0x1, s1  }
0x8c: {  	s16 =	sshll.u32 s0, $0xA;
	s2 =	sadd.s32 s3, s2  }
0x8d: {  	s2 =	sadd.s32 s2, s16  }
0x8e: {  	[smem:$0x3FB5] =	sst s2  }
0x8f: {  	_ = 	snop  }
0x90: {  	(tm) =	ssettm $0x1  }
0x91: {  	s17 =	sld [smem:$0x3FFB];
	_ =	sdelay $0x3  }
0x92: {  	_ =	strace s17  }
0x93: {  	s2 =	sld [smem:$0x3FFC];
	_ =	sdelay $0x3  }
0x94: {  	_ =	strace s2  }
0x95: {  	s2 =	sld [smem:$0x3FFD];
	_ =	sdelay $0x3  }
0x96: {  	_ =	strace s2  }
0x97: {  	_ =	strace $0x8FFFFFFF  }
0x98: {  	s18 =	sld [smem:$0x3FDB];
	_ =	sdelay $0x1  }
0x99: {  	s19 =	simm.s32 $_scs_section_size  }
0x9a: {  	s4 =	simm.s32 $_size__tile_overlayer_lowered;
	s5 =	simm.s32 $_tile_overlayer_lowered  }
0x9b: {  	s22 =	simm.s32 $0x1BFF;
	s21 =	sshll.u32 s5, $0x1;
	s2 =	sadd.s32 s19, s18  }
0x9c: {  	s6 =	simm.s32 $0x0;
	s20 =	sshll.u32 s4, $0x1;
	s4 =	sadd.s32 s21, s2  }
0x9d: {  	[timem:s6], [sflag:s22] =	dma.local [hbm:s4], s20  }
0x9e: {  	_ =	swait.ge [sflag:s22], s20  }
0x9f: {  	s3 =	ssub.s32 $0x0, s20;
	[sflag:s22] =	ssyncset.done $0x0  }
0xa0: {  	[sflag:s22] =	ssyncadd.s32 s3;
	_ =	sdelay $0x1  }
0xa1: {  	s23 =	simm.s32 $0x1B8B  }
0xa2: {  	_ =	swait.ge [sflag:s23], $0x1  }
0xa3: {  	[sflag:s23] =	ssyncset.done $0x0  }
0xa4: {  	s25 =	simm.s32 $0x1B8E;
	s24 =	sld [smem:$0x3FFE];
	[sflag:s23] =	ssyncadd.s32 $0xFFFFFFFF  }
0xa5: {  	s26 =	simm.s32 $execute0_lowered;
	[smem:$0x3FD2] =	sst s25  }
0xa6: {  	s4 =	sshll.u32 s26, $0x1;
	_ =	strace $0x8000004F;
	[dreg:$0x1] =	wrdreg $0xFFFFFFFF  }
0xa7: {  	s28 =	simm.s32 $_size_execute0_lowered;
	s2 =	sadd.s32 s2, s4;
	[dreg:$0x0] =	wrdreg $0x0  }
0xa8: {  	s4 =	sshll.u32 s28, $0x1;
	[dreg:$0x2] =	wrdreg s2  }
0xa9: {  	[dreg:$0x3] =	wrdreg s4  }
0xaa: {  	[dreg:$0x4] =	wrdreg $0xC0  }
0xab: {  	_ =	task [dreg:s6], $0x5FFFF  }
0xac: {  	[dreg:$0x1] =	wrdreg $0xFFFFFFFF  }
0xad: {  	[dreg:$0x0] =	wrdreg $0x60  }
0xae: {  	[dreg:$0x2] =	wrdreg s24  }
0xaf: {  	[dreg:$0x3] =	wrdreg $0x43000  }
0xb0: {  	[dreg:$0x4] =	wrdreg $0x9  }
0xb1: {  	_ =	task.clear_ibuf [dreg:s6], $0x5FFFF;
	_ =	strace $0x9000004F  }
0xb2: {  	s29 =	simm.s32 $0x9;
	_ =	strace $0x80000051  }
0xb3: {  	_ =	swait.ge [sflag:s29], $0x1  }
0xb4: {  	[sflag:s29] =	ssyncadd.s32 $0xFFFFFFFF  }
0xb5: {  	_ =	strace $0x90000051  }
0xb6: {  	_ =	sfence  }
0xb7: {  	s30 =	sld [smem:$0x0];
	_ =	sdelay $0x2  }
0xb8: {  	s31 =	sshll.u32 s1, $0xD;
	s1 =	sshrl.u32 s1, $0x2  }
0xb9: {  	s3 =	sand.u32 $0x4000, s31;
	s1 =	sadd.s32 s1, s30  }
0xba: {  	s0 =	sor.u32 s3, s0;
	s1 =	sshll.u32 s1, $0x11  }
0xbb: {  	s0 =	sor.u32 s1, s0  }
0xbc: {  	s0 =	sadd.s32 $0x8F2B, s0  }
0xbd: {  	[sflag:s0] =	ssyncadd.remote.s32 $0x1  }
0xbe: {  	_ =	sfence.sel $0xFFFF  }
0xbf: {  	[dreg:$0x0] =	wrdreg $0xFFFFFFFF;
	(pc) =	sbr.abs _section_cstart, $3  }
0xc0: {  	[dreg:$0x1] =	wrdreg $0xFFFFFFFF  }
0xc1: {  	_ =	task.clear_ibuf [dreg:s6], $0x2FFFF;
	_ =	strace $0x9FFFFFFF  }
0xc2: {  	(tm) =	ssettm $0x7FFFFFFF  }
0xc3: {  	_ =	shalt  }
tec
execute0_lowered:
.L_overlay_start_1:
0x0: {  	(tag) =	ssettag $0x1  }
0x1: {  	s14 =	stileid.u32  }
0x2: {  	s1 =	srdreg.scid;
	s9 =	smul.u32 $0x3200, s14  }
0x3: {  	s1 =	sand.u32 $0x1, s1;
	s11 =	smul.u32 $0x64000, s14  }
0x4: {  	s0 =	rddreg [dreg:$0x0];
	s10 =	smul.u32 $0x32000, s1  }
0x5: {  	s2 =	rddreg [dreg:$0x1]  }
0x6: {  	s3 =	simm.s32 $0x0;
	s11 =	sshrl.u32 s11, $0x2;
	s9 =	sadd.s32 s9, s10  }
0x7: {  	s28 =	simm.s32 $0x300;
	s13 =	sadd.s32 s9, s0;
	s9 =	sadd.s32 s11, s2  }
0x8: {  	s29 =	simm.s32 $0x3;
	[smem:$0x7FF] =	sst s3;
	s11 =	sadd.s32 $0x2000, s9  }
0x9: {  	_ =	strace $0x80000050;
	s16 =	sadd.s32 $0x4000, s9;
	[dreg:$0x3] =	wrdreg s11  }
0xa: {  	s30 =	simm.s32 $0x200;
	s17 =	sadd.s32 $0x6000, s9;
	[dreg:$0x4] =	wrdreg s16  }
0xb: {  	s31 =	simm.s32 $0x100;
	s18 =	sadd.s32 $0x8000, s9;
	[dreg:$0x5] =	wrdreg s17  }
0xc: {  	s4 =	sadd.s32 $0xAC00, s0;
	s19 =	sadd.s32 $0xA000, s9;
	[dreg:$0x6] =	wrdreg s18  }
0xd: {  	s5 =	sadd.s32 $0x8A800, s0;
	s20 =	sadd.s32 $0xC000, s9;
	[dreg:$0x7] =	wrdreg s19  }
0xe: {  	s6 =	sadd.s32 $0xA4000, s0;
	s21 =	sadd.s32 $0xE000, s9;
	[dreg:$0x8] =	wrdreg s20  }
0xf: {  	s7 =	sadd.s32 $0x8B800, s0;
	s22 =	sadd.s32 $0x10000, s9;
	[dreg:$0x9] =	wrdreg s21  }
0x10: {  	s8 =	sadd.s32 $0xD5000, s0;
	s23 =	sadd.s32 $0x12000, s9;
	[dreg:$0xa] =	wrdreg s22  }
0x11: {  	s12 =	ssub.s32 $0x2, s1;
	s24 =	sadd.s32 $0x14000, s9;
	[dreg:$0xb] =	wrdreg s23  }
0x12: {  	s15 =	sshrl.u32 s12, $0x1;
	s25 =	sadd.s32 $0x16000, s9;
	[dreg:$0xc] =	wrdreg s24  }
0x13: {  	s10 =	ssub.s32 s12, s15;
	s26 =	sadd.s32 $0x18000, s9;
	[dreg:$0xd] =	wrdreg s25  }
0x14: {  	s12 =	simm.s32 $0x280;
	s15 =	simm.s32 $0x2;
	[dreg:$0xe] =	wrdreg s26  }
0x15: {  	s22 =	smul.u32 $0x18800, s1;
	s23 =	sadd.s32 $0x8B810, s0;
	s24 =	sadd.s32 $0x296000, s13  }
0x16: {  	s25 =	smax.u32 s10, $0x1;
	s26 =	smul.u32 $0xC4, s14;
	s0 =	simm.s32 $0x180  }
0x17: {  	s1 =	simm.s32 $0x80;
	s10 =	simm.s32 $0x2300;
	s11 =	simm.s32 $0x1300  }
0x18: {  	v0 =	vimm.f32 $0.0e+00;
	s13 =	simm.s32 $0x3300;
	s14 =	simm.s32 $0x1;
	s16 =	simm.s32 $0x0  }
.LBB2_1:
0x19: {  	s17 =	simm.s32 $0x80;
	s18 =	simm.s32 $0x0  }
.LBB2_2:
0x1a: {  	p0 =	sne.s32 s17, $0x7F80;
	[tilespmem:s18+$0x300] =	vst v0;
	s19 =	smov.u32 s17;
	s17 =	sadd.s32 $0x80, s17  }
.Ltmp0:
0x1b: {  	[tilespmem:s18+$0x310] =	vst v0;
	(pc) =	sbr.rel @p0 .LBB2_2-.Ltmp0, $2  }
0x1c: {  	_ =	sdelay $0x2  }
0x1d: {  	s18 =	sshra.s32 s19, $0x2  }
0x1e: {  	[tilespmem:s18+$0x300] =	vst v0  }
0x1f: {  	[tilespmem:s18+$0x310] =	vst v0  }
0x20: {  	[spmem:s9] =	stream.linear.scatter [tilespmem:s28], [sflag:$0x3], $0x2000, $0x38;
	[tilespmem:$0x1D300] =	vst v63  }
0x21: {  	_ =	swait.ge [sflag:s29], $0x2000  }
0x22: {  	[sflag:s29] =	ssyncset.done $0x0  }
0x23: {  	s17 =	rddreg [dreg:$0x3];
	[sflag:s29] =	ssyncadd.s32 $0xFFFFE000  }
0x24: {  	[spmem:s17] =	stream.linear.scatter [tilespmem:s28], [sflag:$0x3], $0x2000, $0x38;
	[tilespmem:$0x1D300] =	vst v63  }
0x25: {  	_ =	swait.ge [sflag:s29], $0x2000  }
0x26: {  	[sflag:s29] =	ssyncset.done $0x0  }
0x27: {  	s19 =	rddreg [dreg:$0x4];
	[sflag:s29] =	ssyncadd.s32 $0xFFFFE000  }
0x28: {  	[spmem:s19] =	stream.linear.scatter [tilespmem:s28], [sflag:$0x3], $0x2000, $0x38;
	[tilespmem:$0x1D300] =	vst v63  }
0x29: {  	_ =	swait.ge [sflag:s29], $0x2000  }
0x2a: {  	[sflag:s29] =	ssyncset.done $0x0  }
0x2b: {  	s20 =	rddreg [dreg:$0x5];
	[sflag:s29] =	ssyncadd.s32 $0xFFFFE000  }
0x2c: {  	[spmem:s20] =	stream.linear.scatter [tilespmem:s28], [sflag:$0x3], $0x2000, $0x38;
	[tilespmem:$0x1D300] =	vst v63  }
0x2d: {  	_ =	swait.ge [sflag:s29], $0x2000  }
0x2e: {  	[sflag:s29] =	ssyncset.done $0x0  }
0x2f: {  	s21 =	rddreg [dreg:$0x6];
	[sflag:s29] =	ssyncadd.s32 $0xFFFFE000  }
0x30: {  	[spmem:s21] =	stream.linear.scatter [tilespmem:s28], [sflag:$0x3], $0x2000, $0x38;
	[tilespmem:$0x1D300] =	vst v63  }
0x31: {  	_ =	swait.ge [sflag:s29], $0x2000  }
0x32: {  	[sflag:s29] =	ssyncset.done $0x0  }
0x33: {  	s18 =	rddreg [dreg:$0x7];
	[sflag:s29] =	ssyncadd.s32 $0xFFFFE000  }
0x34: {  	[spmem:s18] =	stream.linear.scatter [tilespmem:s28], [sflag:$0x3], $0x2000, $0x38;
	[tilespmem:$0x1D300] =	vst v63  }
0x35: {  	_ =	swait.ge [sflag:s29], $0x2000  }
0x36: {  	[sflag:s29] =	ssyncset.done $0x0  }
0x37: {  	s19 =	rddreg [dreg:$0x8];
	[sflag:s29] =	ssyncadd.s32 $0xFFFFE000  }
0x38: {  	[spmem:s19] =	stream.linear.scatter [tilespmem:s28], [sflag:$0x3], $0x2000, $0x38;
	[tilespmem:$0x1D300] =	vst v63  }
0x39: {  	_ =	swait.ge [sflag:s29], $0x2000  }
0x3a: {  	[sflag:s29] =	ssyncset.done $0x0  }
0x3b: {  	s20 =	rddreg [dreg:$0x9];
	[sflag:s29] =	ssyncadd.s32 $0xFFFFE000  }
0x3c: {  	[spmem:s20] =	stream.linear.scatter [tilespmem:s28], [sflag:$0x3], $0x2000, $0x38;
	[tilespmem:$0x1D300] =	vst v63  }
0x3d: {  	_ =	swait.ge [sflag:s29], $0x2000  }
0x3e: {  	[sflag:s29] =	ssyncset.done $0x0  }
0x3f: {  	s21 =	rddreg [dreg:$0xa];
	[sflag:s29] =	ssyncadd.s32 $0xFFFFE000  }
0x40: {  	[spmem:s21] =	stream.linear.scatter [tilespmem:s28], [sflag:$0x3], $0x2000, $0x38;
	[tilespmem:$0x1D300] =	vst v63  }
0x41: {  	_ =	swait.ge [sflag:s29], $0x2000  }
0x42: {  	[sflag:s29] =	ssyncset.done $0x0  }
0x43: {  	s18 =	rddreg [dreg:$0xb];
	[sflag:s29] =	ssyncadd.s32 $0xFFFFE000  }
0x44: {  	[spmem:s18] =	stream.linear.scatter [tilespmem:s28], [sflag:$0x3], $0x2000, $0x38;
	[tilespmem:$0x1D300] =	vst v63  }
0x45: {  	_ =	swait.ge [sflag:s29], $0x2000  }
0x46: {  	[sflag:s29] =	ssyncset.done $0x0  }
0x47: {  	s19 =	rddreg [dreg:$0xc];
	[sflag:s29] =	ssyncadd.s32 $0xFFFFE000  }
0x48: {  	[spmem:s19] =	stream.linear.scatter [tilespmem:s28], [sflag:$0x3], $0x2000, $0x38;
	[tilespmem:$0x1D300] =	vst v63  }
0x49: {  	_ =	swait.ge [sflag:s29], $0x2000  }
0x4a: {  	[sflag:s29] =	ssyncset.done $0x0  }
0x4b: {  	s20 =	rddreg [dreg:$0xd];
	[sflag:s29] =	ssyncadd.s32 $0xFFFFE000  }
0x4c: {  	[spmem:s20] =	stream.linear.scatter [tilespmem:s28], [sflag:$0x3], $0x2000, $0x38;
	[tilespmem:$0x1D300] =	vst v63  }
0x4d: {  	_ =	swait.ge [sflag:s29], $0x2000  }
0x4e: {  	[sflag:s29] =	ssyncset.done $0x0  }
0x4f: {  	s21 =	rddreg [dreg:$0xe];
	[sflag:s29] =	ssyncadd.s32 $0xFFFFE000  }
0x50: {  	[spmem:s21] =	stream.linear.scatter [tilespmem:s28], [sflag:$0x3], $0x1000, $0x38;
	[tilespmem:$0x1D300] =	vst v63  }
0x51: {  	_ =	swait.ge [sflag:s29], $0x1000  }
0x52: {  	[sflag:s29] =	ssyncset.done $0x0  }
0x53: {  	[sflag:s29] =	ssyncadd.s32 $0xFFFFF000  }
0x54: {  	s17 =	simm.s32 $0x0;
	[bflag:$0x0] =	sbarrier.arrive $0xFFFF  }
.LBB2_4:
0x55: {  	s18 =	sadd.s32 s26, s17  }
0x56: {  	s18 =	sshll.u32 s18, $0x5  }
0x57: {  	s19 =	sadd.s32 s22, s18  }
0x58: {  	s20 =	sadd.s32 s6, s19  }
0x59: {  	[tilespmem:s3], [sflag:$0x3] =	stream.linear.gather [hbm4b:s20+s3], $0x100, $0x38;
	[tilespmem:$0x1D300] =	vst v63  }
0x5a: {  	_ =	swait.ge [sflag:s29], $0x100  }
0x5b: {  	[sflag:s29] =	ssyncset.done $0x0  }
0x5c: {  	s19 =	sadd.s32 s8, s19;
	[sflag:s29] =	ssyncadd.s32 $0xFFFFFF00  }
0x5d: {  	[tilespmem:s30], [sflag:$0x3] =	stream.linear.gather [hbm4b:s19+s3], $0x100, $0x38;
	[tilespmem:$0x1D300] =	vst v63  }
0x5e: {  	_ =	swait.ge [sflag:s29], $0x100  }
0x5f: {  	[sflag:s29] =	ssyncset.done $0x0  }
0x60: {  	s21 =	sadd.s32 s7, s18;
	[sflag:s29] =	ssyncadd.s32 $0xFFFFFF00  }
0x61: {  	[tilespmem:s31], [sflag:$0x3] =	stream.linear.gather [hbm4b:s21+s3], $0x80, $0x38;
	[tilespmem:$0x1D300] =	vst v63  }
0x62: {  	_ =	swait.ge [sflag:s29], $0x80  }
0x63: {  	[sflag:s29] =	ssyncset.done $0x0  }
0x64: {  	s18 =	sadd.s32 s18, s23;
	[sflag:s29] =	ssyncadd.s32 $0xFFFFFF80  }
0x65: {  	[tilespmem:s0], [sflag:$0x3] =	stream.linear.gather [hbm4b:s18+s3], $0x80, $0x38;
	[tilespmem:$0x1D300] =	vst v63  }
0x66: {  	_ =	swait.ge [sflag:s29], $0x80  }
0x67: {  	[sflag:s29] =	ssyncset.done $0x0  }
0x68: {  	[sflag:s29] =	ssyncadd.s32 $0xFFFFFF80  }
0x69: {  	[tilespmem:s28], [sflag:$0x1] =	stream.indirect.gather [hbm4b:s4+s1], $0x20, s3, s1, $0xb8;
	[tilespmem:$0x1D300] =	vst v63  }
0x6a: {  	_ = 	snop  }
0x6b: {  	[tilespmem:s10], [sflag:$0x2] =	stream.indirect.gather [hbm4b:s5+s1], $0x20, s30, s1, $0xb8;
	[tilespmem:$0x1D300] =	vst v63  }
0x6c: {  	_ = 	snop  }
0x6d: {  	[tilespmem:s11], [sflag:$0x1] =	stream.indirect.gather [hbm4b:s4+s1], $0x20, s1, s1, $0xb8;
	[tilespmem:$0x1D300] =	vst v63  }
0x6e: {  	_ = 	snop  }
0x6f: {  	[tilespmem:s13], [sflag:$0x2] =	stream.indirect.gather [hbm4b:s5+s1], $0x20, s12, s1, $0xb8;
	[tilespmem:$0x1D300] =	vst v63  }
0x70: {  	_ =	swait.ge [sflag:s14], $0x1000  }
0x71: {  	[sflag:s14] =	ssyncset.done $0x0  }
0x72: {  	[sflag:s14] =	ssyncadd.s32 $0xFFFFF000  }
0x73: {  	_ =	swait.ge [sflag:s15], $0x1000  }
0x74: {  	[sflag:s15] =	ssyncset.done $0x0  }
0x75: {  	[sflag:s15] =	ssyncadd.s32 $0xFFFFF000  }
0x76: {  	_ =	swait.ge [sflag:s14], $0x1000  }
0x77: {  	[sflag:s14] =	ssyncset.done $0x0  }
0x78: {  	[sflag:s14] =	ssyncadd.s32 $0xFFFFF000  }
0x79: {  	_ =	swait.ge [sflag:s15], $0x1000  }
0x7a: {  	[sflag:s15] =	ssyncset.done $0x0  }
0x7b: {  	s18 =	simm.s32 $0x340;
	[sflag:s15] =	ssyncadd.s32 $0xFFFFF000  }
0x7c: {  	s19 =	simm.s32 $0x2340;
	v1 =	vld [tilespmem:s18+$0xFFFFFFC0]  }
0x7d: {  	v2 =	vld [tilespmem:s19+$0xFFFFFFC0];
	_ =	sdelay $0x4  }
0x7e: {  	v1 =	vadd.f32 v2, v1;
	_ =	sdelay $0x1  }
0x7f: {  	v1 =	vmax.f32 v1, $0.0e+00  }
0x80: {  	[tilespmem:s18+$0xFFFFFFC0] =	vst v1;
	v1 =	vld [tilespmem:s18+$0xFFFFFFD0]  }
0x81: {  	v2 =	vld [tilespmem:s19+$0xFFFFFFD0];
	_ =	sdelay $0x4  }
0x82: {  	v1 =	vadd.f32 v2, v1;
	_ =	sdelay $0x1  }
0x83: {  	v1 =	vmax.f32 v1, $0.0e+00  }
0x84: {  	[tilespmem:s18+$0xFFFFFFD0] =	vst v1;
	v1 =	vld [tilespmem:s18+$0xFFFFFFE0]  }
0x85: {  	v2 =	vld [tilespmem:s19+$0xFFFFFFE0];
	_ =	sdelay $0x4  }
0x86: {  	v1 =	vadd.f32 v2, v1;
	_ =	sdelay $0x1  }
0x87: {  	v1 =	vmax.f32 v1, $0.0e+00  }
0x88: {  	[tilespmem:s18+$0xFFFFFFE0] =	vst v1;
	v1 =	vld [tilespmem:s18+$0xFFFFFFF0]  }
0x89: {  	v2 =	vld [tilespmem:s19+$0xFFFFFFF0];
	_ =	sdelay $0x4  }
0x8a: {  	v1 =	vadd.f32 v2, v1;
	_ =	sdelay $0x1  }
0x8b: {  	v1 =	vmax.f32 v1, $0.0e+00  }
0x8c: {  	[tilespmem:s18+$0xFFFFFFF0] =	vst v1;
	v1 =	vld [tilespmem:s18+$0x0]  }
0x8d: {  	v2 =	vld [tilespmem:s19+$0x0];
	_ =	sdelay $0x4  }
0x8e: {  	v1 =	vadd.f32 v2, v1;
	_ =	sdelay $0x1  }
0x8f: {  	v1 =	vmax.f32 v1, $0.0e+00  }
0x90: {  	[tilespmem:s18+$0x0] =	vst v1;
	v1 =	vld [tilespmem:s18+$0x10]  }
0x91: {  	v2 =	vld [tilespmem:s19+$0x10];
	_ =	sdelay $0x4  }
0x92: {  	v1 =	vadd.f32 v2, v1;
	_ =	sdelay $0x1  }
0x93: {  	v1 =	vmax.f32 v1, $0.0e+00  }
0x94: {  	[tilespmem:s18+$0x10] =	vst v1;
	v1 =	vld [tilespmem:s18+$0x20]  }
0x95: {  	v2 =	vld [tilespmem:s19+$0x20];
	_ =	sdelay $0x4  }
0x96: {  	v1 =	vadd.f32 v2, v1;
	_ =	sdelay $0x1  }
0x97: {  	v1 =	vmax.f32 v1, $0.0e+00  }
0x98: {  	[tilespmem:s18+$0x20] =	vst v1;
	v1 =	vld [tilespmem:s18+$0x30]  }
0x99: {  	v2 =	vld [tilespmem:s19+$0x30];
	_ =	sdelay $0x4  }
0x9a: {  	v1 =	vadd.f32 v2, v1;
	_ =	sdelay $0x1  }
0x9b: {  	s20 =	simm.s32 $0x0;
	s21 =	simm.s32 $0x3C0;
	v1 =	vmax.f32 v1, $0.0e+00  }
.LBB2_5:
0x9c: {  	v2 =	vld [tilespmem:s21+$0xFFFFFFC0];
	[tilespmem:s18+$0x30] =	vst v1;
	s19 =	sadd.s32 $0x80, s19;
	s18 =	smov.u32 s21  }
0x9d: {  	s20 =	sadd.s32 $0x4, s20;
	v1 =	vld [tilespmem:s19+$0xFFFFFFC0]  }
0x9e: {  	p0 =	slt.u32 s20, $0xFC;
	_ =	sdelay $0x3  }
0x9f: {  	v1 =	vadd.f32 v1, v2;
	_ =	sdelay $0x1  }
0xa0: {  	v1 =	vmax.f32 v1, $0.0e+00  }
0xa1: {  	[tilespmem:s21+$0xFFFFFFC0] =	vst v1;
	v1 =	vld [tilespmem:s21+$0xFFFFFFD0]  }
0xa2: {  	v2 =	vld [tilespmem:s19+$0xFFFFFFD0];
	_ =	sdelay $0x4  }
0xa3: {  	v1 =	vadd.f32 v2, v1;
	_ =	sdelay $0x1  }
0xa4: {  	v1 =	vmax.f32 v1, $0.0e+00  }
0xa5: {  	[tilespmem:s21+$0xFFFFFFD0] =	vst v1;
	v1 =	vld [tilespmem:s21+$0xFFFFFFE0]  }
0xa6: {  	v2 =	vld [tilespmem:s19+$0xFFFFFFE0];
	_ =	sdelay $0x4  }
0xa7: {  	v1 =	vadd.f32 v2, v1;
	_ =	sdelay $0x1  }
0xa8: {  	v1 =	vmax.f32 v1, $0.0e+00  }
0xa9: {  	[tilespmem:s21+$0xFFFFFFE0] =	vst v1;
	v1 =	vld [tilespmem:s21+$0xFFFFFFF0]  }
0xaa: {  	v2 =	vld [tilespmem:s19+$0xFFFFFFF0];
	_ =	sdelay $0x4  }
0xab: {  	v1 =	vadd.f32 v2, v1;
	_ =	sdelay $0x1  }
0xac: {  	v1 =	vmax.f32 v1, $0.0e+00  }
0xad: {  	[tilespmem:s21+$0xFFFFFFF0] =	vst v1;
	v1 =	vld [tilespmem:s21+$0x0]  }
0xae: {  	v2 =	vld [tilespmem:s19+$0x0];
	_ =	sdelay $0x4  }
0xaf: {  	v1 =	vadd.f32 v2, v1;
	_ =	sdelay $0x1  }
0xb0: {  	v1 =	vmax.f32 v1, $0.0e+00  }
0xb1: {  	[tilespmem:s21+$0x0] =	vst v1;
	v1 =	vld [tilespmem:s21+$0x10]  }
0xb2: {  	v2 =	vld [tilespmem:s19+$0x10];
	_ =	sdelay $0x4  }
0xb3: {  	v1 =	vadd.f32 v2, v1;
	_ =	sdelay $0x1  }
0xb4: {  	v1 =	vmax.f32 v1, $0.0e+00  }
0xb5: {  	[tilespmem:s21+$0x10] =	vst v1;
	v1 =	vld [tilespmem:s21+$0x20]  }
0xb6: {  	v2 =	vld [tilespmem:s19+$0x20];
	_ =	sdelay $0x4  }
0xb7: {  	v1 =	vadd.f32 v2, v1;
	_ =	sdelay $0x1  }
0xb8: {  	v1 =	vmax.f32 v1, $0.0e+00  }
0xb9: {  	[tilespmem:s21+$0x20] =	vst v1;
	v1 =	vld [tilespmem:s21+$0x30]  }
0xba: {  	v2 =	vld [tilespmem:s19+$0x30];
	_ =	sdelay $0x2  }
.Ltmp1:
0xbb: {  	(pc) =	sbr.rel @p0 .LBB2_5-.Ltmp1, $3  }
0xbc: {  	_ = 	snop  }
0xbd: {  	v1 =	vadd.f32 v2, v1;
	_ =	sdelay $0x1  }
0xbe: {  	s21 =	sadd.s32 $0x80, s21;
	v1 =	vmax.f32 v1, $0.0e+00  }
0xbf: {  	[tilespmem:s18+$0x30] =	vst v1  }
0xc0: {  	[spmem:s2] =	stream.indirect.scatter.add.f32 [tilespmem:s28], [sflag:$0x3], $0x20, s31, s1, $0xb8;
	[tilespmem:$0x1D300] =	vst v63  }
0xc1: {  	s17 =	sadd.s32 $0x1, s17;
	_ =	swait.ge [sflag:s29], $0x1000  }
0xc2: {  	p0 =	sne.s32 s17, $0xC4;
	[sflag:s29] =	ssyncset.done $0x0  }
.Ltmp2:
0xc3: {  	[sflag:s29] =	ssyncadd.s32 $0xFFFFF000;
	(pc) =	sbr.rel @p0 .LBB2_4-.Ltmp2, $4  }
0xc4: {  	[spmem:s2] =	stream.indirect.scatter.add.f32 [tilespmem:s11], [sflag:$0x3], $0x20, s0, s1, $0xb8;
	[tilespmem:$0x1D300] =	vst v63  }
0xc5: {  	_ =	swait.ge [sflag:s29], $0x1000  }
0xc6: {  	[sflag:s29] =	ssyncset.done $0x0  }
0xc7: {  	[sflag:s29] =	ssyncadd.s32 $0xFFFFF000  }
0xc8: {  	s17 =	stileid.u32;
	s16 =	sadd.s32 $0x1, s16  }
0xc9: {  	[bflag:$0x0] =	sbarrier.arrive $0xFFFF;
	s17 =	sshll.u32 s17, $0x6;
	p0 =	sne.s32 s16, s25  }
.Ltmp3:
0xca: {  	s18 =	sshrl.u32 s9, $0x3;
	s17 =	sor.u32 $0x1C03, s17;
	(pc) =	sbr.rel @p0 .LBB2_1-.Ltmp3, $4  }
0xcb: {  	[hbm:s24], [sflag:s17] =	dma.local [spmem:s18], $0x3200  }
0xcc: {  	_ =	swait.ge [sflag:s29], $0x3200  }
0xcd: {  	[sflag:s29] =	ssyncset.done $0x0  }
0xce: {  	[sflag:s29] =	ssyncadd.s32 $0xFFFFCE00  }
0xcf: {  	_ =	sfence.sel $0x180000  }
0xd0: {  	[bflag:$0x0] =	sbarrier.arrive $0xFFFF  }
0xd1: {  	_ =	strace $0x90000050  }
0xd2: {  	s0 =	stileid.u32;
	[bflag:$0x2] =	sbarrier.arrive $0xFFFF  }
0xd3: {  	p0 =	sne.s32 s0, $0x0;
	s0 =	rddreg [dreg:$0x2]  }
0xd4: {  	s0 =	sadd.s32 @!p0 $0x100000, s0  }
0xd5: {  	[sflag:s0] =	ssyncadd.tile.s32 @!p0 $0x1;
	_ =	shalt  }
.Lfunc_end2:
_tile_overlayer_lowered:
.L_overlay_start_2:
0xd6: {  	(tag) =	ssettag $0x2  }
0xd7: {  	s0 =	rddreg [dreg:$0x0];
	s2 =	stileid.u32  }
0xd8: {  	s1 =	rddreg [dreg:$0x1];
	p0 =	sne.s32 s2, $0x0  }
0xd9: {  	s3 =	rddreg [dreg:$0x2];
	[bflag:$0x3] =	sbarrier.arrive $0xFFFF;
	s2 =	simm.s32 @!p0 $0x1C03  }
0xda: {  	[timem:s3], [sflag:s2] =	dma.local @!p0 [hbm:s0], s1  }
0xdb: {  	s0 =	simm.s32 @!p0 $0x3  }
0xdc: {  	_ =	swait.ge @!p0 [sflag:s0], s1  }
0xdd: {  	s1 =	ssub.s32 @!p0 $0x0, s1;
	[sflag:s0] =	ssyncset.done @!p0 $0x0  }
0xde: {  	[sflag:s0] =	ssyncadd.s32 @!p0 s1  }
0xdf: {  	[bflag:$0x3] =	sbarrier.arrive $0xFFFF  }
0xe0: {  	_ =	shalt  }

// kernel: kernel.29.cloned.1.call-start
scs
__scs_entry_jumppad:
0x0: {  	(pc) =	sbr.rel $0x88, $3  }
0x1: {  	(tag) =	ssettag $0x0;
	lr =	simm.s32 $0x1  }
0x2: {  	[smem:$0x3F8E] =	sst lr;
	_ =	strace $0xD0000000  }
0x3: {  	_ = 	snop  }
0x4: {  	_ = 	snop  }
0x5: {  	_ = 	snop  }
0x6: {  	_ = 	snop  }
0x7: {  	_ = 	snop  }
__scs_overlays_trampoline_lowered:
0x8: {  	[smem:$0x3F9D] =	sst s0  }
0x9: {  	[smem:$0x3F9E] =	sst s1  }
0xa: {  	[smem:$0x3F9F] =	sst s2  }
0xb: {  	[smem:$0x3FA0] =	sst s3  }
0xc: {  	[smem:$0x3FA1] =	sst s4  }
0xd: {  	[smem:$0x3FA2] =	sst s5  }
0xe: {  	[smem:$0x3FA3] =	sst s6  }
0xf: {  	[smem:$0x3FA4] =	sst s7  }
0x10: {  	[smem:$0x3FA5] =	sst s8  }
0x11: {  	[smem:$0x3FA6] =	sst s9;
	s0 =	simm.s32 @!p0 $0x0  }
0x12: {  	s1 =	sld [smem:$0x3F8C];
	s0 =	simm.s32 @p0 $0x1  }
0x13: {  	[smem:$0x3FA7] =	sst s0;
	s0 =	simm.s32 @!p1 $0x0  }
0x14: {  	s2 =	sld [smem:$0x3F8B];
	s0 =	simm.s32 @p1 $0x1  }
0x15: {  	[smem:$0x3FA8] =	sst s0;
	s0 =	simm.s32 @!p2 $0x0  }
0x16: {  	s3 =	sld [smem:$0x3FDB];
	s0 =	simm.s32 @p2 $0x1  }
0x17: {  	s4 =	simm.s32 $0x1BF5;
	[smem:$0x3FAA] =	sst s0  }
0x18: {  	s0 =	sld [smem:$0x3F8D];
	_ =	swait.ge [sflag:s4], $0x0  }
0x19: {  	s7 =	sld [smem:$0x3F8E]  }
0x1a: {  	s8 =	sadd.s32 $0xFFFFE003, lr  }
0x1b: {  	s9 =	sadd.s32 $0xFFFFFEF7, lr;
	s5 =	simm.s32 $0xFFFFFFFF;
	p2 =	slt.u32 s8, $0xFFFFF086  }
0x1c: {  	p1 =	slt.u32 s9, $0xF7A;
	s5 =	simm.s32 @!p2 $0x0  }
0x1d: {  	s5 =	simm.s32 @p1 $0x1;
	p0 =	seq.s32 s7, s2  }
0x1e: {  	s7 =	smul.u32 @!p0 $0xF7A, s2;
	p2 =	seq.s32 @!p0 s5, $0x0  }
0x1f: {  	s9 =	smul.u32 $0xF7A, s1;
	s8 =	simm.s32 @!p0 $0x1BF5;
	p2 =	por !p2, p0  }
0x20: {  	[sflag:s8] =	ssyncset.s32 @!p0 $0xFFFFF086;
	s6 =	sadd.s32 @!p0 s3, s7;
	s7 =	simm.s32 @!p0 $0x108  }
0x21: {  	s3 =	sadd.s32 s3, s9;
	s6 =	sadd.s32 @!p0 $0x88, s6;
	s7 =	simm.s32 @p2 $0x1082  }
0x22: {  	[simem:s7], [sflag:s8] =	dma.local @!p0 [hbm:s6], $0xF7A  }
0x23: {  	s9 =	sor.u32 $0xD0000000, s2;
	s6 =	simm.s32 $0x108;
	_ =	swait.ge @!p0 [sflag:s8], $0x0  }
0x24: {  	s3 =	sadd.s32 $0x88, s3;
	s6 =	simm.s32 @!p1 $0x1082;
	[sflag:s4] =	ssyncset.s32 $0xFFFFF086  }
0x25: {  	[simem:s6], [sflag:s4] =	dma.local [hbm:s3], $0xF7A  }
0x26: {  	[smem:$0x3F8E] =	sst s1;
	(tag) =	ssettag s2;
	_ =	strace s9  }
0x27: {  	s1 =	sld [smem:$0x3F9E]  }
0x28: {  	s2 =	sld [smem:$0x3F9F]  }
0x29: {  	s4 =	sld [smem:$0x3FA1]  }
0x2a: {  	p0 =	seq.s32 s5, $0x0;
	s5 =	sld [smem:$0x3FA2]  }
0x2b: {  	s6 =	sld [smem:$0x3FA3]  }
0x2c: {  	s7 =	sld [smem:$0x3FA4]  }
0x2d: {  	s3 =	simm.s32 $0x108;
	s8 =	sld [smem:$0x3FA5]  }
0x2e: {  	s3 =	simm.s32 @!p0 $0x1082;
	s9 =	sld [smem:$0x3FA6]  }
0x2f: {  	lr =	sadd.s32 s0, s3;
	s0 =	sld [smem:$0x3F9D]  }
0x30: {  	s3 =	sld [smem:$0x3FA0]  }
0x31: {  	[smem:$0x3FA9] =	sst s10  }
0x32: {  	s10 =	sld [smem:$0x3FA7];
	_ =	sdelay $0x3  }
0x33: {  	p0 =	seq.s32 s10, $0x1;
	s10 =	sld [smem:$0x3FA9];
	_ =	sdelay $0x3  }
0x34: {  	[smem:$0x3FA9] =	sst s10  }
0x35: {  	s10 =	sld [smem:$0x3FA8];
	_ =	sdelay $0x3  }
0x36: {  	p1 =	seq.s32 s10, $0x1;
	s10 =	sld [smem:$0x3FA9];
	_ =	sdelay $0x3  }
0x37: {  	[smem:$0x3FA9] =	sst s10  }
0x38: {  	s10 =	sld [smem:$0x3FAA]  }
0x39: {  	_ = 	snop;
	(pc) =	sbr.ind lr, $3  }
0x3a: {  	_ = 	snop  }
0x3b: {  	_ = 	snop  }
0x3c: {  	p2 =	seq.s32 s10, $0x1;
	s10 =	sld [smem:$0x3FA9]  }
0x3d: {  	_ =	shalt  }
0x3e: {  	_ =	shalt  }
0x3f: {  	_ =	shalt  }
0x40: {  	_ =	shalt  }
0x41: {  	_ =	shalt  }
0x42: {  	_ =	shalt  }
0x43: {  	_ =	shalt  }
0x44: {  	_ =	shalt  }
0x45: {  	_ =	shalt  }
0x46: {  	_ =	shalt  }
0x47: {  	_ =	shalt  }
0x48: {  	_ =	shalt  }
0x49: {  	_ =	shalt  }
0x4a: {  	_ =	shalt  }
0x4b: {  	_ =	shalt  }
0x4c: {  	_ =	shalt  }
0x4d: {  	_ =	shalt  }
0x4e: {  	_ =	shalt  }
0x4f: {  	_ =	shalt  }
0x50: {  	_ =	shalt  }
0x51: {  	_ =	shalt  }
0x52: {  	_ =	shalt  }
0x53: {  	_ =	shalt  }
0x54: {  	_ =	shalt  }
0x55: {  	_ =	shalt  }
0x56: {  	_ =	shalt  }
0x57: {  	_ =	shalt  }
0x58: {  	_ =	shalt  }
0x59: {  	_ =	shalt  }
0x5a: {  	_ =	shalt  }
0x5b: {  	_ =	shalt  }
0x5c: {  	_ =	shalt  }
0x5d: {  	_ =	shalt  }
0x5e: {  	_ =	shalt  }
0x5f: {  	_ =	shalt  }
0x60: {  	_ =	shalt  }
0x61: {  	_ =	shalt  }
0x62: {  	_ =	shalt  }
0x63: {  	_ =	shalt  }
0x64: {  	_ =	shalt  }
0x65: {  	_ =	shalt  }
0x66: {  	_ =	shalt  }
0x67: {  	_ =	shalt  }
0x68: {  	_ =	shalt  }
0x69: {  	_ =	shalt  }
0x6a: {  	_ =	shalt  }
0x6b: {  	_ =	shalt  }
0x6c: {  	_ =	shalt  }
0x6d: {  	_ =	shalt  }
0x6e: {  	_ =	shalt  }
0x6f: {  	_ =	shalt  }
0x70: {  	_ =	shalt  }
0x71: {  	_ =	shalt  }
0x72: {  	_ =	shalt  }
0x73: {  	_ =	shalt  }
0x74: {  	_ =	shalt  }
0x75: {  	_ =	shalt  }
0x76: {  	_ =	shalt  }
0x77: {  	_ =	shalt  }
0x78: {  	_ =	shalt  }
0x79: {  	_ =	shalt  }
0x7a: {  	_ =	shalt  }
0x7b: {  	_ =	shalt  }
0x7c: {  	_ =	shalt  }
0x7d: {  	_ =	shalt  }
0x7e: {  	_ =	shalt  }
0x7f: {  	_ =	shalt  }
0x80: {  	_ =	shalt  }
0x81: {  	_ =	shalt  }
0x82: {  	_ =	shalt  }
0x83: {  	_ =	shalt  }
0x84: {  	_ =	shalt  }
0x85: {  	_ =	shalt  }
0x86: {  	_ =	shalt  }
0x87: {  	_ =	shalt  }
.Lfunc_end0:
.L_simem_size_0:
called_computation.4_lowered:
.L_overlay_start_0:
0x88: {  	s2 =	sld [smem:$0x3FD9]  }
0x89: {  	s3 =	sld [smem:$0x3FFE];
	_ =	sdelay $0x1  }
0x8a: {  	s1 =	srdreg.scid  }
0x8b: {  	s0 =	sand.u32 $0x1, s1  }
0x8c: {  	s16 =	sshll.u32 s0, $0xA;
	s2 =	sadd.s32 s3, s2  }
0x8d: {  	s2 =	sadd.s32 s2, s16  }
0x8e: {  	[smem:$0x3FB5] =	sst s2  }
0x8f: {  	_ = 	snop  }
0x90: {  	(tm) =	ssettm $0x1  }
0x91: {  	s17 =	sld [smem:$0x3FFB];
	_ =	sdelay $0x3  }
0x92: {  	_ =	strace s17  }
0x93: {  	s2 =	sld [smem:$0x3FFC];
	_ =	sdelay $0x3  }
0x94: {  	_ =	strace s2  }
0x95: {  	s2 =	sld [smem:$0x3FFD];
	_ =	sdelay $0x3  }
0x96: {  	_ =	strace s2  }
0x97: {  	_ =	strace $0x8FFFFFFF  }
0x98: {  	s18 =	sld [smem:$0x3FDB];
	_ =	sdelay $0x1  }
0x99: {  	s19 =	simm.s32 $_scs_section_size  }
0x9a: {  	s4 =	simm.s32 $_size__tile_overlayer_lowered;
	s5 =	simm.s32 $_tile_overlayer_lowered  }
0x9b: {  	s22 =	simm.s32 $0x1BFF;
	s21 =	sshll.u32 s5, $0x1;
	s2 =	sadd.s32 s19, s18  }
0x9c: {  	s6 =	simm.s32 $0x0;
	s20 =	sshll.u32 s4, $0x1;
	s4 =	sadd.s32 s21, s2  }
0x9d: {  	[timem:s6], [sflag:s22] =	dma.local [hbm:s4], s20  }
0x9e: {  	_ =	swait.ge [sflag:s22], s20  }
0x9f: {  	s3 =	ssub.s32 $0x0, s20;
	[sflag:s22] =	ssyncset.done $0x0  }
0xa0: {  	[sflag:s22] =	ssyncadd.s32 s3;
	_ =	sdelay $0x1  }
0xa1: {  	s23 =	simm.s32 $0x1B8B  }
0xa2: {  	_ =	swait.ge [sflag:s23], $0x1  }
0xa3: {  	[sflag:s23] =	ssyncset.done $0x0  }
0xa4: {  	s25 =	simm.s32 $0x1B8E;
	s24 =	sld [smem:$0x3FFE];
	[sflag:s23] =	ssyncadd.s32 $0xFFFFFFFF  }
0xa5: {  	s26 =	simm.s32 $execute0_lowered;
	[smem:$0x3FD2] =	sst s25  }
0xa6: {  	s4 =	sshll.u32 s26, $0x1;
	_ =	strace $0x80000052;
	[dreg:$0x1] =	wrdreg $0xFFFFFFFF  }
0xa7: {  	s28 =	simm.s32 $_size_execute0_lowered;
	s2 =	sadd.s32 s2, s4;
	[dreg:$0x0] =	wrdreg $0x0  }
0xa8: {  	s4 =	sshll.u32 s28, $0x1;
	[dreg:$0x2] =	wrdreg s2  }
0xa9: {  	[dreg:$0x3] =	wrdreg s4  }
0xaa: {  	[dreg:$0x4] =	wrdreg $0xC0  }
0xab: {  	_ =	task [dreg:s6], $0x5FFFF  }
0xac: {  	[dreg:$0x1] =	wrdreg $0xFFFFFFFF  }
0xad: {  	[dreg:$0x0] =	wrdreg $0x60  }
0xae: {  	[dreg:$0x2] =	wrdreg s24  }
0xaf: {  	[dreg:$0x3] =	wrdreg $0x43000  }
0xb0: {  	[dreg:$0x4] =	wrdreg $0x9  }
0xb1: {  	_ =	task.clear_ibuf [dreg:s6], $0x5FFFF;
	_ =	strace $0x90000052  }
0xb2: {  	s29 =	simm.s32 $0x9;
	_ =	strace $0x80000054  }
0xb3: {  	_ =	swait.ge [sflag:s29], $0x1  }
0xb4: {  	[sflag:s29] =	ssyncadd.s32 $0xFFFFFFFF  }
0xb5: {  	_ =	strace $0x90000054  }
0xb6: {  	_ =	sfence  }
0xb7: {  	s30 =	sld [smem:$0x0];
	_ =	sdelay $0x2  }
0xb8: {  	s31 =	sshll.u32 s1, $0xD;
	s1 =	sshrl.u32 s1, $0x2  }
0xb9: {  	s3 =	sand.u32 $0x4000, s31;
	s1 =	sadd.s32 s1, s30  }
0xba: {  	s0 =	sor.u32 s3, s0;
	s1 =	sshll.u32 s1, $0x11  }
0xbb: {  	s0 =	sor.u32 s1, s0  }
0xbc: {  	s0 =	sadd.s32 $0x8F2B, s0  }
0xbd: {  	[sflag:s0] =	ssyncadd.remote.s32 $0x1  }
0xbe: {  	_ =	sfence.sel $0xFFFF  }
0xbf: {  	[dreg:$0x0] =	wrdreg $0xFFFFFFFF;
	(pc) =	sbr.abs _section_cstart, $3  }
0xc0: {  	[dreg:$0x1] =	wrdreg $0xFFFFFFFF  }
0xc1: {  	_ =	task.clear_ibuf [dreg:s6], $0x2FFFF;
	_ =	strace $0x9FFFFFFF  }
0xc2: {  	(tm) =	ssettm $0x7FFFFFFF  }
0xc3: {  	_ =	shalt  }
tec
execute0_lowered:
.L_overlay_start_1:
0x0: {  	(tag) =	ssettag $0x1  }
0x1: {  	s14 =	stileid.u32  }
0x2: {  	s1 =	srdreg.scid;
	s9 =	smul.u32 $0x3200, s14  }
0x3: {  	s1 =	sand.u32 $0x1, s1;
	s11 =	smul.u32 $0x64000, s14  }
0x4: {  	s0 =	rddreg [dreg:$0x0];
	s10 =	smul.u32 $0x32000, s1  }
0x5: {  	s2 =	rddreg [dreg:$0x1]  }
0x6: {  	s3 =	simm.s32 $0x0;
	s11 =	sshrl.u32 s11, $0x2;
	s9 =	sadd.s32 s9, s10  }
0x7: {  	s28 =	simm.s32 $0x300;
	s13 =	sadd.s32 s9, s0;
	s9 =	sadd.s32 s11, s2  }
0x8: {  	s29 =	simm.s32 $0x3;
	[smem:$0x7FF] =	sst s3;
	s11 =	sadd.s32 $0x2000, s9  }
0x9: {  	_ =	strace $0x80000053;
	s16 =	sadd.s32 $0x4000, s9;
	[dreg:$0x3] =	wrdreg s11  }
0xa: {  	s30 =	simm.s32 $0x200;
	s17 =	sadd.s32 $0x6000, s9;
	[dreg:$0x4] =	wrdreg s16  }
0xb: {  	s31 =	simm.s32 $0x100;
	s18 =	sadd.s32 $0x8000, s9;
	[dreg:$0x5] =	wrdreg s17  }
0xc: {  	s4 =	sadd.s32 $0xAC00, s0;
	s19 =	sadd.s32 $0xA000, s9;
	[dreg:$0x6] =	wrdreg s18  }
0xd: {  	s5 =	sadd.s32 $0x8A800, s0;
	s20 =	sadd.s32 $0xC000, s9;
	[dreg:$0x7] =	wrdreg s19  }
0xe: {  	s6 =	sadd.s32 $0xA4000, s0;
	s21 =	sadd.s32 $0xE000, s9;
	[dreg:$0x8] =	wrdreg s20  }
0xf: {  	s7 =	sadd.s32 $0x8B800, s0;
	s22 =	sadd.s32 $0x10000, s9;
	[dreg:$0x9] =	wrdreg s21  }
0x10: {  	s8 =	sadd.s32 $0xD5000, s0;
	s23 =	sadd.s32 $0x12000, s9;
	[dreg:$0xa] =	wrdreg s22  }
0x11: {  	s12 =	ssub.s32 $0x2, s1;
	s24 =	sadd.s32 $0x14000, s9;
	[dreg:$0xb] =	wrdreg s23  }
0x12: {  	s15 =	sshrl.u32 s12, $0x1;
	s25 =	sadd.s32 $0x16000, s9;
	[dreg:$0xc] =	wrdreg s24  }
0x13: {  	s10 =	ssub.s32 s12, s15;
	s26 =	sadd.s32 $0x18000, s9;
	[dreg:$0xd] =	wrdreg s25  }
0x14: {  	s12 =	simm.s32 $0x280;
	s15 =	simm.s32 $0x2;
	[dreg:$0xe] =	wrdreg s26  }
0x15: {  	s22 =	smul.u32 $0x18800, s1;
	s23 =	sadd.s32 $0x8B810, s0;
	s24 =	sadd.s32 $0x106000, s13  }
0x16: {  	s25 =	smax.u32 s10, $0x1;
	s26 =	smul.u32 $0xC4, s14;
	s0 =	simm.s32 $0x180  }
0x17: {  	s1 =	simm.s32 $0x80;
	s10 =	simm.s32 $0x2300;
	s11 =	simm.s32 $0x1300  }
0x18: {  	v0 =	vimm.f32 $0.0e+00;
	s13 =	simm.s32 $0x3300;
	s14 =	simm.s32 $0x1;
	s16 =	simm.s32 $0x0  }
.LBB2_1:
0x19: {  	s17 =	simm.s32 $0x80;
	s18 =	simm.s32 $0x0  }
.LBB2_2:
0x1a: {  	p0 =	sne.s32 s17, $0x7F80;
	[tilespmem:s18+$0x300] =	vst v0;
	s19 =	smov.u32 s17;
	s17 =	sadd.s32 $0x80, s17  }
.Ltmp0:
0x1b: {  	[tilespmem:s18+$0x310] =	vst v0;
	(pc) =	sbr.rel @p0 .LBB2_2-.Ltmp0, $2  }
0x1c: {  	_ =	sdelay $0x2  }
0x1d: {  	s18 =	sshra.s32 s19, $0x2  }
0x1e: {  	[tilespmem:s18+$0x300] =	vst v0  }
0x1f: {  	[tilespmem:s18+$0x310] =	vst v0  }
0x20: {  	[spmem:s9] =	stream.linear.scatter [tilespmem:s28], [sflag:$0x3], $0x2000, $0x38;
	[tilespmem:$0x1D300] =	vst v63  }
0x21: {  	_ =	swait.ge [sflag:s29], $0x2000  }
0x22: {  	[sflag:s29] =	ssyncset.done $0x0  }
0x23: {  	s17 =	rddreg [dreg:$0x3];
	[sflag:s29] =	ssyncadd.s32 $0xFFFFE000  }
0x24: {  	[spmem:s17] =	stream.linear.scatter [tilespmem:s28], [sflag:$0x3], $0x2000, $0x38;
	[tilespmem:$0x1D300] =	vst v63  }
0x25: {  	_ =	swait.ge [sflag:s29], $0x2000  }
0x26: {  	[sflag:s29] =	ssyncset.done $0x0  }
0x27: {  	s19 =	rddreg [dreg:$0x4];
	[sflag:s29] =	ssyncadd.s32 $0xFFFFE000  }
0x28: {  	[spmem:s19] =	stream.linear.scatter [tilespmem:s28], [sflag:$0x3], $0x2000, $0x38;
	[tilespmem:$0x1D300] =	vst v63  }
0x29: {  	_ =	swait.ge [sflag:s29], $0x2000  }
0x2a: {  	[sflag:s29] =	ssyncset.done $0x0  }
0x2b: {  	s20 =	rddreg [dreg:$0x5];
	[sflag:s29] =	ssyncadd.s32 $0xFFFFE000  }
0x2c: {  	[spmem:s20] =	stream.linear.scatter [tilespmem:s28], [sflag:$0x3], $0x2000, $0x38;
	[tilespmem:$0x1D300] =	vst v63  }
0x2d: {  	_ =	swait.ge [sflag:s29], $0x2000  }
0x2e: {  	[sflag:s29] =	ssyncset.done $0x0  }
0x2f: {  	s21 =	rddreg [dreg:$0x6];
	[sflag:s29] =	ssyncadd.s32 $0xFFFFE000  }
0x30: {  	[spmem:s21] =	stream.linear.scatter [tilespmem:s28], [sflag:$0x3], $0x2000, $0x38;
	[tilespmem:$0x1D300] =	vst v63  }
0x31: {  	_ =	swait.ge [sflag:s29], $0x2000  }
0x32: {  	[sflag:s29] =	ssyncset.done $0x0  }
0x33: {  	s18 =	rddreg [dreg:$0x7];
	[sflag:s29] =	ssyncadd.s32 $0xFFFFE000  }
0x34: {  	[spmem:s18] =	stream.linear.scatter [tilespmem:s28], [sflag:$0x3], $0x2000, $0x38;
	[tilespmem:$0x1D300] =	vst v63  }
0x35: {  	_ =	swait.ge [sflag:s29], $0x2000  }
0x36: {  	[sflag:s29] =	ssyncset.done $0x0  }
0x37: {  	s19 =	rddreg [dreg:$0x8];
	[sflag:s29] =	ssyncadd.s32 $0xFFFFE000  }
0x38: {  	[spmem:s19] =	stream.linear.scatter [tilespmem:s28], [sflag:$0x3], $0x2000, $0x38;
	[tilespmem:$0x1D300] =	vst v63  }
0x39: {  	_ =	swait.ge [sflag:s29], $0x2000  }
0x3a: {  	[sflag:s29] =	ssyncset.done $0x0  }
0x3b: {  	s20 =	rddreg [dreg:$0x9];
	[sflag:s29] =	ssyncadd.s32 $0xFFFFE000  }
0x3c: {  	[spmem:s20] =	stream.linear.scatter [tilespmem:s28], [sflag:$0x3], $0x2000, $0x38;
	[tilespmem:$0x1D300] =	vst v63  }
0x3d: {  	_ =	swait.ge [sflag:s29], $0x2000  }
0x3e: {  	[sflag:s29] =	ssyncset.done $0x0  }
0x3f: {  	s21 =	rddreg [dreg:$0xa];
	[sflag:s29] =	ssyncadd.s32 $0xFFFFE000  }
0x40: {  	[spmem:s21] =	stream.linear.scatter [tilespmem:s28], [sflag:$0x3], $0x2000, $0x38;
	[tilespmem:$0x1D300] =	vst v63  }
0x41: {  	_ =	swait.ge [sflag:s29], $0x2000  }
0x42: {  	[sflag:s29] =	ssyncset.done $0x0  }
0x43: {  	s18 =	rddreg [dreg:$0xb];
	[sflag:s29] =	ssyncadd.s32 $0xFFFFE000  }
0x44: {  	[spmem:s18] =	stream.linear.scatter [tilespmem:s28], [sflag:$0x3], $0x2000, $0x38;
	[tilespmem:$0x1D300] =	vst v63  }
0x45: {  	_ =	swait.ge [sflag:s29], $0x2000  }
0x46: {  	[sflag:s29] =	ssyncset.done $0x0  }
0x47: {  	s19 =	rddreg [dreg:$0xc];
	[sflag:s29] =	ssyncadd.s32 $0xFFFFE000  }
0x48: {  	[spmem:s19] =	stream.linear.scatter [tilespmem:s28], [sflag:$0x3], $0x2000, $0x38;
	[tilespmem:$0x1D300] =	vst v63  }
0x49: {  	_ =	swait.ge [sflag:s29], $0x2000  }
0x4a: {  	[sflag:s29] =	ssyncset.done $0x0  }
0x4b: {  	s20 =	rddreg [dreg:$0xd];
	[sflag:s29] =	ssyncadd.s32 $0xFFFFE000  }
0x4c: {  	[spmem:s20] =	stream.linear.scatter [tilespmem:s28], [sflag:$0x3], $0x2000, $0x38;
	[tilespmem:$0x1D300] =	vst v63  }
0x4d: {  	_ =	swait.ge [sflag:s29], $0x2000  }
0x4e: {  	[sflag:s29] =	ssyncset.done $0x0  }
0x4f: {  	s21 =	rddreg [dreg:$0xe];
	[sflag:s29] =	ssyncadd.s32 $0xFFFFE000  }
0x50: {  	[spmem:s21] =	stream.linear.scatter [tilespmem:s28], [sflag:$0x3], $0x1000, $0x38;
	[tilespmem:$0x1D300] =	vst v63  }
0x51: {  	_ =	swait.ge [sflag:s29], $0x1000  }
0x52: {  	[sflag:s29] =	ssyncset.done $0x0  }
0x53: {  	[sflag:s29] =	ssyncadd.s32 $0xFFFFF000  }
0x54: {  	s17 =	simm.s32 $0x0;
	[bflag:$0x0] =	sbarrier.arrive $0xFFFF  }
.LBB2_4:
0x55: {  	s18 =	sadd.s32 s26, s17  }
0x56: {  	s18 =	sshll.u32 s18, $0x5  }
0x57: {  	s19 =	sadd.s32 s22, s18  }
0x58: {  	s20 =	sadd.s32 s6, s19  }
0x59: {  	[tilespmem:s3], [sflag:$0x3] =	stream.linear.gather [hbm4b:s20+s3], $0x100, $0x38;
	[tilespmem:$0x1D300] =	vst v63  }
0x5a: {  	_ =	swait.ge [sflag:s29], $0x100  }
0x5b: {  	[sflag:s29] =	ssyncset.done $0x0  }
0x5c: {  	s19 =	sadd.s32 s8, s19;
	[sflag:s29] =	ssyncadd.s32 $0xFFFFFF00  }
0x5d: {  	[tilespmem:s30], [sflag:$0x3] =	stream.linear.gather [hbm4b:s19+s3], $0x100, $0x38;
	[tilespmem:$0x1D300] =	vst v63  }
0x5e: {  	_ =	swait.ge [sflag:s29], $0x100  }
0x5f: {  	[sflag:s29] =	ssyncset.done $0x0  }
0x60: {  	s21 =	sadd.s32 s7, s18;
	[sflag:s29] =	ssyncadd.s32 $0xFFFFFF00  }
0x61: {  	[tilespmem:s31], [sflag:$0x3] =	stream.linear.gather [hbm4b:s21+s3], $0x80, $0x38;
	[tilespmem:$0x1D300] =	vst v63  }
0x62: {  	_ =	swait.ge [sflag:s29], $0x80  }
0x63: {  	[sflag:s29] =	ssyncset.done $0x0  }
0x64: {  	s18 =	sadd.s32 s18, s23;
	[sflag:s29] =	ssyncadd.s32 $0xFFFFFF80  }
0x65: {  	[tilespmem:s0], [sflag:$0x3] =	stream.linear.gather [hbm4b:s18+s3], $0x80, $0x38;
	[tilespmem:$0x1D300] =	vst v63  }
0x66: {  	_ =	swait.ge [sflag:s29], $0x80  }
0x67: {  	[sflag:s29] =	ssyncset.done $0x0  }
0x68: {  	[sflag:s29] =	ssyncadd.s32 $0xFFFFFF80  }
0x69: {  	[tilespmem:s28], [sflag:$0x1] =	stream.indirect.gather [hbm4b:s4+s1], $0x20, s3, s1, $0xb8;
	[tilespmem:$0x1D300] =	vst v63  }
0x6a: {  	_ = 	snop  }
0x6b: {  	[tilespmem:s10], [sflag:$0x2] =	stream.indirect.gather [hbm4b:s5+s1], $0x20, s30, s1, $0xb8;
	[tilespmem:$0x1D300] =	vst v63  }
0x6c: {  	_ = 	snop  }
0x6d: {  	[tilespmem:s11], [sflag:$0x1] =	stream.indirect.gather [hbm4b:s4+s1], $0x20, s1, s1, $0xb8;
	[tilespmem:$0x1D300] =	vst v63  }
0x6e: {  	_ = 	snop  }
0x6f: {  	[tilespmem:s13], [sflag:$0x2] =	stream.indirect.gather [hbm4b:s5+s1], $0x20, s12, s1, $0xb8;
	[tilespmem:$0x1D300] =	vst v63  }
0x70: {  	_ =	swait.ge [sflag:s14], $0x1000  }
0x71: {  	[sflag:s14] =	ssyncset.done $0x0  }
0x72: {  	[sflag:s14] =	ssyncadd.s32 $0xFFFFF000  }
0x73: {  	_ =	swait.ge [sflag:s15], $0x1000  }
0x74: {  	[sflag:s15] =	ssyncset.done $0x0  }
0x75: {  	[sflag:s15] =	ssyncadd.s32 $0xFFFFF000  }
0x76: {  	_ =	swait.ge [sflag:s14], $0x1000  }
0x77: {  	[sflag:s14] =	ssyncset.done $0x0  }
0x78: {  	[sflag:s14] =	ssyncadd.s32 $0xFFFFF000  }
0x79: {  	_ =	swait.ge [sflag:s15], $0x1000  }
0x7a: {  	[sflag:s15] =	ssyncset.done $0x0  }
0x7b: {  	s18 =	simm.s32 $0x340;
	[sflag:s15] =	ssyncadd.s32 $0xFFFFF000  }
0x7c: {  	s19 =	simm.s32 $0x2340;
	v1 =	vld [tilespmem:s18+$0xFFFFFFC0]  }
0x7d: {  	v2 =	vld [tilespmem:s19+$0xFFFFFFC0];
	_ =	sdelay $0x4  }
0x7e: {  	v1 =	vadd.f32 v2, v1;
	_ =	sdelay $0x1  }
0x7f: {  	v1 =	vmax.f32 v1, $0.0e+00  }
0x80: {  	[tilespmem:s18+$0xFFFFFFC0] =	vst v1;
	v1 =	vld [tilespmem:s18+$0xFFFFFFD0]  }
0x81: {  	v2 =	vld [tilespmem:s19+$0xFFFFFFD0];
	_ =	sdelay $0x4  }
0x82: {  	v1 =	vadd.f32 v2, v1;
	_ =	sdelay $0x1  }
0x83: {  	v1 =	vmax.f32 v1, $0.0e+00  }
0x84: {  	[tilespmem:s18+$0xFFFFFFD0] =	vst v1;
	v1 =	vld [tilespmem:s18+$0xFFFFFFE0]  }
0x85: {  	v2 =	vld [tilespmem:s19+$0xFFFFFFE0];
	_ =	sdelay $0x4  }
0x86: {  	v1 =	vadd.f32 v2, v1;
	_ =	sdelay $0x1  }
0x87: {  	v1 =	vmax.f32 v1, $0.0e+00  }
0x88: {  	[tilespmem:s18+$0xFFFFFFE0] =	vst v1;
	v1 =	vld [tilespmem:s18+$0xFFFFFFF0]  }
0x89: {  	v2 =	vld [tilespmem:s19+$0xFFFFFFF0];
	_ =	sdelay $0x4  }
0x8a: {  	v1 =	vadd.f32 v2, v1;
	_ =	sdelay $0x1  }
0x8b: {  	v1 =	vmax.f32 v1, $0.0e+00  }
0x8c: {  	[tilespmem:s18+$0xFFFFFFF0] =	vst v1;
	v1 =	vld [tilespmem:s18+$0x0]  }
0x8d: {  	v2 =	vld [tilespmem:s19+$0x0];
	_ =	sdelay $0x4  }
0x8e: {  	v1 =	vadd.f32 v2, v1;
	_ =	sdelay $0x1  }
0x8f: {  	v1 =	vmax.f32 v1, $0.0e+00  }
0x90: {  	[tilespmem:s18+$0x0] =	vst v1;
	v1 =	vld [tilespmem:s18+$0x10]  }
0x91: {  	v2 =	vld [tilespmem:s19+$0x10];
	_ =	sdelay $0x4  }
0x92: {  	v1 =	vadd.f32 v2, v1;
	_ =	sdelay $0x1  }
0x93: {  	v1 =	vmax.f32 v1, $0.0e+00  }
0x94: {  	[tilespmem:s18+$0x10] =	vst v1;
	v1 =	vld [tilespmem:s18+$0x20]  }
0x95: {  	v2 =	vld [tilespmem:s19+$0x20];
	_ =	sdelay $0x4  }
0x96: {  	v1 =	vadd.f32 v2, v1;
	_ =	sdelay $0x1  }
0x97: {  	v1 =	vmax.f32 v1, $0.0e+00  }
0x98: {  	[tilespmem:s18+$0x20] =	vst v1;
	v1 =	vld [tilespmem:s18+$0x30]  }
0x99: {  	v2 =	vld [tilespmem:s19+$0x30];
	_ =	sdelay $0x4  }
0x9a: {  	v1 =	vadd.f32 v2, v1;
	_ =	sdelay $0x1  }
0x9b: {  	s20 =	simm.s32 $0x0;
	s21 =	simm.s32 $0x3C0;
	v1 =	vmax.f32 v1, $0.0e+00  }
.LBB2_5:
0x9c: {  	v2 =	vld [tilespmem:s21+$0xFFFFFFC0];
	[tilespmem:s18+$0x30] =	vst v1;
	s19 =	sadd.s32 $0x80, s19;
	s18 =	smov.u32 s21  }
0x9d: {  	s20 =	sadd.s32 $0x4, s20;
	v1 =	vld [tilespmem:s19+$0xFFFFFFC0]  }
0x9e: {  	p0 =	slt.u32 s20, $0xFC;
	_ =	sdelay $0x3  }
0x9f: {  	v1 =	vadd.f32 v1, v2;
	_ =	sdelay $0x1  }
0xa0: {  	v1 =	vmax.f32 v1, $0.0e+00  }
0xa1: {  	[tilespmem:s21+$0xFFFFFFC0] =	vst v1;
	v1 =	vld [tilespmem:s21+$0xFFFFFFD0]  }
0xa2: {  	v2 =	vld [tilespmem:s19+$0xFFFFFFD0];
	_ =	sdelay $0x4  }
0xa3: {  	v1 =	vadd.f32 v2, v1;
	_ =	sdelay $0x1  }
0xa4: {  	v1 =	vmax.f32 v1, $0.0e+00  }
0xa5: {  	[tilespmem:s21+$0xFFFFFFD0] =	vst v1;
	v1 =	vld [tilespmem:s21+$0xFFFFFFE0]  }
0xa6: {  	v2 =	vld [tilespmem:s19+$0xFFFFFFE0];
	_ =	sdelay $0x4  }
0xa7: {  	v1 =	vadd.f32 v2, v1;
	_ =	sdelay $0x1  }
0xa8: {  	v1 =	vmax.f32 v1, $0.0e+00  }
0xa9: {  	[tilespmem:s21+$0xFFFFFFE0] =	vst v1;
	v1 =	vld [tilespmem:s21+$0xFFFFFFF0]  }
0xaa: {  	v2 =	vld [tilespmem:s19+$0xFFFFFFF0];
	_ =	sdelay $0x4  }
0xab: {  	v1 =	vadd.f32 v2, v1;
	_ =	sdelay $0x1  }
0xac: {  	v1 =	vmax.f32 v1, $0.0e+00  }
0xad: {  	[tilespmem:s21+$0xFFFFFFF0] =	vst v1;
	v1 =	vld [tilespmem:s21+$0x0]  }
0xae: {  	v2 =	vld [tilespmem:s19+$0x0];
	_ =	sdelay $0x4  }
0xaf: {  	v1 =	vadd.f32 v2, v1;
	_ =	sdelay $0x1  }
0xb0: {  	v1 =	vmax.f32 v1, $0.0e+00  }
0xb1: {  	[tilespmem:s21+$0x0] =	vst v1;
	v1 =	vld [tilespmem:s21+$0x10]  }
0xb2: {  	v2 =	vld [tilespmem:s19+$0x10];
	_ =	sdelay $0x4  }
0xb3: {  	v1 =	vadd.f32 v2, v1;
	_ =	sdelay $0x1  }
0xb4: {  	v1 =	vmax.f32 v1, $0.0e+00  }
0xb5: {  	[tilespmem:s21+$0x10] =	vst v1;
	v1 =	vld [tilespmem:s21+$0x20]  }
0xb6: {  	v2 =	vld [tilespmem:s19+$0x20];
	_ =	sdelay $0x4  }
0xb7: {  	v1 =	vadd.f32 v2, v1;
	_ =	sdelay $0x1  }
0xb8: {  	v1 =	vmax.f32 v1, $0.0e+00  }
0xb9: {  	[tilespmem:s21+$0x20] =	vst v1;
	v1 =	vld [tilespmem:s21+$0x30]  }
0xba: {  	v2 =	vld [tilespmem:s19+$0x30];
	_ =	sdelay $0x2  }
.Ltmp1:
0xbb: {  	(pc) =	sbr.rel @p0 .LBB2_5-.Ltmp1, $3  }
0xbc: {  	_ = 	snop  }
0xbd: {  	v1 =	vadd.f32 v2, v1;
	_ =	sdelay $0x1  }
0xbe: {  	s21 =	sadd.s32 $0x80, s21;
	v1 =	vmax.f32 v1, $0.0e+00  }
0xbf: {  	[tilespmem:s18+$0x30] =	vst v1  }
0xc0: {  	[spmem:s2] =	stream.indirect.scatter.add.f32 [tilespmem:s28], [sflag:$0x3], $0x20, s31, s1, $0xb8;
	[tilespmem:$0x1D300] =	vst v63  }
0xc1: {  	s17 =	sadd.s32 $0x1, s17;
	_ =	swait.ge [sflag:s29], $0x1000  }
0xc2: {  	p0 =	sne.s32 s17, $0xC4;
	[sflag:s29] =	ssyncset.done $0x0  }
.Ltmp2:
0xc3: {  	[sflag:s29] =	ssyncadd.s32 $0xFFFFF000;
	(pc) =	sbr.rel @p0 .LBB2_4-.Ltmp2, $4  }
0xc4: {  	[spmem:s2] =	stream.indirect.scatter.add.f32 [tilespmem:s11], [sflag:$0x3], $0x20, s0, s1, $0xb8;
	[tilespmem:$0x1D300] =	vst v63  }
0xc5: {  	_ =	swait.ge [sflag:s29], $0x1000  }
0xc6: {  	[sflag:s29] =	ssyncset.done $0x0  }
0xc7: {  	[sflag:s29] =	ssyncadd.s32 $0xFFFFF000  }
0xc8: {  	s17 =	stileid.u32;
	s16 =	sadd.s32 $0x1, s16  }
0xc9: {  	[bflag:$0x0] =	sbarrier.arrive $0xFFFF;
	s17 =	sshll.u32 s17, $0x6;
	p0 =	sne.s32 s16, s25  }
.Ltmp3:
0xca: {  	s18 =	sshrl.u32 s9, $0x3;
	s17 =	sor.u32 $0x1C03, s17;
	(pc) =	sbr.rel @p0 .LBB2_1-.Ltmp3, $4  }
0xcb: {  	[hbm:s24], [sflag:s17] =	dma.local [spmem:s18], $0x3200  }
0xcc: {  	_ =	swait.ge [sflag:s29], $0x3200  }
0xcd: {  	[sflag:s29] =	ssyncset.done $0x0  }
0xce: {  	[sflag:s29] =	ssyncadd.s32 $0xFFFFCE00  }
0xcf: {  	_ =	sfence.sel $0x180000  }
0xd0: {  	[bflag:$0x0] =	sbarrier.arrive $0xFFFF  }
0xd1: {  	_ =	strace $0x90000053  }
0xd2: {  	s0 =	stileid.u32;
	[bflag:$0x2] =	sbarrier.arrive $0xFFFF  }
0xd3: {  	p0 =	sne.s32 s0, $0x0;
	s0 =	rddreg [dreg:$0x2]  }
0xd4: {  	s0 =	sadd.s32 @!p0 $0x100000, s0  }
0xd5: {  	[sflag:s0] =	ssyncadd.tile.s32 @!p0 $0x1;
	_ =	shalt  }
.Lfunc_end2:
_tile_overlayer_lowered:
.L_overlay_start_2:
0xd6: {  	(tag) =	ssettag $0x2  }
0xd7: {  	s0 =	rddreg [dreg:$0x0];
	s2 =	stileid.u32  }
0xd8: {  	s1 =	rddreg [dreg:$0x1];
	p0 =	sne.s32 s2, $0x0  }
0xd9: {  	s3 =	rddreg [dreg:$0x2];
	[bflag:$0x3] =	sbarrier.arrive $0xFFFF;
	s2 =	simm.s32 @!p0 $0x1C03  }
0xda: {  	[timem:s3], [sflag:s2] =	dma.local @!p0 [hbm:s0], s1  }
0xdb: {  	s0 =	simm.s32 @!p0 $0x3  }
0xdc: {  	_ =	swait.ge @!p0 [sflag:s0], s1  }
0xdd: {  	s1 =	ssub.s32 @!p0 $0x0, s1;
	[sflag:s0] =	ssyncset.done @!p0 $0x0  }
0xde: {  	[sflag:s0] =	ssyncadd.s32 @!p0 s1  }
0xdf: {  	[bflag:$0x3] =	sbarrier.arrive $0xFFFF  }
0xe0: {  	_ =	shalt  }

</sc_bundles>
